<compile_context>
chip_gen: v7x
topology: tpu7x:2x2x1
jax: 0.10.2.dev20260603
libtpu: 0.0.44.dev20260713+nightly
codegen_flags: <defaults>
</compile_context>

<pallas_src>
import functools

import jax
import jax.numpy as jnp
from jax import lax
from jax.experimental import pallas as pl
from jax.experimental.pallas import tpu as pltpu
from jax.experimental.pallas import tpu_sc as plsc

N = 10000
E = 320000
E3 = 160000
D = 64
CH = 128
NC = 2
NS = 16
NW = NC * NS



def _tc_prologue(x, bn1g, bn1b, W1, b1, bn2g, bn2b, W2, b2, Wm0, bm0):

    def body(x_ref, g1_ref, be1_ref, W1_ref, c1_ref, g2_ref, be2_ref,
             W2_ref, c2_ref, Wm_ref, bm_ref, h_ref, g_ref):
        x = x_ref[...]
        m = jnp.mean(x, axis=0, keepdims=True)
        v = jnp.mean((x - m) * (x - m), axis=0, keepdims=True)
        h = g1_ref[...] * (x - m) / jnp.sqrt(v + 1e-5) + be1_ref[...]
        h = jnp.maximum(jnp.dot(h, W1_ref[...],
                                preferred_element_type=jnp.float32)
                        + c1_ref[...], 0.0)
        m = jnp.mean(h, axis=0, keepdims=True)
        v = jnp.mean((h - m) * (h - m), axis=0, keepdims=True)
        h = g2_ref[...] * (h - m) / jnp.sqrt(v + 1e-5) + be2_ref[...]
        h = jnp.maximum(jnp.dot(h, W2_ref[...],
                                preferred_element_type=jnp.float32)
                        + c2_ref[...], 0.0)
        h_ref[...] = h
        g_ref[...] = jnp.dot(h, Wm_ref[...],
                             preferred_element_type=jnp.float32) + bm_ref[...]

    return pl.pallas_call(
        body,
        out_shape=[jax.ShapeDtypeStruct((N, D), jnp.float32),
                   jax.ShapeDtypeStruct((N, D), jnp.float32)],
    )(x, bn1g.reshape(1, -1), bn1b.reshape(1, -1), W1, b1.reshape(1, -1),
      bn2g.reshape(1, -1), bn2b.reshape(1, -1), W2, b2.reshape(1, -1),
      Wm0, bm0.reshape(1, -1))


def _tc_layer(h, aggp, Wr, br, Wm, bm):

    def body(h_ref, agg_ref, Wr_ref, br_ref, Wm_ref, bm_ref, hn_ref, gn_ref):
        h = h_ref[...]
        agg = agg_ref[0, :, :] + agg_ref[1, :, :]
        hn = jnp.maximum(jnp.dot(h, Wr_ref[...],
                                 preferred_element_type=jnp.float32)
                         + br_ref[...] + agg, 0.0)
        hn_ref[...] = hn
        gn_ref[...] = jnp.dot(hn, Wm_ref[...],
                              preferred_element_type=jnp.float32) + bm_ref[...]

    return pl.pallas_call(
        body,
        out_shape=[jax.ShapeDtypeStruct((N, D), jnp.float32),
                   jax.ShapeDtypeStruct((N, D), jnp.float32)],
    )(h, aggp, Wr, br.reshape(1, -1), Wm, bm.reshape(1, -1))


def _tc_layer_last(h, aggp, Wr, br, Wu, Wv, bh1):

    def body(h_ref, agg_ref, Wr_ref, br_ref, Wu_ref, Wv_ref, bh_ref,
             u_ref, v_ref):
        h = h_ref[...]
        agg = agg_ref[0, :, :] + agg_ref[1, :, :]
        hn = jnp.maximum(jnp.dot(h, Wr_ref[...],
                                 preferred_element_type=jnp.float32)
                         + br_ref[...] + agg, 0.0)
        u_ref[...] = jnp.dot(hn, Wu_ref[...],
                             preferred_element_type=jnp.float32) + bh_ref[...]
        v_ref[...] = jnp.dot(hn, Wv_ref[...],
                             preferred_element_type=jnp.float32)

    return pl.pallas_call(
        body,
        out_shape=[jax.ShapeDtypeStruct((N, D), jnp.float32),
                   jax.ShapeDtypeStruct((N, D), jnp.float32)],
    )(h, aggp, Wr, br.reshape(1, -1), Wu, Wv, bh1.reshape(1, -1))


def _tc_matmul(a, w, bm_rows=4000):
    M, K = a.shape
    C = w.shape[1]
    grid = M // bm_rows

    def body(a_ref, w_ref, o_ref):
        o_ref[...] = jnp.dot(a_ref[...], w_ref[...],
                             preferred_element_type=jnp.float32)

    return pl.pallas_call(
        body,
        grid=(grid,),
        in_specs=[pl.BlockSpec((bm_rows, K), lambda i: (i, 0)),
                  pl.BlockSpec((K, C), lambda i: (0, 0))],
        out_specs=pl.BlockSpec((bm_rows, C), lambda i: (i, 0)),
        out_shape=jax.ShapeDtypeStruct((M, C), jnp.float32),
    )(a, w)


def _tc_final(t, w2, b2, bm_rows=4000):
    M = t.shape[0]
    grid = M // bm_rows

    def body(t_ref, w_ref, b_ref, o_ref):
        o_ref[...] = jnp.dot(t_ref[...], w_ref[...],
                             preferred_element_type=jnp.float32) + b_ref[...]

    return pl.pallas_call(
        body,
        grid=(grid,),
        in_specs=[pl.BlockSpec((bm_rows, D), lambda i: (i, 0)),
                  pl.BlockSpec((D, 1), lambda i: (0, 0)),
                  pl.BlockSpec((1, 1), lambda i: (0, 0))],
        out_specs=pl.BlockSpec((bm_rows, 1), lambda i: (i, 0)),
        out_shape=jax.ShapeDtypeStruct((M, 1), jnp.float32),
    )(t, w2, b2.reshape(1, 1))



def _sc_conv(g, et, src, dst, *, e_total, e_wrap, col_off):
    total_chunks = e_total // CH
    cpw = -(-total_chunks // NW)
    mesh = plsc.VectorSubcoreMesh(core_axis_name="c", subcore_axis_name="s")

    @functools.partial(
        pl.kernel,
        out_type=jax.ShapeDtypeStruct((NC, N, D), jnp.float32),
        mesh=mesh,
        compiler_params=pltpu.CompilerParams(use_tc_tiling_on_sc=False),
        scratch_types=[
            pltpu.VMEM((CH,), jnp.int32),
            pltpu.VMEM((CH,), jnp.int32),
            pltpu.VMEM((CH, D), jnp.float32),
            pltpu.VMEM((CH, D), jnp.float32),
            pltpu.VMEM((CH, D), jnp.float32),
            pltpu.VMEM_SHARED((N, D), jnp.float32),
            pltpu.SemaphoreType.DMA,
        ],
    )
    def k(g_hbm, et_hbm, src_hbm, dst_hbm, out_hbm,
          src_v, dst_v, gbuf, ebuf, mbuf, agg_sh, sem):
        cid = lax.axis_index("c")
        sid = lax.axis_index("s")
        wid = sid * NC + cid
        zero = jnp.zeros((16,), jnp.float32)

        def zrow(r, carry):
            for q in range(4):
                mbuf[r, pl.ds(q * 16, 16)] = zero
            return carry

        lax.fori_loop(0, CH, zrow, 0)
        for kk in range(5):
            base = jnp.minimum(sid * 625 + kk * CH, N - CH)
            pltpu.sync_copy(mbuf, agg_sh.at[pl.ds(base, CH)])
        plsc.subcore_barrier()

        def chunk_body(j, carry):
            c = wid + j * NW

            @pl.when(c < total_chunks)
            def _():
                base = c * CH
                pltpu.sync_copy(src_hbm.at[pl.ds(base, CH)], src_v)
                pltpu.sync_copy(dst_hbm.at[pl.ds(base, CH)], dst_v)
                if e_wrap < e_total:
                    ebase = jnp.where(base < e_wrap, base, base - e_wrap)
                else:
                    ebase = base
                gcp = pltpu.async_copy(g_hbm.at[src_v], gbuf, sem)
                pltpu.sync_copy(
                    et_hbm.at[pl.ds(ebase, CH), pl.ds(col_off, D)], ebuf)
                gcp.wait()

                def row(r, c2):
                    for q in range(4):
                        s = pl.ds(q * 16, 16)
                        mbuf[r, s] = jnp.maximum(gbuf[r, s] + ebuf[r, s], 0.0)
                    return c2

                lax.fori_loop(0, CH, row, 0)
                pltpu.sync_copy(mbuf, agg_sh.at[dst_v], add=True)

            return carry

        lax.fori_loop(0, cpw, chunk_body, 0)
        plsc.subcore_barrier()

        @pl.when(sid == 0)
        def _():
            pltpu.sync_copy(agg_sh, out_hbm.at[cid])

    return k(g, et, src, dst)


def _sc_head(u, v, et, src, dst, *, col_off):
    total_chunks = E3 // CH
    cpw = -(-total_chunks // NW)
    mesh = plsc.VectorSubcoreMesh(core_axis_name="c", subcore_axis_name="s")

    @functools.partial(
        pl.kernel,
        out_type=jax.ShapeDtypeStruct((E3, D), jnp.float32),
        mesh=mesh,
        compiler_params=pltpu.CompilerParams(use_tc_tiling_on_sc=False),
        scratch_types=[
            pltpu.VMEM((CH,), jnp.int32),
            pltpu.VMEM((CH,), jnp.int32),
            pltpu.VMEM((CH, D), jnp.float32),
            pltpu.VMEM((CH, D), jnp.float32),
            pltpu.VMEM((CH, D), jnp.float32),
            pltpu.SemaphoreType.DMA,
            pltpu.SemaphoreType.DMA,
        ],
    )
    def k(u_hbm, v_hbm, et_hbm, src_hbm, dst_hbm, out_hbm,
          src_v, dst_v, ubuf, vbuf, ebuf, sem1, sem2):
        cid = lax.axis_index("c")
        sid = lax.axis_index("s")
        wid = sid * NC + cid

        def chunk_body(j, carry):
            c = wid + j * NW

            @pl.when(c < total_chunks)
            def _():
                base = c * CH
                pltpu.sync_copy(src_hbm.at[pl.ds(base, CH)], src_v)
                pltpu.sync_copy(dst_hbm.at[pl.ds(base, CH)], dst_v)
                cp1 = pltpu.async_copy(u_hbm.at[src_v], ubuf, sem1)
                cp2 = pltpu.async_copy(v_hbm.at[dst_v], vbuf, sem2)
                pltpu.sync_copy(
                    et_hbm.at[pl.ds(base, CH), pl.ds(col_off, D)], ebuf)
                cp1.wait()
                cp2.wait()

                def row(r, c2):
                    for q in range(4):
                        s = pl.ds(q * 16, 16)
                        ubuf[r, s] = jnp.maximum(
                            ubuf[r, s] + vbuf[r, s] + ebuf[r, s], 0.0)
                    return c2

                lax.fori_loop(0, CH, row, 0)
                pltpu.sync_copy(ubuf, out_hbm.at[pl.ds(base, CH)])

            return carry

        lax.fori_loop(0, cpw, chunk_body, 0)

    return k(u, v, et, src, dst)



def kernel(x, edge_index, edge_attr, edge_index3, edge_attr3, edge_attr4,
           batch, params):
    p = params
    src1 = edge_index[0]
    dst1 = edge_index[1]
    s3 = edge_index3[0]
    d3 = edge_index3[1]
    src2 = jnp.concatenate([s3, d3])
    dst2 = jnp.concatenate([d3, s3])

    Wcat1 = jnp.concatenate(
        [p['c1_%d_Wmsg' % i][D:] for i in range(3)], axis=1)
    Wcat2 = jnp.concatenate(
        [p['c2_%d_Wmsg' % i][D:] for i in range(3)]
        + [p['Wh1'][2 * D:]], axis=1)
    Wcat2 = jnp.pad(Wcat2, ((0, 4), (0, 0)))
    temp = jnp.concatenate([edge_attr3, edge_attr4], axis=1)
    temp_p = jnp.pad(temp, ((0, 0), (0, 4)))
    et1 = _tc_matmul(edge_attr, Wcat1)
    et2 = _tc_matmul(temp_p, Wcat2)

    h, g = _tc_prologue(
        x, p['bn1_g'], p['bn1_b'], p['W1'], p['b1'],
        p['bn2_g'], p['bn2_b'], p['W2'], p['b2'],
        p['c1_0_Wmsg'][:D], p['c1_0_bmsg'])

    for i in range(3):
        aggp = _sc_conv(g, et1, src1, dst1,
                        e_total=E, e_wrap=E, col_off=D * i)
        if i < 2:
            h, g = _tc_layer(h, aggp, p['c1_%d_Wroot' % i],
                             p['c1_%d_broot' % i],
                             p['c1_%d_Wmsg' % (i + 1)][:D],
                             p['c1_%d_bmsg' % (i + 1)])
        else:
            h, g = _tc_layer(h, aggp, p['c1_2_Wroot'], p['c1_2_broot'],
                             p['c2_0_Wmsg'][:D], p['c2_0_bmsg'])

    for i in range(3):
        aggp = _sc_conv(g, et2, src2, dst2,
                        e_total=2 * E3, e_wrap=E3, col_off=D * i)
        if i < 2:
            h, g = _tc_layer(h, aggp, p['c2_%d_Wroot' % i],
                             p['c2_%d_broot' % i],
                             p['c2_%d_Wmsg' % (i + 1)][:D],
                             p['c2_%d_bmsg' % (i + 1)])
        else:
            u, v = _tc_layer_last(h, aggp, p['c2_2_Wroot'], p['c2_2_broot'],
                                  p['Wh1'][:D], p['Wh1'][D:2 * D], p['bh1'])

    t = _sc_head(u, v, et2, s3, d3, col_off=3 * D)
    yhat = _tc_final(t, p['Wh2'], p['bh2'])
    return yhat[:, 0]

# --- scband reference (transcript-rebuilt; emitter-appended) ---
"""Pipeline reference for scband-gnn-58291296141371 (READ-ONLY COPY).

The authoritative reference and input builder live on the scoring server;
editing this copy changes nothing except your own understanding.
"""

import jax, jax.numpy as jnp
import numpy as np

N = 10000
E = 320000
E3 = 160000
NODE_IN = 128
DIM = 64
FACTOR = 2
EDGE_IN = 16
EDGE_IN3 = 8
EDGE_IN4 = 4
L1 = 3
L2 = 3


def _dense(key, shape):
    return jax.random.normal(key, shape, dtype=jnp.float32) / np.sqrt(shape[0])


def _make_params(key):
    ks = iter(jax.random.split(key, 64))
    p = {}
    p['bn1_g'] = jnp.ones((NODE_IN,), jnp.float32)
    p['bn1_b'] = jnp.zeros((NODE_IN,), jnp.float32)
    p['W1'] = _dense(next(ks), (NODE_IN, DIM * FACTOR))
    p['b1'] = jnp.zeros((DIM * FACTOR,), jnp.float32)
    p['bn2_g'] = jnp.ones((DIM * FACTOR,), jnp.float32)
    p['bn2_b'] = jnp.zeros((DIM * FACTOR,), jnp.float32)
    p['W2'] = _dense(next(ks), (DIM * FACTOR, DIM))
    p['b2'] = jnp.zeros((DIM,), jnp.float32)
    for i in range(L1):
        p['c1_%d_Wmsg' % i] = _dense(next(ks), (DIM + EDGE_IN, DIM))
        p['c1_%d_bmsg' % i] = jnp.zeros((DIM,), jnp.float32)
        p['c1_%d_Wroot' % i] = _dense(next(ks), (DIM, DIM))
        p['c1_%d_broot' % i] = jnp.zeros((DIM,), jnp.float32)
    for i in range(L2):
        p['c2_%d_Wmsg' % i] = _dense(next(ks), (DIM + EDGE_IN3 + EDGE_IN4, DIM))
        p['c2_%d_bmsg' % i] = jnp.zeros((DIM,), jnp.float32)
        p['c2_%d_Wroot' % i] = _dense(next(ks), (DIM, DIM))
        p['c2_%d_broot' % i] = jnp.zeros((DIM,), jnp.float32)
    p['Wh1'] = _dense(next(ks), (2 * DIM + EDGE_IN3 + EDGE_IN4, DIM))
    p['bh1'] = jnp.zeros((DIM,), jnp.float32)
    p['Wh2'] = _dense(next(ks), (DIM, 1))
    p['bh2'] = jnp.zeros((1,), jnp.float32)
    return p


def setup_inputs(seed: int = 0):
    key = jax.random.key(seed)
    ks = jax.random.split(key, 8)
    return {
        'x': jax.random.normal(ks[0], (N, NODE_IN), dtype=jnp.float32),
        'edge_index': jax.random.randint(ks[1], (2, E), 0, N, dtype=jnp.int32),
        'edge_attr': jax.random.normal(ks[2], (E, EDGE_IN), dtype=jnp.float32),
        'edge_index3': jax.random.randint(ks[3], (2, E3), 0, N, dtype=jnp.int32),
        'edge_attr3': jax.random.uniform(ks[4], (E3, EDGE_IN3), dtype=jnp.float32),
        'edge_attr4': jax.random.normal(ks[5], (E3, EDGE_IN4), dtype=jnp.float32),
        'batch': jnp.sort(jax.random.randint(ks[6], (N,), 0, 16, dtype=jnp.int32)),
        'params': _make_params(ks[7]),
    }


def _batch_norm(h, g, b):
    m = jnp.mean(h, axis=0)
    v = jnp.var(h, axis=0)
    return g * (h - m) / jnp.sqrt(v + 1e-5) + b


def _conv(h, ei, ea, Wm, bm, Wr, br):
    src = ei[0]
    dst = ei[1]
    msg = jax.nn.relu(jnp.concatenate([h[src], ea], axis=1) @ Wm + bm)
    agg = jax.ops.segment_sum(msg, dst, num_segments=N)
    return jax.nn.relu(h @ Wr + br + agg)


def _forward(x, edge_attr, edge_attr3, edge_attr4, params, edge_index, edge_index3, batch):
    p = params
    h = _batch_norm(x, p['bn1_g'], p['bn1_b'])
    h = jax.nn.relu(h @ p['W1'] + p['b1'])
    h = _batch_norm(h, p['bn2_g'], p['bn2_b'])
    h = jax.nn.relu(h @ p['W2'] + p['b2'])
    ei3b = jnp.concatenate([edge_index3, edge_index3[::-1]], axis=1)
    temp = jnp.concatenate([edge_attr3, edge_attr4], axis=1)
    ea3b = jnp.concatenate([temp, temp], axis=0)
    for i in range(L1):
        h = _conv(h, edge_index, edge_attr, p['c1_%d_Wmsg' % i], p['c1_%d_bmsg' % i], p['c1_%d_Wroot' % i], p['c1_%d_broot' % i])
    for i in range(L2):
        h = _conv(h, ei3b, ea3b, p['c2_%d_Wmsg' % i], p['c2_%d_bmsg' % i], p['c2_%d_Wroot' % i], p['c2_%d_broot' % i])
    src = edge_index3[0]
    dst = edge_index3[1]
    feat = jnp.concatenate([h[src], h[dst], edge_attr3, edge_attr4], axis=1)
    hid = jax.nn.relu(feat @ p['Wh1'] + p['bh1'])
    yhat = (hid @ p['Wh2'] + p['bh2']).squeeze(-1)
    return yhat


def reference(x, edge_index, edge_attr, edge_index3, edge_attr3, edge_attr4, batch, params):
    return _forward(x, edge_attr, edge_attr3, edge_attr4, params, edge_index, edge_index3, batch)

if __name__ == "__main__":
    import jax
    _d = setup_inputs()
    print(jax.jit(kernel)(*tuple(_d.values())))

</pallas_src>

<mosaic_0001>
#map = affine_map<(d0, d1) -> (0, 0)>
#map1 = affine_map<(d0, d1) -> (0)>
#map2 = affine_map<(d0, d1) -> (0, 0, 0)>
module attributes {stable_mosaic.version = 14 : i64} {
  func.func @k(%arg0: i32, %arg1: i32, %arg2: memref<10000x64xf32, #tpu.memory_space<hbm>>, %arg3: memref<320000x192xf32, #tpu.memory_space<hbm>>, %arg4: memref<320000xi32, #tpu.memory_space<hbm>>, %arg5: memref<320000xi32, #tpu.memory_space<hbm>>, %arg6: memref<2x10000x64xf32, #tpu.memory_space<hbm>>, %arg7: memref<128xi32, #tpu.memory_space<vmem>>, %arg8: memref<128xi32, #tpu.memory_space<vmem>>, %arg9: memref<128x64xf32, #tpu.memory_space<vmem>>, %arg10: memref<128x64xf32, #tpu.memory_space<vmem>>, %arg11: memref<128x64xf32, #tpu.memory_space<vmem>>, %arg12: memref<10000x64xf32, #tpu.memory_space<vmem_shared>>, %arg13: memref<!tpu.dma_semaphore, #tpu.memory_space<semaphore_mem>>) attributes {dimension_semantics = [#tpu.dimension_semantics<core_parallel>, #tpu.dimension_semantics<subcore_parallel>], iteration_bounds = array<i64: 2, 16>, scalar_prefetch = 0 : i64, scratch_operands = 7 : i64, tpu.core_type = #tpu.core_type<sc_vector_subcore>, window_params = [{transform_indices = #map}, {transform_indices = #map}, {transform_indices = #map1}, {transform_indices = #map1}, {transform_indices = #map2}]} {
    %mul3A = arith.constant 2 : i32
    %mul3A_0 = arith.muli %arg1, %mul3A : i32
    %add3A = arith.addi %mul3A_0, %arg0 : i32
    %broadcast_in_dim3A = arith.constant 0.000000e+00 : f32
    %broadcast_in_dim3A_1 = vector.broadcast %broadcast_in_dim3A : f32 to vector<16xf32>
    %scan3A = arith.constant 0 : i32
    %scan3A_2 = arith.constant 0 : i32
    %scan3A_3 = arith.constant 128 : i32
    %scan3A_4 = arith.addi %scan3A_2, %scan3A_3 : i32
    %scan3A_5 = arith.constant 1 : i32
    scf.for %scan3A_45 = %scan3A_2 to %scan3A_4 step %scan3A_5  : i32 {
      %swap3A = arith.index_cast %scan3A_45 : i32 to index
      %swap3A_46 = arith.constant 0 : index
      %swap3A_47 = tpu.vector_load %arg11[%swap3A, %swap3A_46] {strides = array<i32>} : memref<128x64xf32, #tpu.memory_space<vmem>>, vector<1x16xf32>,
      %swap3A_48 = vector.shape_cast %swap3A_47 : vector<1x16xf32> to vector<16xf32>
      %swap3A_49 = vector.shape_cast %broadcast_in_dim3A_1 : vector<16xf32> to vector<1x16xf32>
      tpu.vector_store %arg11[%swap3A, %swap3A_46], %swap3A_49 {strides = array<i32>} : memref<128x64xf32, #tpu.memory_space<vmem>>, vector<1x16xf32>,
      %swap3A_50 = arith.index_cast %scan3A_45 : i32 to index
      %swap3A_51 = arith.constant 16 : index
      %swap3A_52 = tpu.vector_load %arg11[%swap3A_50, %swap3A_51] {strides = array<i32>} : memref<128x64xf32, #tpu.memory_space<vmem>>, vector<1x16xf32>,
      %swap3A_53 = vector.shape_cast %swap3A_52 : vector<1x16xf32> to vector<16xf32>
      %swap3A_54 = vector.shape_cast %broadcast_in_dim3A_1 : vector<16xf32> to vector<1x16xf32>
      tpu.vector_store %arg11[%swap3A_50, %swap3A_51], %swap3A_54 {strides = array<i32>} : memref<128x64xf32, #tpu.memory_space<vmem>>, vector<1x16xf32>,
      %swap3A_55 = arith.index_cast %scan3A_45 : i32 to index
      %swap3A_56 = arith.constant 32 : index
      %swap3A_57 = tpu.vector_load %arg11[%swap3A_55, %swap3A_56] {strides = array<i32>} : memref<128x64xf32, #tpu.memory_space<vmem>>, vector<1x16xf32>,
      %swap3A_58 = vector.shape_cast %swap3A_57 : vector<1x16xf32> to vector<16xf32>
      %swap3A_59 = vector.shape_cast %broadcast_in_dim3A_1 : vector<16xf32> to vector<1x16xf32>
      tpu.vector_store %arg11[%swap3A_55, %swap3A_56], %swap3A_59 {strides = array<i32>} : memref<128x64xf32, #tpu.memory_space<vmem>>, vector<1x16xf32>,
      %swap3A_60 = arith.index_cast %scan3A_45 : i32 to index
      %swap3A_61 = arith.constant 48 : index
      %swap3A_62 = tpu.vector_load %arg11[%swap3A_60, %swap3A_61] {strides = array<i32>} : memref<128x64xf32, #tpu.memory_space<vmem>>, vector<1x16xf32>,
      %swap3A_63 = vector.shape_cast %swap3A_62 : vector<1x16xf32> to vector<16xf32>
      %swap3A_64 = vector.shape_cast %broadcast_in_dim3A_1 : vector<16xf32> to vector<1x16xf32>
      tpu.vector_store %arg11[%swap3A_60, %swap3A_61], %swap3A_64 {strides = array<i32>} : memref<128x64xf32, #tpu.memory_space<vmem>>, vector<1x16xf32>,
    }
    %scan3A_6 = arith.constant 128 : i32
    %mul3A_7 = arith.constant 625 : i32
    %mul3A_8 = arith.muli %arg1, %mul3A_7 : i32
    %add3A_9 = arith.constant 0 : i32
    %add3A_10 = arith.addi %mul3A_8, %add3A_9 : i32
    %min3A = arith.constant 9872 : i32
    %min3A_11 = arith.minsi %add3A_10, %min3A : i32
    "tpu.region"() ({
      %run_scoped3A = tpu.sem_alloc : memref<!tpu.dma_semaphore, #tpu.memory_space<semaphore_mem>>
      %dma_start3A = arith.constant 0 : i32
      %dma_start3A_45 = tpu.memref_slice %arg12[%min3A_11, %dma_start3A] : memref<10000x64xf32, #tpu.memory_space<vmem_shared>> -> memref<128x64xf32, #tpu.memory_space<vmem_shared>>
      %dma_start3A_46 = arith.constant 0 : i32
      %dma_start3A_47 = tpu.memref_slice %arg12[%min3A_11, %dma_start3A_46] : memref<10000x64xf32, #tpu.memory_space<vmem_shared>> -> memref<128x64xf32, #tpu.memory_space<vmem_shared>>
      tpu.enqueue_dma source(%arg11 : memref<128x64xf32, #tpu.memory_space<vmem>>) target(%dma_start3A_47 : memref<128x64xf32, #tpu.memory_space<vmem_shared>>) target_semaphore(%run_scoped3A : memref<!tpu.dma_semaphore, #tpu.memory_space<semaphore_mem>>)
      %dma_wait3A = arith.constant 0 : i32
      %dma_wait3A_48 = tpu.memref_slice %arg12[%min3A_11, %dma_wait3A] : memref<10000x64xf32, #tpu.memory_space<vmem_shared>> -> memref<128x64xf32, #tpu.memory_space<vmem_shared>>
      %dma_wait3A_49 = arith.constant 0 : i32
      %dma_wait3A_50 = tpu.memref_slice %arg12[%min3A_11, %dma_wait3A_49] : memref<10000x64xf32, #tpu.memory_space<vmem_shared>> -> memref<128x64xf32, #tpu.memory_space<vmem_shared>>
      tpu.wait_dma2 semaphore(%run_scoped3A : memref<!tpu.dma_semaphore, #tpu.memory_space<semaphore_mem>>) src(%arg11 : memref<128x64xf32, #tpu.memory_space<vmem>>) dst(%dma_wait3A_50 : memref<128x64xf32, #tpu.memory_space<vmem_shared>>)
      tpu.yield
    }) : () -> ()
    %mul3A_12 = arith.constant 625 : i32
    %mul3A_13 = arith.muli %arg1, %mul3A_12 : i32
    %add3A_14 = arith.constant 128 : i32
    %add3A_15 = arith.addi %mul3A_13, %add3A_14 : i32
    %min3A_16 = arith.constant 9872 : i32
    %min3A_17 = arith.minsi %add3A_15, %min3A_16 : i32
    "tpu.region"() ({
      %run_scoped3A = tpu.sem_alloc : memref<!tpu.dma_semaphore, #tpu.memory_space<semaphore_mem>>
      %dma_start3A = arith.constant 0 : i32
      %dma_start3A_45 = tpu.memref_slice %arg12[%min3A_17, %dma_start3A] : memref<10000x64xf32, #tpu.memory_space<vmem_shared>> -> memref<128x64xf32, #tpu.memory_space<vmem_shared>>
      %dma_start3A_46 = arith.constant 0 : i32
      %dma_start3A_47 = tpu.memref_slice %arg12[%min3A_17, %dma_start3A_46] : memref<10000x64xf32, #tpu.memory_space<vmem_shared>> -> memref<128x64xf32, #tpu.memory_space<vmem_shared>>
      tpu.enqueue_dma source(%arg11 : memref<128x64xf32, #tpu.memory_space<vmem>>) target(%dma_start3A_47 : memref<128x64xf32, #tpu.memory_space<vmem_shared>>) target_semaphore(%run_scoped3A : memref<!tpu.dma_semaphore, #tpu.memory_space<semaphore_mem>>)
      %dma_wait3A = arith.constant 0 : i32
      %dma_wait3A_48 = tpu.memref_slice %arg12[%min3A_17, %dma_wait3A] : memref<10000x64xf32, #tpu.memory_space<vmem_shared>> -> memref<128x64xf32, #tpu.memory_space<vmem_shared>>
      %dma_wait3A_49 = arith.constant 0 : i32
      %dma_wait3A_50 = tpu.memref_slice %arg12[%min3A_17, %dma_wait3A_49] : memref<10000x64xf32, #tpu.memory_space<vmem_shared>> -> memref<128x64xf32, #tpu.memory_space<vmem_shared>>
      tpu.wait_dma2 semaphore(%run_scoped3A : memref<!tpu.dma_semaphore, #tpu.memory_space<semaphore_mem>>) src(%arg11 : memref<128x64xf32, #tpu.memory_space<vmem>>) dst(%dma_wait3A_50 : memref<128x64xf32, #tpu.memory_space<vmem_shared>>)
      tpu.yield
    }) : () -> ()
    %mul3A_18 = arith.constant 625 : i32
    %mul3A_19 = arith.muli %arg1, %mul3A_18 : i32
    %add3A_20 = arith.constant 256 : i32
    %add3A_21 = arith.addi %mul3A_19, %add3A_20 : i32
    %min3A_22 = arith.constant 9872 : i32
    %min3A_23 = arith.minsi %add3A_21, %min3A_22 : i32
    "tpu.region"() ({
      %run_scoped3A = tpu.sem_alloc : memref<!tpu.dma_semaphore, #tpu.memory_space<semaphore_mem>>
      %dma_start3A = arith.constant 0 : i32
      %dma_start3A_45 = tpu.memref_slice %arg12[%min3A_23, %dma_start3A] : memref<10000x64xf32, #tpu.memory_space<vmem_shared>> -> memref<128x64xf32, #tpu.memory_space<vmem_shared>>
      %dma_start3A_46 = arith.constant 0 : i32
      %dma_start3A_47 = tpu.memref_slice %arg12[%min3A_23, %dma_start3A_46] : memref<10000x64xf32, #tpu.memory_space<vmem_shared>> -> memref<128x64xf32, #tpu.memory_space<vmem_shared>>
      tpu.enqueue_dma source(%arg11 : memref<128x64xf32, #tpu.memory_space<vmem>>) target(%dma_start3A_47 : memref<128x64xf32, #tpu.memory_space<vmem_shared>>) target_semaphore(%run_scoped3A : memref<!tpu.dma_semaphore, #tpu.memory_space<semaphore_mem>>)
      %dma_wait3A = arith.constant 0 : i32
      %dma_wait3A_48 = tpu.memref_slice %arg12[%min3A_23, %dma_wait3A] : memref<10000x64xf32, #tpu.memory_space<vmem_shared>> -> memref<128x64xf32, #tpu.memory_space<vmem_shared>>
      %dma_wait3A_49 = arith.constant 0 : i32
      %dma_wait3A_50 = tpu.memref_slice %arg12[%min3A_23, %dma_wait3A_49] : memref<10000x64xf32, #tpu.memory_space<vmem_shared>> -> memref<128x64xf32, #tpu.memory_space<vmem_shared>>
      tpu.wait_dma2 semaphore(%run_scoped3A : memref<!tpu.dma_semaphore, #tpu.memory_space<semaphore_mem>>) src(%arg11 : memref<128x64xf32, #tpu.memory_space<vmem>>) dst(%dma_wait3A_50 : memref<128x64xf32, #tpu.memory_space<vmem_shared>>)
      tpu.yield
    }) : () -> ()
    %mul3A_24 = arith.constant 625 : i32
    %mul3A_25 = arith.muli %arg1, %mul3A_24 : i32
    %add3A_26 = arith.constant 384 : i32
    %add3A_27 = arith.addi %mul3A_25, %add3A_26 : i32
    %min3A_28 = arith.constant 9872 : i32
    %min3A_29 = arith.minsi %add3A_27, %min3A_28 : i32
    "tpu.region"() ({
      %run_scoped3A = tpu.sem_alloc : memref<!tpu.dma_semaphore, #tpu.memory_space<semaphore_mem>>
      %dma_start3A = arith.constant 0 : i32
      %dma_start3A_45 = tpu.memref_slice %arg12[%min3A_29, %dma_start3A] : memref<10000x64xf32, #tpu.memory_space<vmem_shared>> -> memref<128x64xf32, #tpu.memory_space<vmem_shared>>
      %dma_start3A_46 = arith.constant 0 : i32
      %dma_start3A_47 = tpu.memref_slice %arg12[%min3A_29, %dma_start3A_46] : memref<10000x64xf32, #tpu.memory_space<vmem_shared>> -> memref<128x64xf32, #tpu.memory_space<vmem_shared>>
      tpu.enqueue_dma source(%arg11 : memref<128x64xf32, #tpu.memory_space<vmem>>) target(%dma_start3A_47 : memref<128x64xf32, #tpu.memory_space<vmem_shared>>) target_semaphore(%run_scoped3A : memref<!tpu.dma_semaphore, #tpu.memory_space<semaphore_mem>>)
      %dma_wait3A = arith.constant 0 : i32
      %dma_wait3A_48 = tpu.memref_slice %arg12[%min3A_29, %dma_wait3A] : memref<10000x64xf32, #tpu.memory_space<vmem_shared>> -> memref<128x64xf32, #tpu.memory_space<vmem_shared>>
      %dma_wait3A_49 = arith.constant 0 : i32
      %dma_wait3A_50 = tpu.memref_slice %arg12[%min3A_29, %dma_wait3A_49] : memref<10000x64xf32, #tpu.memory_space<vmem_shared>> -> memref<128x64xf32, #tpu.memory_space<vmem_shared>>
      tpu.wait_dma2 semaphore(%run_scoped3A : memref<!tpu.dma_semaphore, #tpu.memory_space<semaphore_mem>>) src(%arg11 : memref<128x64xf32, #tpu.memory_space<vmem>>) dst(%dma_wait3A_50 : memref<128x64xf32, #tpu.memory_space<vmem_shared>>)
      tpu.yield
    }) : () -> ()
    %mul3A_30 = arith.constant 625 : i32
    %mul3A_31 = arith.muli %arg1, %mul3A_30 : i32
    %add3A_32 = arith.constant 512 : i32
    %add3A_33 = arith.addi %mul3A_31, %add3A_32 : i32
    %min3A_34 = arith.constant 9872 : i32
    %min3A_35 = arith.minsi %add3A_33, %min3A_34 : i32
    "tpu.region"() ({
      %run_scoped3A = tpu.sem_alloc : memref<!tpu.dma_semaphore, #tpu.memory_space<semaphore_mem>>
      %dma_start3A = arith.constant 0 : i32
      %dma_start3A_45 = tpu.memref_slice %arg12[%min3A_35, %dma_start3A] : memref<10000x64xf32, #tpu.memory_space<vmem_shared>> -> memref<128x64xf32, #tpu.memory_space<vmem_shared>>
      %dma_start3A_46 = arith.constant 0 : i32
      %dma_start3A_47 = tpu.memref_slice %arg12[%min3A_35, %dma_start3A_46] : memref<10000x64xf32, #tpu.memory_space<vmem_shared>> -> memref<128x64xf32, #tpu.memory_space<vmem_shared>>
      tpu.enqueue_dma source(%arg11 : memref<128x64xf32, #tpu.memory_space<vmem>>) target(%dma_start3A_47 : memref<128x64xf32, #tpu.memory_space<vmem_shared>>) target_semaphore(%run_scoped3A : memref<!tpu.dma_semaphore, #tpu.memory_space<semaphore_mem>>)
      %dma_wait3A = arith.constant 0 : i32
      %dma_wait3A_48 = tpu.memref_slice %arg12[%min3A_35, %dma_wait3A] : memref<10000x64xf32, #tpu.memory_space<vmem_shared>> -> memref<128x64xf32, #tpu.memory_space<vmem_shared>>
      %dma_wait3A_49 = arith.constant 0 : i32
      %dma_wait3A_50 = tpu.memref_slice %arg12[%min3A_35, %dma_wait3A_49] : memref<10000x64xf32, #tpu.memory_space<vmem_shared>> -> memref<128x64xf32, #tpu.memory_space<vmem_shared>>
      tpu.wait_dma2 semaphore(%run_scoped3A : memref<!tpu.dma_semaphore, #tpu.memory_space<semaphore_mem>>) src(%arg11 : memref<128x64xf32, #tpu.memory_space<vmem>>) dst(%dma_wait3A_50 : memref<128x64xf32, #tpu.memory_space<vmem_shared>>)
      tpu.yield
    }) : () -> ()
    %barrier3A = arith.constant 0 : index
    tpu.barrier barrier_id(%barrier3A)
    %scan3A_36 = arith.constant 0 : i32
    %scan3A_37 = arith.constant 0 : i32
    %scan3A_38 = arith.constant 79 : i32
    %scan3A_39 = arith.addi %scan3A_37, %scan3A_38 : i32
    %scan3A_40 = arith.constant 1 : i32
    scf.for %scan3A_45 = %scan3A_37 to %scan3A_39 step %scan3A_40  : i32 {
      %mul3A_46 = arith.constant 32 : i32
      %mul3A_47 = arith.muli %scan3A_45, %mul3A_46 : i32
      %add3A_48 = arith.addi %add3A, %mul3A_47 : i32
      %lt3A = arith.constant 2500 : i32
      %lt3A_49 = arith.cmpi slt, %add3A_48, %lt3A : i32
      %convert_element_type3A_50 = arith.extui %lt3A_49 : i1 to i32
      %cond3A_51 = arith.constant 0 : i32
      %cond3A_52 = arith.cmpi ne, %convert_element_type3A_50, %cond3A_51 : i32
      scf.if %cond3A_52 {
        %mul3A_53 = arith.constant 128 : i32
        %mul3A_54 = arith.muli %add3A_48, %mul3A_53 : i32
        "tpu.region"() ({
          %run_scoped3A = tpu.sem_alloc : memref<!tpu.dma_semaphore, #tpu.memory_space<semaphore_mem>>
          %dma_start3A_65 = tpu.memref_slice %arg4[%mul3A_54] : memref<320000xi32, #tpu.memory_space<hbm>> -> memref<128xi32, #tpu.memory_space<hbm>>
          %dma_start3A_66 = tpu.memref_slice %arg4[%mul3A_54] : memref<320000xi32, #tpu.memory_space<hbm>> -> memref<128xi32, #tpu.memory_space<hbm>>
          tpu.enqueue_dma source(%dma_start3A_66 : memref<128xi32, #tpu.memory_space<hbm>>) target(%arg7 : memref<128xi32, #tpu.memory_space<vmem>>) target_semaphore(%run_scoped3A : memref<!tpu.dma_semaphore, #tpu.memory_space<semaphore_mem>>)
          %dma_wait3A_67 = tpu.memref_slice %arg4[%mul3A_54] : memref<320000xi32, #tpu.memory_space<hbm>> -> memref<128xi32, #tpu.memory_space<hbm>>
          %dma_wait3A_68 = tpu.memref_slice %arg4[%mul3A_54] : memref<320000xi32, #tpu.memory_space<hbm>> -> memref<128xi32, #tpu.memory_space<hbm>>
          tpu.wait_dma2 semaphore(%run_scoped3A : memref<!tpu.dma_semaphore, #tpu.memory_space<semaphore_mem>>) src(%dma_wait3A_68 : memref<128xi32, #tpu.memory_space<hbm>>) dst(%arg7 : memref<128xi32, #tpu.memory_space<vmem>>)
          tpu.yield
        }) : () -> ()
        "tpu.region"() ({
          %run_scoped3A = tpu.sem_alloc : memref<!tpu.dma_semaphore, #tpu.memory_space<semaphore_mem>>
          %dma_start3A_65 = tpu.memref_slice %arg5[%mul3A_54] : memref<320000xi32, #tpu.memory_space<hbm>> -> memref<128xi32, #tpu.memory_space<hbm>>
          %dma_start3A_66 = tpu.memref_slice %arg5[%mul3A_54] : memref<320000xi32, #tpu.memory_space<hbm>> -> memref<128xi32, #tpu.memory_space<hbm>>
          tpu.enqueue_dma source(%dma_start3A_66 : memref<128xi32, #tpu.memory_space<hbm>>) target(%arg8 : memref<128xi32, #tpu.memory_space<vmem>>) target_semaphore(%run_scoped3A : memref<!tpu.dma_semaphore, #tpu.memory_space<semaphore_mem>>)
          %dma_wait3A_67 = tpu.memref_slice %arg5[%mul3A_54] : memref<320000xi32, #tpu.memory_space<hbm>> -> memref<128xi32, #tpu.memory_space<hbm>>
          %dma_wait3A_68 = tpu.memref_slice %arg5[%mul3A_54] : memref<320000xi32, #tpu.memory_space<hbm>> -> memref<128xi32, #tpu.memory_space<hbm>>
          tpu.wait_dma2 semaphore(%run_scoped3A : memref<!tpu.dma_semaphore, #tpu.memory_space<semaphore_mem>>) src(%dma_wait3A_68 : memref<128xi32, #tpu.memory_space<hbm>>) dst(%arg8 : memref<128xi32, #tpu.memory_space<vmem>>)
          tpu.yield
        }) : () -> ()
        %dma_start3A = arith.constant 0 : i32
        %dma_start3A_55 = arith.constant 0 : i32
        %dma_start3A_56 = tpu.memref_slice %arg2[%dma_start3A, %dma_start3A_55] : memref<10000x64xf32, #tpu.memory_space<hbm>> -> memref<10000x64xf32, #tpu.memory_space<hbm>>
        tpu.enqueue_indirect_dma source(%dma_start3A_56 : memref<10000x64xf32, #tpu.memory_space<hbm>>) target(%arg9 : memref<128x64xf32, #tpu.memory_space<vmem>>) offsets(%arg7 : memref<128xi32, #tpu.memory_space<vmem>>) semaphore(%arg13 : memref<!tpu.dma_semaphore, #tpu.memory_space<semaphore_mem>>)
        "tpu.region"() ({
          %run_scoped3A = tpu.sem_alloc : memref<!tpu.dma_semaphore, #tpu.memory_space<semaphore_mem>>
          %dma_start3A_65 = arith.constant 0 : i32
          %dma_start3A_66 = tpu.memref_slice %arg3[%mul3A_54, %dma_start3A_65] : memref<320000x192xf32, #tpu.memory_space<hbm>> -> memref<128x64xf32, #tpu.memory_space<hbm>>
          %dma_start3A_67 = arith.constant 0 : i32
          %dma_start3A_68 = tpu.memref_slice %arg3[%mul3A_54, %dma_start3A_67] : memref<320000x192xf32, #tpu.memory_space<hbm>> -> memref<128x64xf32, #tpu.memory_space<hbm>>
          tpu.enqueue_dma source(%dma_start3A_68 : memref<128x64xf32, #tpu.memory_space<hbm>>) target(%arg10 : memref<128x64xf32, #tpu.memory_space<vmem>>) target_semaphore(%run_scoped3A : memref<!tpu.dma_semaphore, #tpu.memory_space<semaphore_mem>>)
          %dma_wait3A_69 = arith.constant 0 : i32
          %dma_wait3A_70 = tpu.memref_slice %arg3[%mul3A_54, %dma_wait3A_69] : memref<320000x192xf32, #tpu.memory_space<hbm>> -> memref<128x64xf32, #tpu.memory_space<hbm>>
          %dma_wait3A_71 = arith.constant 0 : i32
          %dma_wait3A_72 = tpu.memref_slice %arg3[%mul3A_54, %dma_wait3A_71] : memref<320000x192xf32, #tpu.memory_space<hbm>> -> memref<128x64xf32, #tpu.memory_space<hbm>>
          tpu.wait_dma2 semaphore(%run_scoped3A : memref<!tpu.dma_semaphore, #tpu.memory_space<semaphore_mem>>) src(%dma_wait3A_72 : memref<128x64xf32, #tpu.memory_space<hbm>>) dst(%arg10 : memref<128x64xf32, #tpu.memory_space<vmem>>)
          tpu.yield
        }) : () -> ()
        %dma_wait3A = arith.constant 0 : i32
        %dma_wait3A_57 = arith.constant 0 : i32
        %dma_wait3A_58 = tpu.memref_slice %arg2[%dma_wait3A, %dma_wait3A_57] : memref<10000x64xf32, #tpu.memory_space<hbm>> -> memref<10000x64xf32, #tpu.memory_space<hbm>>
        tpu.wait_indirect_dma semaphore(%arg13 : memref<!tpu.dma_semaphore, #tpu.memory_space<semaphore_mem>>) src(%dma_wait3A_58 : memref<10000x64xf32, #tpu.memory_space<hbm>>) dst(%arg9 : memref<128x64xf32, #tpu.memory_space<vmem>>)
        %scan3A_59 = arith.constant 0 : i32
        %scan3A_60 = arith.constant 0 : i32
        %scan3A_61 = arith.constant 128 : i32
        %scan3A_62 = arith.addi %scan3A_60, %scan3A_61 : i32
        %scan3A_63 = arith.constant 1 : i32
        scf.for %scan3A_65 = %scan3A_60 to %scan3A_62 step %scan3A_63  : i32 {
          %get3A = arith.index_cast %scan3A_65 : i32 to index
          %get3A_66 = arith.constant 0 : index
          %get3A_67 = tpu.vector_load %arg9[%get3A, %get3A_66] {strides = array<i32>} : memref<128x64xf32, #tpu.memory_space<vmem>>, vector<1x16xf32>,
          %get3A_68 = vector.shape_cast %get3A_67 : vector<1x16xf32> to vector<16xf32>
          %get3A_69 = arith.index_cast %scan3A_65 : i32 to index
          %get3A_70 = arith.constant 0 : index
          %get3A_71 = tpu.vector_load %arg10[%get3A_69, %get3A_70] {strides = array<i32>} : memref<128x64xf32, #tpu.memory_space<vmem>>, vector<1x16xf32>,
          %get3A_72 = vector.shape_cast %get3A_71 : vector<1x16xf32> to vector<16xf32>
          %add3A_73 = arith.addf %get3A_68, %get3A_72 : vector<16xf32>
          %max3A = arith.constant 0.000000e+00 : f32
          %max3A_74 = vector.broadcast %max3A : f32 to vector<16xf32>
          %max3A_75 = arith.maximumf %add3A_73, %max3A_74 : vector<16xf32>
          %swap3A = arith.index_cast %scan3A_65 : i32 to index
          %swap3A_76 = arith.constant 0 : index
          %swap3A_77 = tpu.vector_load %arg11[%swap3A, %swap3A_76] {strides = array<i32>} : memref<128x64xf32, #tpu.memory_space<vmem>>, vector<1x16xf32>,
          %swap3A_78 = vector.shape_cast %swap3A_77 : vector<1x16xf32> to vector<16xf32>
          %swap3A_79 = vector.shape_cast %max3A_75 : vector<16xf32> to vector<1x16xf32>
          tpu.vector_store %arg11[%swap3A, %swap3A_76], %swap3A_79 {strides = array<i32>} : memref<128x64xf32, #tpu.memory_space<vmem>>, vector<1x16xf32>,
          %get3A_80 = arith.index_cast %scan3A_65 : i32 to index
          %get3A_81 = arith.constant 16 : index
          %get3A_82 = tpu.vector_load %arg9[%get3A_80, %get3A_81] {strides = array<i32>} : memref<128x64xf32, #tpu.memory_space<vmem>>, vector<1x16xf32>,
          %get3A_83 = vector.shape_cast %get3A_82 : vector<1x16xf32> to vector<16xf32>
          %get3A_84 = arith.index_cast %scan3A_65 : i32 to index
          %get3A_85 = arith.constant 16 : index
          %get3A_86 = tpu.vector_load %arg10[%get3A_84, %get3A_85] {strides = array<i32>} : memref<128x64xf32, #tpu.memory_space<vmem>>, vector<1x16xf32>,
          %get3A_87 = vector.shape_cast %get3A_86 : vector<1x16xf32> to vector<16xf32>
          %add3A_88 = arith.addf %get3A_83, %get3A_87 : vector<16xf32>
          %max3A_89 = arith.constant 0.000000e+00 : f32
          %max3A_90 = vector.broadcast %max3A_89 : f32 to vector<16xf32>
          %max3A_91 = arith.maximumf %add3A_88, %max3A_90 : vector<16xf32>
          %swap3A_92 = arith.index_cast %scan3A_65 : i32 to index
          %swap3A_93 = arith.constant 16 : index
          %swap3A_94 = tpu.vector_load %arg11[%swap3A_92, %swap3A_93] {strides = array<i32>} : memref<128x64xf32, #tpu.memory_space<vmem>>, vector<1x16xf32>,
          %swap3A_95 = vector.shape_cast %swap3A_94 : vector<1x16xf32> to vector<16xf32>
          %swap3A_96 = vector.shape_cast %max3A_91 : vector<16xf32> to vector<1x16xf32>
          tpu.vector_store %arg11[%swap3A_92, %swap3A_93], %swap3A_96 {strides = array<i32>} : memref<128x64xf32, #tpu.memory_space<vmem>>, vector<1x16xf32>,
          %get3A_97 = arith.index_cast %scan3A_65 : i32 to index
          %get3A_98 = arith.constant 32 : index
          %get3A_99 = tpu.vector_load %arg9[%get3A_97, %get3A_98] {strides = array<i32>} : memref<128x64xf32, #tpu.memory_space<vmem>>, vector<1x16xf32>,
          %get3A_100 = vector.shape_cast %get3A_99 : vector<1x16xf32> to vector<16xf32>
          %get3A_101 = arith.index_cast %scan3A_65 : i32 to index
          %get3A_102 = arith.constant 32 : index
          %get3A_103 = tpu.vector_load %arg10[%get3A_101, %get3A_102] {strides = array<i32>} : memref<128x64xf32, #tpu.memory_space<vmem>>, vector<1x16xf32>,
          %get3A_104 = vector.shape_cast %get3A_103 : vector<1x16xf32> to vector<16xf32>
          %add3A_105 = arith.addf %get3A_100, %get3A_104 : vector<16xf32>
          %max3A_106 = arith.constant 0.000000e+00 : f32
          %max3A_107 = vector.broadcast %max3A_106 : f32 to vector<16xf32>
          %max3A_108 = arith.maximumf %add3A_105, %max3A_107 : vector<16xf32>
          %swap3A_109 = arith.index_cast %scan3A_65 : i32 to index
          %swap3A_110 = arith.constant 32 : index
          %swap3A_111 = tpu.vector_load %arg11[%swap3A_109, %swap3A_110] {strides = array<i32>} : memref<128x64xf32, #tpu.memory_space<vmem>>, vector<1x16xf32>,
          %swap3A_112 = vector.shape_cast %swap3A_111 : vector<1x16xf32> to vector<16xf32>
          %swap3A_113 = vector.shape_cast %max3A_108 : vector<16xf32> to vector<1x16xf32>
          tpu.vector_store %arg11[%swap3A_109, %swap3A_110], %swap3A_113 {strides = array<i32>} : memref<128x64xf32, #tpu.memory_space<vmem>>, vector<1x16xf32>,
          %get3A_114 = arith.index_cast %scan3A_65 : i32 to index
          %get3A_115 = arith.constant 48 : index
          %get3A_116 = tpu.vector_load %arg9[%get3A_114, %get3A_115] {strides = array<i32>} : memref<128x64xf32, #tpu.memory_space<vmem>>, vector<1x16xf32>,
          %get3A_117 = vector.shape_cast %get3A_116 : vector<1x16xf32> to vector<16xf32>
          %get3A_118 = arith.index_cast %scan3A_65 : i32 to index
          %get3A_119 = arith.constant 48 : index
          %get3A_120 = tpu.vector_load %arg10[%get3A_118, %get3A_119] {strides = array<i32>} : memref<128x64xf32, #tpu.memory_space<vmem>>, vector<1x16xf32>,
          %get3A_121 = vector.shape_cast %get3A_120 : vector<1x16xf32> to vector<16xf32>
          %add3A_122 = arith.addf %get3A_117, %get3A_121 : vector<16xf32>
          %max3A_123 = arith.constant 0.000000e+00 : f32
          %max3A_124 = vector.broadcast %max3A_123 : f32 to vector<16xf32>
          %max3A_125 = arith.maximumf %add3A_122, %max3A_124 : vector<16xf32>
          %swap3A_126 = arith.index_cast %scan3A_65 : i32 to index
          %swap3A_127 = arith.constant 48 : index
          %swap3A_128 = tpu.vector_load %arg11[%swap3A_126, %swap3A_127] {strides = array<i32>} : memref<128x64xf32, #tpu.memory_space<vmem>>, vector<1x16xf32>,
          %swap3A_129 = vector.shape_cast %swap3A_128 : vector<1x16xf32> to vector<16xf32>
          %swap3A_130 = vector.shape_cast %max3A_125 : vector<16xf32> to vector<1x16xf32>
          tpu.vector_store %arg11[%swap3A_126, %swap3A_127], %swap3A_130 {strides = array<i32>} : memref<128x64xf32, #tpu.memory_space<vmem>>, vector<1x16xf32>,
        }
        %scan3A_64 = arith.constant 128 : i32
        "tpu.region"() ({
          %run_scoped3A = tpu.sem_alloc : memref<!tpu.dma_semaphore, #tpu.memory_space<semaphore_mem>>
          %dma_start3A_65 = arith.constant 0 : i32
          %dma_start3A_66 = arith.constant 0 : i32
          %dma_start3A_67 = tpu.memref_slice %arg12[%dma_start3A_65, %dma_start3A_66] : memref<10000x64xf32, #tpu.memory_space<vmem_shared>> -> memref<10000x64xf32, #tpu.memory_space<vmem_shared>>
          tpu.enqueue_indirect_dma source(%arg11 : memref<128x64xf32, #tpu.memory_space<vmem>>) target(%dma_start3A_67 : memref<10000x64xf32, #tpu.memory_space<vmem_shared>>) offsets(%arg8 : memref<128xi32, #tpu.memory_space<vmem>>) semaphore(%run_scoped3A : memref<!tpu.dma_semaphore, #tpu.memory_space<semaphore_mem>>) {add = true}
          %dma_wait3A_68 = arith.constant 0 : i32
          %dma_wait3A_69 = arith.constant 0 : i32
          %dma_wait3A_70 = tpu.memref_slice %arg12[%dma_wait3A_68, %dma_wait3A_69] : memref<10000x64xf32, #tpu.memory_space<vmem_shared>> -> memref<10000x64xf32, #tpu.memory_space<vmem_shared>>
          tpu.wait_indirect_dma semaphore(%run_scoped3A : memref<!tpu.dma_semaphore, #tpu.memory_space<semaphore_mem>>) src(%arg11 : memref<128x64xf32, #tpu.memory_space<vmem>>) dst(%dma_wait3A_70 : memref<10000x64xf32, #tpu.memory_space<vmem_shared>>)
          tpu.yield
        }) : () -> ()
      } else {
      }
    }
    %scan3A_41 = arith.constant 79 : i32
    %barrier3A_42 = arith.constant 0 : index
    tpu.barrier barrier_id(%barrier3A_42)
    %eq3A = arith.constant 0 : i32
    %eq3A_43 = arith.cmpi eq, %arg1, %eq3A : i32
    %convert_element_type3A = arith.extui %eq3A_43 : i1 to i32
    %cond3A = arith.constant 0 : i32
    %cond3A_44 = arith.cmpi ne, %convert_element_type3A, %cond3A : i32
    scf.if %cond3A_44 {
      "tpu.region"() ({
        %run_scoped3A = tpu.sem_alloc : memref<!tpu.dma_semaphore, #tpu.memory_space<semaphore_mem>>
        %dma_start3A = arith.constant 0 : i32
        %dma_start3A_45 = arith.constant 0 : i32
        %dma_start3A_46 = tpu.memref_slice %arg6[%arg0, %dma_start3A, %dma_start3A_45] : memref<2x10000x64xf32, #tpu.memory_space<hbm>> -> memref<1x10000x64xf32, #tpu.memory_space<hbm>>
        %dma_start3A_47 = tpu.memref_squeeze %dma_start3A_46 : memref<1x10000x64xf32, #tpu.memory_space<hbm>> -> memref<10000x64xf32, #tpu.memory_space<hbm>>
        tpu.enqueue_dma source(%arg12 : memref<10000x64xf32, #tpu.memory_space<vmem_shared>>) target(%dma_start3A_47 : memref<10000x64xf32, #tpu.memory_space<hbm>>) target_semaphore(%run_scoped3A : memref<!tpu.dma_semaphore, #tpu.memory_space<semaphore_mem>>)
        %dma_wait3A = arith.constant 0 : i32
        %dma_wait3A_48 = arith.constant 0 : i32
        %dma_wait3A_49 = tpu.memref_slice %arg6[%arg0, %dma_wait3A, %dma_wait3A_48] : memref<2x10000x64xf32, #tpu.memory_space<hbm>> -> memref<1x10000x64xf32, #tpu.memory_space<hbm>>
        %dma_wait3A_50 = tpu.memref_squeeze %dma_wait3A_49 : memref<1x10000x64xf32, #tpu.memory_space<hbm>> -> memref<10000x64xf32, #tpu.memory_space<hbm>>
        tpu.wait_dma2 semaphore(%run_scoped3A : memref<!tpu.dma_semaphore, #tpu.memory_space<semaphore_mem>>) src(%arg12 : memref<10000x64xf32, #tpu.memory_space<vmem_shared>>) dst(%dma_wait3A_50 : memref<10000x64xf32, #tpu.memory_space<hbm>>)
        tpu.yield
      }) : () -> ()
    } else {
    }
    return
  }
}

#map = affine_map<(d0, d1) -> (0, 0)>
#map1 = affine_map<(d0, d1) -> (0)>
#map2 = affine_map<(d0, d1) -> (0, 0, 0)>
module attributes {stable_mosaic.version = 14 : i64} {
  func.func @k(%arg0: i32, %arg1: i32, %arg2: memref<10000x64xf32, #tpu.memory_space<hbm>>, %arg3: memref<320000x192xf32, #tpu.memory_space<hbm>>, %arg4: memref<320000xi32, #tpu.memory_space<hbm>>, %arg5: memref<320000xi32, #tpu.memory_space<hbm>>, %arg6: memref<2x10000x64xf32, #tpu.memory_space<hbm>>, %arg7: memref<128xi32, #tpu.memory_space<vmem>>, %arg8: memref<128xi32, #tpu.memory_space<vmem>>, %arg9: memref<128x64xf32, #tpu.memory_space<vmem>>, %arg10: memref<128x64xf32, #tpu.memory_space<vmem>>, %arg11: memref<128x64xf32, #tpu.memory_space<vmem>>, %arg12: memref<10000x64xf32, #tpu.memory_space<vmem_shared>>, %arg13: memref<!tpu.dma_semaphore, #tpu.memory_space<semaphore_mem>>) attributes {dimension_semantics = [#tpu.dimension_semantics<core_parallel>, #tpu.dimension_semantics<subcore_parallel>], iteration_bounds = array<i64: 2, 16>, scalar_prefetch = 0 : i64, scratch_operands = 7 : i64, tpu.core_type = #tpu.core_type<sc_vector_subcore>, window_params = [{transform_indices = #map}, {transform_indices = #map}, {transform_indices = #map1}, {transform_indices = #map1}, {transform_indices = #map2}]} {
    %mul3A = arith.constant 2 : i32
    %mul3A_0 = arith.muli %arg1, %mul3A : i32
    %add3A = arith.addi %mul3A_0, %arg0 : i32
    %broadcast_in_dim3A = arith.constant 0.000000e+00 : f32
    %broadcast_in_dim3A_1 = vector.broadcast %broadcast_in_dim3A : f32 to vector<16xf32>
    %scan3A = arith.constant 0 : i32
    %scan3A_2 = arith.constant 0 : i32
    %scan3A_3 = arith.constant 128 : i32
    %scan3A_4 = arith.addi %scan3A_2, %scan3A_3 : i32
    %scan3A_5 = arith.constant 1 : i32
    scf.for %scan3A_45 = %scan3A_2 to %scan3A_4 step %scan3A_5  : i32 {
      %swap3A = arith.index_cast %scan3A_45 : i32 to index
      %swap3A_46 = arith.constant 0 : index
      %swap3A_47 = tpu.vector_load %arg11[%swap3A, %swap3A_46] {strides = array<i32>} : memref<128x64xf32, #tpu.memory_space<vmem>>, vector<1x16xf32>,
      %swap3A_48 = vector.shape_cast %swap3A_47 : vector<1x16xf32> to vector<16xf32>
      %swap3A_49 = vector.shape_cast %broadcast_in_dim3A_1 : vector<16xf32> to vector<1x16xf32>
      tpu.vector_store %arg11[%swap3A, %swap3A_46], %swap3A_49 {strides = array<i32>} : memref<128x64xf32, #tpu.memory_space<vmem>>, vector<1x16xf32>,
      %swap3A_50 = arith.index_cast %scan3A_45 : i32 to index
      %swap3A_51 = arith.constant 16 : index
      %swap3A_52 = tpu.vector_load %arg11[%swap3A_50, %swap3A_51] {strides = array<i32>} : memref<128x64xf32, #tpu.memory_space<vmem>>, vector<1x16xf32>,
      %swap3A_53 = vector.shape_cast %swap3A_52 : vector<1x16xf32> to vector<16xf32>
      %swap3A_54 = vector.shape_cast %broadcast_in_dim3A_1 : vector<16xf32> to vector<1x16xf32>
      tpu.vector_store %arg11[%swap3A_50, %swap3A_51], %swap3A_54 {strides = array<i32>} : memref<128x64xf32, #tpu.memory_space<vmem>>, vector<1x16xf32>,
      %swap3A_55 = arith.index_cast %scan3A_45 : i32 to index
      %swap3A_56 = arith.constant 32 : index
      %swap3A_57 = tpu.vector_load %arg11[%swap3A_55, %swap3A_56] {strides = array<i32>} : memref<128x64xf32, #tpu.memory_space<vmem>>, vector<1x16xf32>,
      %swap3A_58 = vector.shape_cast %swap3A_57 : vector<1x16xf32> to vector<16xf32>
      %swap3A_59 = vector.shape_cast %broadcast_in_dim3A_1 : vector<16xf32> to vector<1x16xf32>
      tpu.vector_store %arg11[%swap3A_55, %swap3A_56], %swap3A_59 {strides = array<i32>} : memref<128x64xf32, #tpu.memory_space<vmem>>, vector<1x16xf32>,
      %swap3A_60 = arith.index_cast %scan3A_45 : i32 to index
      %swap3A_61 = arith.constant 48 : index
      %swap3A_62 = tpu.vector_load %arg11[%swap3A_60, %swap3A_61] {strides = array<i32>} : memref<128x64xf32, #tpu.memory_space<vmem>>, vector<1x16xf32>,
      %swap3A_63 = vector.shape_cast %swap3A_62 : vector<1x16xf32> to vector<16xf32>
      %swap3A_64 = vector.shape_cast %broadcast_in_dim3A_1 : vector<16xf32> to vector<1x16xf32>
      tpu.vector_store %arg11[%swap3A_60, %swap3A_61], %swap3A_64 {strides = array<i32>} : memref<128x64xf32, #tpu.memory_space<vmem>>, vector<1x16xf32>,
    }
    %scan3A_6 = arith.constant 128 : i32
    %mul3A_7 = arith.constant 625 : i32
    %mul3A_8 = arith.muli %arg1, %mul3A_7 : i32
    %add3A_9 = arith.constant 0 : i32
    %add3A_10 = arith.addi %mul3A_8, %add3A_9 : i32
    %min3A = arith.constant 9872 : i32
    %min3A_11 = arith.minsi %add3A_10, %min3A : i32
    "tpu.region"() ({
      %run_scoped3A = tpu.sem_alloc : memref<!tpu.dma_semaphore, #tpu.memory_space<semaphore_mem>>
      %dma_start3A = arith.constant 0 : i32
      %dma_start3A_45 = tpu.memref_slice %arg12[%min3A_11, %dma_start3A] : memref<10000x64xf32, #tpu.memory_space<vmem_shared>> -> memref<128x64xf32, #tpu.memory_space<vmem_shared>>
      %dma_start3A_46 = arith.constant 0 : i32
      %dma_start3A_47 = tpu.memref_slice %arg12[%min3A_11, %dma_start3A_46] : memref<10000x64xf32, #tpu.memory_space<vmem_shared>> -> memref<128x64xf32, #tpu.memory_space<vmem_shared>>
      tpu.enqueue_dma source(%arg11 : memref<128x64xf32, #tpu.memory_space<vmem>>) target(%dma_start3A_47 : memref<128x64xf32, #tpu.memory_space<vmem_shared>>) target_semaphore(%run_scoped3A : memref<!tpu.dma_semaphore, #tpu.memory_space<semaphore_mem>>)
      %dma_wait3A = arith.constant 0 : i32
      %dma_wait3A_48 = tpu.memref_slice %arg12[%min3A_11, %dma_wait3A] : memref<10000x64xf32, #tpu.memory_space<vmem_shared>> -> memref<128x64xf32, #tpu.memory_space<vmem_shared>>
      %dma_wait3A_49 = arith.constant 0 : i32
      %dma_wait3A_50 = tpu.memref_slice %arg12[%min3A_11, %dma_wait3A_49] : memref<10000x64xf32, #tpu.memory_space<vmem_shared>> -> memref<128x64xf32, #tpu.memory_space<vmem_shared>>
      tpu.wait_dma2 semaphore(%run_scoped3A : memref<!tpu.dma_semaphore, #tpu.memory_space<semaphore_mem>>) src(%arg11 : memref<128x64xf32, #tpu.memory_space<vmem>>) dst(%dma_wait3A_50 : memref<128x64xf32, #tpu.memory_space<vmem_shared>>)
      tpu.yield
    }) : () -> ()
    %mul3A_12 = arith.constant 625 : i32
    %mul3A_13 = arith.muli %arg1, %mul3A_12 : i32
    %add3A_14 = arith.constant 128 : i32
    %add3A_15 = arith.addi %mul3A_13, %add3A_14 : i32
    %min3A_16 = arith.constant 9872 : i32
    %min3A_17 = arith.minsi %add3A_15, %min3A_16 : i32
    "tpu.region"() ({
      %run_scoped3A = tpu.sem_alloc : memref<!tpu.dma_semaphore, #tpu.memory_space<semaphore_mem>>
      %dma_start3A = arith.constant 0 : i32
      %dma_start3A_45 = tpu.memref_slice %arg12[%min3A_17, %dma_start3A] : memref<10000x64xf32, #tpu.memory_space<vmem_shared>> -> memref<128x64xf32, #tpu.memory_space<vmem_shared>>
      %dma_start3A_46 = arith.constant 0 : i32
      %dma_start3A_47 = tpu.memref_slice %arg12[%min3A_17, %dma_start3A_46] : memref<10000x64xf32, #tpu.memory_space<vmem_shared>> -> memref<128x64xf32, #tpu.memory_space<vmem_shared>>
      tpu.enqueue_dma source(%arg11 : memref<128x64xf32, #tpu.memory_space<vmem>>) target(%dma_start3A_47 : memref<128x64xf32, #tpu.memory_space<vmem_shared>>) target_semaphore(%run_scoped3A : memref<!tpu.dma_semaphore, #tpu.memory_space<semaphore_mem>>)
      %dma_wait3A = arith.constant 0 : i32
      %dma_wait3A_48 = tpu.memref_slice %arg12[%min3A_17, %dma_wait3A] : memref<10000x64xf32, #tpu.memory_space<vmem_shared>> -> memref<128x64xf32, #tpu.memory_space<vmem_shared>>
      %dma_wait3A_49 = arith.constant 0 : i32
      %dma_wait3A_50 = tpu.memref_slice %arg12[%min3A_17, %dma_wait3A_49] : memref<10000x64xf32, #tpu.memory_space<vmem_shared>> -> memref<128x64xf32, #tpu.memory_space<vmem_shared>>
      tpu.wait_dma2 semaphore(%run_scoped3A : memref<!tpu.dma_semaphore, #tpu.memory_space<semaphore_mem>>) src(%arg11 : memref<128x64xf32, #tpu.memory_space<vmem>>) dst(%dma_wait3A_50 : memref<128x64xf32, #tpu.memory_space<vmem_shared>>)
      tpu.yield
    }) : () -> ()
    %mul3A_18 = arith.constant 625 : i32
    %mul3A_19 = arith.muli %arg1, %mul3A_18 : i32
    %add3A_20 = arith.constant 256 : i32
    %add3A_21 = arith.addi %mul3A_19, %add3A_20 : i32
    %min3A_22 = arith.constant 9872 : i32
    %min3A_23 = arith.minsi %add3A_21, %min3A_22 : i32
    "tpu.region"() ({
      %run_scoped3A = tpu.sem_alloc : memref<!tpu.dma_semaphore, #tpu.memory_space<semaphore_mem>>
      %dma_start3A = arith.constant 0 : i32
      %dma_start3A_45 = tpu.memref_slice %arg12[%min3A_23, %dma_start3A] : memref<10000x64xf32, #tpu.memory_space<vmem_shared>> -> memref<128x64xf32, #tpu.memory_space<vmem_shared>>
      %dma_start3A_46 = arith.constant 0 : i32
      %dma_start3A_47 = tpu.memref_slice %arg12[%min3A_23, %dma_start3A_46] : memref<10000x64xf32, #tpu.memory_space<vmem_shared>> -> memref<128x64xf32, #tpu.memory_space<vmem_shared>>
      tpu.enqueue_dma source(%arg11 : memref<128x64xf32, #tpu.memory_space<vmem>>) target(%dma_start3A_47 : memref<128x64xf32, #tpu.memory_space<vmem_shared>>) target_semaphore(%run_scoped3A : memref<!tpu.dma_semaphore, #tpu.memory_space<semaphore_mem>>)
      %dma_wait3A = arith.constant 0 : i32
      %dma_wait3A_48 = tpu.memref_slice %arg12[%min3A_23, %dma_wait3A] : memref<10000x64xf32, #tpu.memory_space<vmem_shared>> -> memref<128x64xf32, #tpu.memory_space<vmem_shared>>
      %dma_wait3A_49 = arith.constant 0 : i32
      %dma_wait3A_50 = tpu.memref_slice %arg12[%min3A_23, %dma_wait3A_49] : memref<10000x64xf32, #tpu.memory_space<vmem_shared>> -> memref<128x64xf32, #tpu.memory_space<vmem_shared>>
      tpu.wait_dma2 semaphore(%run_scoped3A : memref<!tpu.dma_semaphore, #tpu.memory_space<semaphore_mem>>) src(%arg11 : memref<128x64xf32, #tpu.memory_space<vmem>>) dst(%dma_wait3A_50 : memref<128x64xf32, #tpu.memory_space<vmem_shared>>)
      tpu.yield
    }) : () -> ()
    %mul3A_24 = arith.constant 625 : i32
    %mul3A_25 = arith.muli %arg1, %mul3A_24 : i32
    %add3A_26 = arith.constant 384 : i32
    %add3A_27 = arith.addi %mul3A_25, %add3A_26 : i32
    %min3A_28 = arith.constant 9872 : i32
    %min3A_29 = arith.minsi %add3A_27, %min3A_28 : i32
    "tpu.region"() ({
      %run_scoped3A = tpu.sem_alloc : memref<!tpu.dma_semaphore, #tpu.memory_space<semaphore_mem>>
      %dma_start3A = arith.constant 0 : i32
      %dma_start3A_45 = tpu.memref_slice %arg12[%min3A_29, %dma_start3A] : memref<10000x64xf32, #tpu.memory_space<vmem_shared>> -> memref<128x64xf32, #tpu.memory_space<vmem_shared>>
      %dma_start3A_46 = arith.constant 0 : i32
      %dma_start3A_47 = tpu.memref_slice %arg12[%min3A_29, %dma_start3A_46] : memref<10000x64xf32, #tpu.memory_space<vmem_shared>> -> memref<128x64xf32, #tpu.memory_space<vmem_shared>>
      tpu.enqueue_dma source(%arg11 : memref<128x64xf32, #tpu.memory_space<vmem>>) target(%dma_start3A_47 : memref<128x64xf32, #tpu.memory_space<vmem_shared>>) target_semaphore(%run_scoped3A : memref<!tpu.dma_semaphore, #tpu.memory_space<semaphore_mem>>)
      %dma_wait3A = arith.constant 0 : i32
      %dma_wait3A_48 = tpu.memref_slice %arg12[%min3A_29, %dma_wait3A] : memref<10000x64xf32, #tpu.memory_space<vmem_shared>> -> memref<128x64xf32, #tpu.memory_space<vmem_shared>>
      %dma_wait3A_49 = arith.constant 0 : i32
      %dma_wait3A_50 = tpu.memref_slice %arg12[%min3A_29, %dma_wait3A_49] : memref<10000x64xf32, #tpu.memory_space<vmem_shared>> -> memref<128x64xf32, #tpu.memory_space<vmem_shared>>
      tpu.wait_dma2 semaphore(%run_scoped3A : memref<!tpu.dma_semaphore, #tpu.memory_space<semaphore_mem>>) src(%arg11 : memref<128x64xf32, #tpu.memory_space<vmem>>) dst(%dma_wait3A_50 : memref<128x64xf32, #tpu.memory_space<vmem_shared>>)
      tpu.yield
    }) : () -> ()
    %mul3A_30 = arith.constant 625 : i32
    %mul3A_31 = arith.muli %arg1, %mul3A_30 : i32
    %add3A_32 = arith.constant 512 : i32
    %add3A_33 = arith.addi %mul3A_31, %add3A_32 : i32
    %min3A_34 = arith.constant 9872 : i32
    %min3A_35 = arith.minsi %add3A_33, %min3A_34 : i32
    "tpu.region"() ({
      %run_scoped3A = tpu.sem_alloc : memref<!tpu.dma_semaphore, #tpu.memory_space<semaphore_mem>>
      %dma_start3A = arith.constant 0 : i32
      %dma_start3A_45 = tpu.memref_slice %arg12[%min3A_35, %dma_start3A] : memref<10000x64xf32, #tpu.memory_space<vmem_shared>> -> memref<128x64xf32, #tpu.memory_space<vmem_shared>>
      %dma_start3A_46 = arith.constant 0 : i32
      %dma_start3A_47 = tpu.memref_slice %arg12[%min3A_35, %dma_start3A_46] : memref<10000x64xf32, #tpu.memory_space<vmem_shared>> -> memref<128x64xf32, #tpu.memory_space<vmem_shared>>
      tpu.enqueue_dma source(%arg11 : memref<128x64xf32, #tpu.memory_space<vmem>>) target(%dma_start3A_47 : memref<128x64xf32, #tpu.memory_space<vmem_shared>>) target_semaphore(%run_scoped3A : memref<!tpu.dma_semaphore, #tpu.memory_space<semaphore_mem>>)
      %dma_wait3A = arith.constant 0 : i32
      %dma_wait3A_48 = tpu.memref_slice %arg12[%min3A_35, %dma_wait3A] : memref<10000x64xf32, #tpu.memory_space<vmem_shared>> -> memref<128x64xf32, #tpu.memory_space<vmem_shared>>
      %dma_wait3A_49 = arith.constant 0 : i32
      %dma_wait3A_50 = tpu.memref_slice %arg12[%min3A_35, %dma_wait3A_49] : memref<10000x64xf32, #tpu.memory_space<vmem_shared>> -> memref<128x64xf32, #tpu.memory_space<vmem_shared>>
      tpu.wait_dma2 semaphore(%run_scoped3A : memref<!tpu.dma_semaphore, #tpu.memory_space<semaphore_mem>>) src(%arg11 : memref<128x64xf32, #tpu.memory_space<vmem>>) dst(%dma_wait3A_50 : memref<128x64xf32, #tpu.memory_space<vmem_shared>>)
      tpu.yield
    }) : () -> ()
    %barrier3A = arith.constant 0 : index
    tpu.barrier barrier_id(%barrier3A)
    %scan3A_36 = arith.constant 0 : i32
    %scan3A_37 = arith.constant 0 : i32
    %scan3A_38 = arith.constant 79 : i32
    %scan3A_39 = arith.addi %scan3A_37, %scan3A_38 : i32
    %scan3A_40 = arith.constant 1 : i32
    scf.for %scan3A_45 = %scan3A_37 to %scan3A_39 step %scan3A_40  : i32 {
      %mul3A_46 = arith.constant 32 : i32
      %mul3A_47 = arith.muli %scan3A_45, %mul3A_46 : i32
      %add3A_48 = arith.addi %add3A, %mul3A_47 : i32
      %lt3A = arith.constant 2500 : i32
      %lt3A_49 = arith.cmpi slt, %add3A_48, %lt3A : i32
      %convert_element_type3A_50 = arith.extui %lt3A_49 : i1 to i32
      %cond3A_51 = arith.constant 0 : i32
      %cond3A_52 = arith.cmpi ne, %convert_element_type3A_50, %cond3A_51 : i32
      scf.if %cond3A_52 {
        %mul3A_53 = arith.constant 128 : i32
        %mul3A_54 = arith.muli %add3A_48, %mul3A_53 : i32
        "tpu.region"() ({
          %run_scoped3A = tpu.sem_alloc : memref<!tpu.dma_semaphore, #tpu.memory_space<semaphore_mem>>
          %dma_start3A_65 = tpu.memref_slice %arg4[%mul3A_54] : memref<320000xi32, #tpu.memory_space<hbm>> -> memref<128xi32, #tpu.memory_space<hbm>>
          %dma_start3A_66 = tpu.memref_slice %arg4[%mul3A_54] : memref<320000xi32, #tpu.memory_space<hbm>> -> memref<128xi32, #tpu.memory_space<hbm>>
          tpu.enqueue_dma source(%dma_start3A_66 : memref<128xi32, #tpu.memory_space<hbm>>) target(%arg7 : memref<128xi32, #tpu.memory_space<vmem>>) target_semaphore(%run_scoped3A : memref<!tpu.dma_semaphore, #tpu.memory_space<semaphore_mem>>)
          %dma_wait3A_67 = tpu.memref_slice %arg4[%mul3A_54] : memref<320000xi32, #tpu.memory_space<hbm>> -> memref<128xi32, #tpu.memory_space<hbm>>
          %dma_wait3A_68 = tpu.memref_slice %arg4[%mul3A_54] : memref<320000xi32, #tpu.memory_space<hbm>> -> memref<128xi32, #tpu.memory_space<hbm>>
          tpu.wait_dma2 semaphore(%run_scoped3A : memref<!tpu.dma_semaphore, #tpu.memory_space<semaphore_mem>>) src(%dma_wait3A_68 : memref<128xi32, #tpu.memory_space<hbm>>) dst(%arg7 : memref<128xi32, #tpu.memory_space<vmem>>)
          tpu.yield
        }) : () -> ()
        "tpu.region"() ({
          %run_scoped3A = tpu.sem_alloc : memref<!tpu.dma_semaphore, #tpu.memory_space<semaphore_mem>>
          %dma_start3A_65 = tpu.memref_slice %arg5[%mul3A_54] : memref<320000xi32, #tpu.memory_space<hbm>> -> memref<128xi32, #tpu.memory_space<hbm>>
          %dma_start3A_66 = tpu.memref_slice %arg5[%mul3A_54] : memref<320000xi32, #tpu.memory_space<hbm>> -> memref<128xi32, #tpu.memory_space<hbm>>
          tpu.enqueue_dma source(%dma_start3A_66 : memref<128xi32, #tpu.memory_space<hbm>>) target(%arg8 : memref<128xi32, #tpu.memory_space<vmem>>) target_semaphore(%run_scoped3A : memref<!tpu.dma_semaphore, #tpu.memory_space<semaphore_mem>>)
          %dma_wait3A_67 = tpu.memref_slice %arg5[%mul3A_54] : memref<320000xi32, #tpu.memory_space<hbm>> -> memref<128xi32, #tpu.memory_space<hbm>>
          %dma_wait3A_68 = tpu.memref_slice %arg5[%mul3A_54] : memref<320000xi32, #tpu.memory_space<hbm>> -> memref<128xi32, #tpu.memory_space<hbm>>
          tpu.wait_dma2 semaphore(%run_scoped3A : memref<!tpu.dma_semaphore, #tpu.memory_space<semaphore_mem>>) src(%dma_wait3A_68 : memref<128xi32, #tpu.memory_space<hbm>>) dst(%arg8 : memref<128xi32, #tpu.memory_space<vmem>>)
          tpu.yield
        }) : () -> ()
        %dma_start3A = arith.constant 0 : i32
        %dma_start3A_55 = arith.constant 0 : i32
        %dma_start3A_56 = tpu.memref_slice %arg2[%dma_start3A, %dma_start3A_55] : memref<10000x64xf32, #tpu.memory_space<hbm>> -> memref<10000x64xf32, #tpu.memory_space<hbm>>
        tpu.enqueue_indirect_dma source(%dma_start3A_56 : memref<10000x64xf32, #tpu.memory_space<hbm>>) target(%arg9 : memref<128x64xf32, #tpu.memory_space<vmem>>) offsets(%arg7 : memref<128xi32, #tpu.memory_space<vmem>>) semaphore(%arg13 : memref<!tpu.dma_semaphore, #tpu.memory_space<semaphore_mem>>)
        "tpu.region"() ({
          %run_scoped3A = tpu.sem_alloc : memref<!tpu.dma_semaphore, #tpu.memory_space<semaphore_mem>>
          %dma_start3A_65 = arith.constant 128 : i32
          %dma_start3A_66 = tpu.memref_slice %arg3[%mul3A_54, %dma_start3A_65] : memref<320000x192xf32, #tpu.memory_space<hbm>> -> memref<128x64xf32, #tpu.memory_space<hbm>>
          %dma_start3A_67 = arith.constant 128 : i32
          %dma_start3A_68 = tpu.memref_slice %arg3[%mul3A_54, %dma_start3A_67] : memref<320000x192xf32, #tpu.memory_space<hbm>> -> memref<128x64xf32, #tpu.memory_space<hbm>>
          tpu.enqueue_dma source(%dma_start3A_68 : memref<128x64xf32, #tpu.memory_space<hbm>>) target(%arg10 : memref<128x64xf32, #tpu.memory_space<vmem>>) target_semaphore(%run_scoped3A : memref<!tpu.dma_semaphore, #tpu.memory_space<semaphore_mem>>)
          %dma_wait3A_69 = arith.constant 128 : i32
          %dma_wait3A_70 = tpu.memref_slice %arg3[%mul3A_54, %dma_wait3A_69] : memref<320000x192xf32, #tpu.memory_space<hbm>> -> memref<128x64xf32, #tpu.memory_space<hbm>>
          %dma_wait3A_71 = arith.constant 128 : i32
          %dma_wait3A_72 = tpu.memref_slice %arg3[%mul3A_54, %dma_wait3A_71] : memref<320000x192xf32, #tpu.memory_space<hbm>> -> memref<128x64xf32, #tpu.memory_space<hbm>>
          tpu.wait_dma2 semaphore(%run_scoped3A : memref<!tpu.dma_semaphore, #tpu.memory_space<semaphore_mem>>) src(%dma_wait3A_72 : memref<128x64xf32, #tpu.memory_space<hbm>>) dst(%arg10 : memref<128x64xf32, #tpu.memory_space<vmem>>)
          tpu.yield
        }) : () -> ()
        %dma_wait3A = arith.constant 0 : i32
        %dma_wait3A_57 = arith.constant 0 : i32
        %dma_wait3A_58 = tpu.memref_slice %arg2[%dma_wait3A, %dma_wait3A_57] : memref<10000x64xf32, #tpu.memory_space<hbm>> -> memref<10000x64xf32, #tpu.memory_space<hbm>>
        tpu.wait_indirect_dma semaphore(%arg13 : memref<!tpu.dma_semaphore, #tpu.memory_space<semaphore_mem>>) src(%dma_wait3A_58 : memref<10000x64xf32, #tpu.memory_space<hbm>>) dst(%arg9 : memref<128x64xf32, #tpu.memory_space<vmem>>)
        %scan3A_59 = arith.constant 0 : i32
        %scan3A_60 = arith.constant 0 : i32
        %scan3A_61 = arith.constant 128 : i32
        %scan3A_62 = arith.addi %scan3A_60, %scan3A_61 : i32
        %scan3A_63 = arith.constant 1 : i32
        scf.for %scan3A_65 = %scan3A_60 to %scan3A_62 step %scan3A_63  : i32 {
          %get3A = arith.index_cast %scan3A_65 : i32 to index
          %get3A_66 = arith.constant 0 : index
          %get3A_67 = tpu.vector_load %arg9[%get3A, %get3A_66] {strides = array<i32>} : memref<128x64xf32, #tpu.memory_space<vmem>>, vector<1x16xf32>,
          %get3A_68 = vector.shape_cast %get3A_67 : vector<1x16xf32> to vector<16xf32>
          %get3A_69 = arith.index_cast %scan3A_65 : i32 to index
          %get3A_70 = arith.constant 0 : index
          %get3A_71 = tpu.vector_load %arg10[%get3A_69, %get3A_70] {strides = array<i32>} : memref<128x64xf32, #tpu.memory_space<vmem>>, vector<1x16xf32>,
          %get3A_72 = vector.shape_cast %get3A_71 : vector<1x16xf32> to vector<16xf32>
          %add3A_73 = arith.addf %get3A_68, %get3A_72 : vector<16xf32>
          %max3A = arith.constant 0.000000e+00 : f32
          %max3A_74 = vector.broadcast %max3A : f32 to vector<16xf32>
          %max3A_75 = arith.maximumf %add3A_73, %max3A_74 : vector<16xf32>
          %swap3A = arith.index_cast %scan3A_65 : i32 to index
          %swap3A_76 = arith.constant 0 : index
          %swap3A_77 = tpu.vector_load %arg11[%swap3A, %swap3A_76] {strides = array<i32>} : memref<128x64xf32, #tpu.memory_space<vmem>>, vector<1x16xf32>,
          %swap3A_78 = vector.shape_cast %swap3A_77 : vector<1x16xf32> to vector<16xf32>
          %swap3A_79 = vector.shape_cast %max3A_75 : vector<16xf32> to vector<1x16xf32>
          tpu.vector_store %arg11[%swap3A, %swap3A_76], %swap3A_79 {strides = array<i32>} : memref<128x64xf32, #tpu.memory_space<vmem>>, vector<1x16xf32>,
          %get3A_80 = arith.index_cast %scan3A_65 : i32 to index
          %get3A_81 = arith.constant 16 : index
          %get3A_82 = tpu.vector_load %arg9[%get3A_80, %get3A_81] {strides = array<i32>} : memref<128x64xf32, #tpu.memory_space<vmem>>, vector<1x16xf32>,
          %get3A_83 = vector.shape_cast %get3A_82 : vector<1x16xf32> to vector<16xf32>
          %get3A_84 = arith.index_cast %scan3A_65 : i32 to index
          %get3A_85 = arith.constant 16 : index
          %get3A_86 = tpu.vector_load %arg10[%get3A_84, %get3A_85] {strides = array<i32>} : memref<128x64xf32, #tpu.memory_space<vmem>>, vector<1x16xf32>,
          %get3A_87 = vector.shape_cast %get3A_86 : vector<1x16xf32> to vector<16xf32>
          %add3A_88 = arith.addf %get3A_83, %get3A_87 : vector<16xf32>
          %max3A_89 = arith.constant 0.000000e+00 : f32
          %max3A_90 = vector.broadcast %max3A_89 : f32 to vector<16xf32>
          %max3A_91 = arith.maximumf %add3A_88, %max3A_90 : vector<16xf32>
          %swap3A_92 = arith.index_cast %scan3A_65 : i32 to index
          %swap3A_93 = arith.constant 16 : index
          %swap3A_94 = tpu.vector_load %arg11[%swap3A_92, %swap3A_93] {strides = array<i32>} : memref<128x64xf32, #tpu.memory_space<vmem>>, vector<1x16xf32>,
          %swap3A_95 = vector.shape_cast %swap3A_94 : vector<1x16xf32> to vector<16xf32>
          %swap3A_96 = vector.shape_cast %max3A_91 : vector<16xf32> to vector<1x16xf32>
          tpu.vector_store %arg11[%swap3A_92, %swap3A_93], %swap3A_96 {strides = array<i32>} : memref<128x64xf32, #tpu.memory_space<vmem>>, vector<1x16xf32>,
          %get3A_97 = arith.index_cast %scan3A_65 : i32 to index
          %get3A_98 = arith.constant 32 : index
          %get3A_99 = tpu.vector_load %arg9[%get3A_97, %get3A_98] {strides = array<i32>} : memref<128x64xf32, #tpu.memory_space<vmem>>, vector<1x16xf32>,
          %get3A_100 = vector.shape_cast %get3A_99 : vector<1x16xf32> to vector<16xf32>
          %get3A_101 = arith.index_cast %scan3A_65 : i32 to index
          %get3A_102 = arith.constant 32 : index
          %get3A_103 = tpu.vector_load %arg10[%get3A_101, %get3A_102] {strides = array<i32>} : memref<128x64xf32, #tpu.memory_space<vmem>>, vector<1x16xf32>,
          %get3A_104 = vector.shape_cast %get3A_103 : vector<1x16xf32> to vector<16xf32>
          %add3A_105 = arith.addf %get3A_100, %get3A_104 : vector<16xf32>
          %max3A_106 = arith.constant 0.000000e+00 : f32
          %max3A_107 = vector.broadcast %max3A_106 : f32 to vector<16xf32>
          %max3A_108 = arith.maximumf %add3A_105, %max3A_107 : vector<16xf32>
          %swap3A_109 = arith.index_cast %scan3A_65 : i32 to index
          %swap3A_110 = arith.constant 32 : index
          %swap3A_111 = tpu.vector_load %arg11[%swap3A_109, %swap3A_110] {strides = array<i32>} : memref<128x64xf32, #tpu.memory_space<vmem>>, vector<1x16xf32>,
          %swap3A_112 = vector.shape_cast %swap3A_111 : vector<1x16xf32> to vector<16xf32>
          %swap3A_113 = vector.shape_cast %max3A_108 : vector<16xf32> to vector<1x16xf32>
          tpu.vector_store %arg11[%swap3A_109, %swap3A_110], %swap3A_113 {strides = array<i32>} : memref<128x64xf32, #tpu.memory_space<vmem>>, vector<1x16xf32>,
          %get3A_114 = arith.index_cast %scan3A_65 : i32 to index
          %get3A_115 = arith.constant 48 : index
          %get3A_116 = tpu.vector_load %arg9[%get3A_114, %get3A_115] {strides = array<i32>} : memref<128x64xf32, #tpu.memory_space<vmem>>, vector<1x16xf32>,
          %get3A_117 = vector.shape_cast %get3A_116 : vector<1x16xf32> to vector<16xf32>
          %get3A_118 = arith.index_cast %scan3A_65 : i32 to index
          %get3A_119 = arith.constant 48 : index
          %get3A_120 = tpu.vector_load %arg10[%get3A_118, %get3A_119] {strides = array<i32>} : memref<128x64xf32, #tpu.memory_space<vmem>>, vector<1x16xf32>,
          %get3A_121 = vector.shape_cast %get3A_120 : vector<1x16xf32> to vector<16xf32>
          %add3A_122 = arith.addf %get3A_117, %get3A_121 : vector<16xf32>
          %max3A_123 = arith.constant 0.000000e+00 : f32
          %max3A_124 = vector.broadcast %max3A_123 : f32 to vector<16xf32>
          %max3A_125 = arith.maximumf %add3A_122, %max3A_124 : vector<16xf32>
          %swap3A_126 = arith.index_cast %scan3A_65 : i32 to index
          %swap3A_127 = arith.constant 48 : index
          %swap3A_128 = tpu.vector_load %arg11[%swap3A_126, %swap3A_127] {strides = array<i32>} : memref<128x64xf32, #tpu.memory_space<vmem>>, vector<1x16xf32>,
          %swap3A_129 = vector.shape_cast %swap3A_128 : vector<1x16xf32> to vector<16xf32>
          %swap3A_130 = vector.shape_cast %max3A_125 : vector<16xf32> to vector<1x16xf32>
          tpu.vector_store %arg11[%swap3A_126, %swap3A_127], %swap3A_130 {strides = array<i32>} : memref<128x64xf32, #tpu.memory_space<vmem>>, vector<1x16xf32>,
        }
        %scan3A_64 = arith.constant 128 : i32
        "tpu.region"() ({
          %run_scoped3A = tpu.sem_alloc : memref<!tpu.dma_semaphore, #tpu.memory_space<semaphore_mem>>
          %dma_start3A_65 = arith.constant 0 : i32
          %dma_start3A_66 = arith.constant 0 : i32
          %dma_start3A_67 = tpu.memref_slice %arg12[%dma_start3A_65, %dma_start3A_66] : memref<10000x64xf32, #tpu.memory_space<vmem_shared>> -> memref<10000x64xf32, #tpu.memory_space<vmem_shared>>
          tpu.enqueue_indirect_dma source(%arg11 : memref<128x64xf32, #tpu.memory_space<vmem>>) target(%dma_start3A_67 : memref<10000x64xf32, #tpu.memory_space<vmem_shared>>) offsets(%arg8 : memref<128xi32, #tpu.memory_space<vmem>>) semaphore(%run_scoped3A : memref<!tpu.dma_semaphore, #tpu.memory_space<semaphore_mem>>) {add = true}
          %dma_wait3A_68 = arith.constant 0 : i32
          %dma_wait3A_69 = arith.constant 0 : i32
          %dma_wait3A_70 = tpu.memref_slice %arg12[%dma_wait3A_68, %dma_wait3A_69] : memref<10000x64xf32, #tpu.memory_space<vmem_shared>> -> memref<10000x64xf32, #tpu.memory_space<vmem_shared>>
          tpu.wait_indirect_dma semaphore(%run_scoped3A : memref<!tpu.dma_semaphore, #tpu.memory_space<semaphore_mem>>) src(%arg11 : memref<128x64xf32, #tpu.memory_space<vmem>>) dst(%dma_wait3A_70 : memref<10000x64xf32, #tpu.memory_space<vmem_shared>>)
          tpu.yield
        }) : () -> ()
      } else {
      }
    }
    %scan3A_41 = arith.constant 79 : i32
    %barrier3A_42 = arith.constant 0 : index
    tpu.barrier barrier_id(%barrier3A_42)
    %eq3A = arith.constant 0 : i32
    %eq3A_43 = arith.cmpi eq, %arg1, %eq3A : i32
    %convert_element_type3A = arith.extui %eq3A_43 : i1 to i32
    %cond3A = arith.constant 0 : i32
    %cond3A_44 = arith.cmpi ne, %convert_element_type3A, %cond3A : i32
    scf.if %cond3A_44 {
      "tpu.region"() ({
        %run_scoped3A = tpu.sem_alloc : memref<!tpu.dma_semaphore, #tpu.memory_space<semaphore_mem>>
        %dma_start3A = arith.constant 0 : i32
        %dma_start3A_45 = arith.constant 0 : i32
        %dma_start3A_46 = tpu.memref_slice %arg6[%arg0, %dma_start3A, %dma_start3A_45] : memref<2x10000x64xf32, #tpu.memory_space<hbm>> -> memref<1x10000x64xf32, #tpu.memory_space<hbm>>
        %dma_start3A_47 = tpu.memref_squeeze %dma_start3A_46 : memref<1x10000x64xf32, #tpu.memory_space<hbm>> -> memref<10000x64xf32, #tpu.memory_space<hbm>>
        tpu.enqueue_dma source(%arg12 : memref<10000x64xf32, #tpu.memory_space<vmem_shared>>) target(%dma_start3A_47 : memref<10000x64xf32, #tpu.memory_space<hbm>>) target_semaphore(%run_scoped3A : memref<!tpu.dma_semaphore, #tpu.memory_space<semaphore_mem>>)
        %dma_wait3A = arith.constant 0 : i32
        %dma_wait3A_48 = arith.constant 0 : i32
        %dma_wait3A_49 = tpu.memref_slice %arg6[%arg0, %dma_wait3A, %dma_wait3A_48] : memref<2x10000x64xf32, #tpu.memory_space<hbm>> -> memref<1x10000x64xf32, #tpu.memory_space<hbm>>
        %dma_wait3A_50 = tpu.memref_squeeze %dma_wait3A_49 : memref<1x10000x64xf32, #tpu.memory_space<hbm>> -> memref<10000x64xf32, #tpu.memory_space<hbm>>
        tpu.wait_dma2 semaphore(%run_scoped3A : memref<!tpu.dma_semaphore, #tpu.memory_space<semaphore_mem>>) src(%arg12 : memref<10000x64xf32, #tpu.memory_space<vmem_shared>>) dst(%dma_wait3A_50 : memref<10000x64xf32, #tpu.memory_space<hbm>>)
        tpu.yield
      }) : () -> ()
    } else {
    }
    return
  }
}

#map = affine_map<(d0, d1) -> (0, 0)>
#map1 = affine_map<(d0, d1) -> (0)>
#map2 = affine_map<(d0, d1) -> (0, 0, 0)>
module attributes {stable_mosaic.version = 14 : i64} {
  func.func @k(%arg0: i32, %arg1: i32, %arg2: memref<10000x64xf32, #tpu.memory_space<hbm>>, %arg3: memref<320000x192xf32, #tpu.memory_space<hbm>>, %arg4: memref<320000xi32, #tpu.memory_space<hbm>>, %arg5: memref<320000xi32, #tpu.memory_space<hbm>>, %arg6: memref<2x10000x64xf32, #tpu.memory_space<hbm>>, %arg7: memref<128xi32, #tpu.memory_space<vmem>>, %arg8: memref<128xi32, #tpu.memory_space<vmem>>, %arg9: memref<128x64xf32, #tpu.memory_space<vmem>>, %arg10: memref<128x64xf32, #tpu.memory_space<vmem>>, %arg11: memref<128x64xf32, #tpu.memory_space<vmem>>, %arg12: memref<10000x64xf32, #tpu.memory_space<vmem_shared>>, %arg13: memref<!tpu.dma_semaphore, #tpu.memory_space<semaphore_mem>>) attributes {dimension_semantics = [#tpu.dimension_semantics<core_parallel>, #tpu.dimension_semantics<subcore_parallel>], iteration_bounds = array<i64: 2, 16>, scalar_prefetch = 0 : i64, scratch_operands = 7 : i64, tpu.core_type = #tpu.core_type<sc_vector_subcore>, window_params = [{transform_indices = #map}, {transform_indices = #map}, {transform_indices = #map1}, {transform_indices = #map1}, {transform_indices = #map2}]} {
    %mul3A = arith.constant 2 : i32
    %mul3A_0 = arith.muli %arg1, %mul3A : i32
    %add3A = arith.addi %mul3A_0, %arg0 : i32
    %broadcast_in_dim3A = arith.constant 0.000000e+00 : f32
    %broadcast_in_dim3A_1 = vector.broadcast %broadcast_in_dim3A : f32 to vector<16xf32>
    %scan3A = arith.constant 0 : i32
    %scan3A_2 = arith.constant 0 : i32
    %scan3A_3 = arith.constant 128 : i32
    %scan3A_4 = arith.addi %scan3A_2, %scan3A_3 : i32
    %scan3A_5 = arith.constant 1 : i32
    scf.for %scan3A_45 = %scan3A_2 to %scan3A_4 step %scan3A_5  : i32 {
      %swap3A = arith.index_cast %scan3A_45 : i32 to index
      %swap3A_46 = arith.constant 0 : index
      %swap3A_47 = tpu.vector_load %arg11[%swap3A, %swap3A_46] {strides = array<i32>} : memref<128x64xf32, #tpu.memory_space<vmem>>, vector<1x16xf32>,
      %swap3A_48 = vector.shape_cast %swap3A_47 : vector<1x16xf32> to vector<16xf32>
      %swap3A_49 = vector.shape_cast %broadcast_in_dim3A_1 : vector<16xf32> to vector<1x16xf32>
      tpu.vector_store %arg11[%swap3A, %swap3A_46], %swap3A_49 {strides = array<i32>} : memref<128x64xf32, #tpu.memory_space<vmem>>, vector<1x16xf32>,
      %swap3A_50 = arith.index_cast %scan3A_45 : i32 to index
      %swap3A_51 = arith.constant 16 : index
      %swap3A_52 = tpu.vector_load %arg11[%swap3A_50, %swap3A_51] {strides = array<i32>} : memref<128x64xf32, #tpu.memory_space<vmem>>, vector<1x16xf32>,
      %swap3A_53 = vector.shape_cast %swap3A_52 : vector<1x16xf32> to vector<16xf32>
      %swap3A_54 = vector.shape_cast %broadcast_in_dim3A_1 : vector<16xf32> to vector<1x16xf32>
      tpu.vector_store %arg11[%swap3A_50, %swap3A_51], %swap3A_54 {strides = array<i32>} : memref<128x64xf32, #tpu.memory_space<vmem>>, vector<1x16xf32>,
      %swap3A_55 = arith.index_cast %scan3A_45 : i32 to index
      %swap3A_56 = arith.constant 32 : index
      %swap3A_57 = tpu.vector_load %arg11[%swap3A_55, %swap3A_56] {strides = array<i32>} : memref<128x64xf32, #tpu.memory_space<vmem>>, vector<1x16xf32>,
      %swap3A_58 = vector.shape_cast %swap3A_57 : vector<1x16xf32> to vector<16xf32>
      %swap3A_59 = vector.shape_cast %broadcast_in_dim3A_1 : vector<16xf32> to vector<1x16xf32>
      tpu.vector_store %arg11[%swap3A_55, %swap3A_56], %swap3A_59 {strides = array<i32>} : memref<128x64xf32, #tpu.memory_space<vmem>>, vector<1x16xf32>,
      %swap3A_60 = arith.index_cast %scan3A_45 : i32 to index
      %swap3A_61 = arith.constant 48 : index
      %swap3A_62 = tpu.vector_load %arg11[%swap3A_60, %swap3A_61] {strides = array<i32>} : memref<128x64xf32, #tpu.memory_space<vmem>>, vector<1x16xf32>,
      %swap3A_63 = vector.shape_cast %swap3A_62 : vector<1x16xf32> to vector<16xf32>
      %swap3A_64 = vector.shape_cast %broadcast_in_dim3A_1 : vector<16xf32> to vector<1x16xf32>
      tpu.vector_store %arg11[%swap3A_60, %swap3A_61], %swap3A_64 {strides = array<i32>} : memref<128x64xf32, #tpu.memory_space<vmem>>, vector<1x16xf32>,
    }
    %scan3A_6 = arith.constant 128 : i32
    %mul3A_7 = arith.constant 625 : i32
    %mul3A_8 = arith.muli %arg1, %mul3A_7 : i32
    %add3A_9 = arith.constant 0 : i32
    %add3A_10 = arith.addi %mul3A_8, %add3A_9 : i32
    %min3A = arith.constant 9872 : i32
    %min3A_11 = arith.minsi %add3A_10, %min3A : i32
    "tpu.region"() ({
      %run_scoped3A = tpu.sem_alloc : memref<!tpu.dma_semaphore, #tpu.memory_space<semaphore_mem>>
      %dma_start3A = arith.constant 0 : i32
      %dma_start3A_45 = tpu.memref_slice %arg12[%min3A_11, %dma_start3A] : memref<10000x64xf32, #tpu.memory_space<vmem_shared>> -> memref<128x64xf32, #tpu.memory_space<vmem_shared>>
      %dma_start3A_46 = arith.constant 0 : i32
      %dma_start3A_47 = tpu.memref_slice %arg12[%min3A_11, %dma_start3A_46] : memref<10000x64xf32, #tpu.memory_space<vmem_shared>> -> memref<128x64xf32, #tpu.memory_space<vmem_shared>>
      tpu.enqueue_dma source(%arg11 : memref<128x64xf32, #tpu.memory_space<vmem>>) target(%dma_start3A_47 : memref<128x64xf32, #tpu.memory_space<vmem_shared>>) target_semaphore(%run_scoped3A : memref<!tpu.dma_semaphore, #tpu.memory_space<semaphore_mem>>)
      %dma_wait3A = arith.constant 0 : i32
      %dma_wait3A_48 = tpu.memref_slice %arg12[%min3A_11, %dma_wait3A] : memref<10000x64xf32, #tpu.memory_space<vmem_shared>> -> memref<128x64xf32, #tpu.memory_space<vmem_shared>>
      %dma_wait3A_49 = arith.constant 0 : i32
      %dma_wait3A_50 = tpu.memref_slice %arg12[%min3A_11, %dma_wait3A_49] : memref<10000x64xf32, #tpu.memory_space<vmem_shared>> -> memref<128x64xf32, #tpu.memory_space<vmem_shared>>
      tpu.wait_dma2 semaphore(%run_scoped3A : memref<!tpu.dma_semaphore, #tpu.memory_space<semaphore_mem>>) src(%arg11 : memref<128x64xf32, #tpu.memory_space<vmem>>) dst(%dma_wait3A_50 : memref<128x64xf32, #tpu.memory_space<vmem_shared>>)
      tpu.yield
    }) : () -> ()
    %mul3A_12 = arith.constant 625 : i32
    %mul3A_13 = arith.muli %arg1, %mul3A_12 : i32
    %add3A_14 = arith.constant 128 : i32
    %add3A_15 = arith.addi %mul3A_13, %add3A_14 : i32
    %min3A_16 = arith.constant 9872 : i32
    %min3A_17 = arith.minsi %add3A_15, %min3A_16 : i32
    "tpu.region"() ({
      %run_scoped3A = tpu.sem_alloc : memref<!tpu.dma_semaphore, #tpu.memory_space<semaphore_mem>>
      %dma_start3A = arith.constant 0 : i32
      %dma_start3A_45 = tpu.memref_slice %arg12[%min3A_17, %dma_start3A] : memref<10000x64xf32, #tpu.memory_space<vmem_shared>> -> memref<128x64xf32, #tpu.memory_space<vmem_shared>>
      %dma_start3A_46 = arith.constant 0 : i32
      %dma_start3A_47 = tpu.memref_slice %arg12[%min3A_17, %dma_start3A_46] : memref<10000x64xf32, #tpu.memory_space<vmem_shared>> -> memref<128x64xf32, #tpu.memory_space<vmem_shared>>
      tpu.enqueue_dma source(%arg11 : memref<128x64xf32, #tpu.memory_space<vmem>>) target(%dma_start3A_47 : memref<128x64xf32, #tpu.memory_space<vmem_shared>>) target_semaphore(%run_scoped3A : memref<!tpu.dma_semaphore, #tpu.memory_space<semaphore_mem>>)
      %dma_wait3A = arith.constant 0 : i32
      %dma_wait3A_48 = tpu.memref_slice %arg12[%min3A_17, %dma_wait3A] : memref<10000x64xf32, #tpu.memory_space<vmem_shared>> -> memref<128x64xf32, #tpu.memory_space<vmem_shared>>
      %dma_wait3A_49 = arith.constant 0 : i32
      %dma_wait3A_50 = tpu.memref_slice %arg12[%min3A_17, %dma_wait3A_49] : memref<10000x64xf32, #tpu.memory_space<vmem_shared>> -> memref<128x64xf32, #tpu.memory_space<vmem_shared>>
      tpu.wait_dma2 semaphore(%run_scoped3A : memref<!tpu.dma_semaphore, #tpu.memory_space<semaphore_mem>>) src(%arg11 : memref<128x64xf32, #tpu.memory_space<vmem>>) dst(%dma_wait3A_50 : memref<128x64xf32, #tpu.memory_space<vmem_shared>>)
      tpu.yield
    }) : () -> ()
    %mul3A_18 = arith.constant 625 : i32
    %mul3A_19 = arith.muli %arg1, %mul3A_18 : i32
    %add3A_20 = arith.constant 256 : i32
    %add3A_21 = arith.addi %mul3A_19, %add3A_20 : i32
    %min3A_22 = arith.constant 9872 : i32
    %min3A_23 = arith.minsi %add3A_21, %min3A_22 : i32
    "tpu.region"() ({
      %run_scoped3A = tpu.sem_alloc : memref<!tpu.dma_semaphore, #tpu.memory_space<semaphore_mem>>
      %dma_start3A = arith.constant 0 : i32
      %dma_start3A_45 = tpu.memref_slice %arg12[%min3A_23, %dma_start3A] : memref<10000x64xf32, #tpu.memory_space<vmem_shared>> -> memref<128x64xf32, #tpu.memory_space<vmem_shared>>
      %dma_start3A_46 = arith.constant 0 : i32
      %dma_start3A_47 = tpu.memref_slice %arg12[%min3A_23, %dma_start3A_46] : memref<10000x64xf32, #tpu.memory_space<vmem_shared>> -> memref<128x64xf32, #tpu.memory_space<vmem_shared>>
      tpu.enqueue_dma source(%arg11 : memref<128x64xf32, #tpu.memory_space<vmem>>) target(%dma_start3A_47 : memref<128x64xf32, #tpu.memory_space<vmem_shared>>) target_semaphore(%run_scoped3A : memref<!tpu.dma_semaphore, #tpu.memory_space<semaphore_mem>>)
      %dma_wait3A = arith.constant 0 : i32
      %dma_wait3A_48 = tpu.memref_slice %arg12[%min3A_23, %dma_wait3A] : memref<10000x64xf32, #tpu.memory_space<vmem_shared>> -> memref<128x64xf32, #tpu.memory_space<vmem_shared>>
      %dma_wait3A_49 = arith.constant 0 : i32
      %dma_wait3A_50 = tpu.memref_slice %arg12[%min3A_23, %dma_wait3A_49] : memref<10000x64xf32, #tpu.memory_space<vmem_shared>> -> memref<128x64xf32, #tpu.memory_space<vmem_shared>>
      tpu.wait_dma2 semaphore(%run_scoped3A : memref<!tpu.dma_semaphore, #tpu.memory_space<semaphore_mem>>) src(%arg11 : memref<128x64xf32, #tpu.memory_space<vmem>>) dst(%dma_wait3A_50 : memref<128x64xf32, #tpu.memory_space<vmem_shared>>)
      tpu.yield
    }) : () -> ()
    %mul3A_24 = arith.constant 625 : i32
    %mul3A_25 = arith.muli %arg1, %mul3A_24 : i32
    %add3A_26 = arith.constant 384 : i32
    %add3A_27 = arith.addi %mul3A_25, %add3A_26 : i32
    %min3A_28 = arith.constant 9872 : i32
    %min3A_29 = arith.minsi %add3A_27, %min3A_28 : i32
    "tpu.region"() ({
      %run_scoped3A = tpu.sem_alloc : memref<!tpu.dma_semaphore, #tpu.memory_space<semaphore_mem>>
      %dma_start3A = arith.constant 0 : i32
      %dma_start3A_45 = tpu.memref_slice %arg12[%min3A_29, %dma_start3A] : memref<10000x64xf32, #tpu.memory_space<vmem_shared>> -> memref<128x64xf32, #tpu.memory_space<vmem_shared>>
      %dma_start3A_46 = arith.constant 0 : i32
      %dma_start3A_47 = tpu.memref_slice %arg12[%min3A_29, %dma_start3A_46] : memref<10000x64xf32, #tpu.memory_space<vmem_shared>> -> memref<128x64xf32, #tpu.memory_space<vmem_shared>>
      tpu.enqueue_dma source(%arg11 : memref<128x64xf32, #tpu.memory_space<vmem>>) target(%dma_start3A_47 : memref<128x64xf32, #tpu.memory_space<vmem_shared>>) target_semaphore(%run_scoped3A : memref<!tpu.dma_semaphore, #tpu.memory_space<semaphore_mem>>)
      %dma_wait3A = arith.constant 0 : i32
      %dma_wait3A_48 = tpu.memref_slice %arg12[%min3A_29, %dma_wait3A] : memref<10000x64xf32, #tpu.memory_space<vmem_shared>> -> memref<128x64xf32, #tpu.memory_space<vmem_shared>>
      %dma_wait3A_49 = arith.constant 0 : i32
      %dma_wait3A_50 = tpu.memref_slice %arg12[%min3A_29, %dma_wait3A_49] : memref<10000x64xf32, #tpu.memory_space<vmem_shared>> -> memref<128x64xf32, #tpu.memory_space<vmem_shared>>
      tpu.wait_dma2 semaphore(%run_scoped3A : memref<!tpu.dma_semaphore, #tpu.memory_space<semaphore_mem>>) src(%arg11 : memref<128x64xf32, #tpu.memory_space<vmem>>) dst(%dma_wait3A_50 : memref<128x64xf32, #tpu.memory_space<vmem_shared>>)
      tpu.yield
    }) : () -> ()
    %mul3A_30 = arith.constant 625 : i32
    %mul3A_31 = arith.muli %arg1, %mul3A_30 : i32
    %add3A_32 = arith.constant 512 : i32
    %add3A_33 = arith.addi %mul3A_31, %add3A_32 : i32
    %min3A_34 = arith.constant 9872 : i32
    %min3A_35 = arith.minsi %add3A_33, %min3A_34 : i32
    "tpu.region"() ({
      %run_scoped3A = tpu.sem_alloc : memref<!tpu.dma_semaphore, #tpu.memory_space<semaphore_mem>>
      %dma_start3A = arith.constant 0 : i32
      %dma_start3A_45 = tpu.memref_slice %arg12[%min3A_35, %dma_start3A] : memref<10000x64xf32, #tpu.memory_space<vmem_shared>> -> memref<128x64xf32, #tpu.memory_space<vmem_shared>>
      %dma_start3A_46 = arith.constant 0 : i32
      %dma_start3A_47 = tpu.memref_slice %arg12[%min3A_35, %dma_start3A_46] : memref<10000x64xf32, #tpu.memory_space<vmem_shared>> -> memref<128x64xf32, #tpu.memory_space<vmem_shared>>
      tpu.enqueue_dma source(%arg11 : memref<128x64xf32, #tpu.memory_space<vmem>>) target(%dma_start3A_47 : memref<128x64xf32, #tpu.memory_space<vmem_shared>>) target_semaphore(%run_scoped3A : memref<!tpu.dma_semaphore, #tpu.memory_space<semaphore_mem>>)
      %dma_wait3A = arith.constant 0 : i32
      %dma_wait3A_48 = tpu.memref_slice %arg12[%min3A_35, %dma_wait3A] : memref<10000x64xf32, #tpu.memory_space<vmem_shared>> -> memref<128x64xf32, #tpu.memory_space<vmem_shared>>
      %dma_wait3A_49 = arith.constant 0 : i32
      %dma_wait3A_50 = tpu.memref_slice %arg12[%min3A_35, %dma_wait3A_49] : memref<10000x64xf32, #tpu.memory_space<vmem_shared>> -> memref<128x64xf32, #tpu.memory_space<vmem_shared>>
      tpu.wait_dma2 semaphore(%run_scoped3A : memref<!tpu.dma_semaphore, #tpu.memory_space<semaphore_mem>>) src(%arg11 : memref<128x64xf32, #tpu.memory_space<vmem>>) dst(%dma_wait3A_50 : memref<128x64xf32, #tpu.memory_space<vmem_shared>>)
      tpu.yield
    }) : () -> ()
    %barrier3A = arith.constant 0 : index
    tpu.barrier barrier_id(%barrier3A)
    %scan3A_36 = arith.constant 0 : i32
    %scan3A_37 = arith.constant 0 : i32
    %scan3A_38 = arith.constant 79 : i32
    %scan3A_39 = arith.addi %scan3A_37, %scan3A_38 : i32
    %scan3A_40 = arith.constant 1 : i32
    scf.for %scan3A_45 = %scan3A_37 to %scan3A_39 step %scan3A_40  : i32 {
      %mul3A_46 = arith.constant 32 : i32
      %mul3A_47 = arith.muli %scan3A_45, %mul3A_46 : i32
      %add3A_48 = arith.addi %add3A, %mul3A_47 : i32
      %lt3A = arith.constant 2500 : i32
      %lt3A_49 = arith.cmpi slt, %add3A_48, %lt3A : i32
      %convert_element_type3A_50 = arith.extui %lt3A_49 : i1 to i32
      %cond3A_51 = arith.constant 0 : i32
      %cond3A_52 = arith.cmpi ne, %convert_element_type3A_50, %cond3A_51 : i32
      scf.if %cond3A_52 {
        %mul3A_53 = arith.constant 128 : i32
        %mul3A_54 = arith.muli %add3A_48, %mul3A_53 : i32
        "tpu.region"() ({
          %run_scoped3A = tpu.sem_alloc : memref<!tpu.dma_semaphore, #tpu.memory_space<semaphore_mem>>
          %dma_start3A_65 = tpu.memref_slice %arg4[%mul3A_54] : memref<320000xi32, #tpu.memory_space<hbm>> -> memref<128xi32, #tpu.memory_space<hbm>>
          %dma_start3A_66 = tpu.memref_slice %arg4[%mul3A_54] : memref<320000xi32, #tpu.memory_space<hbm>> -> memref<128xi32, #tpu.memory_space<hbm>>
          tpu.enqueue_dma source(%dma_start3A_66 : memref<128xi32, #tpu.memory_space<hbm>>) target(%arg7 : memref<128xi32, #tpu.memory_space<vmem>>) target_semaphore(%run_scoped3A : memref<!tpu.dma_semaphore, #tpu.memory_space<semaphore_mem>>)
          %dma_wait3A_67 = tpu.memref_slice %arg4[%mul3A_54] : memref<320000xi32, #tpu.memory_space<hbm>> -> memref<128xi32, #tpu.memory_space<hbm>>
          %dma_wait3A_68 = tpu.memref_slice %arg4[%mul3A_54] : memref<320000xi32, #tpu.memory_space<hbm>> -> memref<128xi32, #tpu.memory_space<hbm>>
          tpu.wait_dma2 semaphore(%run_scoped3A : memref<!tpu.dma_semaphore, #tpu.memory_space<semaphore_mem>>) src(%dma_wait3A_68 : memref<128xi32, #tpu.memory_space<hbm>>) dst(%arg7 : memref<128xi32, #tpu.memory_space<vmem>>)
          tpu.yield
        }) : () -> ()
        "tpu.region"() ({
          %run_scoped3A = tpu.sem_alloc : memref<!tpu.dma_semaphore, #tpu.memory_space<semaphore_mem>>
          %dma_start3A_65 = tpu.memref_slice %arg5[%mul3A_54] : memref<320000xi32, #tpu.memory_space<hbm>> -> memref<128xi32, #tpu.memory_space<hbm>>
          %dma_start3A_66 = tpu.memref_slice %arg5[%mul3A_54] : memref<320000xi32, #tpu.memory_space<hbm>> -> memref<128xi32, #tpu.memory_space<hbm>>
          tpu.enqueue_dma source(%dma_start3A_66 : memref<128xi32, #tpu.memory_space<hbm>>) target(%arg8 : memref<128xi32, #tpu.memory_space<vmem>>) target_semaphore(%run_scoped3A : memref<!tpu.dma_semaphore, #tpu.memory_space<semaphore_mem>>)
          %dma_wait3A_67 = tpu.memref_slice %arg5[%mul3A_54] : memref<320000xi32, #tpu.memory_space<hbm>> -> memref<128xi32, #tpu.memory_space<hbm>>
          %dma_wait3A_68 = tpu.memref_slice %arg5[%mul3A_54] : memref<320000xi32, #tpu.memory_space<hbm>> -> memref<128xi32, #tpu.memory_space<hbm>>
          tpu.wait_dma2 semaphore(%run_scoped3A : memref<!tpu.dma_semaphore, #tpu.memory_space<semaphore_mem>>) src(%dma_wait3A_68 : memref<128xi32, #tpu.memory_space<hbm>>) dst(%arg8 : memref<128xi32, #tpu.memory_space<vmem>>)
          tpu.yield
        }) : () -> ()
        %dma_start3A = arith.constant 0 : i32
        %dma_start3A_55 = arith.constant 0 : i32
        %dma_start3A_56 = tpu.memref_slice %arg2[%dma_start3A, %dma_start3A_55] : memref<10000x64xf32, #tpu.memory_space<hbm>> -> memref<10000x64xf32, #tpu.memory_space<hbm>>
        tpu.enqueue_indirect_dma source(%dma_start3A_56 : memref<10000x64xf32, #tpu.memory_space<hbm>>) target(%arg9 : memref<128x64xf32, #tpu.memory_space<vmem>>) offsets(%arg7 : memref<128xi32, #tpu.memory_space<vmem>>) semaphore(%arg13 : memref<!tpu.dma_semaphore, #tpu.memory_space<semaphore_mem>>)
        "tpu.region"() ({
          %run_scoped3A = tpu.sem_alloc : memref<!tpu.dma_semaphore, #tpu.memory_space<semaphore_mem>>
          %dma_start3A_65 = arith.constant 64 : i32
          %dma_start3A_66 = tpu.memref_slice %arg3[%mul3A_54, %dma_start3A_65] : memref<320000x192xf32, #tpu.memory_space<hbm>> -> memref<128x64xf32, #tpu.memory_space<hbm>>
          %dma_start3A_67 = arith.constant 64 : i32
          %dma_start3A_68 = tpu.memref_slice %arg3[%mul3A_54, %dma_start3A_67] : memref<320000x192xf32, #tpu.memory_space<hbm>> -> memref<128x64xf32, #tpu.memory_space<hbm>>
          tpu.enqueue_dma source(%dma_start3A_68 : memref<128x64xf32, #tpu.memory_space<hbm>>) target(%arg10 : memref<128x64xf32, #tpu.memory_space<vmem>>) target_semaphore(%run_scoped3A : memref<!tpu.dma_semaphore, #tpu.memory_space<semaphore_mem>>)
          %dma_wait3A_69 = arith.constant 64 : i32
          %dma_wait3A_70 = tpu.memref_slice %arg3[%mul3A_54, %dma_wait3A_69] : memref<320000x192xf32, #tpu.memory_space<hbm>> -> memref<128x64xf32, #tpu.memory_space<hbm>>
          %dma_wait3A_71 = arith.constant 64 : i32
          %dma_wait3A_72 = tpu.memref_slice %arg3[%mul3A_54, %dma_wait3A_71] : memref<320000x192xf32, #tpu.memory_space<hbm>> -> memref<128x64xf32, #tpu.memory_space<hbm>>
          tpu.wait_dma2 semaphore(%run_scoped3A : memref<!tpu.dma_semaphore, #tpu.memory_space<semaphore_mem>>) src(%dma_wait3A_72 : memref<128x64xf32, #tpu.memory_space<hbm>>) dst(%arg10 : memref<128x64xf32, #tpu.memory_space<vmem>>)
          tpu.yield
        }) : () -> ()
        %dma_wait3A = arith.constant 0 : i32
        %dma_wait3A_57 = arith.constant 0 : i32
        %dma_wait3A_58 = tpu.memref_slice %arg2[%dma_wait3A, %dma_wait3A_57] : memref<10000x64xf32, #tpu.memory_space<hbm>> -> memref<10000x64xf32, #tpu.memory_space<hbm>>
        tpu.wait_indirect_dma semaphore(%arg13 : memref<!tpu.dma_semaphore, #tpu.memory_space<semaphore_mem>>) src(%dma_wait3A_58 : memref<10000x64xf32, #tpu.memory_space<hbm>>) dst(%arg9 : memref<128x64xf32, #tpu.memory_space<vmem>>)
        %scan3A_59 = arith.constant 0 : i32
        %scan3A_60 = arith.constant 0 : i32
        %scan3A_61 = arith.constant 128 : i32
        %scan3A_62 = arith.addi %scan3A_60, %scan3A_61 : i32
        %scan3A_63 = arith.constant 1 : i32
        scf.for %scan3A_65 = %scan3A_60 to %scan3A_62 step %scan3A_63  : i32 {
          %get3A = arith.index_cast %scan3A_65 : i32 to index
          %get3A_66 = arith.constant 0 : index
          %get3A_67 = tpu.vector_load %arg9[%get3A, %get3A_66] {strides = array<i32>} : memref<128x64xf32, #tpu.memory_space<vmem>>, vector<1x16xf32>,
          %get3A_68 = vector.shape_cast %get3A_67 : vector<1x16xf32> to vector<16xf32>
          %get3A_69 = arith.index_cast %scan3A_65 : i32 to index
          %get3A_70 = arith.constant 0 : index
          %get3A_71 = tpu.vector_load %arg10[%get3A_69, %get3A_70] {strides = array<i32>} : memref<128x64xf32, #tpu.memory_space<vmem>>, vector<1x16xf32>,
          %get3A_72 = vector.shape_cast %get3A_71 : vector<1x16xf32> to vector<16xf32>
          %add3A_73 = arith.addf %get3A_68, %get3A_72 : vector<16xf32>
          %max3A = arith.constant 0.000000e+00 : f32
          %max3A_74 = vector.broadcast %max3A : f32 to vector<16xf32>
          %max3A_75 = arith.maximumf %add3A_73, %max3A_74 : vector<16xf32>
          %swap3A = arith.index_cast %scan3A_65 : i32 to index
          %swap3A_76 = arith.constant 0 : index
          %swap3A_77 = tpu.vector_load %arg11[%swap3A, %swap3A_76] {strides = array<i32>} : memref<128x64xf32, #tpu.memory_space<vmem>>, vector<1x16xf32>,
          %swap3A_78 = vector.shape_cast %swap3A_77 : vector<1x16xf32> to vector<16xf32>
          %swap3A_79 = vector.shape_cast %max3A_75 : vector<16xf32> to vector<1x16xf32>
          tpu.vector_store %arg11[%swap3A, %swap3A_76], %swap3A_79 {strides = array<i32>} : memref<128x64xf32, #tpu.memory_space<vmem>>, vector<1x16xf32>,
          %get3A_80 = arith.index_cast %scan3A_65 : i32 to index
          %get3A_81 = arith.constant 16 : index
          %get3A_82 = tpu.vector_load %arg9[%get3A_80, %get3A_81] {strides = array<i32>} : memref<128x64xf32, #tpu.memory_space<vmem>>, vector<1x16xf32>,
          %get3A_83 = vector.shape_cast %get3A_82 : vector<1x16xf32> to vector<16xf32>
          %get3A_84 = arith.index_cast %scan3A_65 : i32 to index
          %get3A_85 = arith.constant 16 : index
          %get3A_86 = tpu.vector_load %arg10[%get3A_84, %get3A_85] {strides = array<i32>} : memref<128x64xf32, #tpu.memory_space<vmem>>, vector<1x16xf32>,
          %get3A_87 = vector.shape_cast %get3A_86 : vector<1x16xf32> to vector<16xf32>
          %add3A_88 = arith.addf %get3A_83, %get3A_87 : vector<16xf32>
          %max3A_89 = arith.constant 0.000000e+00 : f32
          %max3A_90 = vector.broadcast %max3A_89 : f32 to vector<16xf32>
          %max3A_91 = arith.maximumf %add3A_88, %max3A_90 : vector<16xf32>
          %swap3A_92 = arith.index_cast %scan3A_65 : i32 to index
          %swap3A_93 = arith.constant 16 : index
          %swap3A_94 = tpu.vector_load %arg11[%swap3A_92, %swap3A_93] {strides = array<i32>} : memref<128x64xf32, #tpu.memory_space<vmem>>, vector<1x16xf32>,
          %swap3A_95 = vector.shape_cast %swap3A_94 : vector<1x16xf32> to vector<16xf32>
          %swap3A_96 = vector.shape_cast %max3A_91 : vector<16xf32> to vector<1x16xf32>
          tpu.vector_store %arg11[%swap3A_92, %swap3A_93], %swap3A_96 {strides = array<i32>} : memref<128x64xf32, #tpu.memory_space<vmem>>, vector<1x16xf32>,
          %get3A_97 = arith.index_cast %scan3A_65 : i32 to index
          %get3A_98 = arith.constant 32 : index
          %get3A_99 = tpu.vector_load %arg9[%get3A_97, %get3A_98] {strides = array<i32>} : memref<128x64xf32, #tpu.memory_space<vmem>>, vector<1x16xf32>,
          %get3A_100 = vector.shape_cast %get3A_99 : vector<1x16xf32> to vector<16xf32>
          %get3A_101 = arith.index_cast %scan3A_65 : i32 to index
          %get3A_102 = arith.constant 32 : index
          %get3A_103 = tpu.vector_load %arg10[%get3A_101, %get3A_102] {strides = array<i32>} : memref<128x64xf32, #tpu.memory_space<vmem>>, vector<1x16xf32>,
          %get3A_104 = vector.shape_cast %get3A_103 : vector<1x16xf32> to vector<16xf32>
          %add3A_105 = arith.addf %get3A_100, %get3A_104 : vector<16xf32>
          %max3A_106 = arith.constant 0.000000e+00 : f32
          %max3A_107 = vector.broadcast %max3A_106 : f32 to vector<16xf32>
          %max3A_108 = arith.maximumf %add3A_105, %max3A_107 : vector<16xf32>
          %swap3A_109 = arith.index_cast %scan3A_65 : i32 to index
          %swap3A_110 = arith.constant 32 : index
          %swap3A_111 = tpu.vector_load %arg11[%swap3A_109, %swap3A_110] {strides = array<i32>} : memref<128x64xf32, #tpu.memory_space<vmem>>, vector<1x16xf32>,
          %swap3A_112 = vector.shape_cast %swap3A_111 : vector<1x16xf32> to vector<16xf32>
          %swap3A_113 = vector.shape_cast %max3A_108 : vector<16xf32> to vector<1x16xf32>
          tpu.vector_store %arg11[%swap3A_109, %swap3A_110], %swap3A_113 {strides = array<i32>} : memref<128x64xf32, #tpu.memory_space<vmem>>, vector<1x16xf32>,
          %get3A_114 = arith.index_cast %scan3A_65 : i32 to index
          %get3A_115 = arith.constant 48 : index
          %get3A_116 = tpu.vector_load %arg9[%get3A_114, %get3A_115] {strides = array<i32>} : memref<128x64xf32, #tpu.memory_space<vmem>>, vector<1x16xf32>,
          %get3A_117 = vector.shape_cast %get3A_116 : vector<1x16xf32> to vector<16xf32>
          %get3A_118 = arith.index_cast %scan3A_65 : i32 to index
          %get3A_119 = arith.constant 48 : index
          %get3A_120 = tpu.vector_load %arg10[%get3A_118, %get3A_119] {strides = array<i32>} : memref<128x64xf32, #tpu.memory_space<vmem>>, vector<1x16xf32>,
          %get3A_121 = vector.shape_cast %get3A_120 : vector<1x16xf32> to vector<16xf32>
          %add3A_122 = arith.addf %get3A_117, %get3A_121 : vector<16xf32>
          %max3A_123 = arith.constant 0.000000e+00 : f32
          %max3A_124 = vector.broadcast %max3A_123 : f32 to vector<16xf32>
          %max3A_125 = arith.maximumf %add3A_122, %max3A_124 : vector<16xf32>
          %swap3A_126 = arith.index_cast %scan3A_65 : i32 to index
          %swap3A_127 = arith.constant 48 : index
          %swap3A_128 = tpu.vector_load %arg11[%swap3A_126, %swap3A_127] {strides = array<i32>} : memref<128x64xf32, #tpu.memory_space<vmem>>, vector<1x16xf32>,
          %swap3A_129 = vector.shape_cast %swap3A_128 : vector<1x16xf32> to vector<16xf32>
          %swap3A_130 = vector.shape_cast %max3A_125 : vector<16xf32> to vector<1x16xf32>
          tpu.vector_store %arg11[%swap3A_126, %swap3A_127], %swap3A_130 {strides = array<i32>} : memref<128x64xf32, #tpu.memory_space<vmem>>, vector<1x16xf32>,
        }
        %scan3A_64 = arith.constant 128 : i32
        "tpu.region"() ({
          %run_scoped3A = tpu.sem_alloc : memref<!tpu.dma_semaphore, #tpu.memory_space<semaphore_mem>>
          %dma_start3A_65 = arith.constant 0 : i32
          %dma_start3A_66 = arith.constant 0 : i32
          %dma_start3A_67 = tpu.memref_slice %arg12[%dma_start3A_65, %dma_start3A_66] : memref<10000x64xf32, #tpu.memory_space<vmem_shared>> -> memref<10000x64xf32, #tpu.memory_space<vmem_shared>>
          tpu.enqueue_indirect_dma source(%arg11 : memref<128x64xf32, #tpu.memory_space<vmem>>) target(%dma_start3A_67 : memref<10000x64xf32, #tpu.memory_space<vmem_shared>>) offsets(%arg8 : memref<128xi32, #tpu.memory_space<vmem>>) semaphore(%run_scoped3A : memref<!tpu.dma_semaphore, #tpu.memory_space<semaphore_mem>>) {add = true}
          %dma_wait3A_68 = arith.constant 0 : i32
          %dma_wait3A_69 = arith.constant 0 : i32
          %dma_wait3A_70 = tpu.memref_slice %arg12[%dma_wait3A_68, %dma_wait3A_69] : memref<10000x64xf32, #tpu.memory_space<vmem_shared>> -> memref<10000x64xf32, #tpu.memory_space<vmem_shared>>
          tpu.wait_indirect_dma semaphore(%run_scoped3A : memref<!tpu.dma_semaphore, #tpu.memory_space<semaphore_mem>>) src(%arg11 : memref<128x64xf32, #tpu.memory_space<vmem>>) dst(%dma_wait3A_70 : memref<10000x64xf32, #tpu.memory_space<vmem_shared>>)
          tpu.yield
        }) : () -> ()
      } else {
      }
    }
    %scan3A_41 = arith.constant 79 : i32
    %barrier3A_42 = arith.constant 0 : index
    tpu.barrier barrier_id(%barrier3A_42)
    %eq3A = arith.constant 0 : i32
    %eq3A_43 = arith.cmpi eq, %arg1, %eq3A : i32
    %convert_element_type3A = arith.extui %eq3A_43 : i1 to i32
    %cond3A = arith.constant 0 : i32
    %cond3A_44 = arith.cmpi ne, %convert_element_type3A, %cond3A : i32
    scf.if %cond3A_44 {
      "tpu.region"() ({
        %run_scoped3A = tpu.sem_alloc : memref<!tpu.dma_semaphore, #tpu.memory_space<semaphore_mem>>
        %dma_start3A = arith.constant 0 : i32
        %dma_start3A_45 = arith.constant 0 : i32
        %dma_start3A_46 = tpu.memref_slice %arg6[%arg0, %dma_start3A, %dma_start3A_45] : memref<2x10000x64xf32, #tpu.memory_space<hbm>> -> memref<1x10000x64xf32, #tpu.memory_space<hbm>>
        %dma_start3A_47 = tpu.memref_squeeze %dma_start3A_46 : memref<1x10000x64xf32, #tpu.memory_space<hbm>> -> memref<10000x64xf32, #tpu.memory_space<hbm>>
        tpu.enqueue_dma source(%arg12 : memref<10000x64xf32, #tpu.memory_space<vmem_shared>>) target(%dma_start3A_47 : memref<10000x64xf32, #tpu.memory_space<hbm>>) target_semaphore(%run_scoped3A : memref<!tpu.dma_semaphore, #tpu.memory_space<semaphore_mem>>)
        %dma_wait3A = arith.constant 0 : i32
        %dma_wait3A_48 = arith.constant 0 : i32
        %dma_wait3A_49 = tpu.memref_slice %arg6[%arg0, %dma_wait3A, %dma_wait3A_48] : memref<2x10000x64xf32, #tpu.memory_space<hbm>> -> memref<1x10000x64xf32, #tpu.memory_space<hbm>>
        %dma_wait3A_50 = tpu.memref_squeeze %dma_wait3A_49 : memref<1x10000x64xf32, #tpu.memory_space<hbm>> -> memref<10000x64xf32, #tpu.memory_space<hbm>>
        tpu.wait_dma2 semaphore(%run_scoped3A : memref<!tpu.dma_semaphore, #tpu.memory_space<semaphore_mem>>) src(%arg12 : memref<10000x64xf32, #tpu.memory_space<vmem_shared>>) dst(%dma_wait3A_50 : memref<10000x64xf32, #tpu.memory_space<hbm>>)
        tpu.yield
      }) : () -> ()
    } else {
    }
    return
  }
}

#map = affine_map<(d0, d1) -> (0, 0)>
#map1 = affine_map<(d0, d1) -> (0)>
#map2 = affine_map<(d0, d1) -> (0, 0, 0)>
module attributes {stable_mosaic.version = 14 : i64} {
  func.func @k(%arg0: i32, %arg1: i32, %arg2: memref<10000x64xf32, #tpu.memory_space<hbm>>, %arg3: memref<160000x256xf32, #tpu.memory_space<hbm>>, %arg4: memref<320000xi32, #tpu.memory_space<hbm>>, %arg5: memref<320000xi32, #tpu.memory_space<hbm>>, %arg6: memref<2x10000x64xf32, #tpu.memory_space<hbm>>, %arg7: memref<128xi32, #tpu.memory_space<vmem>>, %arg8: memref<128xi32, #tpu.memory_space<vmem>>, %arg9: memref<128x64xf32, #tpu.memory_space<vmem>>, %arg10: memref<128x64xf32, #tpu.memory_space<vmem>>, %arg11: memref<128x64xf32, #tpu.memory_space<vmem>>, %arg12: memref<10000x64xf32, #tpu.memory_space<vmem_shared>>, %arg13: memref<!tpu.dma_semaphore, #tpu.memory_space<semaphore_mem>>) attributes {dimension_semantics = [#tpu.dimension_semantics<core_parallel>, #tpu.dimension_semantics<subcore_parallel>], iteration_bounds = array<i64: 2, 16>, scalar_prefetch = 0 : i64, scratch_operands = 7 : i64, tpu.core_type = #tpu.core_type<sc_vector_subcore>, window_params = [{transform_indices = #map}, {transform_indices = #map}, {transform_indices = #map1}, {transform_indices = #map1}, {transform_indices = #map2}]} {
    %mul3A = arith.constant 2 : i32
    %mul3A_0 = arith.muli %arg1, %mul3A : i32
    %add3A = arith.addi %mul3A_0, %arg0 : i32
    %broadcast_in_dim3A = arith.constant 0.000000e+00 : f32
    %broadcast_in_dim3A_1 = vector.broadcast %broadcast_in_dim3A : f32 to vector<16xf32>
    %scan3A = arith.constant 0 : i32
    %scan3A_2 = arith.constant 0 : i32
    %scan3A_3 = arith.constant 128 : i32
    %scan3A_4 = arith.addi %scan3A_2, %scan3A_3 : i32
    %scan3A_5 = arith.constant 1 : i32
    scf.for %scan3A_45 = %scan3A_2 to %scan3A_4 step %scan3A_5  : i32 {
      %swap3A = arith.index_cast %scan3A_45 : i32 to index
      %swap3A_46 = arith.constant 0 : index
      %swap3A_47 = tpu.vector_load %arg11[%swap3A, %swap3A_46] {strides = array<i32>} : memref<128x64xf32, #tpu.memory_space<vmem>>, vector<1x16xf32>,
      %swap3A_48 = vector.shape_cast %swap3A_47 : vector<1x16xf32> to vector<16xf32>
      %swap3A_49 = vector.shape_cast %broadcast_in_dim3A_1 : vector<16xf32> to vector<1x16xf32>
      tpu.vector_store %arg11[%swap3A, %swap3A_46], %swap3A_49 {strides = array<i32>} : memref<128x64xf32, #tpu.memory_space<vmem>>, vector<1x16xf32>,
      %swap3A_50 = arith.index_cast %scan3A_45 : i32 to index
      %swap3A_51 = arith.constant 16 : index
      %swap3A_52 = tpu.vector_load %arg11[%swap3A_50, %swap3A_51] {strides = array<i32>} : memref<128x64xf32, #tpu.memory_space<vmem>>, vector<1x16xf32>,
      %swap3A_53 = vector.shape_cast %swap3A_52 : vector<1x16xf32> to vector<16xf32>
      %swap3A_54 = vector.shape_cast %broadcast_in_dim3A_1 : vector<16xf32> to vector<1x16xf32>
      tpu.vector_store %arg11[%swap3A_50, %swap3A_51], %swap3A_54 {strides = array<i32>} : memref<128x64xf32, #tpu.memory_space<vmem>>, vector<1x16xf32>,
      %swap3A_55 = arith.index_cast %scan3A_45 : i32 to index
      %swap3A_56 = arith.constant 32 : index
      %swap3A_57 = tpu.vector_load %arg11[%swap3A_55, %swap3A_56] {strides = array<i32>} : memref<128x64xf32, #tpu.memory_space<vmem>>, vector<1x16xf32>,
      %swap3A_58 = vector.shape_cast %swap3A_57 : vector<1x16xf32> to vector<16xf32>
      %swap3A_59 = vector.shape_cast %broadcast_in_dim3A_1 : vector<16xf32> to vector<1x16xf32>
      tpu.vector_store %arg11[%swap3A_55, %swap3A_56], %swap3A_59 {strides = array<i32>} : memref<128x64xf32, #tpu.memory_space<vmem>>, vector<1x16xf32>,
      %swap3A_60 = arith.index_cast %scan3A_45 : i32 to index
      %swap3A_61 = arith.constant 48 : index
      %swap3A_62 = tpu.vector_load %arg11[%swap3A_60, %swap3A_61] {strides = array<i32>} : memref<128x64xf32, #tpu.memory_space<vmem>>, vector<1x16xf32>,
      %swap3A_63 = vector.shape_cast %swap3A_62 : vector<1x16xf32> to vector<16xf32>
      %swap3A_64 = vector.shape_cast %broadcast_in_dim3A_1 : vector<16xf32> to vector<1x16xf32>
      tpu.vector_store %arg11[%swap3A_60, %swap3A_61], %swap3A_64 {strides = array<i32>} : memref<128x64xf32, #tpu.memory_space<vmem>>, vector<1x16xf32>,
    }
    %scan3A_6 = arith.constant 128 : i32
    %mul3A_7 = arith.constant 625 : i32
    %mul3A_8 = arith.muli %arg1, %mul3A_7 : i32
    %add3A_9 = arith.constant 0 : i32
    %add3A_10 = arith.addi %mul3A_8, %add3A_9 : i32
    %min3A = arith.constant 9872 : i32
    %min3A_11 = arith.minsi %add3A_10, %min3A : i32
    "tpu.region"() ({
      %run_scoped3A = tpu.sem_alloc : memref<!tpu.dma_semaphore, #tpu.memory_space<semaphore_mem>>
      %dma_start3A = arith.constant 0 : i32
      %dma_start3A_45 = tpu.memref_slice %arg12[%min3A_11, %dma_start3A] : memref<10000x64xf32, #tpu.memory_space<vmem_shared>> -> memref<128x64xf32, #tpu.memory_space<vmem_shared>>
      %dma_start3A_46 = arith.constant 0 : i32
      %dma_start3A_47 = tpu.memref_slice %arg12[%min3A_11, %dma_start3A_46] : memref<10000x64xf32, #tpu.memory_space<vmem_shared>> -> memref<128x64xf32, #tpu.memory_space<vmem_shared>>
      tpu.enqueue_dma source(%arg11 : memref<128x64xf32, #tpu.memory_space<vmem>>) target(%dma_start3A_47 : memref<128x64xf32, #tpu.memory_space<vmem_shared>>) target_semaphore(%run_scoped3A : memref<!tpu.dma_semaphore, #tpu.memory_space<semaphore_mem>>)
      %dma_wait3A = arith.constant 0 : i32
      %dma_wait3A_48 = tpu.memref_slice %arg12[%min3A_11, %dma_wait3A] : memref<10000x64xf32, #tpu.memory_space<vmem_shared>> -> memref<128x64xf32, #tpu.memory_space<vmem_shared>>
      %dma_wait3A_49 = arith.constant 0 : i32
      %dma_wait3A_50 = tpu.memref_slice %arg12[%min3A_11, %dma_wait3A_49] : memref<10000x64xf32, #tpu.memory_space<vmem_shared>> -> memref<128x64xf32, #tpu.memory_space<vmem_shared>>
      tpu.wait_dma2 semaphore(%run_scoped3A : memref<!tpu.dma_semaphore, #tpu.memory_space<semaphore_mem>>) src(%arg11 : memref<128x64xf32, #tpu.memory_space<vmem>>) dst(%dma_wait3A_50 : memref<128x64xf32, #tpu.memory_space<vmem_shared>>)
      tpu.yield
    }) : () -> ()
    %mul3A_12 = arith.constant 625 : i32
    %mul3A_13 = arith.muli %arg1, %mul3A_12 : i32
    %add3A_14 = arith.constant 128 : i32
    %add3A_15 = arith.addi %mul3A_13, %add3A_14 : i32
    %min3A_16 = arith.constant 9872 : i32
    %min3A_17 = arith.minsi %add3A_15, %min3A_16 : i32
    "tpu.region"() ({
      %run_scoped3A = tpu.sem_alloc : memref<!tpu.dma_semaphore, #tpu.memory_space<semaphore_mem>>
      %dma_start3A = arith.constant 0 : i32
      %dma_start3A_45 = tpu.memref_slice %arg12[%min3A_17, %dma_start3A] : memref<10000x64xf32, #tpu.memory_space<vmem_shared>> -> memref<128x64xf32, #tpu.memory_space<vmem_shared>>
      %dma_start3A_46 = arith.constant 0 : i32
      %dma_start3A_47 = tpu.memref_slice %arg12[%min3A_17, %dma_start3A_46] : memref<10000x64xf32, #tpu.memory_space<vmem_shared>> -> memref<128x64xf32, #tpu.memory_space<vmem_shared>>
      tpu.enqueue_dma source(%arg11 : memref<128x64xf32, #tpu.memory_space<vmem>>) target(%dma_start3A_47 : memref<128x64xf32, #tpu.memory_space<vmem_shared>>) target_semaphore(%run_scoped3A : memref<!tpu.dma_semaphore, #tpu.memory_space<semaphore_mem>>)
      %dma_wait3A = arith.constant 0 : i32
      %dma_wait3A_48 = tpu.memref_slice %arg12[%min3A_17, %dma_wait3A] : memref<10000x64xf32, #tpu.memory_space<vmem_shared>> -> memref<128x64xf32, #tpu.memory_space<vmem_shared>>
      %dma_wait3A_49 = arith.constant 0 : i32
      %dma_wait3A_50 = tpu.memref_slice %arg12[%min3A_17, %dma_wait3A_49] : memref<10000x64xf32, #tpu.memory_space<vmem_shared>> -> memref<128x64xf32, #tpu.memory_space<vmem_shared>>
      tpu.wait_dma2 semaphore(%run_scoped3A : memref<!tpu.dma_semaphore, #tpu.memory_space<semaphore_mem>>) src(%arg11 : memref<128x64xf32, #tpu.memory_space<vmem>>) dst(%dma_wait3A_50 : memref<128x64xf32, #tpu.memory_space<vmem_shared>>)
      tpu.yield
    }) : () -> ()
    %mul3A_18 = arith.constant 625 : i32
    %mul3A_19 = arith.muli %arg1, %mul3A_18 : i32
    %add3A_20 = arith.constant 256 : i32
    %add3A_21 = arith.addi %mul3A_19, %add3A_20 : i32
    %min3A_22 = arith.constant 9872 : i32
    %min3A_23 = arith.minsi %add3A_21, %min3A_22 : i32
    "tpu.region"() ({
      %run_scoped3A = tpu.sem_alloc : memref<!tpu.dma_semaphore, #tpu.memory_space<semaphore_mem>>
      %dma_start3A = arith.constant 0 : i32
      %dma_start3A_45 = tpu.memref_slice %arg12[%min3A_23, %dma_start3A] : memref<10000x64xf32, #tpu.memory_space<vmem_shared>> -> memref<128x64xf32, #tpu.memory_space<vmem_shared>>
      %dma_start3A_46 = arith.constant 0 : i32
      %dma_start3A_47 = tpu.memref_slice %arg12[%min3A_23, %dma_start3A_46] : memref<10000x64xf32, #tpu.memory_space<vmem_shared>> -> memref<128x64xf32, #tpu.memory_space<vmem_shared>>
      tpu.enqueue_dma source(%arg11 : memref<128x64xf32, #tpu.memory_space<vmem>>) target(%dma_start3A_47 : memref<128x64xf32, #tpu.memory_space<vmem_shared>>) target_semaphore(%run_scoped3A : memref<!tpu.dma_semaphore, #tpu.memory_space<semaphore_mem>>)
      %dma_wait3A = arith.constant 0 : i32
      %dma_wait3A_48 = tpu.memref_slice %arg12[%min3A_23, %dma_wait3A] : memref<10000x64xf32, #tpu.memory_space<vmem_shared>> -> memref<128x64xf32, #tpu.memory_space<vmem_shared>>
      %dma_wait3A_49 = arith.constant 0 : i32
      %dma_wait3A_50 = tpu.memref_slice %arg12[%min3A_23, %dma_wait3A_49] : memref<10000x64xf32, #tpu.memory_space<vmem_shared>> -> memref<128x64xf32, #tpu.memory_space<vmem_shared>>
      tpu.wait_dma2 semaphore(%run_scoped3A : memref<!tpu.dma_semaphore, #tpu.memory_space<semaphore_mem>>) src(%arg11 : memref<128x64xf32, #tpu.memory_space<vmem>>) dst(%dma_wait3A_50 : memref<128x64xf32, #tpu.memory_space<vmem_shared>>)
      tpu.yield
    }) : () -> ()
    %mul3A_24 = arith.constant 625 : i32
    %mul3A_25 = arith.muli %arg1, %mul3A_24 : i32
    %add3A_26 = arith.constant 384 : i32
    %add3A_27 = arith.addi %mul3A_25, %add3A_26 : i32
    %min3A_28 = arith.constant 9872 : i32
    %min3A_29 = arith.minsi %add3A_27, %min3A_28 : i32
    "tpu.region"() ({
      %run_scoped3A = tpu.sem_alloc : memref<!tpu.dma_semaphore, #tpu.memory_space<semaphore_mem>>
      %dma_start3A = arith.constant 0 : i32
      %dma_start3A_45 = tpu.memref_slice %arg12[%min3A_29, %dma_start3A] : memref<10000x64xf32, #tpu.memory_space<vmem_shared>> -> memref<128x64xf32, #tpu.memory_space<vmem_shared>>
      %dma_start3A_46 = arith.constant 0 : i32
      %dma_start3A_47 = tpu.memref_slice %arg12[%min3A_29, %dma_start3A_46] : memref<10000x64xf32, #tpu.memory_space<vmem_shared>> -> memref<128x64xf32, #tpu.memory_space<vmem_shared>>
      tpu.enqueue_dma source(%arg11 : memref<128x64xf32, #tpu.memory_space<vmem>>) target(%dma_start3A_47 : memref<128x64xf32, #tpu.memory_space<vmem_shared>>) target_semaphore(%run_scoped3A : memref<!tpu.dma_semaphore, #tpu.memory_space<semaphore_mem>>)
      %dma_wait3A = arith.constant 0 : i32
      %dma_wait3A_48 = tpu.memref_slice %arg12[%min3A_29, %dma_wait3A] : memref<10000x64xf32, #tpu.memory_space<vmem_shared>> -> memref<128x64xf32, #tpu.memory_space<vmem_shared>>
      %dma_wait3A_49 = arith.constant 0 : i32
      %dma_wait3A_50 = tpu.memref_slice %arg12[%min3A_29, %dma_wait3A_49] : memref<10000x64xf32, #tpu.memory_space<vmem_shared>> -> memref<128x64xf32, #tpu.memory_space<vmem_shared>>
      tpu.wait_dma2 semaphore(%run_scoped3A : memref<!tpu.dma_semaphore, #tpu.memory_space<semaphore_mem>>) src(%arg11 : memref<128x64xf32, #tpu.memory_space<vmem>>) dst(%dma_wait3A_50 : memref<128x64xf32, #tpu.memory_space<vmem_shared>>)
      tpu.yield
    }) : () -> ()
    %mul3A_30 = arith.constant 625 : i32
    %mul3A_31 = arith.muli %arg1, %mul3A_30 : i32
    %add3A_32 = arith.constant 512 : i32
    %add3A_33 = arith.addi %mul3A_31, %add3A_32 : i32
    %min3A_34 = arith.constant 9872 : i32
    %min3A_35 = arith.minsi %add3A_33, %min3A_34 : i32
    "tpu.region"() ({
      %run_scoped3A = tpu.sem_alloc : memref<!tpu.dma_semaphore, #tpu.memory_space<semaphore_mem>>
      %dma_start3A = arith.constant 0 : i32
      %dma_start3A_45 = tpu.memref_slice %arg12[%min3A_35, %dma_start3A] : memref<10000x64xf32, #tpu.memory_space<vmem_shared>> -> memref<128x64xf32, #tpu.memory_space<vmem_shared>>
      %dma_start3A_46 = arith.constant 0 : i32
      %dma_start3A_47 = tpu.memref_slice %arg12[%min3A_35, %dma_start3A_46] : memref<10000x64xf32, #tpu.memory_space<vmem_shared>> -> memref<128x64xf32, #tpu.memory_space<vmem_shared>>
      tpu.enqueue_dma source(%arg11 : memref<128x64xf32, #tpu.memory_space<vmem>>) target(%dma_start3A_47 : memref<128x64xf32, #tpu.memory_space<vmem_shared>>) target_semaphore(%run_scoped3A : memref<!tpu.dma_semaphore, #tpu.memory_space<semaphore_mem>>)
      %dma_wait3A = arith.constant 0 : i32
      %dma_wait3A_48 = tpu.memref_slice %arg12[%min3A_35, %dma_wait3A] : memref<10000x64xf32, #tpu.memory_space<vmem_shared>> -> memref<128x64xf32, #tpu.memory_space<vmem_shared>>
      %dma_wait3A_49 = arith.constant 0 : i32
      %dma_wait3A_50 = tpu.memref_slice %arg12[%min3A_35, %dma_wait3A_49] : memref<10000x64xf32, #tpu.memory_space<vmem_shared>> -> memref<128x64xf32, #tpu.memory_space<vmem_shared>>
      tpu.wait_dma2 semaphore(%run_scoped3A : memref<!tpu.dma_semaphore, #tpu.memory_space<semaphore_mem>>) src(%arg11 : memref<128x64xf32, #tpu.memory_space<vmem>>) dst(%dma_wait3A_50 : memref<128x64xf32, #tpu.memory_space<vmem_shared>>)
      tpu.yield
    }) : () -> ()
    %barrier3A = arith.constant 0 : index
    tpu.barrier barrier_id(%barrier3A)
    %scan3A_36 = arith.constant 0 : i32
    %scan3A_37 = arith.constant 0 : i32
    %scan3A_38 = arith.constant 79 : i32
    %scan3A_39 = arith.addi %scan3A_37, %scan3A_38 : i32
    %scan3A_40 = arith.constant 1 : i32
    scf.for %scan3A_45 = %scan3A_37 to %scan3A_39 step %scan3A_40  : i32 {
      %mul3A_46 = arith.constant 32 : i32
      %mul3A_47 = arith.muli %scan3A_45, %mul3A_46 : i32
      %add3A_48 = arith.addi %add3A, %mul3A_47 : i32
      %lt3A = arith.constant 2500 : i32
      %lt3A_49 = arith.cmpi slt, %add3A_48, %lt3A : i32
      %convert_element_type3A_50 = arith.extui %lt3A_49 : i1 to i32
      %cond3A_51 = arith.constant 0 : i32
      %cond3A_52 = arith.cmpi ne, %convert_element_type3A_50, %cond3A_51 : i32
      scf.if %cond3A_52 {
        %mul3A_53 = arith.constant 128 : i32
        %mul3A_54 = arith.muli %add3A_48, %mul3A_53 : i32
        "tpu.region"() ({
          %run_scoped3A = tpu.sem_alloc : memref<!tpu.dma_semaphore, #tpu.memory_space<semaphore_mem>>
          %dma_start3A_68 = tpu.memref_slice %arg4[%mul3A_54] : memref<320000xi32, #tpu.memory_space<hbm>> -> memref<128xi32, #tpu.memory_space<hbm>>
          %dma_start3A_69 = tpu.memref_slice %arg4[%mul3A_54] : memref<320000xi32, #tpu.memory_space<hbm>> -> memref<128xi32, #tpu.memory_space<hbm>>
          tpu.enqueue_dma source(%dma_start3A_69 : memref<128xi32, #tpu.memory_space<hbm>>) target(%arg7 : memref<128xi32, #tpu.memory_space<vmem>>) target_semaphore(%run_scoped3A : memref<!tpu.dma_semaphore, #tpu.memory_space<semaphore_mem>>)
          %dma_wait3A_70 = tpu.memref_slice %arg4[%mul3A_54] : memref<320000xi32, #tpu.memory_space<hbm>> -> memref<128xi32, #tpu.memory_space<hbm>>
          %dma_wait3A_71 = tpu.memref_slice %arg4[%mul3A_54] : memref<320000xi32, #tpu.memory_space<hbm>> -> memref<128xi32, #tpu.memory_space<hbm>>
          tpu.wait_dma2 semaphore(%run_scoped3A : memref<!tpu.dma_semaphore, #tpu.memory_space<semaphore_mem>>) src(%dma_wait3A_71 : memref<128xi32, #tpu.memory_space<hbm>>) dst(%arg7 : memref<128xi32, #tpu.memory_space<vmem>>)
          tpu.yield
        }) : () -> ()
        "tpu.region"() ({
          %run_scoped3A = tpu.sem_alloc : memref<!tpu.dma_semaphore, #tpu.memory_space<semaphore_mem>>
          %dma_start3A_68 = tpu.memref_slice %arg5[%mul3A_54] : memref<320000xi32, #tpu.memory_space<hbm>> -> memref<128xi32, #tpu.memory_space<hbm>>
          %dma_start3A_69 = tpu.memref_slice %arg5[%mul3A_54] : memref<320000xi32, #tpu.memory_space<hbm>> -> memref<128xi32, #tpu.memory_space<hbm>>
          tpu.enqueue_dma source(%dma_start3A_69 : memref<128xi32, #tpu.memory_space<hbm>>) target(%arg8 : memref<128xi32, #tpu.memory_space<vmem>>) target_semaphore(%run_scoped3A : memref<!tpu.dma_semaphore, #tpu.memory_space<semaphore_mem>>)
          %dma_wait3A_70 = tpu.memref_slice %arg5[%mul3A_54] : memref<320000xi32, #tpu.memory_space<hbm>> -> memref<128xi32, #tpu.memory_space<hbm>>
          %dma_wait3A_71 = tpu.memref_slice %arg5[%mul3A_54] : memref<320000xi32, #tpu.memory_space<hbm>> -> memref<128xi32, #tpu.memory_space<hbm>>
          tpu.wait_dma2 semaphore(%run_scoped3A : memref<!tpu.dma_semaphore, #tpu.memory_space<semaphore_mem>>) src(%dma_wait3A_71 : memref<128xi32, #tpu.memory_space<hbm>>) dst(%arg8 : memref<128xi32, #tpu.memory_space<vmem>>)
          tpu.yield
        }) : () -> ()
        %lt3A_55 = arith.constant 160000 : i32
        %lt3A_56 = arith.cmpi slt, %mul3A_54, %lt3A_55 : i32
        %sub3A = arith.constant 160000 : i32
        %sub3A_57 = arith.subi %mul3A_54, %sub3A : i32
        %select_n3A = arith.select %lt3A_56, %mul3A_54, %sub3A_57 : i32
        %dma_start3A = arith.constant 0 : i32
        %dma_start3A_58 = arith.constant 0 : i32
        %dma_start3A_59 = tpu.memref_slice %arg2[%dma_start3A, %dma_start3A_58] : memref<10000x64xf32, #tpu.memory_space<hbm>> -> memref<10000x64xf32, #tpu.memory_space<hbm>>
        tpu.enqueue_indirect_dma source(%dma_start3A_59 : memref<10000x64xf32, #tpu.memory_space<hbm>>) target(%arg9 : memref<128x64xf32, #tpu.memory_space<vmem>>) offsets(%arg7 : memref<128xi32, #tpu.memory_space<vmem>>) semaphore(%arg13 : memref<!tpu.dma_semaphore, #tpu.memory_space<semaphore_mem>>)
        "tpu.region"() ({
          %run_scoped3A = tpu.sem_alloc : memref<!tpu.dma_semaphore, #tpu.memory_space<semaphore_mem>>
          %dma_start3A_68 = arith.constant 0 : i32
          %dma_start3A_69 = tpu.memref_slice %arg3[%select_n3A, %dma_start3A_68] : memref<160000x256xf32, #tpu.memory_space<hbm>> -> memref<128x64xf32, #tpu.memory_space<hbm>>
          %dma_start3A_70 = arith.constant 0 : i32
          %dma_start3A_71 = tpu.memref_slice %arg3[%select_n3A, %dma_start3A_70] : memref<160000x256xf32, #tpu.memory_space<hbm>> -> memref<128x64xf32, #tpu.memory_space<hbm>>
          tpu.enqueue_dma source(%dma_start3A_71 : memref<128x64xf32, #tpu.memory_space<hbm>>) target(%arg10 : memref<128x64xf32, #tpu.memory_space<vmem>>) target_semaphore(%run_scoped3A : memref<!tpu.dma_semaphore, #tpu.memory_space<semaphore_mem>>)
          %dma_wait3A_72 = arith.constant 0 : i32
          %dma_wait3A_73 = tpu.memref_slice %arg3[%select_n3A, %dma_wait3A_72] : memref<160000x256xf32, #tpu.memory_space<hbm>> -> memref<128x64xf32, #tpu.memory_space<hbm>>
          %dma_wait3A_74 = arith.constant 0 : i32
          %dma_wait3A_75 = tpu.memref_slice %arg3[%select_n3A, %dma_wait3A_74] : memref<160000x256xf32, #tpu.memory_space<hbm>> -> memref<128x64xf32, #tpu.memory_space<hbm>>
          tpu.wait_dma2 semaphore(%run_scoped3A : memref<!tpu.dma_semaphore, #tpu.memory_space<semaphore_mem>>) src(%dma_wait3A_75 : memref<128x64xf32, #tpu.memory_space<hbm>>) dst(%arg10 : memref<128x64xf32, #tpu.memory_space<vmem>>)
          tpu.yield
        }) : () -> ()
        %dma_wait3A = arith.constant 0 : i32
        %dma_wait3A_60 = arith.constant 0 : i32
        %dma_wait3A_61 = tpu.memref_slice %arg2[%dma_wait3A, %dma_wait3A_60] : memref<10000x64xf32, #tpu.memory_space<hbm>> -> memref<10000x64xf32, #tpu.memory_space<hbm>>
        tpu.wait_indirect_dma semaphore(%arg13 : memref<!tpu.dma_semaphore, #tpu.memory_space<semaphore_mem>>) src(%dma_wait3A_61 : memref<10000x64xf32, #tpu.memory_space<hbm>>) dst(%arg9 : memref<128x64xf32, #tpu.memory_space<vmem>>)
        %scan3A_62 = arith.constant 0 : i32
        %scan3A_63 = arith.constant 0 : i32
        %scan3A_64 = arith.constant 128 : i32
        %scan3A_65 = arith.addi %scan3A_63, %scan3A_64 : i32
        %scan3A_66 = arith.constant 1 : i32
        scf.for %scan3A_68 = %scan3A_63 to %scan3A_65 step %scan3A_66  : i32 {
          %get3A = arith.index_cast %scan3A_68 : i32 to index
          %get3A_69 = arith.constant 0 : index
          %get3A_70 = tpu.vector_load %arg9[%get3A, %get3A_69] {strides = array<i32>} : memref<128x64xf32, #tpu.memory_space<vmem>>, vector<1x16xf32>,
          %get3A_71 = vector.shape_cast %get3A_70 : vector<1x16xf32> to vector<16xf32>
          %get3A_72 = arith.index_cast %scan3A_68 : i32 to index
          %get3A_73 = arith.constant 0 : index
          %get3A_74 = tpu.vector_load %arg10[%get3A_72, %get3A_73] {strides = array<i32>} : memref<128x64xf32, #tpu.memory_space<vmem>>, vector<1x16xf32>,
          %get3A_75 = vector.shape_cast %get3A_74 : vector<1x16xf32> to vector<16xf32>
          %add3A_76 = arith.addf %get3A_71, %get3A_75 : vector<16xf32>
          %max3A = arith.constant 0.000000e+00 : f32
          %max3A_77 = vector.broadcast %max3A : f32 to vector<16xf32>
          %max3A_78 = arith.maximumf %add3A_76, %max3A_77 : vector<16xf32>
          %swap3A = arith.index_cast %scan3A_68 : i32 to index
          %swap3A_79 = arith.constant 0 : index
          %swap3A_80 = tpu.vector_load %arg11[%swap3A, %swap3A_79] {strides = array<i32>} : memref<128x64xf32, #tpu.memory_space<vmem>>, vector<1x16xf32>,
          %swap3A_81 = vector.shape_cast %swap3A_80 : vector<1x16xf32> to vector<16xf32>
          %swap3A_82 = vector.shape_cast %max3A_78 : vector<16xf32> to vector<1x16xf32>
          tpu.vector_store %arg11[%swap3A, %swap3A_79], %swap3A_82 {strides = array<i32>} : memref<128x64xf32, #tpu.memory_space<vmem>>, vector<1x16xf32>,
          %get3A_83 = arith.index_cast %scan3A_68 : i32 to index
          %get3A_84 = arith.constant 16 : index
          %get3A_85 = tpu.vector_load %arg9[%get3A_83, %get3A_84] {strides = array<i32>} : memref<128x64xf32, #tpu.memory_space<vmem>>, vector<1x16xf32>,
          %get3A_86 = vector.shape_cast %get3A_85 : vector<1x16xf32> to vector<16xf32>
          %get3A_87 = arith.index_cast %scan3A_68 : i32 to index
          %get3A_88 = arith.constant 16 : index
          %get3A_89 = tpu.vector_load %arg10[%get3A_87, %get3A_88] {strides = array<i32>} : memref<128x64xf32, #tpu.memory_space<vmem>>, vector<1x16xf32>,
          %get3A_90 = vector.shape_cast %get3A_89 : vector<1x16xf32> to vector<16xf32>
          %add3A_91 = arith.addf %get3A_86, %get3A_90 : vector<16xf32>
          %max3A_92 = arith.constant 0.000000e+00 : f32
          %max3A_93 = vector.broadcast %max3A_92 : f32 to vector<16xf32>
          %max3A_94 = arith.maximumf %add3A_91, %max3A_93 : vector<16xf32>
          %swap3A_95 = arith.index_cast %scan3A_68 : i32 to index
          %swap3A_96 = arith.constant 16 : index
          %swap3A_97 = tpu.vector_load %arg11[%swap3A_95, %swap3A_96] {strides = array<i32>} : memref<128x64xf32, #tpu.memory_space<vmem>>, vector<1x16xf32>,
          %swap3A_98 = vector.shape_cast %swap3A_97 : vector<1x16xf32> to vector<16xf32>
          %swap3A_99 = vector.shape_cast %max3A_94 : vector<16xf32> to vector<1x16xf32>
          tpu.vector_store %arg11[%swap3A_95, %swap3A_96], %swap3A_99 {strides = array<i32>} : memref<128x64xf32, #tpu.memory_space<vmem>>, vector<1x16xf32>,
          %get3A_100 = arith.index_cast %scan3A_68 : i32 to index
          %get3A_101 = arith.constant 32 : index
          %get3A_102 = tpu.vector_load %arg9[%get3A_100, %get3A_101] {strides = array<i32>} : memref<128x64xf32, #tpu.memory_space<vmem>>, vector<1x16xf32>,
          %get3A_103 = vector.shape_cast %get3A_102 : vector<1x16xf32> to vector<16xf32>
          %get3A_104 = arith.index_cast %scan3A_68 : i32 to index
          %get3A_105 = arith.constant 32 : index
          %get3A_106 = tpu.vector_load %arg10[%get3A_104, %get3A_105] {strides = array<i32>} : memref<128x64xf32, #tpu.memory_space<vmem>>, vector<1x16xf32>,
          %get3A_107 = vector.shape_cast %get3A_106 : vector<1x16xf32> to vector<16xf32>
          %add3A_108 = arith.addf %get3A_103, %get3A_107 : vector<16xf32>
          %max3A_109 = arith.constant 0.000000e+00 : f32
          %max3A_110 = vector.broadcast %max3A_109 : f32 to vector<16xf32>
          %max3A_111 = arith.maximumf %add3A_108, %max3A_110 : vector<16xf32>
          %swap3A_112 = arith.index_cast %scan3A_68 : i32 to index
          %swap3A_113 = arith.constant 32 : index
          %swap3A_114 = tpu.vector_load %arg11[%swap3A_112, %swap3A_113] {strides = array<i32>} : memref<128x64xf32, #tpu.memory_space<vmem>>, vector<1x16xf32>,
          %swap3A_115 = vector.shape_cast %swap3A_114 : vector<1x16xf32> to vector<16xf32>
          %swap3A_116 = vector.shape_cast %max3A_111 : vector<16xf32> to vector<1x16xf32>
          tpu.vector_store %arg11[%swap3A_112, %swap3A_113], %swap3A_116 {strides = array<i32>} : memref<128x64xf32, #tpu.memory_space<vmem>>, vector<1x16xf32>,
          %get3A_117 = arith.index_cast %scan3A_68 : i32 to index
          %get3A_118 = arith.constant 48 : index
          %get3A_119 = tpu.vector_load %arg9[%get3A_117, %get3A_118] {strides = array<i32>} : memref<128x64xf32, #tpu.memory_space<vmem>>, vector<1x16xf32>,
          %get3A_120 = vector.shape_cast %get3A_119 : vector<1x16xf32> to vector<16xf32>
          %get3A_121 = arith.index_cast %scan3A_68 : i32 to index
          %get3A_122 = arith.constant 48 : index
          %get3A_123 = tpu.vector_load %arg10[%get3A_121, %get3A_122] {strides = array<i32>} : memref<128x64xf32, #tpu.memory_space<vmem>>, vector<1x16xf32>,
          %get3A_124 = vector.shape_cast %get3A_123 : vector<1x16xf32> to vector<16xf32>
          %add3A_125 = arith.addf %get3A_120, %get3A_124 : vector<16xf32>
          %max3A_126 = arith.constant 0.000000e+00 : f32
          %max3A_127 = vector.broadcast %max3A_126 : f32 to vector<16xf32>
          %max3A_128 = arith.maximumf %add3A_125, %max3A_127 : vector<16xf32>
          %swap3A_129 = arith.index_cast %scan3A_68 : i32 to index
          %swap3A_130 = arith.constant 48 : index
          %swap3A_131 = tpu.vector_load %arg11[%swap3A_129, %swap3A_130] {strides = array<i32>} : memref<128x64xf32, #tpu.memory_space<vmem>>, vector<1x16xf32>,
          %swap3A_132 = vector.shape_cast %swap3A_131 : vector<1x16xf32> to vector<16xf32>
          %swap3A_133 = vector.shape_cast %max3A_128 : vector<16xf32> to vector<1x16xf32>
          tpu.vector_store %arg11[%swap3A_129, %swap3A_130], %swap3A_133 {strides = array<i32>} : memref<128x64xf32, #tpu.memory_space<vmem>>, vector<1x16xf32>,
        }
        %scan3A_67 = arith.constant 128 : i32
        "tpu.region"() ({
          %run_scoped3A = tpu.sem_alloc : memref<!tpu.dma_semaphore, #tpu.memory_space<semaphore_mem>>
          %dma_start3A_68 = arith.constant 0 : i32
          %dma_start3A_69 = arith.constant 0 : i32
          %dma_start3A_70 = tpu.memref_slice %arg12[%dma_start3A_68, %dma_start3A_69] : memref<10000x64xf32, #tpu.memory_space<vmem_shared>> -> memref<10000x64xf32, #tpu.memory_space<vmem_shared>>
          tpu.enqueue_indirect_dma source(%arg11 : memref<128x64xf32, #tpu.memory_space<vmem>>) target(%dma_start3A_70 : memref<10000x64xf32, #tpu.memory_space<vmem_shared>>) offsets(%arg8 : memref<128xi32, #tpu.memory_space<vmem>>) semaphore(%run_scoped3A : memref<!tpu.dma_semaphore, #tpu.memory_space<semaphore_mem>>) {add = true}
          %dma_wait3A_71 = arith.constant 0 : i32
          %dma_wait3A_72 = arith.constant 0 : i32
          %dma_wait3A_73 = tpu.memref_slice %arg12[%dma_wait3A_71, %dma_wait3A_72] : memref<10000x64xf32, #tpu.memory_space<vmem_shared>> -> memref<10000x64xf32, #tpu.memory_space<vmem_shared>>
          tpu.wait_indirect_dma semaphore(%run_scoped3A : memref<!tpu.dma_semaphore, #tpu.memory_space<semaphore_mem>>) src(%arg11 : memref<128x64xf32, #tpu.memory_space<vmem>>) dst(%dma_wait3A_73 : memref<10000x64xf32, #tpu.memory_space<vmem_shared>>)
          tpu.yield
        }) : () -> ()
      } else {
      }
    }
    %scan3A_41 = arith.constant 79 : i32
    %barrier3A_42 = arith.constant 0 : index
    tpu.barrier barrier_id(%barrier3A_42)
    %eq3A = arith.constant 0 : i32
    %eq3A_43 = arith.cmpi eq, %arg1, %eq3A : i32
    %convert_element_type3A = arith.extui %eq3A_43 : i1 to i32
    %cond3A = arith.constant 0 : i32
    %cond3A_44 = arith.cmpi ne, %convert_element_type3A, %cond3A : i32
    scf.if %cond3A_44 {
      "tpu.region"() ({
        %run_scoped3A = tpu.sem_alloc : memref<!tpu.dma_semaphore, #tpu.memory_space<semaphore_mem>>
        %dma_start3A = arith.constant 0 : i32
        %dma_start3A_45 = arith.constant 0 : i32
        %dma_start3A_46 = tpu.memref_slice %arg6[%arg0, %dma_start3A, %dma_start3A_45] : memref<2x10000x64xf32, #tpu.memory_space<hbm>> -> memref<1x10000x64xf32, #tpu.memory_space<hbm>>
        %dma_start3A_47 = tpu.memref_squeeze %dma_start3A_46 : memref<1x10000x64xf32, #tpu.memory_space<hbm>> -> memref<10000x64xf32, #tpu.memory_space<hbm>>
        tpu.enqueue_dma source(%arg12 : memref<10000x64xf32, #tpu.memory_space<vmem_shared>>) target(%dma_start3A_47 : memref<10000x64xf32, #tpu.memory_space<hbm>>) target_semaphore(%run_scoped3A : memref<!tpu.dma_semaphore, #tpu.memory_space<semaphore_mem>>)
        %dma_wait3A = arith.constant 0 : i32
        %dma_wait3A_48 = arith.constant 0 : i32
        %dma_wait3A_49 = tpu.memref_slice %arg6[%arg0, %dma_wait3A, %dma_wait3A_48] : memref<2x10000x64xf32, #tpu.memory_space<hbm>> -> memref<1x10000x64xf32, #tpu.memory_space<hbm>>
        %dma_wait3A_50 = tpu.memref_squeeze %dma_wait3A_49 : memref<1x10000x64xf32, #tpu.memory_space<hbm>> -> memref<10000x64xf32, #tpu.memory_space<hbm>>
        tpu.wait_dma2 semaphore(%run_scoped3A : memref<!tpu.dma_semaphore, #tpu.memory_space<semaphore_mem>>) src(%arg12 : memref<10000x64xf32, #tpu.memory_space<vmem_shared>>) dst(%dma_wait3A_50 : memref<10000x64xf32, #tpu.memory_space<hbm>>)
        tpu.yield
      }) : () -> ()
    } else {
    }
    return
  }
}

#map = affine_map<(d0, d1) -> (0, 0)>
#map1 = affine_map<(d0, d1) -> (0)>
#map2 = affine_map<(d0, d1) -> (0, 0, 0)>
module attributes {stable_mosaic.version = 14 : i64} {
  func.func @k(%arg0: i32, %arg1: i32, %arg2: memref<10000x64xf32, #tpu.memory_space<hbm>>, %arg3: memref<160000x256xf32, #tpu.memory_space<hbm>>, %arg4: memref<320000xi32, #tpu.memory_space<hbm>>, %arg5: memref<320000xi32, #tpu.memory_space<hbm>>, %arg6: memref<2x10000x64xf32, #tpu.memory_space<hbm>>, %arg7: memref<128xi32, #tpu.memory_space<vmem>>, %arg8: memref<128xi32, #tpu.memory_space<vmem>>, %arg9: memref<128x64xf32, #tpu.memory_space<vmem>>, %arg10: memref<128x64xf32, #tpu.memory_space<vmem>>, %arg11: memref<128x64xf32, #tpu.memory_space<vmem>>, %arg12: memref<10000x64xf32, #tpu.memory_space<vmem_shared>>, %arg13: memref<!tpu.dma_semaphore, #tpu.memory_space<semaphore_mem>>) attributes {dimension_semantics = [#tpu.dimension_semantics<core_parallel>, #tpu.dimension_semantics<subcore_parallel>], iteration_bounds = array<i64: 2, 16>, scalar_prefetch = 0 : i64, scratch_operands = 7 : i64, tpu.core_type = #tpu.core_type<sc_vector_subcore>, window_params = [{transform_indices = #map}, {transform_indices = #map}, {transform_indices = #map1}, {transform_indices = #map1}, {transform_indices = #map2}]} {
    %mul3A = arith.constant 2 : i32
    %mul3A_0 = arith.muli %arg1, %mul3A : i32
    %add3A = arith.addi %mul3A_0, %arg0 : i32
    %broadcast_in_dim3A = arith.constant 0.000000e+00 : f32
    %broadcast_in_dim3A_1 = vector.broadcast %broadcast_in_dim3A : f32 to vector<16xf32>
    %scan3A = arith.constant 0 : i32
    %scan3A_2 = arith.constant 0 : i32
    %scan3A_3 = arith.constant 128 : i32
    %scan3A_4 = arith.addi %scan3A_2, %scan3A_3 : i32
    %scan3A_5 = arith.constant 1 : i32
    scf.for %scan3A_45 = %scan3A_2 to %scan3A_4 step %scan3A_5  : i32 {
      %swap3A = arith.index_cast %scan3A_45 : i32 to index
      %swap3A_46 = arith.constant 0 : index
      %swap3A_47 = tpu.vector_load %arg11[%swap3A, %swap3A_46] {strides = array<i32>} : memref<128x64xf32, #tpu.memory_space<vmem>>, vector<1x16xf32>,
      %swap3A_48 = vector.shape_cast %swap3A_47 : vector<1x16xf32> to vector<16xf32>
      %swap3A_49 = vector.shape_cast %broadcast_in_dim3A_1 : vector<16xf32> to vector<1x16xf32>
      tpu.vector_store %arg11[%swap3A, %swap3A_46], %swap3A_49 {strides = array<i32>} : memref<128x64xf32, #tpu.memory_space<vmem>>, vector<1x16xf32>,
      %swap3A_50 = arith.index_cast %scan3A_45 : i32 to index
      %swap3A_51 = arith.constant 16 : index
      %swap3A_52 = tpu.vector_load %arg11[%swap3A_50, %swap3A_51] {strides = array<i32>} : memref<128x64xf32, #tpu.memory_space<vmem>>, vector<1x16xf32>,
      %swap3A_53 = vector.shape_cast %swap3A_52 : vector<1x16xf32> to vector<16xf32>
      %swap3A_54 = vector.shape_cast %broadcast_in_dim3A_1 : vector<16xf32> to vector<1x16xf32>
      tpu.vector_store %arg11[%swap3A_50, %swap3A_51], %swap3A_54 {strides = array<i32>} : memref<128x64xf32, #tpu.memory_space<vmem>>, vector<1x16xf32>,
      %swap3A_55 = arith.index_cast %scan3A_45 : i32 to index
      %swap3A_56 = arith.constant 32 : index
      %swap3A_57 = tpu.vector_load %arg11[%swap3A_55, %swap3A_56] {strides = array<i32>} : memref<128x64xf32, #tpu.memory_space<vmem>>, vector<1x16xf32>,
      %swap3A_58 = vector.shape_cast %swap3A_57 : vector<1x16xf32> to vector<16xf32>
      %swap3A_59 = vector.shape_cast %broadcast_in_dim3A_1 : vector<16xf32> to vector<1x16xf32>
      tpu.vector_store %arg11[%swap3A_55, %swap3A_56], %swap3A_59 {strides = array<i32>} : memref<128x64xf32, #tpu.memory_space<vmem>>, vector<1x16xf32>,
      %swap3A_60 = arith.index_cast %scan3A_45 : i32 to index
      %swap3A_61 = arith.constant 48 : index
      %swap3A_62 = tpu.vector_load %arg11[%swap3A_60, %swap3A_61] {strides = array<i32>} : memref<128x64xf32, #tpu.memory_space<vmem>>, vector<1x16xf32>,
      %swap3A_63 = vector.shape_cast %swap3A_62 : vector<1x16xf32> to vector<16xf32>
      %swap3A_64 = vector.shape_cast %broadcast_in_dim3A_1 : vector<16xf32> to vector<1x16xf32>
      tpu.vector_store %arg11[%swap3A_60, %swap3A_61], %swap3A_64 {strides = array<i32>} : memref<128x64xf32, #tpu.memory_space<vmem>>, vector<1x16xf32>,
    }
    %scan3A_6 = arith.constant 128 : i32
    %mul3A_7 = arith.constant 625 : i32
    %mul3A_8 = arith.muli %arg1, %mul3A_7 : i32
    %add3A_9 = arith.constant 0 : i32
    %add3A_10 = arith.addi %mul3A_8, %add3A_9 : i32
    %min3A = arith.constant 9872 : i32
    %min3A_11 = arith.minsi %add3A_10, %min3A : i32
    "tpu.region"() ({
      %run_scoped3A = tpu.sem_alloc : memref<!tpu.dma_semaphore, #tpu.memory_space<semaphore_mem>>
      %dma_start3A = arith.constant 0 : i32
      %dma_start3A_45 = tpu.memref_slice %arg12[%min3A_11, %dma_start3A] : memref<10000x64xf32, #tpu.memory_space<vmem_shared>> -> memref<128x64xf32, #tpu.memory_space<vmem_shared>>
      %dma_start3A_46 = arith.constant 0 : i32
      %dma_start3A_47 = tpu.memref_slice %arg12[%min3A_11, %dma_start3A_46] : memref<10000x64xf32, #tpu.memory_space<vmem_shared>> -> memref<128x64xf32, #tpu.memory_space<vmem_shared>>
      tpu.enqueue_dma source(%arg11 : memref<128x64xf32, #tpu.memory_space<vmem>>) target(%dma_start3A_47 : memref<128x64xf32, #tpu.memory_space<vmem_shared>>) target_semaphore(%run_scoped3A : memref<!tpu.dma_semaphore, #tpu.memory_space<semaphore_mem>>)
      %dma_wait3A = arith.constant 0 : i32
      %dma_wait3A_48 = tpu.memref_slice %arg12[%min3A_11, %dma_wait3A] : memref<10000x64xf32, #tpu.memory_space<vmem_shared>> -> memref<128x64xf32, #tpu.memory_space<vmem_shared>>
      %dma_wait3A_49 = arith.constant 0 : i32
      %dma_wait3A_50 = tpu.memref_slice %arg12[%min3A_11, %dma_wait3A_49] : memref<10000x64xf32, #tpu.memory_space<vmem_shared>> -> memref<128x64xf32, #tpu.memory_space<vmem_shared>>
      tpu.wait_dma2 semaphore(%run_scoped3A : memref<!tpu.dma_semaphore, #tpu.memory_space<semaphore_mem>>) src(%arg11 : memref<128x64xf32, #tpu.memory_space<vmem>>) dst(%dma_wait3A_50 : memref<128x64xf32, #tpu.memory_space<vmem_shared>>)
      tpu.yield
    }) : () -> ()
    %mul3A_12 = arith.constant 625 : i32
    %mul3A_13 = arith.muli %arg1, %mul3A_12 : i32
    %add3A_14 = arith.constant 128 : i32
    %add3A_15 = arith.addi %mul3A_13, %add3A_14 : i32
    %min3A_16 = arith.constant 9872 : i32
    %min3A_17 = arith.minsi %add3A_15, %min3A_16 : i32
    "tpu.region"() ({
      %run_scoped3A = tpu.sem_alloc : memref<!tpu.dma_semaphore, #tpu.memory_space<semaphore_mem>>
      %dma_start3A = arith.constant 0 : i32
      %dma_start3A_45 = tpu.memref_slice %arg12[%min3A_17, %dma_start3A] : memref<10000x64xf32, #tpu.memory_space<vmem_shared>> -> memref<128x64xf32, #tpu.memory_space<vmem_shared>>
      %dma_start3A_46 = arith.constant 0 : i32
      %dma_start3A_47 = tpu.memref_slice %arg12[%min3A_17, %dma_start3A_46] : memref<10000x64xf32, #tpu.memory_space<vmem_shared>> -> memref<128x64xf32, #tpu.memory_space<vmem_shared>>
      tpu.enqueue_dma source(%arg11 : memref<128x64xf32, #tpu.memory_space<vmem>>) target(%dma_start3A_47 : memref<128x64xf32, #tpu.memory_space<vmem_shared>>) target_semaphore(%run_scoped3A : memref<!tpu.dma_semaphore, #tpu.memory_space<semaphore_mem>>)
      %dma_wait3A = arith.constant 0 : i32
      %dma_wait3A_48 = tpu.memref_slice %arg12[%min3A_17, %dma_wait3A] : memref<10000x64xf32, #tpu.memory_space<vmem_shared>> -> memref<128x64xf32, #tpu.memory_space<vmem_shared>>
      %dma_wait3A_49 = arith.constant 0 : i32
      %dma_wait3A_50 = tpu.memref_slice %arg12[%min3A_17, %dma_wait3A_49] : memref<10000x64xf32, #tpu.memory_space<vmem_shared>> -> memref<128x64xf32, #tpu.memory_space<vmem_shared>>
      tpu.wait_dma2 semaphore(%run_scoped3A : memref<!tpu.dma_semaphore, #tpu.memory_space<semaphore_mem>>) src(%arg11 : memref<128x64xf32, #tpu.memory_space<vmem>>) dst(%dma_wait3A_50 : memref<128x64xf32, #tpu.memory_space<vmem_shared>>)
      tpu.yield
    }) : () -> ()
    %mul3A_18 = arith.constant 625 : i32
    %mul3A_19 = arith.muli %arg1, %mul3A_18 : i32
    %add3A_20 = arith.constant 256 : i32
    %add3A_21 = arith.addi %mul3A_19, %add3A_20 : i32
    %min3A_22 = arith.constant 9872 : i32
    %min3A_23 = arith.minsi %add3A_21, %min3A_22 : i32
    "tpu.region"() ({
      %run_scoped3A = tpu.sem_alloc : memref<!tpu.dma_semaphore, #tpu.memory_space<semaphore_mem>>
      %dma_start3A = arith.constant 0 : i32
      %dma_start3A_45 = tpu.memref_slice %arg12[%min3A_23, %dma_start3A] : memref<10000x64xf32, #tpu.memory_space<vmem_shared>> -> memref<128x64xf32, #tpu.memory_space<vmem_shared>>
      %dma_start3A_46 = arith.constant 0 : i32
      %dma_start3A_47 = tpu.memref_slice %arg12[%min3A_23, %dma_start3A_46] : memref<10000x64xf32, #tpu.memory_space<vmem_shared>> -> memref<128x64xf32, #tpu.memory_space<vmem_shared>>
      tpu.enqueue_dma source(%arg11 : memref<128x64xf32, #tpu.memory_space<vmem>>) target(%dma_start3A_47 : memref<128x64xf32, #tpu.memory_space<vmem_shared>>) target_semaphore(%run_scoped3A : memref<!tpu.dma_semaphore, #tpu.memory_space<semaphore_mem>>)
      %dma_wait3A = arith.constant 0 : i32
      %dma_wait3A_48 = tpu.memref_slice %arg12[%min3A_23, %dma_wait3A] : memref<10000x64xf32, #tpu.memory_space<vmem_shared>> -> memref<128x64xf32, #tpu.memory_space<vmem_shared>>
      %dma_wait3A_49 = arith.constant 0 : i32
      %dma_wait3A_50 = tpu.memref_slice %arg12[%min3A_23, %dma_wait3A_49] : memref<10000x64xf32, #tpu.memory_space<vmem_shared>> -> memref<128x64xf32, #tpu.memory_space<vmem_shared>>
      tpu.wait_dma2 semaphore(%run_scoped3A : memref<!tpu.dma_semaphore, #tpu.memory_space<semaphore_mem>>) src(%arg11 : memref<128x64xf32, #tpu.memory_space<vmem>>) dst(%dma_wait3A_50 : memref<128x64xf32, #tpu.memory_space<vmem_shared>>)
      tpu.yield
    }) : () -> ()
    %mul3A_24 = arith.constant 625 : i32
    %mul3A_25 = arith.muli %arg1, %mul3A_24 : i32
    %add3A_26 = arith.constant 384 : i32
    %add3A_27 = arith.addi %mul3A_25, %add3A_26 : i32
    %min3A_28 = arith.constant 9872 : i32
    %min3A_29 = arith.minsi %add3A_27, %min3A_28 : i32
    "tpu.region"() ({
      %run_scoped3A = tpu.sem_alloc : memref<!tpu.dma_semaphore, #tpu.memory_space<semaphore_mem>>
      %dma_start3A = arith.constant 0 : i32
      %dma_start3A_45 = tpu.memref_slice %arg12[%min3A_29, %dma_start3A] : memref<10000x64xf32, #tpu.memory_space<vmem_shared>> -> memref<128x64xf32, #tpu.memory_space<vmem_shared>>
      %dma_start3A_46 = arith.constant 0 : i32
      %dma_start3A_47 = tpu.memref_slice %arg12[%min3A_29, %dma_start3A_46] : memref<10000x64xf32, #tpu.memory_space<vmem_shared>> -> memref<128x64xf32, #tpu.memory_space<vmem_shared>>
      tpu.enqueue_dma source(%arg11 : memref<128x64xf32, #tpu.memory_space<vmem>>) target(%dma_start3A_47 : memref<128x64xf32, #tpu.memory_space<vmem_shared>>) target_semaphore(%run_scoped3A : memref<!tpu.dma_semaphore, #tpu.memory_space<semaphore_mem>>)
      %dma_wait3A = arith.constant 0 : i32
      %dma_wait3A_48 = tpu.memref_slice %arg12[%min3A_29, %dma_wait3A] : memref<10000x64xf32, #tpu.memory_space<vmem_shared>> -> memref<128x64xf32, #tpu.memory_space<vmem_shared>>
      %dma_wait3A_49 = arith.constant 0 : i32
      %dma_wait3A_50 = tpu.memref_slice %arg12[%min3A_29, %dma_wait3A_49] : memref<10000x64xf32, #tpu.memory_space<vmem_shared>> -> memref<128x64xf32, #tpu.memory_space<vmem_shared>>
      tpu.wait_dma2 semaphore(%run_scoped3A : memref<!tpu.dma_semaphore, #tpu.memory_space<semaphore_mem>>) src(%arg11 : memref<128x64xf32, #tpu.memory_space<vmem>>) dst(%dma_wait3A_50 : memref<128x64xf32, #tpu.memory_space<vmem_shared>>)
      tpu.yield
    }) : () -> ()
    %mul3A_30 = arith.constant 625 : i32
    %mul3A_31 = arith.muli %arg1, %mul3A_30 : i32
    %add3A_32 = arith.constant 512 : i32
    %add3A_33 = arith.addi %mul3A_31, %add3A_32 : i32
    %min3A_34 = arith.constant 9872 : i32
    %min3A_35 = arith.minsi %add3A_33, %min3A_34 : i32
    "tpu.region"() ({
      %run_scoped3A = tpu.sem_alloc : memref<!tpu.dma_semaphore, #tpu.memory_space<semaphore_mem>>
      %dma_start3A = arith.constant 0 : i32
      %dma_start3A_45 = tpu.memref_slice %arg12[%min3A_35, %dma_start3A] : memref<10000x64xf32, #tpu.memory_space<vmem_shared>> -> memref<128x64xf32, #tpu.memory_space<vmem_shared>>
      %dma_start3A_46 = arith.constant 0 : i32
      %dma_start3A_47 = tpu.memref_slice %arg12[%min3A_35, %dma_start3A_46] : memref<10000x64xf32, #tpu.memory_space<vmem_shared>> -> memref<128x64xf32, #tpu.memory_space<vmem_shared>>
      tpu.enqueue_dma source(%arg11 : memref<128x64xf32, #tpu.memory_space<vmem>>) target(%dma_start3A_47 : memref<128x64xf32, #tpu.memory_space<vmem_shared>>) target_semaphore(%run_scoped3A : memref<!tpu.dma_semaphore, #tpu.memory_space<semaphore_mem>>)
      %dma_wait3A = arith.constant 0 : i32
      %dma_wait3A_48 = tpu.memref_slice %arg12[%min3A_35, %dma_wait3A] : memref<10000x64xf32, #tpu.memory_space<vmem_shared>> -> memref<128x64xf32, #tpu.memory_space<vmem_shared>>
      %dma_wait3A_49 = arith.constant 0 : i32
      %dma_wait3A_50 = tpu.memref_slice %arg12[%min3A_35, %dma_wait3A_49] : memref<10000x64xf32, #tpu.memory_space<vmem_shared>> -> memref<128x64xf32, #tpu.memory_space<vmem_shared>>
      tpu.wait_dma2 semaphore(%run_scoped3A : memref<!tpu.dma_semaphore, #tpu.memory_space<semaphore_mem>>) src(%arg11 : memref<128x64xf32, #tpu.memory_space<vmem>>) dst(%dma_wait3A_50 : memref<128x64xf32, #tpu.memory_space<vmem_shared>>)
      tpu.yield
    }) : () -> ()
    %barrier3A = arith.constant 0 : index
    tpu.barrier barrier_id(%barrier3A)
    %scan3A_36 = arith.constant 0 : i32
    %scan3A_37 = arith.constant 0 : i32
    %scan3A_38 = arith.constant 79 : i32
    %scan3A_39 = arith.addi %scan3A_37, %scan3A_38 : i32
    %scan3A_40 = arith.constant 1 : i32
    scf.for %scan3A_45 = %scan3A_37 to %scan3A_39 step %scan3A_40  : i32 {
      %mul3A_46 = arith.constant 32 : i32
      %mul3A_47 = arith.muli %scan3A_45, %mul3A_46 : i32
      %add3A_48 = arith.addi %add3A, %mul3A_47 : i32
      %lt3A = arith.constant 2500 : i32
      %lt3A_49 = arith.cmpi slt, %add3A_48, %lt3A : i32
      %convert_element_type3A_50 = arith.extui %lt3A_49 : i1 to i32
      %cond3A_51 = arith.constant 0 : i32
      %cond3A_52 = arith.cmpi ne, %convert_element_type3A_50, %cond3A_51 : i32
      scf.if %cond3A_52 {
        %mul3A_53 = arith.constant 128 : i32
        %mul3A_54 = arith.muli %add3A_48, %mul3A_53 : i32
        "tpu.region"() ({
          %run_scoped3A = tpu.sem_alloc : memref<!tpu.dma_semaphore, #tpu.memory_space<semaphore_mem>>
          %dma_start3A_68 = tpu.memref_slice %arg4[%mul3A_54] : memref<320000xi32, #tpu.memory_space<hbm>> -> memref<128xi32, #tpu.memory_space<hbm>>
          %dma_start3A_69 = tpu.memref_slice %arg4[%mul3A_54] : memref<320000xi32, #tpu.memory_space<hbm>> -> memref<128xi32, #tpu.memory_space<hbm>>
          tpu.enqueue_dma source(%dma_start3A_69 : memref<128xi32, #tpu.memory_space<hbm>>) target(%arg7 : memref<128xi32, #tpu.memory_space<vmem>>) target_semaphore(%run_scoped3A : memref<!tpu.dma_semaphore, #tpu.memory_space<semaphore_mem>>)
          %dma_wait3A_70 = tpu.memref_slice %arg4[%mul3A_54] : memref<320000xi32, #tpu.memory_space<hbm>> -> memref<128xi32, #tpu.memory_space<hbm>>
          %dma_wait3A_71 = tpu.memref_slice %arg4[%mul3A_54] : memref<320000xi32, #tpu.memory_space<hbm>> -> memref<128xi32, #tpu.memory_space<hbm>>
          tpu.wait_dma2 semaphore(%run_scoped3A : memref<!tpu.dma_semaphore, #tpu.memory_space<semaphore_mem>>) src(%dma_wait3A_71 : memref<128xi32, #tpu.memory_space<hbm>>) dst(%arg7 : memref<128xi32, #tpu.memory_space<vmem>>)
          tpu.yield
        }) : () -> ()
        "tpu.region"() ({
          %run_scoped3A = tpu.sem_alloc : memref<!tpu.dma_semaphore, #tpu.memory_space<semaphore_mem>>
          %dma_start3A_68 = tpu.memref_slice %arg5[%mul3A_54] : memref<320000xi32, #tpu.memory_space<hbm>> -> memref<128xi32, #tpu.memory_space<hbm>>
          %dma_start3A_69 = tpu.memref_slice %arg5[%mul3A_54] : memref<320000xi32, #tpu.memory_space<hbm>> -> memref<128xi32, #tpu.memory_space<hbm>>
          tpu.enqueue_dma source(%dma_start3A_69 : memref<128xi32, #tpu.memory_space<hbm>>) target(%arg8 : memref<128xi32, #tpu.memory_space<vmem>>) target_semaphore(%run_scoped3A : memref<!tpu.dma_semaphore, #tpu.memory_space<semaphore_mem>>)
          %dma_wait3A_70 = tpu.memref_slice %arg5[%mul3A_54] : memref<320000xi32, #tpu.memory_space<hbm>> -> memref<128xi32, #tpu.memory_space<hbm>>
          %dma_wait3A_71 = tpu.memref_slice %arg5[%mul3A_54] : memref<320000xi32, #tpu.memory_space<hbm>> -> memref<128xi32, #tpu.memory_space<hbm>>
          tpu.wait_dma2 semaphore(%run_scoped3A : memref<!tpu.dma_semaphore, #tpu.memory_space<semaphore_mem>>) src(%dma_wait3A_71 : memref<128xi32, #tpu.memory_space<hbm>>) dst(%arg8 : memref<128xi32, #tpu.memory_space<vmem>>)
          tpu.yield
        }) : () -> ()
        %lt3A_55 = arith.constant 160000 : i32
        %lt3A_56 = arith.cmpi slt, %mul3A_54, %lt3A_55 : i32
        %sub3A = arith.constant 160000 : i32
        %sub3A_57 = arith.subi %mul3A_54, %sub3A : i32
        %select_n3A = arith.select %lt3A_56, %mul3A_54, %sub3A_57 : i32
        %dma_start3A = arith.constant 0 : i32
        %dma_start3A_58 = arith.constant 0 : i32
        %dma_start3A_59 = tpu.memref_slice %arg2[%dma_start3A, %dma_start3A_58] : memref<10000x64xf32, #tpu.memory_space<hbm>> -> memref<10000x64xf32, #tpu.memory_space<hbm>>
        tpu.enqueue_indirect_dma source(%dma_start3A_59 : memref<10000x64xf32, #tpu.memory_space<hbm>>) target(%arg9 : memref<128x64xf32, #tpu.memory_space<vmem>>) offsets(%arg7 : memref<128xi32, #tpu.memory_space<vmem>>) semaphore(%arg13 : memref<!tpu.dma_semaphore, #tpu.memory_space<semaphore_mem>>)
        "tpu.region"() ({
          %run_scoped3A = tpu.sem_alloc : memref<!tpu.dma_semaphore, #tpu.memory_space<semaphore_mem>>
          %dma_start3A_68 = arith.constant 64 : i32
          %dma_start3A_69 = tpu.memref_slice %arg3[%select_n3A, %dma_start3A_68] : memref<160000x256xf32, #tpu.memory_space<hbm>> -> memref<128x64xf32, #tpu.memory_space<hbm>>
          %dma_start3A_70 = arith.constant 64 : i32
          %dma_start3A_71 = tpu.memref_slice %arg3[%select_n3A, %dma_start3A_70] : memref<160000x256xf32, #tpu.memory_space<hbm>> -> memref<128x64xf32, #tpu.memory_space<hbm>>
          tpu.enqueue_dma source(%dma_start3A_71 : memref<128x64xf32, #tpu.memory_space<hbm>>) target(%arg10 : memref<128x64xf32, #tpu.memory_space<vmem>>) target_semaphore(%run_scoped3A : memref<!tpu.dma_semaphore, #tpu.memory_space<semaphore_mem>>)
          %dma_wait3A_72 = arith.constant 64 : i32
          %dma_wait3A_73 = tpu.memref_slice %arg3[%select_n3A, %dma_wait3A_72] : memref<160000x256xf32, #tpu.memory_space<hbm>> -> memref<128x64xf32, #tpu.memory_space<hbm>>
          %dma_wait3A_74 = arith.constant 64 : i32
          %dma_wait3A_75 = tpu.memref_slice %arg3[%select_n3A, %dma_wait3A_74] : memref<160000x256xf32, #tpu.memory_space<hbm>> -> memref<128x64xf32, #tpu.memory_space<hbm>>
          tpu.wait_dma2 semaphore(%run_scoped3A : memref<!tpu.dma_semaphore, #tpu.memory_space<semaphore_mem>>) src(%dma_wait3A_75 : memref<128x64xf32, #tpu.memory_space<hbm>>) dst(%arg10 : memref<128x64xf32, #tpu.memory_space<vmem>>)
          tpu.yield
        }) : () -> ()
        %dma_wait3A = arith.constant 0 : i32
        %dma_wait3A_60 = arith.constant 0 : i32
        %dma_wait3A_61 = tpu.memref_slice %arg2[%dma_wait3A, %dma_wait3A_60] : memref<10000x64xf32, #tpu.memory_space<hbm>> -> memref<10000x64xf32, #tpu.memory_space<hbm>>
        tpu.wait_indirect_dma semaphore(%arg13 : memref<!tpu.dma_semaphore, #tpu.memory_space<semaphore_mem>>) src(%dma_wait3A_61 : memref<10000x64xf32, #tpu.memory_space<hbm>>) dst(%arg9 : memref<128x64xf32, #tpu.memory_space<vmem>>)
        %scan3A_62 = arith.constant 0 : i32
        %scan3A_63 = arith.constant 0 : i32
        %scan3A_64 = arith.constant 128 : i32
        %scan3A_65 = arith.addi %scan3A_63, %scan3A_64 : i32
        %scan3A_66 = arith.constant 1 : i32
        scf.for %scan3A_68 = %scan3A_63 to %scan3A_65 step %scan3A_66  : i32 {
          %get3A = arith.index_cast %scan3A_68 : i32 to index
          %get3A_69 = arith.constant 0 : index
          %get3A_70 = tpu.vector_load %arg9[%get3A, %get3A_69] {strides = array<i32>} : memref<128x64xf32, #tpu.memory_space<vmem>>, vector<1x16xf32>,
          %get3A_71 = vector.shape_cast %get3A_70 : vector<1x16xf32> to vector<16xf32>
          %get3A_72 = arith.index_cast %scan3A_68 : i32 to index
          %get3A_73 = arith.constant 0 : index
          %get3A_74 = tpu.vector_load %arg10[%get3A_72, %get3A_73] {strides = array<i32>} : memref<128x64xf32, #tpu.memory_space<vmem>>, vector<1x16xf32>,
          %get3A_75 = vector.shape_cast %get3A_74 : vector<1x16xf32> to vector<16xf32>
          %add3A_76 = arith.addf %get3A_71, %get3A_75 : vector<16xf32>
          %max3A = arith.constant 0.000000e+00 : f32
          %max3A_77 = vector.broadcast %max3A : f32 to vector<16xf32>
          %max3A_78 = arith.maximumf %add3A_76, %max3A_77 : vector<16xf32>
          %swap3A = arith.index_cast %scan3A_68 : i32 to index
          %swap3A_79 = arith.constant 0 : index
          %swap3A_80 = tpu.vector_load %arg11[%swap3A, %swap3A_79] {strides = array<i32>} : memref<128x64xf32, #tpu.memory_space<vmem>>, vector<1x16xf32>,
          %swap3A_81 = vector.shape_cast %swap3A_80 : vector<1x16xf32> to vector<16xf32>
          %swap3A_82 = vector.shape_cast %max3A_78 : vector<16xf32> to vector<1x16xf32>
          tpu.vector_store %arg11[%swap3A, %swap3A_79], %swap3A_82 {strides = array<i32>} : memref<128x64xf32, #tpu.memory_space<vmem>>, vector<1x16xf32>,
          %get3A_83 = arith.index_cast %scan3A_68 : i32 to index
          %get3A_84 = arith.constant 16 : index
          %get3A_85 = tpu.vector_load %arg9[%get3A_83, %get3A_84] {strides = array<i32>} : memref<128x64xf32, #tpu.memory_space<vmem>>, vector<1x16xf32>,
          %get3A_86 = vector.shape_cast %get3A_85 : vector<1x16xf32> to vector<16xf32>
          %get3A_87 = arith.index_cast %scan3A_68 : i32 to index
          %get3A_88 = arith.constant 16 : index
          %get3A_89 = tpu.vector_load %arg10[%get3A_87, %get3A_88] {strides = array<i32>} : memref<128x64xf32, #tpu.memory_space<vmem>>, vector<1x16xf32>,
          %get3A_90 = vector.shape_cast %get3A_89 : vector<1x16xf32> to vector<16xf32>
          %add3A_91 = arith.addf %get3A_86, %get3A_90 : vector<16xf32>
          %max3A_92 = arith.constant 0.000000e+00 : f32
          %max3A_93 = vector.broadcast %max3A_92 : f32 to vector<16xf32>
          %max3A_94 = arith.maximumf %add3A_91, %max3A_93 : vector<16xf32>
          %swap3A_95 = arith.index_cast %scan3A_68 : i32 to index
          %swap3A_96 = arith.constant 16 : index
          %swap3A_97 = tpu.vector_load %arg11[%swap3A_95, %swap3A_96] {strides = array<i32>} : memref<128x64xf32, #tpu.memory_space<vmem>>, vector<1x16xf32>,
          %swap3A_98 = vector.shape_cast %swap3A_97 : vector<1x16xf32> to vector<16xf32>
          %swap3A_99 = vector.shape_cast %max3A_94 : vector<16xf32> to vector<1x16xf32>
          tpu.vector_store %arg11[%swap3A_95, %swap3A_96], %swap3A_99 {strides = array<i32>} : memref<128x64xf32, #tpu.memory_space<vmem>>, vector<1x16xf32>,
          %get3A_100 = arith.index_cast %scan3A_68 : i32 to index
          %get3A_101 = arith.constant 32 : index
          %get3A_102 = tpu.vector_load %arg9[%get3A_100, %get3A_101] {strides = array<i32>} : memref<128x64xf32, #tpu.memory_space<vmem>>, vector<1x16xf32>,
          %get3A_103 = vector.shape_cast %get3A_102 : vector<1x16xf32> to vector<16xf32>
          %get3A_104 = arith.index_cast %scan3A_68 : i32 to index
          %get3A_105 = arith.constant 32 : index
          %get3A_106 = tpu.vector_load %arg10[%get3A_104, %get3A_105] {strides = array<i32>} : memref<128x64xf32, #tpu.memory_space<vmem>>, vector<1x16xf32>,
          %get3A_107 = vector.shape_cast %get3A_106 : vector<1x16xf32> to vector<16xf32>
          %add3A_108 = arith.addf %get3A_103, %get3A_107 : vector<16xf32>
          %max3A_109 = arith.constant 0.000000e+00 : f32
          %max3A_110 = vector.broadcast %max3A_109 : f32 to vector<16xf32>
          %max3A_111 = arith.maximumf %add3A_108, %max3A_110 : vector<16xf32>
          %swap3A_112 = arith.index_cast %scan3A_68 : i32 to index
          %swap3A_113 = arith.constant 32 : index
          %swap3A_114 = tpu.vector_load %arg11[%swap3A_112, %swap3A_113] {strides = array<i32>} : memref<128x64xf32, #tpu.memory_space<vmem>>, vector<1x16xf32>,
          %swap3A_115 = vector.shape_cast %swap3A_114 : vector<1x16xf32> to vector<16xf32>
          %swap3A_116 = vector.shape_cast %max3A_111 : vector<16xf32> to vector<1x16xf32>
          tpu.vector_store %arg11[%swap3A_112, %swap3A_113], %swap3A_116 {strides = array<i32>} : memref<128x64xf32, #tpu.memory_space<vmem>>, vector<1x16xf32>,
          %get3A_117 = arith.index_cast %scan3A_68 : i32 to index
          %get3A_118 = arith.constant 48 : index
          %get3A_119 = tpu.vector_load %arg9[%get3A_117, %get3A_118] {strides = array<i32>} : memref<128x64xf32, #tpu.memory_space<vmem>>, vector<1x16xf32>,
          %get3A_120 = vector.shape_cast %get3A_119 : vector<1x16xf32> to vector<16xf32>
          %get3A_121 = arith.index_cast %scan3A_68 : i32 to index
          %get3A_122 = arith.constant 48 : index
          %get3A_123 = tpu.vector_load %arg10[%get3A_121, %get3A_122] {strides = array<i32>} : memref<128x64xf32, #tpu.memory_space<vmem>>, vector<1x16xf32>,
          %get3A_124 = vector.shape_cast %get3A_123 : vector<1x16xf32> to vector<16xf32>
          %add3A_125 = arith.addf %get3A_120, %get3A_124 : vector<16xf32>
          %max3A_126 = arith.constant 0.000000e+00 : f32
          %max3A_127 = vector.broadcast %max3A_126 : f32 to vector<16xf32>
          %max3A_128 = arith.maximumf %add3A_125, %max3A_127 : vector<16xf32>
          %swap3A_129 = arith.index_cast %scan3A_68 : i32 to index
          %swap3A_130 = arith.constant 48 : index
          %swap3A_131 = tpu.vector_load %arg11[%swap3A_129, %swap3A_130] {strides = array<i32>} : memref<128x64xf32, #tpu.memory_space<vmem>>, vector<1x16xf32>,
          %swap3A_132 = vector.shape_cast %swap3A_131 : vector<1x16xf32> to vector<16xf32>
          %swap3A_133 = vector.shape_cast %max3A_128 : vector<16xf32> to vector<1x16xf32>
          tpu.vector_store %arg11[%swap3A_129, %swap3A_130], %swap3A_133 {strides = array<i32>} : memref<128x64xf32, #tpu.memory_space<vmem>>, vector<1x16xf32>,
        }
        %scan3A_67 = arith.constant 128 : i32
        "tpu.region"() ({
          %run_scoped3A = tpu.sem_alloc : memref<!tpu.dma_semaphore, #tpu.memory_space<semaphore_mem>>
          %dma_start3A_68 = arith.constant 0 : i32
          %dma_start3A_69 = arith.constant 0 : i32
          %dma_start3A_70 = tpu.memref_slice %arg12[%dma_start3A_68, %dma_start3A_69] : memref<10000x64xf32, #tpu.memory_space<vmem_shared>> -> memref<10000x64xf32, #tpu.memory_space<vmem_shared>>
          tpu.enqueue_indirect_dma source(%arg11 : memref<128x64xf32, #tpu.memory_space<vmem>>) target(%dma_start3A_70 : memref<10000x64xf32, #tpu.memory_space<vmem_shared>>) offsets(%arg8 : memref<128xi32, #tpu.memory_space<vmem>>) semaphore(%run_scoped3A : memref<!tpu.dma_semaphore, #tpu.memory_space<semaphore_mem>>) {add = true}
          %dma_wait3A_71 = arith.constant 0 : i32
          %dma_wait3A_72 = arith.constant 0 : i32
          %dma_wait3A_73 = tpu.memref_slice %arg12[%dma_wait3A_71, %dma_wait3A_72] : memref<10000x64xf32, #tpu.memory_space<vmem_shared>> -> memref<10000x64xf32, #tpu.memory_space<vmem_shared>>
          tpu.wait_indirect_dma semaphore(%run_scoped3A : memref<!tpu.dma_semaphore, #tpu.memory_space<semaphore_mem>>) src(%arg11 : memref<128x64xf32, #tpu.memory_space<vmem>>) dst(%dma_wait3A_73 : memref<10000x64xf32, #tpu.memory_space<vmem_shared>>)
          tpu.yield
        }) : () -> ()
      } else {
      }
    }
    %scan3A_41 = arith.constant 79 : i32
    %barrier3A_42 = arith.constant 0 : index
    tpu.barrier barrier_id(%barrier3A_42)
    %eq3A = arith.constant 0 : i32
    %eq3A_43 = arith.cmpi eq, %arg1, %eq3A : i32
    %convert_element_type3A = arith.extui %eq3A_43 : i1 to i32
    %cond3A = arith.constant 0 : i32
    %cond3A_44 = arith.cmpi ne, %convert_element_type3A, %cond3A : i32
    scf.if %cond3A_44 {
      "tpu.region"() ({
        %run_scoped3A = tpu.sem_alloc : memref<!tpu.dma_semaphore, #tpu.memory_space<semaphore_mem>>
        %dma_start3A = arith.constant 0 : i32
        %dma_start3A_45 = arith.constant 0 : i32
        %dma_start3A_46 = tpu.memref_slice %arg6[%arg0, %dma_start3A, %dma_start3A_45] : memref<2x10000x64xf32, #tpu.memory_space<hbm>> -> memref<1x10000x64xf32, #tpu.memory_space<hbm>>
        %dma_start3A_47 = tpu.memref_squeeze %dma_start3A_46 : memref<1x10000x64xf32, #tpu.memory_space<hbm>> -> memref<10000x64xf32, #tpu.memory_space<hbm>>
        tpu.enqueue_dma source(%arg12 : memref<10000x64xf32, #tpu.memory_space<vmem_shared>>) target(%dma_start3A_47 : memref<10000x64xf32, #tpu.memory_space<hbm>>) target_semaphore(%run_scoped3A : memref<!tpu.dma_semaphore, #tpu.memory_space<semaphore_mem>>)
        %dma_wait3A = arith.constant 0 : i32
        %dma_wait3A_48 = arith.constant 0 : i32
        %dma_wait3A_49 = tpu.memref_slice %arg6[%arg0, %dma_wait3A, %dma_wait3A_48] : memref<2x10000x64xf32, #tpu.memory_space<hbm>> -> memref<1x10000x64xf32, #tpu.memory_space<hbm>>
        %dma_wait3A_50 = tpu.memref_squeeze %dma_wait3A_49 : memref<1x10000x64xf32, #tpu.memory_space<hbm>> -> memref<10000x64xf32, #tpu.memory_space<hbm>>
        tpu.wait_dma2 semaphore(%run_scoped3A : memref<!tpu.dma_semaphore, #tpu.memory_space<semaphore_mem>>) src(%arg12 : memref<10000x64xf32, #tpu.memory_space<vmem_shared>>) dst(%dma_wait3A_50 : memref<10000x64xf32, #tpu.memory_space<hbm>>)
        tpu.yield
      }) : () -> ()
    } else {
    }
    return
  }
}

#map = affine_map<(d0, d1) -> (0, 0)>
#map1 = affine_map<(d0, d1) -> (0)>
#map2 = affine_map<(d0, d1) -> (0, 0, 0)>
module attributes {stable_mosaic.version = 14 : i64} {
  func.func @k(%arg0: i32, %arg1: i32, %arg2: memref<10000x64xf32, #tpu.memory_space<hbm>>, %arg3: memref<160000x256xf32, #tpu.memory_space<hbm>>, %arg4: memref<320000xi32, #tpu.memory_space<hbm>>, %arg5: memref<320000xi32, #tpu.memory_space<hbm>>, %arg6: memref<2x10000x64xf32, #tpu.memory_space<hbm>>, %arg7: memref<128xi32, #tpu.memory_space<vmem>>, %arg8: memref<128xi32, #tpu.memory_space<vmem>>, %arg9: memref<128x64xf32, #tpu.memory_space<vmem>>, %arg10: memref<128x64xf32, #tpu.memory_space<vmem>>, %arg11: memref<128x64xf32, #tpu.memory_space<vmem>>, %arg12: memref<10000x64xf32, #tpu.memory_space<vmem_shared>>, %arg13: memref<!tpu.dma_semaphore, #tpu.memory_space<semaphore_mem>>) attributes {dimension_semantics = [#tpu.dimension_semantics<core_parallel>, #tpu.dimension_semantics<subcore_parallel>], iteration_bounds = array<i64: 2, 16>, scalar_prefetch = 0 : i64, scratch_operands = 7 : i64, tpu.core_type = #tpu.core_type<sc_vector_subcore>, window_params = [{transform_indices = #map}, {transform_indices = #map}, {transform_indices = #map1}, {transform_indices = #map1}, {transform_indices = #map2}]} {
    %mul3A = arith.constant 2 : i32
    %mul3A_0 = arith.muli %arg1, %mul3A : i32
    %add3A = arith.addi %mul3A_0, %arg0 : i32
    %broadcast_in_dim3A = arith.constant 0.000000e+00 : f32
    %broadcast_in_dim3A_1 = vector.broadcast %broadcast_in_dim3A : f32 to vector<16xf32>
    %scan3A = arith.constant 0 : i32
    %scan3A_2 = arith.constant 0 : i32
    %scan3A_3 = arith.constant 128 : i32
    %scan3A_4 = arith.addi %scan3A_2, %scan3A_3 : i32
    %scan3A_5 = arith.constant 1 : i32
    scf.for %scan3A_45 = %scan3A_2 to %scan3A_4 step %scan3A_5  : i32 {
      %swap3A = arith.index_cast %scan3A_45 : i32 to index
      %swap3A_46 = arith.constant 0 : index
      %swap3A_47 = tpu.vector_load %arg11[%swap3A, %swap3A_46] {strides = array<i32>} : memref<128x64xf32, #tpu.memory_space<vmem>>, vector<1x16xf32>,
      %swap3A_48 = vector.shape_cast %swap3A_47 : vector<1x16xf32> to vector<16xf32>
      %swap3A_49 = vector.shape_cast %broadcast_in_dim3A_1 : vector<16xf32> to vector<1x16xf32>
      tpu.vector_store %arg11[%swap3A, %swap3A_46], %swap3A_49 {strides = array<i32>} : memref<128x64xf32, #tpu.memory_space<vmem>>, vector<1x16xf32>,
      %swap3A_50 = arith.index_cast %scan3A_45 : i32 to index
      %swap3A_51 = arith.constant 16 : index
      %swap3A_52 = tpu.vector_load %arg11[%swap3A_50, %swap3A_51] {strides = array<i32>} : memref<128x64xf32, #tpu.memory_space<vmem>>, vector<1x16xf32>,
      %swap3A_53 = vector.shape_cast %swap3A_52 : vector<1x16xf32> to vector<16xf32>
      %swap3A_54 = vector.shape_cast %broadcast_in_dim3A_1 : vector<16xf32> to vector<1x16xf32>
      tpu.vector_store %arg11[%swap3A_50, %swap3A_51], %swap3A_54 {strides = array<i32>} : memref<128x64xf32, #tpu.memory_space<vmem>>, vector<1x16xf32>,
      %swap3A_55 = arith.index_cast %scan3A_45 : i32 to index
      %swap3A_56 = arith.constant 32 : index
      %swap3A_57 = tpu.vector_load %arg11[%swap3A_55, %swap3A_56] {strides = array<i32>} : memref<128x64xf32, #tpu.memory_space<vmem>>, vector<1x16xf32>,
      %swap3A_58 = vector.shape_cast %swap3A_57 : vector<1x16xf32> to vector<16xf32>
      %swap3A_59 = vector.shape_cast %broadcast_in_dim3A_1 : vector<16xf32> to vector<1x16xf32>
      tpu.vector_store %arg11[%swap3A_55, %swap3A_56], %swap3A_59 {strides = array<i32>} : memref<128x64xf32, #tpu.memory_space<vmem>>, vector<1x16xf32>,
      %swap3A_60 = arith.index_cast %scan3A_45 : i32 to index
      %swap3A_61 = arith.constant 48 : index
      %swap3A_62 = tpu.vector_load %arg11[%swap3A_60, %swap3A_61] {strides = array<i32>} : memref<128x64xf32, #tpu.memory_space<vmem>>, vector<1x16xf32>,
      %swap3A_63 = vector.shape_cast %swap3A_62 : vector<1x16xf32> to vector<16xf32>
      %swap3A_64 = vector.shape_cast %broadcast_in_dim3A_1 : vector<16xf32> to vector<1x16xf32>
      tpu.vector_store %arg11[%swap3A_60, %swap3A_61], %swap3A_64 {strides = array<i32>} : memref<128x64xf32, #tpu.memory_space<vmem>>, vector<1x16xf32>,
    }
    %scan3A_6 = arith.constant 128 : i32
    %mul3A_7 = arith.constant 625 : i32
    %mul3A_8 = arith.muli %arg1, %mul3A_7 : i32
    %add3A_9 = arith.constant 0 : i32
    %add3A_10 = arith.addi %mul3A_8, %add3A_9 : i32
    %min3A = arith.constant 9872 : i32
    %min3A_11 = arith.minsi %add3A_10, %min3A : i32
    "tpu.region"() ({
      %run_scoped3A = tpu.sem_alloc : memref<!tpu.dma_semaphore, #tpu.memory_space<semaphore_mem>>
      %dma_start3A = arith.constant 0 : i32
      %dma_start3A_45 = tpu.memref_slice %arg12[%min3A_11, %dma_start3A] : memref<10000x64xf32, #tpu.memory_space<vmem_shared>> -> memref<128x64xf32, #tpu.memory_space<vmem_shared>>
      %dma_start3A_46 = arith.constant 0 : i32
      %dma_start3A_47 = tpu.memref_slice %arg12[%min3A_11, %dma_start3A_46] : memref<10000x64xf32, #tpu.memory_space<vmem_shared>> -> memref<128x64xf32, #tpu.memory_space<vmem_shared>>
      tpu.enqueue_dma source(%arg11 : memref<128x64xf32, #tpu.memory_space<vmem>>) target(%dma_start3A_47 : memref<128x64xf32, #tpu.memory_space<vmem_shared>>) target_semaphore(%run_scoped3A : memref<!tpu.dma_semaphore, #tpu.memory_space<semaphore_mem>>)
      %dma_wait3A = arith.constant 0 : i32
      %dma_wait3A_48 = tpu.memref_slice %arg12[%min3A_11, %dma_wait3A] : memref<10000x64xf32, #tpu.memory_space<vmem_shared>> -> memref<128x64xf32, #tpu.memory_space<vmem_shared>>
      %dma_wait3A_49 = arith.constant 0 : i32
      %dma_wait3A_50 = tpu.memref_slice %arg12[%min3A_11, %dma_wait3A_49] : memref<10000x64xf32, #tpu.memory_space<vmem_shared>> -> memref<128x64xf32, #tpu.memory_space<vmem_shared>>
      tpu.wait_dma2 semaphore(%run_scoped3A : memref<!tpu.dma_semaphore, #tpu.memory_space<semaphore_mem>>) src(%arg11 : memref<128x64xf32, #tpu.memory_space<vmem>>) dst(%dma_wait3A_50 : memref<128x64xf32, #tpu.memory_space<vmem_shared>>)
      tpu.yield
    }) : () -> ()
    %mul3A_12 = arith.constant 625 : i32
    %mul3A_13 = arith.muli %arg1, %mul3A_12 : i32
    %add3A_14 = arith.constant 128 : i32
    %add3A_15 = arith.addi %mul3A_13, %add3A_14 : i32
    %min3A_16 = arith.constant 9872 : i32
    %min3A_17 = arith.minsi %add3A_15, %min3A_16 : i32
    "tpu.region"() ({
      %run_scoped3A = tpu.sem_alloc : memref<!tpu.dma_semaphore, #tpu.memory_space<semaphore_mem>>
      %dma_start3A = arith.constant 0 : i32
      %dma_start3A_45 = tpu.memref_slice %arg12[%min3A_17, %dma_start3A] : memref<10000x64xf32, #tpu.memory_space<vmem_shared>> -> memref<128x64xf32, #tpu.memory_space<vmem_shared>>
      %dma_start3A_46 = arith.constant 0 : i32
      %dma_start3A_47 = tpu.memref_slice %arg12[%min3A_17, %dma_start3A_46] : memref<10000x64xf32, #tpu.memory_space<vmem_shared>> -> memref<128x64xf32, #tpu.memory_space<vmem_shared>>
      tpu.enqueue_dma source(%arg11 : memref<128x64xf32, #tpu.memory_space<vmem>>) target(%dma_start3A_47 : memref<128x64xf32, #tpu.memory_space<vmem_shared>>) target_semaphore(%run_scoped3A : memref<!tpu.dma_semaphore, #tpu.memory_space<semaphore_mem>>)
      %dma_wait3A = arith.constant 0 : i32
      %dma_wait3A_48 = tpu.memref_slice %arg12[%min3A_17, %dma_wait3A] : memref<10000x64xf32, #tpu.memory_space<vmem_shared>> -> memref<128x64xf32, #tpu.memory_space<vmem_shared>>
      %dma_wait3A_49 = arith.constant 0 : i32
      %dma_wait3A_50 = tpu.memref_slice %arg12[%min3A_17, %dma_wait3A_49] : memref<10000x64xf32, #tpu.memory_space<vmem_shared>> -> memref<128x64xf32, #tpu.memory_space<vmem_shared>>
      tpu.wait_dma2 semaphore(%run_scoped3A : memref<!tpu.dma_semaphore, #tpu.memory_space<semaphore_mem>>) src(%arg11 : memref<128x64xf32, #tpu.memory_space<vmem>>) dst(%dma_wait3A_50 : memref<128x64xf32, #tpu.memory_space<vmem_shared>>)
      tpu.yield
    }) : () -> ()
    %mul3A_18 = arith.constant 625 : i32
    %mul3A_19 = arith.muli %arg1, %mul3A_18 : i32
    %add3A_20 = arith.constant 256 : i32
    %add3A_21 = arith.addi %mul3A_19, %add3A_20 : i32
    %min3A_22 = arith.constant 9872 : i32
    %min3A_23 = arith.minsi %add3A_21, %min3A_22 : i32
    "tpu.region"() ({
      %run_scoped3A = tpu.sem_alloc : memref<!tpu.dma_semaphore, #tpu.memory_space<semaphore_mem>>
      %dma_start3A = arith.constant 0 : i32
      %dma_start3A_45 = tpu.memref_slice %arg12[%min3A_23, %dma_start3A] : memref<10000x64xf32, #tpu.memory_space<vmem_shared>> -> memref<128x64xf32, #tpu.memory_space<vmem_shared>>
      %dma_start3A_46 = arith.constant 0 : i32
      %dma_start3A_47 = tpu.memref_slice %arg12[%min3A_23, %dma_start3A_46] : memref<10000x64xf32, #tpu.memory_space<vmem_shared>> -> memref<128x64xf32, #tpu.memory_space<vmem_shared>>
      tpu.enqueue_dma source(%arg11 : memref<128x64xf32, #tpu.memory_space<vmem>>) target(%dma_start3A_47 : memref<128x64xf32, #tpu.memory_space<vmem_shared>>) target_semaphore(%run_scoped3A : memref<!tpu.dma_semaphore, #tpu.memory_space<semaphore_mem>>)
      %dma_wait3A = arith.constant 0 : i32
      %dma_wait3A_48 = tpu.memref_slice %arg12[%min3A_23, %dma_wait3A] : memref<10000x64xf32, #tpu.memory_space<vmem_shared>> -> memref<128x64xf32, #tpu.memory_space<vmem_shared>>
      %dma_wait3A_49 = arith.constant 0 : i32
      %dma_wait3A_50 = tpu.memref_slice %arg12[%min3A_23, %dma_wait3A_49] : memref<10000x64xf32, #tpu.memory_space<vmem_shared>> -> memref<128x64xf32, #tpu.memory_space<vmem_shared>>
      tpu.wait_dma2 semaphore(%run_scoped3A : memref<!tpu.dma_semaphore, #tpu.memory_space<semaphore_mem>>) src(%arg11 : memref<128x64xf32, #tpu.memory_space<vmem>>) dst(%dma_wait3A_50 : memref<128x64xf32, #tpu.memory_space<vmem_shared>>)
      tpu.yield
    }) : () -> ()
    %mul3A_24 = arith.constant 625 : i32
    %mul3A_25 = arith.muli %arg1, %mul3A_24 : i32
    %add3A_26 = arith.constant 384 : i32
    %add3A_27 = arith.addi %mul3A_25, %add3A_26 : i32
    %min3A_28 = arith.constant 9872 : i32
    %min3A_29 = arith.minsi %add3A_27, %min3A_28 : i32
    "tpu.region"() ({
      %run_scoped3A = tpu.sem_alloc : memref<!tpu.dma_semaphore, #tpu.memory_space<semaphore_mem>>
      %dma_start3A = arith.constant 0 : i32
      %dma_start3A_45 = tpu.memref_slice %arg12[%min3A_29, %dma_start3A] : memref<10000x64xf32, #tpu.memory_space<vmem_shared>> -> memref<128x64xf32, #tpu.memory_space<vmem_shared>>
      %dma_start3A_46 = arith.constant 0 : i32
      %dma_start3A_47 = tpu.memref_slice %arg12[%min3A_29, %dma_start3A_46] : memref<10000x64xf32, #tpu.memory_space<vmem_shared>> -> memref<128x64xf32, #tpu.memory_space<vmem_shared>>
      tpu.enqueue_dma source(%arg11 : memref<128x64xf32, #tpu.memory_space<vmem>>) target(%dma_start3A_47 : memref<128x64xf32, #tpu.memory_space<vmem_shared>>) target_semaphore(%run_scoped3A : memref<!tpu.dma_semaphore, #tpu.memory_space<semaphore_mem>>)
      %dma_wait3A = arith.constant 0 : i32
      %dma_wait3A_48 = tpu.memref_slice %arg12[%min3A_29, %dma_wait3A] : memref<10000x64xf32, #tpu.memory_space<vmem_shared>> -> memref<128x64xf32, #tpu.memory_space<vmem_shared>>
      %dma_wait3A_49 = arith.constant 0 : i32
      %dma_wait3A_50 = tpu.memref_slice %arg12[%min3A_29, %dma_wait3A_49] : memref<10000x64xf32, #tpu.memory_space<vmem_shared>> -> memref<128x64xf32, #tpu.memory_space<vmem_shared>>
      tpu.wait_dma2 semaphore(%run_scoped3A : memref<!tpu.dma_semaphore, #tpu.memory_space<semaphore_mem>>) src(%arg11 : memref<128x64xf32, #tpu.memory_space<vmem>>) dst(%dma_wait3A_50 : memref<128x64xf32, #tpu.memory_space<vmem_shared>>)
      tpu.yield
    }) : () -> ()
    %mul3A_30 = arith.constant 625 : i32
    %mul3A_31 = arith.muli %arg1, %mul3A_30 : i32
    %add3A_32 = arith.constant 512 : i32
    %add3A_33 = arith.addi %mul3A_31, %add3A_32 : i32
    %min3A_34 = arith.constant 9872 : i32
    %min3A_35 = arith.minsi %add3A_33, %min3A_34 : i32
    "tpu.region"() ({
      %run_scoped3A = tpu.sem_alloc : memref<!tpu.dma_semaphore, #tpu.memory_space<semaphore_mem>>
      %dma_start3A = arith.constant 0 : i32
      %dma_start3A_45 = tpu.memref_slice %arg12[%min3A_35, %dma_start3A] : memref<10000x64xf32, #tpu.memory_space<vmem_shared>> -> memref<128x64xf32, #tpu.memory_space<vmem_shared>>
      %dma_start3A_46 = arith.constant 0 : i32
      %dma_start3A_47 = tpu.memref_slice %arg12[%min3A_35, %dma_start3A_46] : memref<10000x64xf32, #tpu.memory_space<vmem_shared>> -> memref<128x64xf32, #tpu.memory_space<vmem_shared>>
      tpu.enqueue_dma source(%arg11 : memref<128x64xf32, #tpu.memory_space<vmem>>) target(%dma_start3A_47 : memref<128x64xf32, #tpu.memory_space<vmem_shared>>) target_semaphore(%run_scoped3A : memref<!tpu.dma_semaphore, #tpu.memory_space<semaphore_mem>>)
      %dma_wait3A = arith.constant 0 : i32
      %dma_wait3A_48 = tpu.memref_slice %arg12[%min3A_35, %dma_wait3A] : memref<10000x64xf32, #tpu.memory_space<vmem_shared>> -> memref<128x64xf32, #tpu.memory_space<vmem_shared>>
      %dma_wait3A_49 = arith.constant 0 : i32
      %dma_wait3A_50 = tpu.memref_slice %arg12[%min3A_35, %dma_wait3A_49] : memref<10000x64xf32, #tpu.memory_space<vmem_shared>> -> memref<128x64xf32, #tpu.memory_space<vmem_shared>>
      tpu.wait_dma2 semaphore(%run_scoped3A : memref<!tpu.dma_semaphore, #tpu.memory_space<semaphore_mem>>) src(%arg11 : memref<128x64xf32, #tpu.memory_space<vmem>>) dst(%dma_wait3A_50 : memref<128x64xf32, #tpu.memory_space<vmem_shared>>)
      tpu.yield
    }) : () -> ()
    %barrier3A = arith.constant 0 : index
    tpu.barrier barrier_id(%barrier3A)
    %scan3A_36 = arith.constant 0 : i32
    %scan3A_37 = arith.constant 0 : i32
    %scan3A_38 = arith.constant 79 : i32
    %scan3A_39 = arith.addi %scan3A_37, %scan3A_38 : i32
    %scan3A_40 = arith.constant 1 : i32
    scf.for %scan3A_45 = %scan3A_37 to %scan3A_39 step %scan3A_40  : i32 {
      %mul3A_46 = arith.constant 32 : i32
      %mul3A_47 = arith.muli %scan3A_45, %mul3A_46 : i32
      %add3A_48 = arith.addi %add3A, %mul3A_47 : i32
      %lt3A = arith.constant 2500 : i32
      %lt3A_49 = arith.cmpi slt, %add3A_48, %lt3A : i32
      %convert_element_type3A_50 = arith.extui %lt3A_49 : i1 to i32
      %cond3A_51 = arith.constant 0 : i32
      %cond3A_52 = arith.cmpi ne, %convert_element_type3A_50, %cond3A_51 : i32
      scf.if %cond3A_52 {
        %mul3A_53 = arith.constant 128 : i32
        %mul3A_54 = arith.muli %add3A_48, %mul3A_53 : i32
        "tpu.region"() ({
          %run_scoped3A = tpu.sem_alloc : memref<!tpu.dma_semaphore, #tpu.memory_space<semaphore_mem>>
          %dma_start3A_68 = tpu.memref_slice %arg4[%mul3A_54] : memref<320000xi32, #tpu.memory_space<hbm>> -> memref<128xi32, #tpu.memory_space<hbm>>
          %dma_start3A_69 = tpu.memref_slice %arg4[%mul3A_54] : memref<320000xi32, #tpu.memory_space<hbm>> -> memref<128xi32, #tpu.memory_space<hbm>>
          tpu.enqueue_dma source(%dma_start3A_69 : memref<128xi32, #tpu.memory_space<hbm>>) target(%arg7 : memref<128xi32, #tpu.memory_space<vmem>>) target_semaphore(%run_scoped3A : memref<!tpu.dma_semaphore, #tpu.memory_space<semaphore_mem>>)
          %dma_wait3A_70 = tpu.memref_slice %arg4[%mul3A_54] : memref<320000xi32, #tpu.memory_space<hbm>> -> memref<128xi32, #tpu.memory_space<hbm>>
          %dma_wait3A_71 = tpu.memref_slice %arg4[%mul3A_54] : memref<320000xi32, #tpu.memory_space<hbm>> -> memref<128xi32, #tpu.memory_space<hbm>>
          tpu.wait_dma2 semaphore(%run_scoped3A : memref<!tpu.dma_semaphore, #tpu.memory_space<semaphore_mem>>) src(%dma_wait3A_71 : memref<128xi32, #tpu.memory_space<hbm>>) dst(%arg7 : memref<128xi32, #tpu.memory_space<vmem>>)
          tpu.yield
        }) : () -> ()
        "tpu.region"() ({
          %run_scoped3A = tpu.sem_alloc : memref<!tpu.dma_semaphore, #tpu.memory_space<semaphore_mem>>
          %dma_start3A_68 = tpu.memref_slice %arg5[%mul3A_54] : memref<320000xi32, #tpu.memory_space<hbm>> -> memref<128xi32, #tpu.memory_space<hbm>>
          %dma_start3A_69 = tpu.memref_slice %arg5[%mul3A_54] : memref<320000xi32, #tpu.memory_space<hbm>> -> memref<128xi32, #tpu.memory_space<hbm>>
          tpu.enqueue_dma source(%dma_start3A_69 : memref<128xi32, #tpu.memory_space<hbm>>) target(%arg8 : memref<128xi32, #tpu.memory_space<vmem>>) target_semaphore(%run_scoped3A : memref<!tpu.dma_semaphore, #tpu.memory_space<semaphore_mem>>)
          %dma_wait3A_70 = tpu.memref_slice %arg5[%mul3A_54] : memref<320000xi32, #tpu.memory_space<hbm>> -> memref<128xi32, #tpu.memory_space<hbm>>
          %dma_wait3A_71 = tpu.memref_slice %arg5[%mul3A_54] : memref<320000xi32, #tpu.memory_space<hbm>> -> memref<128xi32, #tpu.memory_space<hbm>>
          tpu.wait_dma2 semaphore(%run_scoped3A : memref<!tpu.dma_semaphore, #tpu.memory_space<semaphore_mem>>) src(%dma_wait3A_71 : memref<128xi32, #tpu.memory_space<hbm>>) dst(%arg8 : memref<128xi32, #tpu.memory_space<vmem>>)
          tpu.yield
        }) : () -> ()
        %lt3A_55 = arith.constant 160000 : i32
        %lt3A_56 = arith.cmpi slt, %mul3A_54, %lt3A_55 : i32
        %sub3A = arith.constant 160000 : i32
        %sub3A_57 = arith.subi %mul3A_54, %sub3A : i32
        %select_n3A = arith.select %lt3A_56, %mul3A_54, %sub3A_57 : i32
        %dma_start3A = arith.constant 0 : i32
        %dma_start3A_58 = arith.constant 0 : i32
        %dma_start3A_59 = tpu.memref_slice %arg2[%dma_start3A, %dma_start3A_58] : memref<10000x64xf32, #tpu.memory_space<hbm>> -> memref<10000x64xf32, #tpu.memory_space<hbm>>
        tpu.enqueue_indirect_dma source(%dma_start3A_59 : memref<10000x64xf32, #tpu.memory_space<hbm>>) target(%arg9 : memref<128x64xf32, #tpu.memory_space<vmem>>) offsets(%arg7 : memref<128xi32, #tpu.memory_space<vmem>>) semaphore(%arg13 : memref<!tpu.dma_semaphore, #tpu.memory_space<semaphore_mem>>)
        "tpu.region"() ({
          %run_scoped3A = tpu.sem_alloc : memref<!tpu.dma_semaphore, #tpu.memory_space<semaphore_mem>>
          %dma_start3A_68 = arith.constant 128 : i32
          %dma_start3A_69 = tpu.memref_slice %arg3[%select_n3A, %dma_start3A_68] : memref<160000x256xf32, #tpu.memory_space<hbm>> -> memref<128x64xf32, #tpu.memory_space<hbm>>
          %dma_start3A_70 = arith.constant 128 : i32
          %dma_start3A_71 = tpu.memref_slice %arg3[%select_n3A, %dma_start3A_70] : memref<160000x256xf32, #tpu.memory_space<hbm>> -> memref<128x64xf32, #tpu.memory_space<hbm>>
          tpu.enqueue_dma source(%dma_start3A_71 : memref<128x64xf32, #tpu.memory_space<hbm>>) target(%arg10 : memref<128x64xf32, #tpu.memory_space<vmem>>) target_semaphore(%run_scoped3A : memref<!tpu.dma_semaphore, #tpu.memory_space<semaphore_mem>>)
          %dma_wait3A_72 = arith.constant 128 : i32
          %dma_wait3A_73 = tpu.memref_slice %arg3[%select_n3A, %dma_wait3A_72] : memref<160000x256xf32, #tpu.memory_space<hbm>> -> memref<128x64xf32, #tpu.memory_space<hbm>>
          %dma_wait3A_74 = arith.constant 128 : i32
          %dma_wait3A_75 = tpu.memref_slice %arg3[%select_n3A, %dma_wait3A_74] : memref<160000x256xf32, #tpu.memory_space<hbm>> -> memref<128x64xf32, #tpu.memory_space<hbm>>
          tpu.wait_dma2 semaphore(%run_scoped3A : memref<!tpu.dma_semaphore, #tpu.memory_space<semaphore_mem>>) src(%dma_wait3A_75 : memref<128x64xf32, #tpu.memory_space<hbm>>) dst(%arg10 : memref<128x64xf32, #tpu.memory_space<vmem>>)
          tpu.yield
        }) : () -> ()
        %dma_wait3A = arith.constant 0 : i32
        %dma_wait3A_60 = arith.constant 0 : i32
        %dma_wait3A_61 = tpu.memref_slice %arg2[%dma_wait3A, %dma_wait3A_60] : memref<10000x64xf32, #tpu.memory_space<hbm>> -> memref<10000x64xf32, #tpu.memory_space<hbm>>
        tpu.wait_indirect_dma semaphore(%arg13 : memref<!tpu.dma_semaphore, #tpu.memory_space<semaphore_mem>>) src(%dma_wait3A_61 : memref<10000x64xf32, #tpu.memory_space<hbm>>) dst(%arg9 : memref<128x64xf32, #tpu.memory_space<vmem>>)
        %scan3A_62 = arith.constant 0 : i32
        %scan3A_63 = arith.constant 0 : i32
        %scan3A_64 = arith.constant 128 : i32
        %scan3A_65 = arith.addi %scan3A_63, %scan3A_64 : i32
        %scan3A_66 = arith.constant 1 : i32
        scf.for %scan3A_68 = %scan3A_63 to %scan3A_65 step %scan3A_66  : i32 {
          %get3A = arith.index_cast %scan3A_68 : i32 to index
          %get3A_69 = arith.constant 0 : index
          %get3A_70 = tpu.vector_load %arg9[%get3A, %get3A_69] {strides = array<i32>} : memref<128x64xf32, #tpu.memory_space<vmem>>, vector<1x16xf32>,
          %get3A_71 = vector.shape_cast %get3A_70 : vector<1x16xf32> to vector<16xf32>
          %get3A_72 = arith.index_cast %scan3A_68 : i32 to index
          %get3A_73 = arith.constant 0 : index
          %get3A_74 = tpu.vector_load %arg10[%get3A_72, %get3A_73] {strides = array<i32>} : memref<128x64xf32, #tpu.memory_space<vmem>>, vector<1x16xf32>,
          %get3A_75 = vector.shape_cast %get3A_74 : vector<1x16xf32> to vector<16xf32>
          %add3A_76 = arith.addf %get3A_71, %get3A_75 : vector<16xf32>
          %max3A = arith.constant 0.000000e+00 : f32
          %max3A_77 = vector.broadcast %max3A : f32 to vector<16xf32>
          %max3A_78 = arith.maximumf %add3A_76, %max3A_77 : vector<16xf32>
          %swap3A = arith.index_cast %scan3A_68 : i32 to index
          %swap3A_79 = arith.constant 0 : index
          %swap3A_80 = tpu.vector_load %arg11[%swap3A, %swap3A_79] {strides = array<i32>} : memref<128x64xf32, #tpu.memory_space<vmem>>, vector<1x16xf32>,
          %swap3A_81 = vector.shape_cast %swap3A_80 : vector<1x16xf32> to vector<16xf32>
          %swap3A_82 = vector.shape_cast %max3A_78 : vector<16xf32> to vector<1x16xf32>
          tpu.vector_store %arg11[%swap3A, %swap3A_79], %swap3A_82 {strides = array<i32>} : memref<128x64xf32, #tpu.memory_space<vmem>>, vector<1x16xf32>,
          %get3A_83 = arith.index_cast %scan3A_68 : i32 to index
          %get3A_84 = arith.constant 16 : index
          %get3A_85 = tpu.vector_load %arg9[%get3A_83, %get3A_84] {strides = array<i32>} : memref<128x64xf32, #tpu.memory_space<vmem>>, vector<1x16xf32>,
          %get3A_86 = vector.shape_cast %get3A_85 : vector<1x16xf32> to vector<16xf32>
          %get3A_87 = arith.index_cast %scan3A_68 : i32 to index
          %get3A_88 = arith.constant 16 : index
          %get3A_89 = tpu.vector_load %arg10[%get3A_87, %get3A_88] {strides = array<i32>} : memref<128x64xf32, #tpu.memory_space<vmem>>, vector<1x16xf32>,
          %get3A_90 = vector.shape_cast %get3A_89 : vector<1x16xf32> to vector<16xf32>
          %add3A_91 = arith.addf %get3A_86, %get3A_90 : vector<16xf32>
          %max3A_92 = arith.constant 0.000000e+00 : f32
          %max3A_93 = vector.broadcast %max3A_92 : f32 to vector<16xf32>
          %max3A_94 = arith.maximumf %add3A_91, %max3A_93 : vector<16xf32>
          %swap3A_95 = arith.index_cast %scan3A_68 : i32 to index
          %swap3A_96 = arith.constant 16 : index
          %swap3A_97 = tpu.vector_load %arg11[%swap3A_95, %swap3A_96] {strides = array<i32>} : memref<128x64xf32, #tpu.memory_space<vmem>>, vector<1x16xf32>,
          %swap3A_98 = vector.shape_cast %swap3A_97 : vector<1x16xf32> to vector<16xf32>
          %swap3A_99 = vector.shape_cast %max3A_94 : vector<16xf32> to vector<1x16xf32>
          tpu.vector_store %arg11[%swap3A_95, %swap3A_96], %swap3A_99 {strides = array<i32>} : memref<128x64xf32, #tpu.memory_space<vmem>>, vector<1x16xf32>,
          %get3A_100 = arith.index_cast %scan3A_68 : i32 to index
          %get3A_101 = arith.constant 32 : index
          %get3A_102 = tpu.vector_load %arg9[%get3A_100, %get3A_101] {strides = array<i32>} : memref<128x64xf32, #tpu.memory_space<vmem>>, vector<1x16xf32>,
          %get3A_103 = vector.shape_cast %get3A_102 : vector<1x16xf32> to vector<16xf32>
          %get3A_104 = arith.index_cast %scan3A_68 : i32 to index
          %get3A_105 = arith.constant 32 : index
          %get3A_106 = tpu.vector_load %arg10[%get3A_104, %get3A_105] {strides = array<i32>} : memref<128x64xf32, #tpu.memory_space<vmem>>, vector<1x16xf32>,
          %get3A_107 = vector.shape_cast %get3A_106 : vector<1x16xf32> to vector<16xf32>
          %add3A_108 = arith.addf %get3A_103, %get3A_107 : vector<16xf32>
          %max3A_109 = arith.constant 0.000000e+00 : f32
          %max3A_110 = vector.broadcast %max3A_109 : f32 to vector<16xf32>
          %max3A_111 = arith.maximumf %add3A_108, %max3A_110 : vector<16xf32>
          %swap3A_112 = arith.index_cast %scan3A_68 : i32 to index
          %swap3A_113 = arith.constant 32 : index
          %swap3A_114 = tpu.vector_load %arg11[%swap3A_112, %swap3A_113] {strides = array<i32>} : memref<128x64xf32, #tpu.memory_space<vmem>>, vector<1x16xf32>,
          %swap3A_115 = vector.shape_cast %swap3A_114 : vector<1x16xf32> to vector<16xf32>
          %swap3A_116 = vector.shape_cast %max3A_111 : vector<16xf32> to vector<1x16xf32>
          tpu.vector_store %arg11[%swap3A_112, %swap3A_113], %swap3A_116 {strides = array<i32>} : memref<128x64xf32, #tpu.memory_space<vmem>>, vector<1x16xf32>,
          %get3A_117 = arith.index_cast %scan3A_68 : i32 to index
          %get3A_118 = arith.constant 48 : index
          %get3A_119 = tpu.vector_load %arg9[%get3A_117, %get3A_118] {strides = array<i32>} : memref<128x64xf32, #tpu.memory_space<vmem>>, vector<1x16xf32>,
          %get3A_120 = vector.shape_cast %get3A_119 : vector<1x16xf32> to vector<16xf32>
          %get3A_121 = arith.index_cast %scan3A_68 : i32 to index
          %get3A_122 = arith.constant 48 : index
          %get3A_123 = tpu.vector_load %arg10[%get3A_121, %get3A_122] {strides = array<i32>} : memref<128x64xf32, #tpu.memory_space<vmem>>, vector<1x16xf32>,
          %get3A_124 = vector.shape_cast %get3A_123 : vector<1x16xf32> to vector<16xf32>
          %add3A_125 = arith.addf %get3A_120, %get3A_124 : vector<16xf32>
          %max3A_126 = arith.constant 0.000000e+00 : f32
          %max3A_127 = vector.broadcast %max3A_126 : f32 to vector<16xf32>
          %max3A_128 = arith.maximumf %add3A_125, %max3A_127 : vector<16xf32>
          %swap3A_129 = arith.index_cast %scan3A_68 : i32 to index
          %swap3A_130 = arith.constant 48 : index
          %swap3A_131 = tpu.vector_load %arg11[%swap3A_129, %swap3A_130] {strides = array<i32>} : memref<128x64xf32, #tpu.memory_space<vmem>>, vector<1x16xf32>,
          %swap3A_132 = vector.shape_cast %swap3A_131 : vector<1x16xf32> to vector<16xf32>
          %swap3A_133 = vector.shape_cast %max3A_128 : vector<16xf32> to vector<1x16xf32>
          tpu.vector_store %arg11[%swap3A_129, %swap3A_130], %swap3A_133 {strides = array<i32>} : memref<128x64xf32, #tpu.memory_space<vmem>>, vector<1x16xf32>,
        }
        %scan3A_67 = arith.constant 128 : i32
        "tpu.region"() ({
          %run_scoped3A = tpu.sem_alloc : memref<!tpu.dma_semaphore, #tpu.memory_space<semaphore_mem>>
          %dma_start3A_68 = arith.constant 0 : i32
          %dma_start3A_69 = arith.constant 0 : i32
          %dma_start3A_70 = tpu.memref_slice %arg12[%dma_start3A_68, %dma_start3A_69] : memref<10000x64xf32, #tpu.memory_space<vmem_shared>> -> memref<10000x64xf32, #tpu.memory_space<vmem_shared>>
          tpu.enqueue_indirect_dma source(%arg11 : memref<128x64xf32, #tpu.memory_space<vmem>>) target(%dma_start3A_70 : memref<10000x64xf32, #tpu.memory_space<vmem_shared>>) offsets(%arg8 : memref<128xi32, #tpu.memory_space<vmem>>) semaphore(%run_scoped3A : memref<!tpu.dma_semaphore, #tpu.memory_space<semaphore_mem>>) {add = true}
          %dma_wait3A_71 = arith.constant 0 : i32
          %dma_wait3A_72 = arith.constant 0 : i32
          %dma_wait3A_73 = tpu.memref_slice %arg12[%dma_wait3A_71, %dma_wait3A_72] : memref<10000x64xf32, #tpu.memory_space<vmem_shared>> -> memref<10000x64xf32, #tpu.memory_space<vmem_shared>>
          tpu.wait_indirect_dma semaphore(%run_scoped3A : memref<!tpu.dma_semaphore, #tpu.memory_space<semaphore_mem>>) src(%arg11 : memref<128x64xf32, #tpu.memory_space<vmem>>) dst(%dma_wait3A_73 : memref<10000x64xf32, #tpu.memory_space<vmem_shared>>)
          tpu.yield
        }) : () -> ()
      } else {
      }
    }
    %scan3A_41 = arith.constant 79 : i32
    %barrier3A_42 = arith.constant 0 : index
    tpu.barrier barrier_id(%barrier3A_42)
    %eq3A = arith.constant 0 : i32
    %eq3A_43 = arith.cmpi eq, %arg1, %eq3A : i32
    %convert_element_type3A = arith.extui %eq3A_43 : i1 to i32
    %cond3A = arith.constant 0 : i32
    %cond3A_44 = arith.cmpi ne, %convert_element_type3A, %cond3A : i32
    scf.if %cond3A_44 {
      "tpu.region"() ({
        %run_scoped3A = tpu.sem_alloc : memref<!tpu.dma_semaphore, #tpu.memory_space<semaphore_mem>>
        %dma_start3A = arith.constant 0 : i32
        %dma_start3A_45 = arith.constant 0 : i32
        %dma_start3A_46 = tpu.memref_slice %arg6[%arg0, %dma_start3A, %dma_start3A_45] : memref<2x10000x64xf32, #tpu.memory_space<hbm>> -> memref<1x10000x64xf32, #tpu.memory_space<hbm>>
        %dma_start3A_47 = tpu.memref_squeeze %dma_start3A_46 : memref<1x10000x64xf32, #tpu.memory_space<hbm>> -> memref<10000x64xf32, #tpu.memory_space<hbm>>
        tpu.enqueue_dma source(%arg12 : memref<10000x64xf32, #tpu.memory_space<vmem_shared>>) target(%dma_start3A_47 : memref<10000x64xf32, #tpu.memory_space<hbm>>) target_semaphore(%run_scoped3A : memref<!tpu.dma_semaphore, #tpu.memory_space<semaphore_mem>>)
        %dma_wait3A = arith.constant 0 : i32
        %dma_wait3A_48 = arith.constant 0 : i32
        %dma_wait3A_49 = tpu.memref_slice %arg6[%arg0, %dma_wait3A, %dma_wait3A_48] : memref<2x10000x64xf32, #tpu.memory_space<hbm>> -> memref<1x10000x64xf32, #tpu.memory_space<hbm>>
        %dma_wait3A_50 = tpu.memref_squeeze %dma_wait3A_49 : memref<1x10000x64xf32, #tpu.memory_space<hbm>> -> memref<10000x64xf32, #tpu.memory_space<hbm>>
        tpu.wait_dma2 semaphore(%run_scoped3A : memref<!tpu.dma_semaphore, #tpu.memory_space<semaphore_mem>>) src(%arg12 : memref<10000x64xf32, #tpu.memory_space<vmem_shared>>) dst(%dma_wait3A_50 : memref<10000x64xf32, #tpu.memory_space<hbm>>)
        tpu.yield
      }) : () -> ()
    } else {
    }
    return
  }
}

#map = affine_map<(d0, d1) -> (0, 0)>
#map1 = affine_map<(d0, d1) -> (0)>
module attributes {stable_mosaic.version = 14 : i64} {
  func.func @k(%arg0: i32, %arg1: i32, %arg2: memref<10000x64xf32, #tpu.memory_space<hbm>>, %arg3: memref<10000x64xf32, #tpu.memory_space<hbm>>, %arg4: memref<160000x256xf32, #tpu.memory_space<hbm>>, %arg5: memref<160000xi32, #tpu.memory_space<hbm>>, %arg6: memref<160000xi32, #tpu.memory_space<hbm>>, %arg7: memref<160000x64xf32, #tpu.memory_space<hbm>>, %arg8: memref<128xi32, #tpu.memory_space<vmem>>, %arg9: memref<128xi32, #tpu.memory_space<vmem>>, %arg10: memref<128x64xf32, #tpu.memory_space<vmem>>, %arg11: memref<128x64xf32, #tpu.memory_space<vmem>>, %arg12: memref<128x64xf32, #tpu.memory_space<vmem>>, %arg13: memref<!tpu.dma_semaphore, #tpu.memory_space<semaphore_mem>>, %arg14: memref<!tpu.dma_semaphore, #tpu.memory_space<semaphore_mem>>) attributes {dimension_semantics = [#tpu.dimension_semantics<core_parallel>, #tpu.dimension_semantics<subcore_parallel>], iteration_bounds = array<i64: 2, 16>, scalar_prefetch = 0 : i64, scratch_operands = 7 : i64, tpu.core_type = #tpu.core_type<sc_vector_subcore>, window_params = [{transform_indices = #map}, {transform_indices = #map}, {transform_indices = #map}, {transform_indices = #map1}, {transform_indices = #map1}, {transform_indices = #map}]} {
    %mul3A = arith.constant 2 : i32
    %mul3A_0 = arith.muli %arg1, %mul3A : i32
    %add3A = arith.addi %mul3A_0, %arg0 : i32
    %scan3A = arith.constant 0 : i32
    %scan3A_1 = arith.constant 0 : i32
    %scan3A_2 = arith.constant 40 : i32
    %scan3A_3 = arith.addi %scan3A_1, %scan3A_2 : i32
    %scan3A_4 = arith.constant 1 : i32
    scf.for %scan3A_6 = %scan3A_1 to %scan3A_3 step %scan3A_4  : i32 {
      %mul3A_7 = arith.constant 32 : i32
      %mul3A_8 = arith.muli %scan3A_6, %mul3A_7 : i32
      %add3A_9 = arith.addi %add3A, %mul3A_8 : i32
      %lt3A = arith.constant 1250 : i32
      %lt3A_10 = arith.cmpi slt, %add3A_9, %lt3A : i32
      %convert_element_type3A = arith.extui %lt3A_10 : i1 to i32
      %cond3A = arith.constant 0 : i32
      %cond3A_11 = arith.cmpi ne, %convert_element_type3A, %cond3A : i32
      scf.if %cond3A_11 {
        %mul3A_12 = arith.constant 128 : i32
        %mul3A_13 = arith.muli %add3A_9, %mul3A_12 : i32
        "tpu.region"() ({
          %run_scoped3A = tpu.sem_alloc : memref<!tpu.dma_semaphore, #tpu.memory_space<semaphore_mem>>
          %dma_start3A_30 = tpu.memref_slice %arg5[%mul3A_13] : memref<160000xi32, #tpu.memory_space<hbm>> -> memref<128xi32, #tpu.memory_space<hbm>>
          %dma_start3A_31 = tpu.memref_slice %arg5[%mul3A_13] : memref<160000xi32, #tpu.memory_space<hbm>> -> memref<128xi32, #tpu.memory_space<hbm>>
          tpu.enqueue_dma source(%dma_start3A_31 : memref<128xi32, #tpu.memory_space<hbm>>) target(%arg8 : memref<128xi32, #tpu.memory_space<vmem>>) target_semaphore(%run_scoped3A : memref<!tpu.dma_semaphore, #tpu.memory_space<semaphore_mem>>)
          %dma_wait3A_32 = tpu.memref_slice %arg5[%mul3A_13] : memref<160000xi32, #tpu.memory_space<hbm>> -> memref<128xi32, #tpu.memory_space<hbm>>
          %dma_wait3A_33 = tpu.memref_slice %arg5[%mul3A_13] : memref<160000xi32, #tpu.memory_space<hbm>> -> memref<128xi32, #tpu.memory_space<hbm>>
          tpu.wait_dma2 semaphore(%run_scoped3A : memref<!tpu.dma_semaphore, #tpu.memory_space<semaphore_mem>>) src(%dma_wait3A_33 : memref<128xi32, #tpu.memory_space<hbm>>) dst(%arg8 : memref<128xi32, #tpu.memory_space<vmem>>)
          tpu.yield
        }) : () -> ()
        "tpu.region"() ({
          %run_scoped3A = tpu.sem_alloc : memref<!tpu.dma_semaphore, #tpu.memory_space<semaphore_mem>>
          %dma_start3A_30 = tpu.memref_slice %arg6[%mul3A_13] : memref<160000xi32, #tpu.memory_space<hbm>> -> memref<128xi32, #tpu.memory_space<hbm>>
          %dma_start3A_31 = tpu.memref_slice %arg6[%mul3A_13] : memref<160000xi32, #tpu.memory_space<hbm>> -> memref<128xi32, #tpu.memory_space<hbm>>
          tpu.enqueue_dma source(%dma_start3A_31 : memref<128xi32, #tpu.memory_space<hbm>>) target(%arg9 : memref<128xi32, #tpu.memory_space<vmem>>) target_semaphore(%run_scoped3A : memref<!tpu.dma_semaphore, #tpu.memory_space<semaphore_mem>>)
          %dma_wait3A_32 = tpu.memref_slice %arg6[%mul3A_13] : memref<160000xi32, #tpu.memory_space<hbm>> -> memref<128xi32, #tpu.memory_space<hbm>>
          %dma_wait3A_33 = tpu.memref_slice %arg6[%mul3A_13] : memref<160000xi32, #tpu.memory_space<hbm>> -> memref<128xi32, #tpu.memory_space<hbm>>
          tpu.wait_dma2 semaphore(%run_scoped3A : memref<!tpu.dma_semaphore, #tpu.memory_space<semaphore_mem>>) src(%dma_wait3A_33 : memref<128xi32, #tpu.memory_space<hbm>>) dst(%arg9 : memref<128xi32, #tpu.memory_space<vmem>>)
          tpu.yield
        }) : () -> ()
        %dma_start3A = arith.constant 0 : i32
        %dma_start3A_14 = arith.constant 0 : i32
        %dma_start3A_15 = tpu.memref_slice %arg2[%dma_start3A, %dma_start3A_14] : memref<10000x64xf32, #tpu.memory_space<hbm>> -> memref<10000x64xf32, #tpu.memory_space<hbm>>
        tpu.enqueue_indirect_dma source(%dma_start3A_15 : memref<10000x64xf32, #tpu.memory_space<hbm>>) target(%arg10 : memref<128x64xf32, #tpu.memory_space<vmem>>) offsets(%arg8 : memref<128xi32, #tpu.memory_space<vmem>>) semaphore(%arg13 : memref<!tpu.dma_semaphore, #tpu.memory_space<semaphore_mem>>)
        %dma_start3A_16 = arith.constant 0 : i32
        %dma_start3A_17 = arith.constant 0 : i32
        %dma_start3A_18 = tpu.memref_slice %arg3[%dma_start3A_16, %dma_start3A_17] : memref<10000x64xf32, #tpu.memory_space<hbm>> -> memref<10000x64xf32, #tpu.memory_space<hbm>>
        tpu.enqueue_indirect_dma source(%dma_start3A_18 : memref<10000x64xf32, #tpu.memory_space<hbm>>) target(%arg11 : memref<128x64xf32, #tpu.memory_space<vmem>>) offsets(%arg9 : memref<128xi32, #tpu.memory_space<vmem>>) semaphore(%arg14 : memref<!tpu.dma_semaphore, #tpu.memory_space<semaphore_mem>>)
        "tpu.region"() ({
          %run_scoped3A = tpu.sem_alloc : memref<!tpu.dma_semaphore, #tpu.memory_space<semaphore_mem>>
          %dma_start3A_30 = arith.constant 192 : i32
          %dma_start3A_31 = tpu.memref_slice %arg4[%mul3A_13, %dma_start3A_30] : memref<160000x256xf32, #tpu.memory_space<hbm>> -> memref<128x64xf32, #tpu.memory_space<hbm>>
          %dma_start3A_32 = arith.constant 192 : i32
          %dma_start3A_33 = tpu.memref_slice %arg4[%mul3A_13, %dma_start3A_32] : memref<160000x256xf32, #tpu.memory_space<hbm>> -> memref<128x64xf32, #tpu.memory_space<hbm>>
          tpu.enqueue_dma source(%dma_start3A_33 : memref<128x64xf32, #tpu.memory_space<hbm>>) target(%arg12 : memref<128x64xf32, #tpu.memory_space<vmem>>) target_semaphore(%run_scoped3A : memref<!tpu.dma_semaphore, #tpu.memory_space<semaphore_mem>>)
          %dma_wait3A_34 = arith.constant 192 : i32
          %dma_wait3A_35 = tpu.memref_slice %arg4[%mul3A_13, %dma_wait3A_34] : memref<160000x256xf32, #tpu.memory_space<hbm>> -> memref<128x64xf32, #tpu.memory_space<hbm>>
          %dma_wait3A_36 = arith.constant 192 : i32
          %dma_wait3A_37 = tpu.memref_slice %arg4[%mul3A_13, %dma_wait3A_36] : memref<160000x256xf32, #tpu.memory_space<hbm>> -> memref<128x64xf32, #tpu.memory_space<hbm>>
          tpu.wait_dma2 semaphore(%run_scoped3A : memref<!tpu.dma_semaphore, #tpu.memory_space<semaphore_mem>>) src(%dma_wait3A_37 : memref<128x64xf32, #tpu.memory_space<hbm>>) dst(%arg12 : memref<128x64xf32, #tpu.memory_space<vmem>>)
          tpu.yield
        }) : () -> ()
        %dma_wait3A = arith.constant 0 : i32
        %dma_wait3A_19 = arith.constant 0 : i32
        %dma_wait3A_20 = tpu.memref_slice %arg2[%dma_wait3A, %dma_wait3A_19] : memref<10000x64xf32, #tpu.memory_space<hbm>> -> memref<10000x64xf32, #tpu.memory_space<hbm>>
        tpu.wait_indirect_dma semaphore(%arg13 : memref<!tpu.dma_semaphore, #tpu.memory_space<semaphore_mem>>) src(%dma_wait3A_20 : memref<10000x64xf32, #tpu.memory_space<hbm>>) dst(%arg10 : memref<128x64xf32, #tpu.memory_space<vmem>>)
        %dma_wait3A_21 = arith.constant 0 : i32
        %dma_wait3A_22 = arith.constant 0 : i32
        %dma_wait3A_23 = tpu.memref_slice %arg3[%dma_wait3A_21, %dma_wait3A_22] : memref<10000x64xf32, #tpu.memory_space<hbm>> -> memref<10000x64xf32, #tpu.memory_space<hbm>>
        tpu.wait_indirect_dma semaphore(%arg14 : memref<!tpu.dma_semaphore, #tpu.memory_space<semaphore_mem>>) src(%dma_wait3A_23 : memref<10000x64xf32, #tpu.memory_space<hbm>>) dst(%arg11 : memref<128x64xf32, #tpu.memory_space<vmem>>)
        %scan3A_24 = arith.constant 0 : i32
        %scan3A_25 = arith.constant 0 : i32
        %scan3A_26 = arith.constant 128 : i32
        %scan3A_27 = arith.addi %scan3A_25, %scan3A_26 : i32
        %scan3A_28 = arith.constant 1 : i32
        scf.for %scan3A_30 = %scan3A_25 to %scan3A_27 step %scan3A_28  : i32 {
          %get3A = arith.index_cast %scan3A_30 : i32 to index
          %get3A_31 = arith.constant 0 : index
          %get3A_32 = tpu.vector_load %arg10[%get3A, %get3A_31] {strides = array<i32>} : memref<128x64xf32, #tpu.memory_space<vmem>>, vector<1x16xf32>,
          %get3A_33 = vector.shape_cast %get3A_32 : vector<1x16xf32> to vector<16xf32>
          %get3A_34 = arith.index_cast %scan3A_30 : i32 to index
          %get3A_35 = arith.constant 0 : index
          %get3A_36 = tpu.vector_load %arg11[%get3A_34, %get3A_35] {strides = array<i32>} : memref<128x64xf32, #tpu.memory_space<vmem>>, vector<1x16xf32>,
          %get3A_37 = vector.shape_cast %get3A_36 : vector<1x16xf32> to vector<16xf32>
          %add3A_38 = arith.addf %get3A_33, %get3A_37 : vector<16xf32>
          %get3A_39 = arith.index_cast %scan3A_30 : i32 to index
          %get3A_40 = arith.constant 0 : index
          %get3A_41 = tpu.vector_load %arg12[%get3A_39, %get3A_40] {strides = array<i32>} : memref<128x64xf32, #tpu.memory_space<vmem>>, vector<1x16xf32>,
          %get3A_42 = vector.shape_cast %get3A_41 : vector<1x16xf32> to vector<16xf32>
          %add3A_43 = arith.addf %add3A_38, %get3A_42 : vector<16xf32>
          %max3A = arith.constant 0.000000e+00 : f32
          %max3A_44 = vector.broadcast %max3A : f32 to vector<16xf32>
          %max3A_45 = arith.maximumf %add3A_43, %max3A_44 : vector<16xf32>
          %swap3A = arith.index_cast %scan3A_30 : i32 to index
          %swap3A_46 = arith.constant 0 : index
          %swap3A_47 = tpu.vector_load %arg10[%swap3A, %swap3A_46] {strides = array<i32>} : memref<128x64xf32, #tpu.memory_space<vmem>>, vector<1x16xf32>,
          %swap3A_48 = vector.shape_cast %swap3A_47 : vector<1x16xf32> to vector<16xf32>
          %swap3A_49 = vector.shape_cast %max3A_45 : vector<16xf32> to vector<1x16xf32>
          tpu.vector_store %arg10[%swap3A, %swap3A_46], %swap3A_49 {strides = array<i32>} : memref<128x64xf32, #tpu.memory_space<vmem>>, vector<1x16xf32>,
          %get3A_50 = arith.index_cast %scan3A_30 : i32 to index
          %get3A_51 = arith.constant 16 : index
          %get3A_52 = tpu.vector_load %arg10[%get3A_50, %get3A_51] {strides = array<i32>} : memref<128x64xf32, #tpu.memory_space<vmem>>, vector<1x16xf32>,
          %get3A_53 = vector.shape_cast %get3A_52 : vector<1x16xf32> to vector<16xf32>
          %get3A_54 = arith.index_cast %scan3A_30 : i32 to index
          %get3A_55 = arith.constant 16 : index
          %get3A_56 = tpu.vector_load %arg11[%get3A_54, %get3A_55] {strides = array<i32>} : memref<128x64xf32, #tpu.memory_space<vmem>>, vector<1x16xf32>,
          %get3A_57 = vector.shape_cast %get3A_56 : vector<1x16xf32> to vector<16xf32>
          %add3A_58 = arith.addf %get3A_53, %get3A_57 : vector<16xf32>
          %get3A_59 = arith.index_cast %scan3A_30 : i32 to index
          %get3A_60 = arith.constant 16 : index
          %get3A_61 = tpu.vector_load %arg12[%get3A_59, %get3A_60] {strides = array<i32>} : memref<128x64xf32, #tpu.memory_space<vmem>>, vector<1x16xf32>,
          %get3A_62 = vector.shape_cast %get3A_61 : vector<1x16xf32> to vector<16xf32>
          %add3A_63 = arith.addf %add3A_58, %get3A_62 : vector<16xf32>
          %max3A_64 = arith.constant 0.000000e+00 : f32
          %max3A_65 = vector.broadcast %max3A_64 : f32 to vector<16xf32>
          %max3A_66 = arith.maximumf %add3A_63, %max3A_65 : vector<16xf32>
          %swap3A_67 = arith.index_cast %scan3A_30 : i32 to index
          %swap3A_68 = arith.constant 16 : index
          %swap3A_69 = tpu.vector_load %arg10[%swap3A_67, %swap3A_68] {strides = array<i32>} : memref<128x64xf32, #tpu.memory_space<vmem>>, vector<1x16xf32>,
          %swap3A_70 = vector.shape_cast %swap3A_69 : vector<1x16xf32> to vector<16xf32>
          %swap3A_71 = vector.shape_cast %max3A_66 : vector<16xf32> to vector<1x16xf32>
          tpu.vector_store %arg10[%swap3A_67, %swap3A_68], %swap3A_71 {strides = array<i32>} : memref<128x64xf32, #tpu.memory_space<vmem>>, vector<1x16xf32>,
          %get3A_72 = arith.index_cast %scan3A_30 : i32 to index
          %get3A_73 = arith.constant 32 : index
          %get3A_74 = tpu.vector_load %arg10[%get3A_72, %get3A_73] {strides = array<i32>} : memref<128x64xf32, #tpu.memory_space<vmem>>, vector<1x16xf32>,
          %get3A_75 = vector.shape_cast %get3A_74 : vector<1x16xf32> to vector<16xf32>
          %get3A_76 = arith.index_cast %scan3A_30 : i32 to index
          %get3A_77 = arith.constant 32 : index
          %get3A_78 = tpu.vector_load %arg11[%get3A_76, %get3A_77] {strides = array<i32>} : memref<128x64xf32, #tpu.memory_space<vmem>>, vector<1x16xf32>,
          %get3A_79 = vector.shape_cast %get3A_78 : vector<1x16xf32> to vector<16xf32>
          %add3A_80 = arith.addf %get3A_75, %get3A_79 : vector<16xf32>
          %get3A_81 = arith.index_cast %scan3A_30 : i32 to index
          %get3A_82 = arith.constant 32 : index
          %get3A_83 = tpu.vector_load %arg12[%get3A_81, %get3A_82] {strides = array<i32>} : memref<128x64xf32, #tpu.memory_space<vmem>>, vector<1x16xf32>,
          %get3A_84 = vector.shape_cast %get3A_83 : vector<1x16xf32> to vector<16xf32>
          %add3A_85 = arith.addf %add3A_80, %get3A_84 : vector<16xf32>
          %max3A_86 = arith.constant 0.000000e+00 : f32
          %max3A_87 = vector.broadcast %max3A_86 : f32 to vector<16xf32>
          %max3A_88 = arith.maximumf %add3A_85, %max3A_87 : vector<16xf32>
          %swap3A_89 = arith.index_cast %scan3A_30 : i32 to index
          %swap3A_90 = arith.constant 32 : index
          %swap3A_91 = tpu.vector_load %arg10[%swap3A_89, %swap3A_90] {strides = array<i32>} : memref<128x64xf32, #tpu.memory_space<vmem>>, vector<1x16xf32>,
          %swap3A_92 = vector.shape_cast %swap3A_91 : vector<1x16xf32> to vector<16xf32>
          %swap3A_93 = vector.shape_cast %max3A_88 : vector<16xf32> to vector<1x16xf32>
          tpu.vector_store %arg10[%swap3A_89, %swap3A_90], %swap3A_93 {strides = array<i32>} : memref<128x64xf32, #tpu.memory_space<vmem>>, vector<1x16xf32>,
          %get3A_94 = arith.index_cast %scan3A_30 : i32 to index
          %get3A_95 = arith.constant 48 : index
          %get3A_96 = tpu.vector_load %arg10[%get3A_94, %get3A_95] {strides = array<i32>} : memref<128x64xf32, #tpu.memory_space<vmem>>, vector<1x16xf32>,
          %get3A_97 = vector.shape_cast %get3A_96 : vector<1x16xf32> to vector<16xf32>
          %get3A_98 = arith.index_cast %scan3A_30 : i32 to index
          %get3A_99 = arith.constant 48 : index
          %get3A_100 = tpu.vector_load %arg11[%get3A_98, %get3A_99] {strides = array<i32>} : memref<128x64xf32, #tpu.memory_space<vmem>>, vector<1x16xf32>,
          %get3A_101 = vector.shape_cast %get3A_100 : vector<1x16xf32> to vector<16xf32>
          %add3A_102 = arith.addf %get3A_97, %get3A_101 : vector<16xf32>
          %get3A_103 = arith.index_cast %scan3A_30 : i32 to index
          %get3A_104 = arith.constant 48 : index
          %get3A_105 = tpu.vector_load %arg12[%get3A_103, %get3A_104] {strides = array<i32>} : memref<128x64xf32, #tpu.memory_space<vmem>>, vector<1x16xf32>,
          %get3A_106 = vector.shape_cast %get3A_105 : vector<1x16xf32> to vector<16xf32>
          %add3A_107 = arith.addf %add3A_102, %get3A_106 : vector<16xf32>
          %max3A_108 = arith.constant 0.000000e+00 : f32
          %max3A_109 = vector.broadcast %max3A_108 : f32 to vector<16xf32>
          %max3A_110 = arith.maximumf %add3A_107, %max3A_109 : vector<16xf32>
          %swap3A_111 = arith.index_cast %scan3A_30 : i32 to index
          %swap3A_112 = arith.constant 48 : index
          %swap3A_113 = tpu.vector_load %arg10[%swap3A_111, %swap3A_112] {strides = array<i32>} : memref<128x64xf32, #tpu.memory_space<vmem>>, vector<1x16xf32>,
          %swap3A_114 = vector.shape_cast %swap3A_113 : vector<1x16xf32> to vector<16xf32>
          %swap3A_115 = vector.shape_cast %max3A_110 : vector<16xf32> to vector<1x16xf32>
          tpu.vector_store %arg10[%swap3A_111, %swap3A_112], %swap3A_115 {strides = array<i32>} : memref<128x64xf32, #tpu.memory_space<vmem>>, vector<1x16xf32>,
        }
        %scan3A_29 = arith.constant 128 : i32
        "tpu.region"() ({
          %run_scoped3A = tpu.sem_alloc : memref<!tpu.dma_semaphore, #tpu.memory_space<semaphore_mem>>
          %dma_start3A_30 = arith.constant 0 : i32
          %dma_start3A_31 = tpu.memref_slice %arg7[%mul3A_13, %dma_start3A_30] : memref<160000x64xf32, #tpu.memory_space<hbm>> -> memref<128x64xf32, #tpu.memory_space<hbm>>
          %dma_start3A_32 = arith.constant 0 : i32
          %dma_start3A_33 = tpu.memref_slice %arg7[%mul3A_13, %dma_start3A_32] : memref<160000x64xf32, #tpu.memory_space<hbm>> -> memref<128x64xf32, #tpu.memory_space<hbm>>
          tpu.enqueue_dma source(%arg10 : memref<128x64xf32, #tpu.memory_space<vmem>>) target(%dma_start3A_33 : memref<128x64xf32, #tpu.memory_space<hbm>>) target_semaphore(%run_scoped3A : memref<!tpu.dma_semaphore, #tpu.memory_space<semaphore_mem>>)
          %dma_wait3A_34 = arith.constant 0 : i32
          %dma_wait3A_35 = tpu.memref_slice %arg7[%mul3A_13, %dma_wait3A_34] : memref<160000x64xf32, #tpu.memory_space<hbm>> -> memref<128x64xf32, #tpu.memory_space<hbm>>
          %dma_wait3A_36 = arith.constant 0 : i32
          %dma_wait3A_37 = tpu.memref_slice %arg7[%mul3A_13, %dma_wait3A_36] : memref<160000x64xf32, #tpu.memory_space<hbm>> -> memref<128x64xf32, #tpu.memory_space<hbm>>
          tpu.wait_dma2 semaphore(%run_scoped3A : memref<!tpu.dma_semaphore, #tpu.memory_space<semaphore_mem>>) src(%arg10 : memref<128x64xf32, #tpu.memory_space<vmem>>) dst(%dma_wait3A_37 : memref<128x64xf32, #tpu.memory_space<hbm>>)
          tpu.yield
        }) : () -> ()
      } else {
      }
    }
    %scan3A_5 = arith.constant 40 : i32
    return
  }
}

module attributes {stable_mosaic.version = 14 : i64} {
  func.func @body(%arg0: i32, %arg1: memref<4000x16xf32, #tpu.memory_space<vmem>>, %arg2: memref<16x192xf32, #tpu.memory_space<vmem>>, %arg3: memref<4000x192xf32, #tpu.memory_space<vmem>>) attributes {dimension_semantics = [#tpu.dimension_semantics<arbitrary>], iteration_bounds = array<i64: 80>, scalar_prefetch = 0 : i64, scratch_operands = 0 : i64, tpu.core_type = #tpu.core_type<tc>, window_params = [{transform_indices = @transform_0, window_bounds = array<i64: 4000, 16>}, {pipeline_mode = #tpu.pipeline_mode<synchronous>, transform_indices = @transform_1, window_bounds = array<i64: 16, 192>}, {transform_indices = @transform_2, window_bounds = array<i64: 4000, 192>}]} {
    %get3A = arith.constant 0 : index
    %get3A_0 = arith.constant 0 : index
    %get3A_1 = vector.load %arg1[%get3A, %get3A_0] : memref<4000x16xf32, #tpu.memory_space<vmem>>, vector<4000x16xf32>
    %get3A_2 = arith.constant 0 : index
    %get3A_3 = arith.constant 0 : index
    %get3A_4 = vector.load %arg2[%get3A_2, %get3A_3] : memref<16x192xf32, #tpu.memory_space<vmem>>, vector<16x192xf32>
    %dot_general3A = arith.constant dense<0.000000e+00> : vector<4000x192xf32>
    %dot_general3A_5 = tpu.matmul %get3A_1, %get3A_4, %dot_general3A {dimension_numbers = #tpu.dot_dimension_numbers<[1], [0], [0], [1], [0, 0, 1, 1], [], []>, transpose_lhs_hint = false} : vector<4000x16xf32>, vector<16x192xf32>, vector<4000x192xf32> -> vector<4000x192xf32>
    %swap3A = arith.constant 0 : index
    %swap3A_6 = arith.constant 0 : index
    %swap3A_7 = vector.load %arg3[%swap3A, %swap3A_6] : memref<4000x192xf32, #tpu.memory_space<vmem>>, vector<4000x192xf32>
    tpu.vector_store %arg3[%swap3A, %swap3A_6], %dot_general3A_5 {strides = array<i32>} : memref<4000x192xf32, #tpu.memory_space<vmem>>, vector<4000x192xf32>,
    return
  }
  func.func @transform_0(%arg0: i32) -> (i32, i32) {
    %c0_i32 = arith.constant 0 : i32
    %c0_i32_0 = arith.constant 0 : i32
    return %arg0, %c0_i32 : i32, i32
  }
  func.func @transform_1(%arg0: i32) -> (i32, i32) {
    %c0_i32 = arith.constant 0 : i32
    %c0_i32_0 = arith.constant 0 : i32
    %c0_i32_1 = arith.constant 0 : i32
    return %c0_i32, %c0_i32_0 : i32, i32
  }
  func.func @transform_2(%arg0: i32) -> (i32, i32) {
    %c0_i32 = arith.constant 0 : i32
    %c0_i32_0 = arith.constant 0 : i32
    return %arg0, %c0_i32 : i32, i32
  }
}

module attributes {stable_mosaic.version = 14 : i64} {
  func.func @body(%arg0: memref<10000x128xf32, #tpu.memory_space<vmem>>, %arg1: memref<1x128xf32, #tpu.memory_space<vmem>>, %arg2: memref<1x128xf32, #tpu.memory_space<vmem>>, %arg3: memref<128x128xf32, #tpu.memory_space<vmem>>, %arg4: memref<1x128xf32, #tpu.memory_space<vmem>>, %arg5: memref<1x128xf32, #tpu.memory_space<vmem>>, %arg6: memref<1x128xf32, #tpu.memory_space<vmem>>, %arg7: memref<128x64xf32, #tpu.memory_space<vmem>>, %arg8: memref<1x64xf32, #tpu.memory_space<vmem>>, %arg9: memref<64x64xf32, #tpu.memory_space<vmem>>, %arg10: memref<1x64xf32, #tpu.memory_space<vmem>>, %arg11: memref<10000x64xf32, #tpu.memory_space<vmem>>, %arg12: memref<10000x64xf32, #tpu.memory_space<vmem>>) attributes {dimension_semantics = [], scalar_prefetch = 0 : i64, scratch_operands = 0 : i64, tpu.core_type = #tpu.core_type<tc>} {
    %get3A = arith.constant 0 : index
    %get3A_0 = arith.constant 0 : index
    %get3A_1 = vector.load %arg0[%get3A, %get3A_0] : memref<10000x128xf32, #tpu.memory_space<vmem>>, vector<10000x128xf32>
    %reduce_sum3A = arith.constant dense<0.000000e+00> : vector<128xf32>
    %reduce_sum3A_2 = vector.multi_reduction <add>, %get3A_1, %reduce_sum3A [0] : vector<10000x128xf32> to vector<128xf32>
    %broadcast_in_dim3A = vector.shape_cast %reduce_sum3A_2 : vector<128xf32> to vector<1x128xf32>
    %div3A = arith.constant 1.000000e+04 : f32
    %div3A_3 = vector.broadcast %div3A : f32 to vector<1x128xf32>
    %div3A_4 = arith.divf %broadcast_in_dim3A, %div3A_3 : vector<1x128xf32>
    %sub3A = vector.broadcast %div3A_4 : vector<1x128xf32> to vector<10000x128xf32>
    %sub3A_5 = arith.subf %get3A_1, %sub3A : vector<10000x128xf32>
    %sub3A_6 = vector.broadcast %div3A_4 : vector<1x128xf32> to vector<10000x128xf32>
    %sub3A_7 = arith.subf %get3A_1, %sub3A_6 : vector<10000x128xf32>
    %mul3A = arith.mulf %sub3A_5, %sub3A_7 : vector<10000x128xf32>
    %reduce_sum3A_8 = arith.constant dense<0.000000e+00> : vector<128xf32>
    %reduce_sum3A_9 = vector.multi_reduction <add>, %mul3A, %reduce_sum3A_8 [0] : vector<10000x128xf32> to vector<128xf32>
    %broadcast_in_dim3A_10 = vector.shape_cast %reduce_sum3A_9 : vector<128xf32> to vector<1x128xf32>
    %div3A_11 = arith.constant 1.000000e+04 : f32
    %div3A_12 = vector.broadcast %div3A_11 : f32 to vector<1x128xf32>
    %div3A_13 = arith.divf %broadcast_in_dim3A_10, %div3A_12 : vector<1x128xf32>
    %get3A_14 = arith.constant 0 : index
    %get3A_15 = arith.constant 0 : index
    %get3A_16 = vector.load %arg1[%get3A_14, %get3A_15] : memref<1x128xf32, #tpu.memory_space<vmem>>, vector<1x128xf32>
    %sub3A_17 = vector.broadcast %div3A_4 : vector<1x128xf32> to vector<10000x128xf32>
    %sub3A_18 = arith.subf %get3A_1, %sub3A_17 : vector<10000x128xf32>
    %mul3A_19 = vector.broadcast %get3A_16 : vector<1x128xf32> to vector<10000x128xf32>
    %mul3A_20 = arith.mulf %mul3A_19, %sub3A_18 : vector<10000x128xf32>
    %add3A = arith.constant 9.99999974E-6 : f32
    %add3A_21 = vector.broadcast %add3A : f32 to vector<1x128xf32>
    %add3A_22 = arith.addf %div3A_13, %add3A_21 : vector<1x128xf32>
    %sqrt3A = math.sqrt %add3A_22 : vector<1x128xf32>
    %div3A_23 = vector.broadcast %sqrt3A : vector<1x128xf32> to vector<10000x128xf32>
    %div3A_24 = arith.divf %mul3A_20, %div3A_23 : vector<10000x128xf32>
    %get3A_25 = arith.constant 0 : index
    %get3A_26 = arith.constant 0 : index
    %get3A_27 = vector.load %arg2[%get3A_25, %get3A_26] : memref<1x128xf32, #tpu.memory_space<vmem>>, vector<1x128xf32>
    %add3A_28 = vector.broadcast %get3A_27 : vector<1x128xf32> to vector<10000x128xf32>
    %add3A_29 = arith.addf %div3A_24, %add3A_28 : vector<10000x128xf32>
    %get3A_30 = arith.constant 0 : index
    %get3A_31 = arith.constant 0 : index
    %get3A_32 = vector.load %arg3[%get3A_30, %get3A_31] : memref<128x128xf32, #tpu.memory_space<vmem>>, vector<128x128xf32>
    %dot_general3A = arith.constant dense<0.000000e+00> : vector<10000x128xf32>
    %dot_general3A_33 = tpu.matmul %add3A_29, %get3A_32, %dot_general3A {dimension_numbers = #tpu.dot_dimension_numbers<[1], [0], [0], [1], [0, 0, 1, 1], [], []>, transpose_lhs_hint = false} : vector<10000x128xf32>, vector<128x128xf32>, vector<10000x128xf32> -> vector<10000x128xf32>
    %get3A_34 = arith.constant 0 : index
    %get3A_35 = arith.constant 0 : index
    %get3A_36 = vector.load %arg4[%get3A_34, %get3A_35] : memref<1x128xf32, #tpu.memory_space<vmem>>, vector<1x128xf32>
    %add3A_37 = vector.broadcast %get3A_36 : vector<1x128xf32> to vector<10000x128xf32>
    %add3A_38 = arith.addf %dot_general3A_33, %add3A_37 : vector<10000x128xf32>
    %max3A = arith.constant 0.000000e+00 : f32
    %max3A_39 = vector.broadcast %max3A : f32 to vector<10000x128xf32>
    %max3A_40 = arith.maximumf %add3A_38, %max3A_39 : vector<10000x128xf32>
    %reduce_sum3A_41 = arith.constant dense<0.000000e+00> : vector<128xf32>
    %reduce_sum3A_42 = vector.multi_reduction <add>, %max3A_40, %reduce_sum3A_41 [0] : vector<10000x128xf32> to vector<128xf32>
    %broadcast_in_dim3A_43 = vector.shape_cast %reduce_sum3A_42 : vector<128xf32> to vector<1x128xf32>
    %div3A_44 = arith.constant 1.000000e+04 : f32
    %div3A_45 = vector.broadcast %div3A_44 : f32 to vector<1x128xf32>
    %div3A_46 = arith.divf %broadcast_in_dim3A_43, %div3A_45 : vector<1x128xf32>
    %sub3A_47 = vector.broadcast %div3A_46 : vector<1x128xf32> to vector<10000x128xf32>
    %sub3A_48 = arith.subf %max3A_40, %sub3A_47 : vector<10000x128xf32>
    %sub3A_49 = vector.broadcast %div3A_46 : vector<1x128xf32> to vector<10000x128xf32>
    %sub3A_50 = arith.subf %max3A_40, %sub3A_49 : vector<10000x128xf32>
    %mul3A_51 = arith.mulf %sub3A_48, %sub3A_50 : vector<10000x128xf32>
    %reduce_sum3A_52 = arith.constant dense<0.000000e+00> : vector<128xf32>
    %reduce_sum3A_53 = vector.multi_reduction <add>, %mul3A_51, %reduce_sum3A_52 [0] : vector<10000x128xf32> to vector<128xf32>
    %broadcast_in_dim3A_54 = vector.shape_cast %reduce_sum3A_53 : vector<128xf32> to vector<1x128xf32>
    %div3A_55 = arith.constant 1.000000e+04 : f32
    %div3A_56 = vector.broadcast %div3A_55 : f32 to vector<1x128xf32>
    %div3A_57 = arith.divf %broadcast_in_dim3A_54, %div3A_56 : vector<1x128xf32>
    %get3A_58 = arith.constant 0 : index
    %get3A_59 = arith.constant 0 : index
    %get3A_60 = vector.load %arg5[%get3A_58, %get3A_59] : memref<1x128xf32, #tpu.memory_space<vmem>>, vector<1x128xf32>
    %sub3A_61 = vector.broadcast %div3A_46 : vector<1x128xf32> to vector<10000x128xf32>
    %sub3A_62 = arith.subf %max3A_40, %sub3A_61 : vector<10000x128xf32>
    %mul3A_63 = vector.broadcast %get3A_60 : vector<1x128xf32> to vector<10000x128xf32>
    %mul3A_64 = arith.mulf %mul3A_63, %sub3A_62 : vector<10000x128xf32>
    %add3A_65 = arith.constant 9.99999974E-6 : f32
    %add3A_66 = vector.broadcast %add3A_65 : f32 to vector<1x128xf32>
    %add3A_67 = arith.addf %div3A_57, %add3A_66 : vector<1x128xf32>
    %sqrt3A_68 = math.sqrt %add3A_67 : vector<1x128xf32>
    %div3A_69 = vector.broadcast %sqrt3A_68 : vector<1x128xf32> to vector<10000x128xf32>
    %div3A_70 = arith.divf %mul3A_64, %div3A_69 : vector<10000x128xf32>
    %get3A_71 = arith.constant 0 : index
    %get3A_72 = arith.constant 0 : index
    %get3A_73 = vector.load %arg6[%get3A_71, %get3A_72] : memref<1x128xf32, #tpu.memory_space<vmem>>, vector<1x128xf32>
    %add3A_74 = vector.broadcast %get3A_73 : vector<1x128xf32> to vector<10000x128xf32>
    %add3A_75 = arith.addf %div3A_70, %add3A_74 : vector<10000x128xf32>
    %get3A_76 = arith.constant 0 : index
    %get3A_77 = arith.constant 0 : index
    %get3A_78 = vector.load %arg7[%get3A_76, %get3A_77] : memref<128x64xf32, #tpu.memory_space<vmem>>, vector<128x64xf32>
    %dot_general3A_79 = arith.constant dense<0.000000e+00> : vector<10000x64xf32>
    %dot_general3A_80 = tpu.matmul %add3A_75, %get3A_78, %dot_general3A_79 {dimension_numbers = #tpu.dot_dimension_numbers<[1], [0], [0], [1], [0, 0, 1, 1], [], []>, transpose_lhs_hint = false} : vector<10000x128xf32>, vector<128x64xf32>, vector<10000x64xf32> -> vector<10000x64xf32>
    %get3A_81 = arith.constant 0 : index
    %get3A_82 = arith.constant 0 : index
    %get3A_83 = vector.load %arg8[%get3A_81, %get3A_82] : memref<1x64xf32, #tpu.memory_space<vmem>>, vector<1x64xf32>
    %add3A_84 = vector.broadcast %get3A_83 : vector<1x64xf32> to vector<10000x64xf32>
    %add3A_85 = arith.addf %dot_general3A_80, %add3A_84 : vector<10000x64xf32>
    %max3A_86 = arith.constant 0.000000e+00 : f32
    %max3A_87 = vector.broadcast %max3A_86 : f32 to vector<10000x64xf32>
    %max3A_88 = arith.maximumf %add3A_85, %max3A_87 : vector<10000x64xf32>
    %swap3A = arith.constant 0 : index
    %swap3A_89 = arith.constant 0 : index
    %swap3A_90 = vector.load %arg11[%swap3A, %swap3A_89] : memref<10000x64xf32, #tpu.memory_space<vmem>>, vector<10000x64xf32>
    tpu.vector_store %arg11[%swap3A, %swap3A_89], %max3A_88 {strides = array<i32>} : memref<10000x64xf32, #tpu.memory_space<vmem>>, vector<10000x64xf32>,
    %get3A_91 = arith.constant 0 : index
    %get3A_92 = arith.constant 0 : index
    %get3A_93 = vector.load %arg9[%get3A_91, %get3A_92] : memref<64x64xf32, #tpu.memory_space<vmem>>, vector<64x64xf32>
    %dot_general3A_94 = arith.constant dense<0.000000e+00> : vector<10000x64xf32>
    %dot_general3A_95 = tpu.matmul %max3A_88, %get3A_93, %dot_general3A_94 {dimension_numbers = #tpu.dot_dimension_numbers<[1], [0], [0], [1], [0, 0, 1, 1], [], []>, transpose_lhs_hint = false} : vector<10000x64xf32>, vector<64x64xf32>, vector<10000x64xf32> -> vector<10000x64xf32>
    %get3A_96 = arith.constant 0 : index
    %get3A_97 = arith.constant 0 : index
    %get3A_98 = vector.load %arg10[%get3A_96, %get3A_97] : memref<1x64xf32, #tpu.memory_space<vmem>>, vector<1x64xf32>
    %add3A_99 = vector.broadcast %get3A_98 : vector<1x64xf32> to vector<10000x64xf32>
    %add3A_100 = arith.addf %dot_general3A_95, %add3A_99 : vector<10000x64xf32>
    %swap3A_101 = arith.constant 0 : index
    %swap3A_102 = arith.constant 0 : index
    %swap3A_103 = vector.load %arg12[%swap3A_101, %swap3A_102] : memref<10000x64xf32, #tpu.memory_space<vmem>>, vector<10000x64xf32>
    tpu.vector_store %arg12[%swap3A_101, %swap3A_102], %add3A_100 {strides = array<i32>} : memref<10000x64xf32, #tpu.memory_space<vmem>>, vector<10000x64xf32>,
    return
  }
}

module attributes {stable_mosaic.version = 14 : i64} {
  func.func @body(%arg0: memref<10000x64xf32, #tpu.memory_space<vmem>>, %arg1: memref<2x10000x64xf32, #tpu.memory_space<vmem>>, %arg2: memref<64x64xf32, #tpu.memory_space<vmem>>, %arg3: memref<1x64xf32, #tpu.memory_space<vmem>>, %arg4: memref<64x64xf32, #tpu.memory_space<vmem>>, %arg5: memref<1x64xf32, #tpu.memory_space<vmem>>, %arg6: memref<10000x64xf32, #tpu.memory_space<vmem>>, %arg7: memref<10000x64xf32, #tpu.memory_space<vmem>>) attributes {dimension_semantics = [], scalar_prefetch = 0 : i64, scratch_operands = 0 : i64, tpu.core_type = #tpu.core_type<tc>} {
    %get3A = arith.constant 0 : index
    %get3A_0 = arith.constant 0 : index
    %get3A_1 = vector.load %arg0[%get3A, %get3A_0] : memref<10000x64xf32, #tpu.memory_space<vmem>>, vector<10000x64xf32>
    %get3A_2 = arith.constant 0 : index
    %get3A_3 = arith.constant 0 : index
    %get3A_4 = arith.constant 0 : index
    %get3A_5 = vector.load %arg1[%get3A_2, %get3A_3, %get3A_4] : memref<2x10000x64xf32, #tpu.memory_space<vmem>>, vector<1x10000x64xf32>
    %get3A_6 = vector.shape_cast %get3A_5 : vector<1x10000x64xf32> to vector<10000x64xf32>
    %get3A_7 = arith.constant 1 : index
    %get3A_8 = arith.constant 0 : index
    %get3A_9 = arith.constant 0 : index
    %get3A_10 = vector.load %arg1[%get3A_7, %get3A_8, %get3A_9] : memref<2x10000x64xf32, #tpu.memory_space<vmem>>, vector<1x10000x64xf32>
    %get3A_11 = vector.shape_cast %get3A_10 : vector<1x10000x64xf32> to vector<10000x64xf32>
    %add3A = arith.addf %get3A_6, %get3A_11 : vector<10000x64xf32>
    %get3A_12 = arith.constant 0 : index
    %get3A_13 = arith.constant 0 : index
    %get3A_14 = vector.load %arg2[%get3A_12, %get3A_13] : memref<64x64xf32, #tpu.memory_space<vmem>>, vector<64x64xf32>
    %dot_general3A = arith.constant dense<0.000000e+00> : vector<10000x64xf32>
    %dot_general3A_15 = tpu.matmul %get3A_1, %get3A_14, %dot_general3A {dimension_numbers = #tpu.dot_dimension_numbers<[1], [0], [0], [1], [0, 0, 1, 1], [], []>, transpose_lhs_hint = false} : vector<10000x64xf32>, vector<64x64xf32>, vector<10000x64xf32> -> vector<10000x64xf32>
    %get3A_16 = arith.constant 0 : index
    %get3A_17 = arith.constant 0 : index
    %get3A_18 = vector.load %arg3[%get3A_16, %get3A_17] : memref<1x64xf32, #tpu.memory_space<vmem>>, vector<1x64xf32>
    %add3A_19 = vector.broadcast %get3A_18 : vector<1x64xf32> to vector<10000x64xf32>
    %add3A_20 = arith.addf %dot_general3A_15, %add3A_19 : vector<10000x64xf32>
    %add3A_21 = arith.addf %add3A_20, %add3A : vector<10000x64xf32>
    %max3A = arith.constant 0.000000e+00 : f32
    %max3A_22 = vector.broadcast %max3A : f32 to vector<10000x64xf32>
    %max3A_23 = arith.maximumf %add3A_21, %max3A_22 : vector<10000x64xf32>
    %swap3A = arith.constant 0 : index
    %swap3A_24 = arith.constant 0 : index
    %swap3A_25 = vector.load %arg6[%swap3A, %swap3A_24] : memref<10000x64xf32, #tpu.memory_space<vmem>>, vector<10000x64xf32>
    tpu.vector_store %arg6[%swap3A, %swap3A_24], %max3A_23 {strides = array<i32>} : memref<10000x64xf32, #tpu.memory_space<vmem>>, vector<10000x64xf32>,
    %get3A_26 = arith.constant 0 : index
    %get3A_27 = arith.constant 0 : index
    %get3A_28 = vector.load %arg4[%get3A_26, %get3A_27] : memref<64x64xf32, #tpu.memory_space<vmem>>, vector<64x64xf32>
    %dot_general3A_29 = arith.constant dense<0.000000e+00> : vector<10000x64xf32>
    %dot_general3A_30 = tpu.matmul %max3A_23, %get3A_28, %dot_general3A_29 {dimension_numbers = #tpu.dot_dimension_numbers<[1], [0], [0], [1], [0, 0, 1, 1], [], []>, transpose_lhs_hint = false} : vector<10000x64xf32>, vector<64x64xf32>, vector<10000x64xf32> -> vector<10000x64xf32>
    %get3A_31 = arith.constant 0 : index
    %get3A_32 = arith.constant 0 : index
    %get3A_33 = vector.load %arg5[%get3A_31, %get3A_32] : memref<1x64xf32, #tpu.memory_space<vmem>>, vector<1x64xf32>
    %add3A_34 = vector.broadcast %get3A_33 : vector<1x64xf32> to vector<10000x64xf32>
    %add3A_35 = arith.addf %dot_general3A_30, %add3A_34 : vector<10000x64xf32>
    %swap3A_36 = arith.constant 0 : index
    %swap3A_37 = arith.constant 0 : index
    %swap3A_38 = vector.load %arg7[%swap3A_36, %swap3A_37] : memref<10000x64xf32, #tpu.memory_space<vmem>>, vector<10000x64xf32>
    tpu.vector_store %arg7[%swap3A_36, %swap3A_37], %add3A_35 {strides = array<i32>} : memref<10000x64xf32, #tpu.memory_space<vmem>>, vector<10000x64xf32>,
    return
  }
}

module attributes {stable_mosaic.version = 14 : i64} {
  func.func @body(%arg0: i32, %arg1: memref<4000x16xf32, #tpu.memory_space<vmem>>, %arg2: memref<16x256xf32, #tpu.memory_space<vmem>>, %arg3: memref<4000x256xf32, #tpu.memory_space<vmem>>) attributes {dimension_semantics = [#tpu.dimension_semantics<arbitrary>], iteration_bounds = array<i64: 40>, scalar_prefetch = 0 : i64, scratch_operands = 0 : i64, tpu.core_type = #tpu.core_type<tc>, window_params = [{transform_indices = @transform_0, window_bounds = array<i64: 4000, 16>}, {pipeline_mode = #tpu.pipeline_mode<synchronous>, transform_indices = @transform_1, window_bounds = array<i64: 16, 256>}, {transform_indices = @transform_2, window_bounds = array<i64: 4000, 256>}]} {
    %get3A = arith.constant 0 : index
    %get3A_0 = arith.constant 0 : index
    %get3A_1 = vector.load %arg1[%get3A, %get3A_0] : memref<4000x16xf32, #tpu.memory_space<vmem>>, vector<4000x16xf32>
    %get3A_2 = arith.constant 0 : index
    %get3A_3 = arith.constant 0 : index
    %get3A_4 = vector.load %arg2[%get3A_2, %get3A_3] : memref<16x256xf32, #tpu.memory_space<vmem>>, vector<16x256xf32>
    %dot_general3A = arith.constant dense<0.000000e+00> : vector<4000x256xf32>
    %dot_general3A_5 = tpu.matmul %get3A_1, %get3A_4, %dot_general3A {dimension_numbers = #tpu.dot_dimension_numbers<[1], [0], [0], [1], [0, 0, 1, 1], [], []>, transpose_lhs_hint = false} : vector<4000x16xf32>, vector<16x256xf32>, vector<4000x256xf32> -> vector<4000x256xf32>
    %swap3A = arith.constant 0 : index
    %swap3A_6 = arith.constant 0 : index
    %swap3A_7 = vector.load %arg3[%swap3A, %swap3A_6] : memref<4000x256xf32, #tpu.memory_space<vmem>>, vector<4000x256xf32>
    tpu.vector_store %arg3[%swap3A, %swap3A_6], %dot_general3A_5 {strides = array<i32>} : memref<4000x256xf32, #tpu.memory_space<vmem>>, vector<4000x256xf32>,
    return
  }
  func.func @transform_0(%arg0: i32) -> (i32, i32) {
    %c0_i32 = arith.constant 0 : i32
    %c0_i32_0 = arith.constant 0 : i32
    return %arg0, %c0_i32 : i32, i32
  }
  func.func @transform_1(%arg0: i32) -> (i32, i32) {
    %c0_i32 = arith.constant 0 : i32
    %c0_i32_0 = arith.constant 0 : i32
    %c0_i32_1 = arith.constant 0 : i32
    return %c0_i32, %c0_i32_0 : i32, i32
  }
  func.func @transform_2(%arg0: i32) -> (i32, i32) {
    %c0_i32 = arith.constant 0 : i32
    %c0_i32_0 = arith.constant 0 : i32
    return %arg0, %c0_i32 : i32, i32
  }
}

module attributes {stable_mosaic.version = 14 : i64} {
  func.func @body(%arg0: memref<10000x64xf32, #tpu.memory_space<vmem>>, %arg1: memref<2x10000x64xf32, #tpu.memory_space<vmem>>, %arg2: memref<64x64xf32, #tpu.memory_space<vmem>>, %arg3: memref<1x64xf32, #tpu.memory_space<vmem>>, %arg4: memref<64x64xf32, #tpu.memory_space<vmem>>, %arg5: memref<64x64xf32, #tpu.memory_space<vmem>>, %arg6: memref<1x64xf32, #tpu.memory_space<vmem>>, %arg7: memref<10000x64xf32, #tpu.memory_space<vmem>>, %arg8: memref<10000x64xf32, #tpu.memory_space<vmem>>) attributes {dimension_semantics = [], scalar_prefetch = 0 : i64, scratch_operands = 0 : i64, tpu.core_type = #tpu.core_type<tc>} {
    %get3A = arith.constant 0 : index
    %get3A_0 = arith.constant 0 : index
    %get3A_1 = vector.load %arg0[%get3A, %get3A_0] : memref<10000x64xf32, #tpu.memory_space<vmem>>, vector<10000x64xf32>
    %get3A_2 = arith.constant 0 : index
    %get3A_3 = arith.constant 0 : index
    %get3A_4 = arith.constant 0 : index
    %get3A_5 = vector.load %arg1[%get3A_2, %get3A_3, %get3A_4] : memref<2x10000x64xf32, #tpu.memory_space<vmem>>, vector<1x10000x64xf32>
    %get3A_6 = vector.shape_cast %get3A_5 : vector<1x10000x64xf32> to vector<10000x64xf32>
    %get3A_7 = arith.constant 1 : index
    %get3A_8 = arith.constant 0 : index
    %get3A_9 = arith.constant 0 : index
    %get3A_10 = vector.load %arg1[%get3A_7, %get3A_8, %get3A_9] : memref<2x10000x64xf32, #tpu.memory_space<vmem>>, vector<1x10000x64xf32>
    %get3A_11 = vector.shape_cast %get3A_10 : vector<1x10000x64xf32> to vector<10000x64xf32>
    %add3A = arith.addf %get3A_6, %get3A_11 : vector<10000x64xf32>
    %get3A_12 = arith.constant 0 : index
    %get3A_13 = arith.constant 0 : index
    %get3A_14 = vector.load %arg2[%get3A_12, %get3A_13] : memref<64x64xf32, #tpu.memory_space<vmem>>, vector<64x64xf32>
    %dot_general3A = arith.constant dense<0.000000e+00> : vector<10000x64xf32>
    %dot_general3A_15 = tpu.matmul %get3A_1, %get3A_14, %dot_general3A {dimension_numbers = #tpu.dot_dimension_numbers<[1], [0], [0], [1], [0, 0, 1, 1], [], []>, transpose_lhs_hint = false} : vector<10000x64xf32>, vector<64x64xf32>, vector<10000x64xf32> -> vector<10000x64xf32>
    %get3A_16 = arith.constant 0 : index
    %get3A_17 = arith.constant 0 : index
    %get3A_18 = vector.load %arg3[%get3A_16, %get3A_17] : memref<1x64xf32, #tpu.memory_space<vmem>>, vector<1x64xf32>
    %add3A_19 = vector.broadcast %get3A_18 : vector<1x64xf32> to vector<10000x64xf32>
    %add3A_20 = arith.addf %dot_general3A_15, %add3A_19 : vector<10000x64xf32>
    %add3A_21 = arith.addf %add3A_20, %add3A : vector<10000x64xf32>
    %max3A = arith.constant 0.000000e+00 : f32
    %max3A_22 = vector.broadcast %max3A : f32 to vector<10000x64xf32>
    %max3A_23 = arith.maximumf %add3A_21, %max3A_22 : vector<10000x64xf32>
    %get3A_24 = arith.constant 0 : index
    %get3A_25 = arith.constant 0 : index
    %get3A_26 = vector.load %arg4[%get3A_24, %get3A_25] : memref<64x64xf32, #tpu.memory_space<vmem>>, vector<64x64xf32>
    %dot_general3A_27 = arith.constant dense<0.000000e+00> : vector<10000x64xf32>
    %dot_general3A_28 = tpu.matmul %max3A_23, %get3A_26, %dot_general3A_27 {dimension_numbers = #tpu.dot_dimension_numbers<[1], [0], [0], [1], [0, 0, 1, 1], [], []>, transpose_lhs_hint = false} : vector<10000x64xf32>, vector<64x64xf32>, vector<10000x64xf32> -> vector<10000x64xf32>
    %get3A_29 = arith.constant 0 : index
    %get3A_30 = arith.constant 0 : index
    %get3A_31 = vector.load %arg6[%get3A_29, %get3A_30] : memref<1x64xf32, #tpu.memory_space<vmem>>, vector<1x64xf32>
    %add3A_32 = vector.broadcast %get3A_31 : vector<1x64xf32> to vector<10000x64xf32>
    %add3A_33 = arith.addf %dot_general3A_28, %add3A_32 : vector<10000x64xf32>
    %swap3A = arith.constant 0 : index
    %swap3A_34 = arith.constant 0 : index
    %swap3A_35 = vector.load %arg7[%swap3A, %swap3A_34] : memref<10000x64xf32, #tpu.memory_space<vmem>>, vector<10000x64xf32>
    tpu.vector_store %arg7[%swap3A, %swap3A_34], %add3A_33 {strides = array<i32>} : memref<10000x64xf32, #tpu.memory_space<vmem>>, vector<10000x64xf32>,
    %get3A_36 = arith.constant 0 : index
    %get3A_37 = arith.constant 0 : index
    %get3A_38 = vector.load %arg5[%get3A_36, %get3A_37] : memref<64x64xf32, #tpu.memory_space<vmem>>, vector<64x64xf32>
    %dot_general3A_39 = arith.constant dense<0.000000e+00> : vector<10000x64xf32>
    %dot_general3A_40 = tpu.matmul %max3A_23, %get3A_38, %dot_general3A_39 {dimension_numbers = #tpu.dot_dimension_numbers<[1], [0], [0], [1], [0, 0, 1, 1], [], []>, transpose_lhs_hint = false} : vector<10000x64xf32>, vector<64x64xf32>, vector<10000x64xf32> -> vector<10000x64xf32>
    %swap3A_41 = arith.constant 0 : index
    %swap3A_42 = arith.constant 0 : index
    %swap3A_43 = vector.load %arg8[%swap3A_41, %swap3A_42] : memref<10000x64xf32, #tpu.memory_space<vmem>>, vector<10000x64xf32>
    tpu.vector_store %arg8[%swap3A_41, %swap3A_42], %dot_general3A_40 {strides = array<i32>} : memref<10000x64xf32, #tpu.memory_space<vmem>>, vector<10000x64xf32>,
    return
  }
}

module attributes {stable_mosaic.version = 14 : i64} {
  func.func @body(%arg0: i32, %arg1: memref<4000x64xf32, #tpu.memory_space<vmem>>, %arg2: memref<64x1xf32, #tpu.memory_space<vmem>>, %arg3: memref<1x1xf32, #tpu.memory_space<vmem>>, %arg4: memref<4000x1xf32, #tpu.memory_space<vmem>>) attributes {dimension_semantics = [#tpu.dimension_semantics<arbitrary>], iteration_bounds = array<i64: 40>, scalar_prefetch = 0 : i64, scratch_operands = 0 : i64, tpu.core_type = #tpu.core_type<tc>, window_params = [{transform_indices = @transform_0, window_bounds = array<i64: 4000, 64>}, {pipeline_mode = #tpu.pipeline_mode<synchronous>, transform_indices = @transform_1, window_bounds = array<i64: 64, 1>}, {pipeline_mode = #tpu.pipeline_mode<synchronous>, transform_indices = @transform_2, window_bounds = array<i64: 1, 1>}, {transform_indices = @transform_3, window_bounds = array<i64: 4000, 1>}]} {
    %get3A = arith.constant 0 : index
    %get3A_0 = arith.constant 0 : index
    %get3A_1 = vector.load %arg1[%get3A, %get3A_0] : memref<4000x64xf32, #tpu.memory_space<vmem>>, vector<4000x64xf32>
    %get3A_2 = arith.constant 0 : index
    %get3A_3 = arith.constant 0 : index
    %get3A_4 = vector.load %arg2[%get3A_2, %get3A_3] : memref<64x1xf32, #tpu.memory_space<vmem>>, vector<64x1xf32>
    %dot_general3A = arith.constant dense<0.000000e+00> : vector<4000x1xf32>
    %dot_general3A_5 = tpu.matmul %get3A_1, %get3A_4, %dot_general3A {dimension_numbers = #tpu.dot_dimension_numbers<[1], [0], [0], [1], [0, 0, 1, 1], [], []>, transpose_lhs_hint = false} : vector<4000x64xf32>, vector<64x1xf32>, vector<4000x1xf32> -> vector<4000x1xf32>
    %get3A_6 = arith.constant 0 : index
    %get3A_7 = arith.constant 0 : index
    %get3A_8 = vector.load %arg3[%get3A_6, %get3A_7] : memref<1x1xf32, #tpu.memory_space<vmem>>, vector<1x1xf32>
    %add3A = vector.broadcast %get3A_8 : vector<1x1xf32> to vector<4000x1xf32>
    %add3A_9 = arith.addf %dot_general3A_5, %add3A : vector<4000x1xf32>
    %swap3A = arith.constant 0 : index
    %swap3A_10 = arith.constant 0 : index
    %swap3A_11 = vector.load %arg4[%swap3A, %swap3A_10] : memref<4000x1xf32, #tpu.memory_space<vmem>>, vector<4000x1xf32>
    tpu.vector_store %arg4[%swap3A, %swap3A_10], %add3A_9 {strides = array<i32>} : memref<4000x1xf32, #tpu.memory_space<vmem>>, vector<4000x1xf32>,
    return
  }
  func.func @transform_0(%arg0: i32) -> (i32, i32) {
    %c0_i32 = arith.constant 0 : i32
    %c0_i32_0 = arith.constant 0 : i32
    return %arg0, %c0_i32 : i32, i32
  }
  func.func @transform_1(%arg0: i32) -> (i32, i32) {
    %c0_i32 = arith.constant 0 : i32
    %c0_i32_0 = arith.constant 0 : i32
    %c0_i32_1 = arith.constant 0 : i32
    return %c0_i32, %c0_i32_0 : i32, i32
  }
  func.func @transform_2(%arg0: i32) -> (i32, i32) {
    %c0_i32 = arith.constant 0 : i32
    %c0_i32_0 = arith.constant 0 : i32
    %c0_i32_1 = arith.constant 0 : i32
    return %c0_i32, %c0_i32_0 : i32, i32
  }
  func.func @transform_3(%arg0: i32) -> (i32, i32) {
    %c0_i32 = arith.constant 0 : i32
    %c0_i32_0 = arith.constant 0 : i32
    return %arg0, %c0_i32 : i32, i32
  }
}

</mosaic_0001>

<sc_bundles>
// kernel: kernel.19.cloned.1.call-start
scs
__scs_entry_jumppad:
0x0: {  	(pc) =	sbr.rel $0x88, $3  }
0x1: {  	(tag) =	ssettag $0x0;
	lr =	simm.s32 $0x1  }
0x2: {  	[smem:$0x3F77] =	sst lr;
	_ =	strace $0xD0000000  }
0x3: {  	_ = 	snop  }
0x4: {  	_ = 	snop  }
0x5: {  	_ = 	snop  }
0x6: {  	_ = 	snop  }
0x7: {  	_ = 	snop  }
__scs_overlays_trampoline_lowered:
0x8: {  	[smem:$0x3F86] =	sst s0  }
0x9: {  	[smem:$0x3F87] =	sst s1  }
0xa: {  	[smem:$0x3F88] =	sst s2  }
0xb: {  	[smem:$0x3F89] =	sst s3  }
0xc: {  	[smem:$0x3F8A] =	sst s4  }
0xd: {  	[smem:$0x3F8B] =	sst s5  }
0xe: {  	[smem:$0x3F8C] =	sst s6  }
0xf: {  	[smem:$0x3F8D] =	sst s7  }
0x10: {  	[smem:$0x3F8E] =	sst s8  }
0x11: {  	[smem:$0x3F8F] =	sst s9;
	s0 =	simm.s32 @!p0 $0x0  }
0x12: {  	s1 =	sld [smem:$0x3F75];
	s0 =	simm.s32 @p0 $0x1  }
0x13: {  	[smem:$0x3F90] =	sst s0;
	s0 =	simm.s32 @!p1 $0x0  }
0x14: {  	s2 =	sld [smem:$0x3F74];
	s0 =	simm.s32 @p1 $0x1  }
0x15: {  	[smem:$0x3F91] =	sst s0;
	s0 =	simm.s32 @!p2 $0x0  }
0x16: {  	s3 =	sld [smem:$0x3FDB];
	s0 =	simm.s32 @p2 $0x1  }
0x17: {  	s4 =	simm.s32 $0x1BF5;
	[smem:$0x3F93] =	sst s0  }
0x18: {  	s0 =	sld [smem:$0x3F76];
	_ =	swait.ge [sflag:s4], $0x0  }
0x19: {  	s7 =	sld [smem:$0x3F77]  }
0x1a: {  	s8 =	sadd.s32 $0xFFFFE003, lr  }
0x1b: {  	s9 =	sadd.s32 $0xFFFFFEF7, lr;
	s5 =	simm.s32 $0xFFFFFFFF;
	p2 =	slt.u32 s8, $0xFFFFF086  }
0x1c: {  	p1 =	slt.u32 s9, $0xF7A;
	s5 =	simm.s32 @!p2 $0x0  }
0x1d: {  	s5 =	simm.s32 @p1 $0x1;
	p0 =	seq.s32 s7, s2  }
0x1e: {  	s7 =	smul.u32 @!p0 $0xF7A, s2;
	p2 =	seq.s32 @!p0 s5, $0x0  }
0x1f: {  	s9 =	smul.u32 $0xF7A, s1;
	s8 =	simm.s32 @!p0 $0x1BF5;
	p2 =	por !p2, p0  }
0x20: {  	[sflag:s8] =	ssyncset.s32 @!p0 $0xFFFFF086;
	s6 =	sadd.s32 @!p0 s3, s7;
	s7 =	simm.s32 @!p0 $0x108  }
0x21: {  	s3 =	sadd.s32 s3, s9;
	s6 =	sadd.s32 @!p0 $0x88, s6;
	s7 =	simm.s32 @p2 $0x1082  }
0x22: {  	[simem:s7], [sflag:s8] =	dma.local @!p0 [hbm:s6], $0xF7A  }
0x23: {  	s9 =	sor.u32 $0xD0000000, s2;
	s6 =	simm.s32 $0x108;
	_ =	swait.ge @!p0 [sflag:s8], $0x0  }
0x24: {  	s3 =	sadd.s32 $0x88, s3;
	s6 =	simm.s32 @!p1 $0x1082;
	[sflag:s4] =	ssyncset.s32 $0xFFFFF086  }
0x25: {  	[simem:s6], [sflag:s4] =	dma.local [hbm:s3], $0xF7A  }
0x26: {  	[smem:$0x3F77] =	sst s1;
	(tag) =	ssettag s2;
	_ =	strace s9  }
0x27: {  	s1 =	sld [smem:$0x3F87]  }
0x28: {  	s2 =	sld [smem:$0x3F88]  }
0x29: {  	s4 =	sld [smem:$0x3F8A]  }
0x2a: {  	p0 =	seq.s32 s5, $0x0;
	s5 =	sld [smem:$0x3F8B]  }
0x2b: {  	s6 =	sld [smem:$0x3F8C]  }
0x2c: {  	s7 =	sld [smem:$0x3F8D]  }
0x2d: {  	s3 =	simm.s32 $0x108;
	s8 =	sld [smem:$0x3F8E]  }
0x2e: {  	s3 =	simm.s32 @!p0 $0x1082;
	s9 =	sld [smem:$0x3F8F]  }
0x2f: {  	lr =	sadd.s32 s0, s3;
	s0 =	sld [smem:$0x3F86]  }
0x30: {  	s3 =	sld [smem:$0x3F89]  }
0x31: {  	[smem:$0x3F92] =	sst s10  }
0x32: {  	s10 =	sld [smem:$0x3F90];
	_ =	sdelay $0x3  }
0x33: {  	p0 =	seq.s32 s10, $0x1;
	s10 =	sld [smem:$0x3F92];
	_ =	sdelay $0x3  }
0x34: {  	[smem:$0x3F92] =	sst s10  }
0x35: {  	s10 =	sld [smem:$0x3F91];
	_ =	sdelay $0x3  }
0x36: {  	p1 =	seq.s32 s10, $0x1;
	s10 =	sld [smem:$0x3F92];
	_ =	sdelay $0x3  }
0x37: {  	[smem:$0x3F92] =	sst s10  }
0x38: {  	s10 =	sld [smem:$0x3F93]  }
0x39: {  	_ = 	snop;
	(pc) =	sbr.ind lr, $3  }
0x3a: {  	_ = 	snop  }
0x3b: {  	_ = 	snop  }
0x3c: {  	p2 =	seq.s32 s10, $0x1;
	s10 =	sld [smem:$0x3F92]  }
0x3d: {  	_ =	shalt  }
0x3e: {  	_ =	shalt  }
0x3f: {  	_ =	shalt  }
0x40: {  	_ =	shalt  }
0x41: {  	_ =	shalt  }
0x42: {  	_ =	shalt  }
0x43: {  	_ =	shalt  }
0x44: {  	_ =	shalt  }
0x45: {  	_ =	shalt  }
0x46: {  	_ =	shalt  }
0x47: {  	_ =	shalt  }
0x48: {  	_ =	shalt  }
0x49: {  	_ =	shalt  }
0x4a: {  	_ =	shalt  }
0x4b: {  	_ =	shalt  }
0x4c: {  	_ =	shalt  }
0x4d: {  	_ =	shalt  }
0x4e: {  	_ =	shalt  }
0x4f: {  	_ =	shalt  }
0x50: {  	_ =	shalt  }
0x51: {  	_ =	shalt  }
0x52: {  	_ =	shalt  }
0x53: {  	_ =	shalt  }
0x54: {  	_ =	shalt  }
0x55: {  	_ =	shalt  }
0x56: {  	_ =	shalt  }
0x57: {  	_ =	shalt  }
0x58: {  	_ =	shalt  }
0x59: {  	_ =	shalt  }
0x5a: {  	_ =	shalt  }
0x5b: {  	_ =	shalt  }
0x5c: {  	_ =	shalt  }
0x5d: {  	_ =	shalt  }
0x5e: {  	_ =	shalt  }
0x5f: {  	_ =	shalt  }
0x60: {  	_ =	shalt  }
0x61: {  	_ =	shalt  }
0x62: {  	_ =	shalt  }
0x63: {  	_ =	shalt  }
0x64: {  	_ =	shalt  }
0x65: {  	_ =	shalt  }
0x66: {  	_ =	shalt  }
0x67: {  	_ =	shalt  }
0x68: {  	_ =	shalt  }
0x69: {  	_ =	shalt  }
0x6a: {  	_ =	shalt  }
0x6b: {  	_ =	shalt  }
0x6c: {  	_ =	shalt  }
0x6d: {  	_ =	shalt  }
0x6e: {  	_ =	shalt  }
0x6f: {  	_ =	shalt  }
0x70: {  	_ =	shalt  }
0x71: {  	_ =	shalt  }
0x72: {  	_ =	shalt  }
0x73: {  	_ =	shalt  }
0x74: {  	_ =	shalt  }
0x75: {  	_ =	shalt  }
0x76: {  	_ =	shalt  }
0x77: {  	_ =	shalt  }
0x78: {  	_ =	shalt  }
0x79: {  	_ =	shalt  }
0x7a: {  	_ =	shalt  }
0x7b: {  	_ =	shalt  }
0x7c: {  	_ =	shalt  }
0x7d: {  	_ =	shalt  }
0x7e: {  	_ =	shalt  }
0x7f: {  	_ =	shalt  }
0x80: {  	_ =	shalt  }
0x81: {  	_ =	shalt  }
0x82: {  	_ =	shalt  }
0x83: {  	_ =	shalt  }
0x84: {  	_ =	shalt  }
0x85: {  	_ =	shalt  }
0x86: {  	_ =	shalt  }
0x87: {  	_ =	shalt  }
.Lfunc_end0:
.L_simem_size_0:
called_computation.1_lowered:
.L_overlay_start_0:
0x88: {  	s2 =	sld [smem:$0x3FD9]  }
0x89: {  	s3 =	sld [smem:$0x3FFE];
	_ =	sdelay $0x1  }
0x8a: {  	s1 =	srdreg.scid  }
0x8b: {  	s0 =	sand.u32 $0x1, s1  }
0x8c: {  	s16 =	sshll.u32 s0, $0xA;
	s2 =	sadd.s32 s3, s2  }
0x8d: {  	s2 =	sadd.s32 s2, s16  }
0x8e: {  	[smem:$0x3F9E] =	sst s2  }
0x8f: {  	_ = 	snop  }
0x90: {  	(tm) =	ssettm $0x1  }
0x91: {  	s17 =	sld [smem:$0x3FFB];
	_ =	sdelay $0x3  }
0x92: {  	_ =	strace s17  }
0x93: {  	s2 =	sld [smem:$0x3FFC];
	_ =	sdelay $0x3  }
0x94: {  	_ =	strace s2  }
0x95: {  	s2 =	sld [smem:$0x3FFD];
	_ =	sdelay $0x3  }
0x96: {  	_ =	strace s2  }
0x97: {  	_ =	strace $0x8FFFFFFF  }
0x98: {  	s18 =	sld [smem:$0x3FDB];
	_ =	sdelay $0x1  }
0x99: {  	s19 =	simm.s32 $_scs_section_size  }
0x9a: {  	s4 =	simm.s32 $_size__tile_overlayer_lowered;
	s5 =	simm.s32 $_tile_overlayer_lowered  }
0x9b: {  	s22 =	simm.s32 $0x1BFF;
	s21 =	sshll.u32 s5, $0x1;
	s2 =	sadd.s32 s19, s18  }
0x9c: {  	s6 =	simm.s32 $0x0;
	s20 =	sshll.u32 s4, $0x1;
	s4 =	sadd.s32 s21, s2  }
0x9d: {  	[timem:s6], [sflag:s22] =	dma.local [hbm:s4], s20  }
0x9e: {  	_ =	swait.ge [sflag:s22], s20  }
0x9f: {  	s3 =	ssub.s32 $0x0, s20;
	[sflag:s22] =	ssyncset.done $0x0  }
0xa0: {  	[sflag:s22] =	ssyncadd.s32 s3;
	_ =	sdelay $0x1  }
0xa1: {  	s23 =	simm.s32 $0x1B8B  }
0xa2: {  	_ =	swait.ge [sflag:s23], $0x1  }
0xa3: {  	[sflag:s23] =	ssyncset.done $0x0  }
0xa4: {  	s25 =	simm.s32 $0x1B8E;
	s24 =	sld [smem:$0x3FFE];
	[sflag:s23] =	ssyncadd.s32 $0xFFFFFFFF  }
0xa5: {  	s26 =	simm.s32 $execute0_lowered;
	[smem:$0x3FD2] =	sst s25  }
0xa6: {  	s4 =	sshll.u32 s26, $0x1;
	_ =	strace $0x80000046;
	[dreg:$0x1] =	wrdreg $0xFFFFFFFF  }
0xa7: {  	s28 =	simm.s32 $_size_execute0_lowered;
	s2 =	sadd.s32 s2, s4;
	[dreg:$0x0] =	wrdreg $0x0  }
0xa8: {  	s4 =	sshll.u32 s28, $0x1;
	[dreg:$0x2] =	wrdreg s2  }
0xa9: {  	[dreg:$0x3] =	wrdreg s4  }
0xaa: {  	[dreg:$0x4] =	wrdreg $0xC0  }
0xab: {  	_ =	task [dreg:s6], $0x5FFFF  }
0xac: {  	[dreg:$0x1] =	wrdreg $0xFFFFFFFF  }
0xad: {  	[dreg:$0x0] =	wrdreg $0x60  }
0xae: {  	[dreg:$0x2] =	wrdreg s24  }
0xaf: {  	[dreg:$0x3] =	wrdreg $0x61000  }
0xb0: {  	[dreg:$0x4] =	wrdreg $0x9  }
0xb1: {  	_ =	task.clear_ibuf [dreg:s6], $0x5FFFF;
	_ =	strace $0x90000046  }
0xb2: {  	s29 =	simm.s32 $0x9;
	_ =	strace $0x80000048  }
0xb3: {  	_ =	swait.ge [sflag:s29], $0x1  }
0xb4: {  	[sflag:s29] =	ssyncadd.s32 $0xFFFFFFFF  }
0xb5: {  	_ =	strace $0x90000048  }
0xb6: {  	_ =	sfence  }
0xb7: {  	s30 =	sld [smem:$0x0];
	_ =	sdelay $0x2  }
0xb8: {  	s31 =	sshll.u32 s1, $0xD;
	s1 =	sshrl.u32 s1, $0x2  }
0xb9: {  	s3 =	sand.u32 $0x4000, s31;
	s1 =	sadd.s32 s1, s30  }
0xba: {  	s0 =	sor.u32 s3, s0;
	s1 =	sshll.u32 s1, $0x11  }
0xbb: {  	s0 =	sor.u32 s1, s0  }
0xbc: {  	s0 =	sadd.s32 $0x8F2B, s0  }
0xbd: {  	[sflag:s0] =	ssyncadd.remote.s32 $0x1  }
0xbe: {  	_ =	sfence.sel $0xFFFF  }
0xbf: {  	[dreg:$0x0] =	wrdreg $0xFFFFFFFF;
	(pc) =	sbr.abs _section_cstart, $3  }
0xc0: {  	[dreg:$0x1] =	wrdreg $0xFFFFFFFF  }
0xc1: {  	_ =	task.clear_ibuf [dreg:s6], $0x2FFFF;
	_ =	strace $0x9FFFFFFF  }
0xc2: {  	(tm) =	ssettm $0x7FFFFFFF  }
0xc3: {  	_ =	shalt  }
tec
execute0_lowered:
.L_overlay_start_1:
0x0: {  	(tag) =	ssettag $0x1  }
0x1: {  	s8 =	rddreg [dreg:$0x0]  }
0x2: {  	s1 =	rddreg [dreg:$0x1]  }
0x3: {  	s0 =	rddreg [dreg:$0x2];
	s2 =	simm.s32 $0x0;
	s3 =	srdreg.scid  }
0x4: {  	s25 =	stileid.u32;
	s16 =	simm.s32 $0x4100;
	s17 =	simm.s32 $0x2  }
0x5: {  	s18 =	simm.s32 $0x3;
	s19 =	simm.s32 $0x80;
	s20 =	simm.s32 $0x100  }
0x6: {  	s21 =	simm.s32 $0x40;
	s22 =	simm.s32 $0xC0;
	s23 =	simm.s32 $0x2100  }
0x7: {  	s24 =	simm.s32 $0x1;
	s30 =	simm.s32 $0x0;
	[smem:$0x7FF] =	sst s2  }
0x8: {  	s3 =	sand.u32 $0x1, s3;
	s4 =	sadd.s32 $0x44E00, s8;
	s10 =	smul.u32 $0x271, s25  }
0x9: {  	s5 =	sadd.s32 $0xEC3C00, s8;
	s6 =	sadd.s32 $0x13E00, s8;
	s11 =	smul.u32 $0x27100, s25  }
0xa: {  	s7 =	sadd.s32 $0xA000, s8;
	p0 =	sne.s32 s25, $0x0;
	s28 =	ssub.s32 $0x2, s3  }
0xb: {  	s9 =	smul.u32 $0x13880, s3;
	_ =	strace $0x80000047;
	s29 =	sshrl.u32 s28, $0x1  }
.Ltmp0:
0xc: {  	s11 =	sshrl.u32 s11, $0x2;
	s10 =	smin.u32 s10, $0x2490;
	(pc) =	sbr.rel .LBB2_1-.Ltmp0, $4  }
0xd: {  	s14 =	sadd.s32 s9, s8;
	s15 =	ssub.s32 s28, s29;
	s8 =	sadd.s32 s11, s1  }
0xe: {  	s31 =	sshll.u32 s10, $0x6;
	s9 =	sshll.u32 s25, $0x1;
	s10 =	sadd.s32 $0x2000, s8  }
0xf: {  	s13 =	sadd.s32 s31, s1;
	s11 =	sadd.s32 $0x4000, s8;
	s12 =	sadd.s32 $0x6000, s8  }
0x10: {  	v0 =	vimm.f32 $0.0e+00;
	s14 =	sadd.s32 $0x58800, s14;
	s15 =	smax.u32 s15, $0x1;
	s13 =	sadd.s32 $0x8000, s13  }
.LBB2_9:
0x11: {  	[bflag:$0x0] =	sbarrier.arrive $0xFFFF  }
0x12: {  	s25 =	sshrl.u32 @!p0 s1, $0x3;
	s26 =	simm.s32 @!p0 $0x1C02;
	s2 =	sadd.s32 $0x1, s2  }
0x13: {  	[hbm:s14], [sflag:s26] =	dma.local @!p0 [spmem:s25], $0x13880  }
0x14: {  	p1 =	sne.s32 s2, s15  }
.Ltmp1:
0x15: {  	_ = 	snop;
	(pc) =	sbr.rel @!p1 .LBB2_10-.Ltmp1, $4  }
0x16: {  	s25 =	simm.s32 @!p0 $0x2  }
0x17: {  	_ =	swait.ge @!p0 [sflag:s25], $0x13880  }
0x18: {  	[sflag:s25] =	ssyncset.done @!p0 $0x0  }
0x19: {  	[sflag:s25] =	ssyncadd.s32 @!p0 $0xFFFEC780  }
.LBB2_1:
0x1a: {  	s26 =	simm.s32 $0x100;
	s25 =	simm.s32 $0x0  }
.LBB2_2:
0x1b: {  	p1 =	sne.s32 s26, $0x7F00;
	[tilespmem:s25+$0x4130] =	vst v0;
	s28 =	smov.u32 s26;
	s26 =	sadd.s32 $0x100, s26  }
.Ltmp2:
0x1c: {  	[tilespmem:s25+$0x4120] =	vst v0;
	(pc) =	sbr.rel @p1 .LBB2_2-.Ltmp2, $3  }
0x1d: {  	[tilespmem:s25+$0x4100] =	vst v0  }
0x1e: {  	[tilespmem:s25+$0x4110] =	vst v0;
	_ =	sdelay $0x1  }
0x1f: {  	s25 =	sshra.s32 s28, $0x2  }
0x20: {  	[tilespmem:s25+$0x4130] =	vst v0  }
0x21: {  	[tilespmem:s25+$0x4120] =	vst v0  }
0x22: {  	[tilespmem:s25+$0x4100] =	vst v0  }
0x23: {  	[tilespmem:s25+$0x4110] =	vst v0  }
0x24: {  	[spmem:s8] =	stream.linear.scatter [tilespmem:s16], [sflag:$0x2], $0x2000, $0x38;
	[tilespmem:$0xFD40] =	vst v63  }
0x25: {  	_ =	swait.ge [sflag:s17], $0x2000  }
0x26: {  	[sflag:s17] =	ssyncset.done $0x0  }
0x27: {  	[sflag:s17] =	ssyncadd.s32 $0xFFFFE000  }
0x28: {  	[spmem:s10] =	stream.linear.scatter [tilespmem:s16], [sflag:$0x2], $0x2000, $0x38;
	[tilespmem:$0xFD40] =	vst v63  }
0x29: {  	_ =	swait.ge [sflag:s17], $0x2000  }
0x2a: {  	[sflag:s17] =	ssyncset.done $0x0  }
0x2b: {  	[sflag:s17] =	ssyncadd.s32 $0xFFFFE000  }
0x2c: {  	[spmem:s11] =	stream.linear.scatter [tilespmem:s16], [sflag:$0x2], $0x2000, $0x38;
	[tilespmem:$0xFD40] =	vst v63  }
0x2d: {  	_ =	swait.ge [sflag:s17], $0x2000  }
0x2e: {  	[sflag:s17] =	ssyncset.done $0x0  }
0x2f: {  	[sflag:s17] =	ssyncadd.s32 $0xFFFFE000  }
0x30: {  	[spmem:s12] =	stream.linear.scatter [tilespmem:s16], [sflag:$0x2], $0x2000, $0x38;
	[tilespmem:$0xFD40] =	vst v63  }
0x31: {  	_ =	swait.ge [sflag:s17], $0x2000  }
0x32: {  	[sflag:s17] =	ssyncset.done $0x0  }
0x33: {  	[sflag:s17] =	ssyncadd.s32 $0xFFFFE000  }
0x34: {  	[spmem:s13] =	stream.linear.scatter [tilespmem:s16], [sflag:$0x2], $0x2000, $0x38;
	[tilespmem:$0xFD40] =	vst v63  }
.Ltmp3:
0x35: {  	_ =	swait.ge [sflag:s17], $0x2000;
	(pc) =	sbr.rel .LBB2_4-.Ltmp3, $4  }
0x36: {  	[sflag:s17] =	ssyncset.done $0x0  }
0x37: {  	[sflag:s17] =	ssyncadd.s32 $0xFFFFE000  }
0x38: {  	[bflag:$0x0] =	sbarrier.arrive $0xFFFF  }
0x39: {  	s25 =	simm.s32 $0x0  }
.LBB2_8:
0x3a: {  	s25 =	sadd.s32 $0x1, s25  }
0x3b: {  	p1 =	sne.s32 s25, $0x4F  }
.Ltmp4:
0x3c: {  	_ = 	snop;
	(pc) =	sbr.rel @!p1 .LBB2_9-.Ltmp4, $1  }
0x3d: {  	_ =	sdelay $0x3  }
.LBB2_4:
0x3e: {  	s26 =	sshll.u32 s25, $0x5  }
0x3f: {  	s26 =	sor.u32 s9, s26  }
0x40: {  	p1 =	sgt.u32 s26, $0x9C3  }
.Ltmp5:
0x41: {  	_ = 	snop;
	(pc) =	sbr.rel @p1 .LBB2_8-.Ltmp5, $1  }
0x42: {  	_ =	sdelay $0x3  }
0x43: {  	s26 =	sor.u32 s3, s26  }
0x44: {  	s28 =	sshll.u32 s26, $0x4  }
0x45: {  	s29 =	sadd.s32 s6, s28  }
0x46: {  	[tilespmem:s30], [sflag:$0x3] =	stream.linear.gather [hbm4b:s29+s30], $0x80, $0x38;
	[tilespmem:$0xFD40] =	vst v63  }
0x47: {  	_ =	swait.ge [sflag:s18], $0x80  }
0x48: {  	[sflag:s18] =	ssyncset.done $0x0  }
0x49: {  	s28 =	sadd.s32 s7, s28;
	[sflag:s18] =	ssyncadd.s32 $0xFFFFFF80  }
0x4a: {  	[tilespmem:s19], [sflag:$0x3] =	stream.linear.gather [hbm4b:s28+s30], $0x80, $0x38;
	[tilespmem:$0xFD40] =	vst v63  }
0x4b: {  	_ =	swait.ge [sflag:s18], $0x80  }
0x4c: {  	[sflag:s18] =	ssyncset.done $0x0  }
0x4d: {  	s26 =	smul.u32 $0xC00, s26;
	[sflag:s18] =	ssyncadd.s32 $0xFFFFFF80  }
0x4e: {  	[tilespmem:s20], [sflag:$0x1] =	stream.indirect.gather [hbm4b:s4+s19], $0x40, s30, s19, $0xb8;
	[tilespmem:$0xFD40] =	vst v63  }
0x4f: {  	s26 =	sadd.s32 s5, s26  }
0x50: {  	[tilespmem:s23], [sflag:$0x3] =	stream.strided.gather [hbm4b:s26+s21], $0x2000, s22, s21, $0x38;
	[tilespmem:$0xFD40] =	vst v63  }
0x51: {  	_ =	swait.ge [sflag:s18], $0x2000  }
0x52: {  	[sflag:s18] =	ssyncset.done $0x0  }
0x53: {  	[sflag:s18] =	ssyncadd.s32 $0xFFFFE000  }
0x54: {  	_ =	swait.ge [sflag:s24], $0x2000  }
0x55: {  	[sflag:s24] =	ssyncset.done $0x0  }
0x56: {  	s28 =	simm.s32 $0x0;
	[sflag:s24] =	ssyncadd.s32 $0xFFFFE000  }
0x57: {  	v3 =	vld [tilespmem:s28+$0x130]  }
0x58: {  	v4 =	vld [tilespmem:s28+$0x2130]  }
0x59: {  	v6 =	vld [tilespmem:s28+$0x100]  }
0x5a: {  	v7 =	vld [tilespmem:s28+$0x2100]  }
0x5b: {  	v2 =	vld [tilespmem:s28+$0x110]  }
0x5c: {  	v5 =	vld [tilespmem:s28+$0x2110]  }
0x5d: {  	v1 =	vld [tilespmem:s28+$0x120];
	v8 =	vadd.f32 v4, v3  }
0x5e: {  	s26 =	simm.s32 $0x40;
	v4 =	vld [tilespmem:s28+$0x2120]  }
0x5f: {  	s29 =	simm.s32 $0x200;
	v3 =	vld [tilespmem:s26+$0x130];
	v6 =	vadd.f32 v7, v6;
	v7 =	vmax.f32 v8, $0.0e+00  }
.LBB2_6:
0x60: {  	p1 =	sne.s32 s29, $0x7F00;
	v8 =	vld [tilespmem:s26+$0x2130];
	[tilespmem:s28+$0x4130] =	vst v7  }
0x61: {  	v7 =	vld [tilespmem:s26+$0x100];
	v6 =	vmax.f32 v6, $0.0e+00;
	v5 =	vadd.f32 v5, v2  }
0x62: {  	v9 =	vld [tilespmem:s26+$0x2100];
	[tilespmem:s28+$0x4100] =	vst v6  }
.Ltmp6:
0x63: {  	v2 =	vld [tilespmem:s26+$0x110];
	v6 =	vmax.f32 v5, $0.0e+00;
	v4 =	vadd.f32 v4, v1;
	(pc) =	sbr.rel @p1 .LBB2_6-.Ltmp6, $4  }
0x64: {  	v5 =	vld [tilespmem:s26+$0x2110];
	[tilespmem:s28+$0x4110] =	vst v6  }
0x65: {  	v1 =	vld [tilespmem:s26+$0x120];
	v8 =	vadd.f32 v8, v3;
	v3 =	vmax.f32 v4, $0.0e+00  }
0x66: {  	v4 =	vld [tilespmem:s26+$0x2120];
	[tilespmem:s28+$0x4120] =	vst v3;
	s28 =	smov.u32 s26;
	s26 =	sshra.s32 s29, $0x2  }
0x67: {  	s29 =	sadd.s32 $0x100, s29;
	v3 =	vld [tilespmem:s26+$0x130];
	v6 =	vadd.f32 v9, v7;
	v7 =	vmax.f32 v8, $0.0e+00  }
0x68: {  	v8 =	vld [tilespmem:s26+$0x2130];
	[tilespmem:s28+$0x4130] =	vst v7  }
0x69: {  	v7 =	vld [tilespmem:s26+$0x100];
	v6 =	vmax.f32 v6, $0.0e+00;
	v2 =	vadd.f32 v5, v2  }
0x6a: {  	v9 =	vld [tilespmem:s26+$0x2100];
	[tilespmem:s28+$0x4100] =	vst v6  }
0x6b: {  	v62 =	vld [tilespmem:s26+$0x110];
	v2 =	vmax.f32 v2, $0.0e+00  }
0x6c: {  	v6 =	vld [tilespmem:s26+$0x2110];
	[tilespmem:s28+$0x4110] =	vst v2  }
0x6d: {  	v2 =	vld [tilespmem:s26+$0x120]  }
0x6e: {  	v10 =	vld [tilespmem:s26+$0x2120]  }
0x6f: {  	v1 =	vadd.f32 v4, v1  }
0x70: {  	v3 =	vadd.f32 v8, v3  }
0x71: {  	v1 =	vmax.f32 v1, $0.0e+00;
	v63 =	vadd.f32 v9, v7  }
0x72: {  	[tilespmem:s28+$0x4120] =	vst v1;
	v1 =	vmax.f32 v3, $0.0e+00;
	v3 =	vadd.f32 v6, v62  }
0x73: {  	[tilespmem:s26+$0x4130] =	vst v1;
	v1 =	vmax.f32 v63, $0.0e+00;
	v2 =	vadd.f32 v10, v2  }
0x74: {  	[tilespmem:s26+$0x4100] =	vst v1;
	v1 =	vmax.f32 v3, $0.0e+00  }
0x75: {  	[tilespmem:s26+$0x4110] =	vst v1;
	v1 =	vmax.f32 v2, $0.0e+00  }
.Ltmp7:
0x76: {  	[tilespmem:s26+$0x4120] =	vst v1;
	(pc) =	sbr.rel .LBB2_8-.Ltmp7, $4  }
0x77: {  	[spmem:s1] =	stream.indirect.scatter.add.f32 [tilespmem:s16], [sflag:$0x2], $0x40, s19, s19, $0xb8;
	[tilespmem:$0xFD40] =	vst v63  }
0x78: {  	_ =	swait.ge [sflag:s17], $0x2000  }
0x79: {  	[sflag:s17] =	ssyncset.done $0x0  }
0x7a: {  	[sflag:s17] =	ssyncadd.s32 $0xFFFFE000  }
.LBB2_10:
0x7b: {  	_ =	sfence.sel $0x180000  }
0x7c: {  	[bflag:$0x0] =	sbarrier.arrive $0xFFFF  }
0x7d: {  	_ =	strace $0x90000047  }
0x7e: {  	s0 =	sadd.s32 @!p0 $0x100000, s0;
	[bflag:$0x2] =	sbarrier.arrive $0xFFFF  }
0x7f: {  	[sflag:s0] =	ssyncadd.tile.s32 @!p0 $0x1;
	_ =	shalt  }
.Lfunc_end2:
_tile_overlayer_lowered:
.L_overlay_start_2:
0x80: {  	(tag) =	ssettag $0x2  }
0x81: {  	s0 =	rddreg [dreg:$0x0];
	s2 =	stileid.u32  }
0x82: {  	s1 =	rddreg [dreg:$0x1];
	p0 =	sne.s32 s2, $0x0  }
0x83: {  	s3 =	rddreg [dreg:$0x2];
	[bflag:$0x3] =	sbarrier.arrive $0xFFFF;
	s2 =	simm.s32 @!p0 $0x1C02  }
0x84: {  	[timem:s3], [sflag:s2] =	dma.local @!p0 [hbm:s0], s1  }
0x85: {  	s0 =	simm.s32 @!p0 $0x2  }
0x86: {  	_ =	swait.ge @!p0 [sflag:s0], s1  }
0x87: {  	s1 =	ssub.s32 @!p0 $0x0, s1;
	[sflag:s0] =	ssyncset.done @!p0 $0x0  }
0x88: {  	[sflag:s0] =	ssyncadd.s32 @!p0 s1  }
0x89: {  	[bflag:$0x3] =	sbarrier.arrive $0xFFFF  }
0x8a: {  	_ =	shalt  }

// kernel: kernel.22.cloned.1.call-start
scs
__scs_entry_jumppad:
0x0: {  	(pc) =	sbr.rel $0x88, $3  }
0x1: {  	(tag) =	ssettag $0x0;
	lr =	simm.s32 $0x1  }
0x2: {  	[smem:$0x3F77] =	sst lr;
	_ =	strace $0xD0000000  }
0x3: {  	_ = 	snop  }
0x4: {  	_ = 	snop  }
0x5: {  	_ = 	snop  }
0x6: {  	_ = 	snop  }
0x7: {  	_ = 	snop  }
__scs_overlays_trampoline_lowered:
0x8: {  	[smem:$0x3F86] =	sst s0  }
0x9: {  	[smem:$0x3F87] =	sst s1  }
0xa: {  	[smem:$0x3F88] =	sst s2  }
0xb: {  	[smem:$0x3F89] =	sst s3  }
0xc: {  	[smem:$0x3F8A] =	sst s4  }
0xd: {  	[smem:$0x3F8B] =	sst s5  }
0xe: {  	[smem:$0x3F8C] =	sst s6  }
0xf: {  	[smem:$0x3F8D] =	sst s7  }
0x10: {  	[smem:$0x3F8E] =	sst s8  }
0x11: {  	[smem:$0x3F8F] =	sst s9;
	s0 =	simm.s32 @!p0 $0x0  }
0x12: {  	s1 =	sld [smem:$0x3F75];
	s0 =	simm.s32 @p0 $0x1  }
0x13: {  	[smem:$0x3F90] =	sst s0;
	s0 =	simm.s32 @!p1 $0x0  }
0x14: {  	s2 =	sld [smem:$0x3F74];
	s0 =	simm.s32 @p1 $0x1  }
0x15: {  	[smem:$0x3F91] =	sst s0;
	s0 =	simm.s32 @!p2 $0x0  }
0x16: {  	s3 =	sld [smem:$0x3FDB];
	s0 =	simm.s32 @p2 $0x1  }
0x17: {  	s4 =	simm.s32 $0x1BF5;
	[smem:$0x3F93] =	sst s0  }
0x18: {  	s0 =	sld [smem:$0x3F76];
	_ =	swait.ge [sflag:s4], $0x0  }
0x19: {  	s7 =	sld [smem:$0x3F77]  }
0x1a: {  	s8 =	sadd.s32 $0xFFFFE003, lr  }
0x1b: {  	s9 =	sadd.s32 $0xFFFFFEF7, lr;
	s5 =	simm.s32 $0xFFFFFFFF;
	p2 =	slt.u32 s8, $0xFFFFF086  }
0x1c: {  	p1 =	slt.u32 s9, $0xF7A;
	s5 =	simm.s32 @!p2 $0x0  }
0x1d: {  	s5 =	simm.s32 @p1 $0x1;
	p0 =	seq.s32 s7, s2  }
0x1e: {  	s7 =	smul.u32 @!p0 $0xF7A, s2;
	p2 =	seq.s32 @!p0 s5, $0x0  }
0x1f: {  	s9 =	smul.u32 $0xF7A, s1;
	s8 =	simm.s32 @!p0 $0x1BF5;
	p2 =	por !p2, p0  }
0x20: {  	[sflag:s8] =	ssyncset.s32 @!p0 $0xFFFFF086;
	s6 =	sadd.s32 @!p0 s3, s7;
	s7 =	simm.s32 @!p0 $0x108  }
0x21: {  	s3 =	sadd.s32 s3, s9;
	s6 =	sadd.s32 @!p0 $0x88, s6;
	s7 =	simm.s32 @p2 $0x1082  }
0x22: {  	[simem:s7], [sflag:s8] =	dma.local @!p0 [hbm:s6], $0xF7A  }
0x23: {  	s9 =	sor.u32 $0xD0000000, s2;
	s6 =	simm.s32 $0x108;
	_ =	swait.ge @!p0 [sflag:s8], $0x0  }
0x24: {  	s3 =	sadd.s32 $0x88, s3;
	s6 =	simm.s32 @!p1 $0x1082;
	[sflag:s4] =	ssyncset.s32 $0xFFFFF086  }
0x25: {  	[simem:s6], [sflag:s4] =	dma.local [hbm:s3], $0xF7A  }
0x26: {  	[smem:$0x3F77] =	sst s1;
	(tag) =	ssettag s2;
	_ =	strace s9  }
0x27: {  	s1 =	sld [smem:$0x3F87]  }
0x28: {  	s2 =	sld [smem:$0x3F88]  }
0x29: {  	s4 =	sld [smem:$0x3F8A]  }
0x2a: {  	p0 =	seq.s32 s5, $0x0;
	s5 =	sld [smem:$0x3F8B]  }
0x2b: {  	s6 =	sld [smem:$0x3F8C]  }
0x2c: {  	s7 =	sld [smem:$0x3F8D]  }
0x2d: {  	s3 =	simm.s32 $0x108;
	s8 =	sld [smem:$0x3F8E]  }
0x2e: {  	s3 =	simm.s32 @!p0 $0x1082;
	s9 =	sld [smem:$0x3F8F]  }
0x2f: {  	lr =	sadd.s32 s0, s3;
	s0 =	sld [smem:$0x3F86]  }
0x30: {  	s3 =	sld [smem:$0x3F89]  }
0x31: {  	[smem:$0x3F92] =	sst s10  }
0x32: {  	s10 =	sld [smem:$0x3F90];
	_ =	sdelay $0x3  }
0x33: {  	p0 =	seq.s32 s10, $0x1;
	s10 =	sld [smem:$0x3F92];
	_ =	sdelay $0x3  }
0x34: {  	[smem:$0x3F92] =	sst s10  }
0x35: {  	s10 =	sld [smem:$0x3F91];
	_ =	sdelay $0x3  }
0x36: {  	p1 =	seq.s32 s10, $0x1;
	s10 =	sld [smem:$0x3F92];
	_ =	sdelay $0x3  }
0x37: {  	[smem:$0x3F92] =	sst s10  }
0x38: {  	s10 =	sld [smem:$0x3F93]  }
0x39: {  	_ = 	snop;
	(pc) =	sbr.ind lr, $3  }
0x3a: {  	_ = 	snop  }
0x3b: {  	_ = 	snop  }
0x3c: {  	p2 =	seq.s32 s10, $0x1;
	s10 =	sld [smem:$0x3F92]  }
0x3d: {  	_ =	shalt  }
0x3e: {  	_ =	shalt  }
0x3f: {  	_ =	shalt  }
0x40: {  	_ =	shalt  }
0x41: {  	_ =	shalt  }
0x42: {  	_ =	shalt  }
0x43: {  	_ =	shalt  }
0x44: {  	_ =	shalt  }
0x45: {  	_ =	shalt  }
0x46: {  	_ =	shalt  }
0x47: {  	_ =	shalt  }
0x48: {  	_ =	shalt  }
0x49: {  	_ =	shalt  }
0x4a: {  	_ =	shalt  }
0x4b: {  	_ =	shalt  }
0x4c: {  	_ =	shalt  }
0x4d: {  	_ =	shalt  }
0x4e: {  	_ =	shalt  }
0x4f: {  	_ =	shalt  }
0x50: {  	_ =	shalt  }
0x51: {  	_ =	shalt  }
0x52: {  	_ =	shalt  }
0x53: {  	_ =	shalt  }
0x54: {  	_ =	shalt  }
0x55: {  	_ =	shalt  }
0x56: {  	_ =	shalt  }
0x57: {  	_ =	shalt  }
0x58: {  	_ =	shalt  }
0x59: {  	_ =	shalt  }
0x5a: {  	_ =	shalt  }
0x5b: {  	_ =	shalt  }
0x5c: {  	_ =	shalt  }
0x5d: {  	_ =	shalt  }
0x5e: {  	_ =	shalt  }
0x5f: {  	_ =	shalt  }
0x60: {  	_ =	shalt  }
0x61: {  	_ =	shalt  }
0x62: {  	_ =	shalt  }
0x63: {  	_ =	shalt  }
0x64: {  	_ =	shalt  }
0x65: {  	_ =	shalt  }
0x66: {  	_ =	shalt  }
0x67: {  	_ =	shalt  }
0x68: {  	_ =	shalt  }
0x69: {  	_ =	shalt  }
0x6a: {  	_ =	shalt  }
0x6b: {  	_ =	shalt  }
0x6c: {  	_ =	shalt  }
0x6d: {  	_ =	shalt  }
0x6e: {  	_ =	shalt  }
0x6f: {  	_ =	shalt  }
0x70: {  	_ =	shalt  }
0x71: {  	_ =	shalt  }
0x72: {  	_ =	shalt  }
0x73: {  	_ =	shalt  }
0x74: {  	_ =	shalt  }
0x75: {  	_ =	shalt  }
0x76: {  	_ =	shalt  }
0x77: {  	_ =	shalt  }
0x78: {  	_ =	shalt  }
0x79: {  	_ =	shalt  }
0x7a: {  	_ =	shalt  }
0x7b: {  	_ =	shalt  }
0x7c: {  	_ =	shalt  }
0x7d: {  	_ =	shalt  }
0x7e: {  	_ =	shalt  }
0x7f: {  	_ =	shalt  }
0x80: {  	_ =	shalt  }
0x81: {  	_ =	shalt  }
0x82: {  	_ =	shalt  }
0x83: {  	_ =	shalt  }
0x84: {  	_ =	shalt  }
0x85: {  	_ =	shalt  }
0x86: {  	_ =	shalt  }
0x87: {  	_ =	shalt  }
.Lfunc_end0:
.L_simem_size_0:
called_computation.2_lowered:
.L_overlay_start_0:
0x88: {  	s2 =	sld [smem:$0x3FD9]  }
0x89: {  	s3 =	sld [smem:$0x3FFE];
	_ =	sdelay $0x1  }
0x8a: {  	s1 =	srdreg.scid  }
0x8b: {  	s0 =	sand.u32 $0x1, s1  }
0x8c: {  	s16 =	sshll.u32 s0, $0xA;
	s2 =	sadd.s32 s3, s2  }
0x8d: {  	s2 =	sadd.s32 s2, s16  }
0x8e: {  	[smem:$0x3F9E] =	sst s2  }
0x8f: {  	_ = 	snop  }
0x90: {  	(tm) =	ssettm $0x1  }
0x91: {  	s17 =	sld [smem:$0x3FFB];
	_ =	sdelay $0x3  }
0x92: {  	_ =	strace s17  }
0x93: {  	s2 =	sld [smem:$0x3FFC];
	_ =	sdelay $0x3  }
0x94: {  	_ =	strace s2  }
0x95: {  	s2 =	sld [smem:$0x3FFD];
	_ =	sdelay $0x3  }
0x96: {  	_ =	strace s2  }
0x97: {  	_ =	strace $0x8FFFFFFF  }
0x98: {  	s18 =	sld [smem:$0x3FDB];
	_ =	sdelay $0x1  }
0x99: {  	s19 =	simm.s32 $_scs_section_size  }
0x9a: {  	s4 =	simm.s32 $_size__tile_overlayer_lowered;
	s5 =	simm.s32 $_tile_overlayer_lowered  }
0x9b: {  	s22 =	simm.s32 $0x1BFF;
	s21 =	sshll.u32 s5, $0x1;
	s2 =	sadd.s32 s19, s18  }
0x9c: {  	s6 =	simm.s32 $0x0;
	s20 =	sshll.u32 s4, $0x1;
	s4 =	sadd.s32 s21, s2  }
0x9d: {  	[timem:s6], [sflag:s22] =	dma.local [hbm:s4], s20  }
0x9e: {  	_ =	swait.ge [sflag:s22], s20  }
0x9f: {  	s3 =	ssub.s32 $0x0, s20;
	[sflag:s22] =	ssyncset.done $0x0  }
0xa0: {  	[sflag:s22] =	ssyncadd.s32 s3;
	_ =	sdelay $0x1  }
0xa1: {  	s23 =	simm.s32 $0x1B8B  }
0xa2: {  	_ =	swait.ge [sflag:s23], $0x1  }
0xa3: {  	[sflag:s23] =	ssyncset.done $0x0  }
0xa4: {  	s25 =	simm.s32 $0x1B8E;
	s24 =	sld [smem:$0x3FFE];
	[sflag:s23] =	ssyncadd.s32 $0xFFFFFFFF  }
0xa5: {  	s26 =	simm.s32 $execute0_lowered;
	[smem:$0x3FD2] =	sst s25  }
0xa6: {  	s4 =	sshll.u32 s26, $0x1;
	_ =	strace $0x80000049;
	[dreg:$0x1] =	wrdreg $0xFFFFFFFF  }
0xa7: {  	s28 =	simm.s32 $_size_execute0_lowered;
	s2 =	sadd.s32 s2, s4;
	[dreg:$0x0] =	wrdreg $0x0  }
0xa8: {  	s4 =	sshll.u32 s28, $0x1;
	[dreg:$0x2] =	wrdreg s2  }
0xa9: {  	[dreg:$0x3] =	wrdreg s4  }
0xaa: {  	[dreg:$0x4] =	wrdreg $0xC0  }
0xab: {  	_ =	task [dreg:s6], $0x5FFFF  }
0xac: {  	[dreg:$0x1] =	wrdreg $0xFFFFFFFF  }
0xad: {  	[dreg:$0x0] =	wrdreg $0x60  }
0xae: {  	[dreg:$0x2] =	wrdreg s24  }
0xaf: {  	[dreg:$0x3] =	wrdreg $0x61000  }
0xb0: {  	[dreg:$0x4] =	wrdreg $0x9  }
0xb1: {  	_ =	task.clear_ibuf [dreg:s6], $0x5FFFF;
	_ =	strace $0x90000049  }
0xb2: {  	s29 =	simm.s32 $0x9;
	_ =	strace $0x8000004B  }
0xb3: {  	_ =	swait.ge [sflag:s29], $0x1  }
0xb4: {  	[sflag:s29] =	ssyncadd.s32 $0xFFFFFFFF  }
0xb5: {  	_ =	strace $0x9000004B  }
0xb6: {  	_ =	sfence  }
0xb7: {  	s30 =	sld [smem:$0x0];
	_ =	sdelay $0x2  }
0xb8: {  	s31 =	sshll.u32 s1, $0xD;
	s1 =	sshrl.u32 s1, $0x2  }
0xb9: {  	s3 =	sand.u32 $0x4000, s31;
	s1 =	sadd.s32 s1, s30  }
0xba: {  	s0 =	sor.u32 s3, s0;
	s1 =	sshll.u32 s1, $0x11  }
0xbb: {  	s0 =	sor.u32 s1, s0  }
0xbc: {  	s0 =	sadd.s32 $0x8F2B, s0  }
0xbd: {  	[sflag:s0] =	ssyncadd.remote.s32 $0x1  }
0xbe: {  	_ =	sfence.sel $0xFFFF  }
0xbf: {  	[dreg:$0x0] =	wrdreg $0xFFFFFFFF;
	(pc) =	sbr.abs _section_cstart, $3  }
0xc0: {  	[dreg:$0x1] =	wrdreg $0xFFFFFFFF  }
0xc1: {  	_ =	task.clear_ibuf [dreg:s6], $0x2FFFF;
	_ =	strace $0x9FFFFFFF  }
0xc2: {  	(tm) =	ssettm $0x7FFFFFFF  }
0xc3: {  	_ =	shalt  }
tec
execute0_lowered:
.L_overlay_start_1:
0x0: {  	(tag) =	ssettag $0x1  }
0x1: {  	s13 =	rddreg [dreg:$0x0]  }
0x2: {  	s1 =	rddreg [dreg:$0x1]  }
0x3: {  	s0 =	rddreg [dreg:$0x2];
	s2 =	simm.s32 $0x0;
	s3 =	srdreg.scid  }
0x4: {  	s25 =	stileid.u32;
	s16 =	simm.s32 $0x4100;
	s17 =	simm.s32 $0x2  }
0x5: {  	s18 =	simm.s32 $0x3;
	s19 =	simm.s32 $0x80;
	s20 =	simm.s32 $0x100  }
0x6: {  	s21 =	simm.s32 $0x40;
	s22 =	simm.s32 $0xC0;
	s23 =	simm.s32 $0x2100  }
0x7: {  	s24 =	simm.s32 $0x1;
	s30 =	simm.s32 $0x0;
	[smem:$0x7FF] =	sst s2  }
0x8: {  	s3 =	sand.u32 $0x1, s3;
	s4 =	sadd.s32 $0x44E00, s13;
	s8 =	smul.u32 $0x271, s25  }
0x9: {  	s5 =	sadd.s32 $0x13E00, s13;
	s10 =	smul.u32 $0x27100, s25;
	s6 =	sadd.s32 $0xA000, s13  }
0xa: {  	p0 =	sne.s32 s25, $0x0;
	s7 =	smul.u32 $0x13880, s3;
	s9 =	ssub.s32 $0x2, s3  }
0xb: {  	_ =	strace $0x8000004A;
	s28 =	sshrl.u32 s9, $0x1;
	s29 =	sshrl.u32 s10, $0x2  }
.Ltmp0:
0xc: {  	s31 =	smin.u32 s8, $0x2490;
	s14 =	sadd.s32 s7, s13;
	(pc) =	sbr.rel .LBB2_1-.Ltmp0, $4  }
0xd: {  	s15 =	ssub.s32 s9, s28;
	s7 =	sshll.u32 s25, $0x1;
	s8 =	sadd.s32 s29, s1  }
0xe: {  	s11 =	sshll.u32 s31, $0x6;
	s13 =	sadd.s32 $0xEC3C08, s13;
	s9 =	sadd.s32 $0x2000, s8  }
0xf: {  	s10 =	sadd.s32 $0x4000, s8;
	s12 =	sadd.s32 s11, s1;
	s11 =	sadd.s32 $0x6000, s8  }
0x10: {  	v0 =	vimm.f32 $0.0e+00;
	s14 =	sadd.s32 $0x58800, s14;
	s15 =	smax.u32 s15, $0x1;
	s12 =	sadd.s32 $0x8000, s12  }
.LBB2_9:
0x11: {  	[bflag:$0x0] =	sbarrier.arrive $0xFFFF  }
0x12: {  	s25 =	sshrl.u32 @!p0 s1, $0x3;
	s26 =	simm.s32 @!p0 $0x1C02;
	s2 =	sadd.s32 $0x1, s2  }
0x13: {  	[hbm:s14], [sflag:s26] =	dma.local @!p0 [spmem:s25], $0x13880  }
0x14: {  	p1 =	sne.s32 s2, s15  }
.Ltmp1:
0x15: {  	_ = 	snop;
	(pc) =	sbr.rel @!p1 .LBB2_10-.Ltmp1, $4  }
0x16: {  	s25 =	simm.s32 @!p0 $0x2  }
0x17: {  	_ =	swait.ge @!p0 [sflag:s25], $0x13880  }
0x18: {  	[sflag:s25] =	ssyncset.done @!p0 $0x0  }
0x19: {  	[sflag:s25] =	ssyncadd.s32 @!p0 $0xFFFEC780  }
.LBB2_1:
0x1a: {  	s26 =	simm.s32 $0x100;
	s25 =	simm.s32 $0x0  }
.LBB2_2:
0x1b: {  	p1 =	sne.s32 s26, $0x7F00;
	[tilespmem:s25+$0x4130] =	vst v0;
	s28 =	smov.u32 s26;
	s26 =	sadd.s32 $0x100, s26  }
.Ltmp2:
0x1c: {  	[tilespmem:s25+$0x4120] =	vst v0;
	(pc) =	sbr.rel @p1 .LBB2_2-.Ltmp2, $3  }
0x1d: {  	[tilespmem:s25+$0x4100] =	vst v0  }
0x1e: {  	[tilespmem:s25+$0x4110] =	vst v0;
	_ =	sdelay $0x1  }
0x1f: {  	s25 =	sshra.s32 s28, $0x2  }
0x20: {  	[tilespmem:s25+$0x4130] =	vst v0  }
0x21: {  	[tilespmem:s25+$0x4120] =	vst v0  }
0x22: {  	[tilespmem:s25+$0x4100] =	vst v0  }
0x23: {  	[tilespmem:s25+$0x4110] =	vst v0  }
0x24: {  	[spmem:s8] =	stream.linear.scatter [tilespmem:s16], [sflag:$0x2], $0x2000, $0x38;
	[tilespmem:$0xFD40] =	vst v63  }
0x25: {  	_ =	swait.ge [sflag:s17], $0x2000  }
0x26: {  	[sflag:s17] =	ssyncset.done $0x0  }
0x27: {  	[sflag:s17] =	ssyncadd.s32 $0xFFFFE000  }
0x28: {  	[spmem:s9] =	stream.linear.scatter [tilespmem:s16], [sflag:$0x2], $0x2000, $0x38;
	[tilespmem:$0xFD40] =	vst v63  }
0x29: {  	_ =	swait.ge [sflag:s17], $0x2000  }
0x2a: {  	[sflag:s17] =	ssyncset.done $0x0  }
0x2b: {  	[sflag:s17] =	ssyncadd.s32 $0xFFFFE000  }
0x2c: {  	[spmem:s10] =	stream.linear.scatter [tilespmem:s16], [sflag:$0x2], $0x2000, $0x38;
	[tilespmem:$0xFD40] =	vst v63  }
0x2d: {  	_ =	swait.ge [sflag:s17], $0x2000  }
0x2e: {  	[sflag:s17] =	ssyncset.done $0x0  }
0x2f: {  	[sflag:s17] =	ssyncadd.s32 $0xFFFFE000  }
0x30: {  	[spmem:s11] =	stream.linear.scatter [tilespmem:s16], [sflag:$0x2], $0x2000, $0x38;
	[tilespmem:$0xFD40] =	vst v63  }
0x31: {  	_ =	swait.ge [sflag:s17], $0x2000  }
0x32: {  	[sflag:s17] =	ssyncset.done $0x0  }
0x33: {  	[sflag:s17] =	ssyncadd.s32 $0xFFFFE000  }
0x34: {  	[spmem:s12] =	stream.linear.scatter [tilespmem:s16], [sflag:$0x2], $0x2000, $0x38;
	[tilespmem:$0xFD40] =	vst v63  }
.Ltmp3:
0x35: {  	_ =	swait.ge [sflag:s17], $0x2000;
	(pc) =	sbr.rel .LBB2_4-.Ltmp3, $4  }
0x36: {  	[sflag:s17] =	ssyncset.done $0x0  }
0x37: {  	[sflag:s17] =	ssyncadd.s32 $0xFFFFE000  }
0x38: {  	[bflag:$0x0] =	sbarrier.arrive $0xFFFF  }
0x39: {  	s25 =	simm.s32 $0x0  }
.LBB2_8:
0x3a: {  	s25 =	sadd.s32 $0x1, s25  }
0x3b: {  	p1 =	sne.s32 s25, $0x4F  }
.Ltmp4:
0x3c: {  	_ = 	snop;
	(pc) =	sbr.rel @!p1 .LBB2_9-.Ltmp4, $1  }
0x3d: {  	_ =	sdelay $0x3  }
.LBB2_4:
0x3e: {  	s26 =	sshll.u32 s25, $0x5  }
0x3f: {  	s26 =	sor.u32 s7, s26  }
0x40: {  	p1 =	sgt.u32 s26, $0x9C3  }
.Ltmp5:
0x41: {  	_ = 	snop;
	(pc) =	sbr.rel @p1 .LBB2_8-.Ltmp5, $1  }
0x42: {  	_ =	sdelay $0x3  }
0x43: {  	s26 =	sor.u32 s3, s26  }
0x44: {  	s28 =	sshll.u32 s26, $0x4  }
0x45: {  	s29 =	sadd.s32 s5, s28  }
0x46: {  	[tilespmem:s30], [sflag:$0x3] =	stream.linear.gather [hbm4b:s29+s30], $0x80, $0x38;
	[tilespmem:$0xFD40] =	vst v63  }
0x47: {  	_ =	swait.ge [sflag:s18], $0x80  }
0x48: {  	[sflag:s18] =	ssyncset.done $0x0  }
0x49: {  	s28 =	sadd.s32 s6, s28;
	[sflag:s18] =	ssyncadd.s32 $0xFFFFFF80  }
0x4a: {  	[tilespmem:s19], [sflag:$0x3] =	stream.linear.gather [hbm4b:s28+s30], $0x80, $0x38;
	[tilespmem:$0xFD40] =	vst v63  }
0x4b: {  	_ =	swait.ge [sflag:s18], $0x80  }
0x4c: {  	[sflag:s18] =	ssyncset.done $0x0  }
0x4d: {  	s26 =	smul.u32 $0xC00, s26;
	[sflag:s18] =	ssyncadd.s32 $0xFFFFFF80  }
0x4e: {  	[tilespmem:s20], [sflag:$0x1] =	stream.indirect.gather [hbm4b:s4+s19], $0x40, s30, s19, $0xb8;
	[tilespmem:$0xFD40] =	vst v63  }
0x4f: {  	s26 =	sadd.s32 s26, s13  }
0x50: {  	[tilespmem:s23], [sflag:$0x3] =	stream.strided.gather [hbm4b:s26+s21], $0x2000, s22, s21, $0x38;
	[tilespmem:$0xFD40] =	vst v63  }
0x51: {  	_ =	swait.ge [sflag:s18], $0x2000  }
0x52: {  	[sflag:s18] =	ssyncset.done $0x0  }
0x53: {  	[sflag:s18] =	ssyncadd.s32 $0xFFFFE000  }
0x54: {  	_ =	swait.ge [sflag:s24], $0x2000  }
0x55: {  	[sflag:s24] =	ssyncset.done $0x0  }
0x56: {  	s28 =	simm.s32 $0x0;
	[sflag:s24] =	ssyncadd.s32 $0xFFFFE000  }
0x57: {  	v3 =	vld [tilespmem:s28+$0x130]  }
0x58: {  	v4 =	vld [tilespmem:s28+$0x2130]  }
0x59: {  	v6 =	vld [tilespmem:s28+$0x100]  }
0x5a: {  	v7 =	vld [tilespmem:s28+$0x2100]  }
0x5b: {  	v2 =	vld [tilespmem:s28+$0x110]  }
0x5c: {  	v5 =	vld [tilespmem:s28+$0x2110]  }
0x5d: {  	v1 =	vld [tilespmem:s28+$0x120];
	v8 =	vadd.f32 v4, v3  }
0x5e: {  	s26 =	simm.s32 $0x40;
	v4 =	vld [tilespmem:s28+$0x2120]  }
0x5f: {  	s29 =	simm.s32 $0x200;
	v3 =	vld [tilespmem:s26+$0x130];
	v6 =	vadd.f32 v7, v6;
	v7 =	vmax.f32 v8, $0.0e+00  }
.LBB2_6:
0x60: {  	p1 =	sne.s32 s29, $0x7F00;
	v8 =	vld [tilespmem:s26+$0x2130];
	[tilespmem:s28+$0x4130] =	vst v7  }
0x61: {  	v7 =	vld [tilespmem:s26+$0x100];
	v6 =	vmax.f32 v6, $0.0e+00;
	v5 =	vadd.f32 v5, v2  }
0x62: {  	v9 =	vld [tilespmem:s26+$0x2100];
	[tilespmem:s28+$0x4100] =	vst v6  }
.Ltmp6:
0x63: {  	v2 =	vld [tilespmem:s26+$0x110];
	v6 =	vmax.f32 v5, $0.0e+00;
	v4 =	vadd.f32 v4, v1;
	(pc) =	sbr.rel @p1 .LBB2_6-.Ltmp6, $4  }
0x64: {  	v5 =	vld [tilespmem:s26+$0x2110];
	[tilespmem:s28+$0x4110] =	vst v6  }
0x65: {  	v1 =	vld [tilespmem:s26+$0x120];
	v8 =	vadd.f32 v8, v3;
	v3 =	vmax.f32 v4, $0.0e+00  }
0x66: {  	v4 =	vld [tilespmem:s26+$0x2120];
	[tilespmem:s28+$0x4120] =	vst v3;
	s28 =	smov.u32 s26;
	s26 =	sshra.s32 s29, $0x2  }
0x67: {  	s29 =	sadd.s32 $0x100, s29;
	v3 =	vld [tilespmem:s26+$0x130];
	v6 =	vadd.f32 v9, v7;
	v7 =	vmax.f32 v8, $0.0e+00  }
0x68: {  	v8 =	vld [tilespmem:s26+$0x2130];
	[tilespmem:s28+$0x4130] =	vst v7  }
0x69: {  	v7 =	vld [tilespmem:s26+$0x100];
	v6 =	vmax.f32 v6, $0.0e+00;
	v2 =	vadd.f32 v5, v2  }
0x6a: {  	v9 =	vld [tilespmem:s26+$0x2100];
	[tilespmem:s28+$0x4100] =	vst v6  }
0x6b: {  	v62 =	vld [tilespmem:s26+$0x110];
	v2 =	vmax.f32 v2, $0.0e+00  }
0x6c: {  	v6 =	vld [tilespmem:s26+$0x2110];
	[tilespmem:s28+$0x4110] =	vst v2  }
0x6d: {  	v2 =	vld [tilespmem:s26+$0x120]  }
0x6e: {  	v10 =	vld [tilespmem:s26+$0x2120]  }
0x6f: {  	v1 =	vadd.f32 v4, v1  }
0x70: {  	v3 =	vadd.f32 v8, v3  }
0x71: {  	v1 =	vmax.f32 v1, $0.0e+00;
	v63 =	vadd.f32 v9, v7  }
0x72: {  	[tilespmem:s28+$0x4120] =	vst v1;
	v1 =	vmax.f32 v3, $0.0e+00;
	v3 =	vadd.f32 v6, v62  }
0x73: {  	[tilespmem:s26+$0x4130] =	vst v1;
	v1 =	vmax.f32 v63, $0.0e+00;
	v2 =	vadd.f32 v10, v2  }
0x74: {  	[tilespmem:s26+$0x4100] =	vst v1;
	v1 =	vmax.f32 v3, $0.0e+00  }
0x75: {  	[tilespmem:s26+$0x4110] =	vst v1;
	v1 =	vmax.f32 v2, $0.0e+00  }
.Ltmp7:
0x76: {  	[tilespmem:s26+$0x4120] =	vst v1;
	(pc) =	sbr.rel .LBB2_8-.Ltmp7, $4  }
0x77: {  	[spmem:s1] =	stream.indirect.scatter.add.f32 [tilespmem:s16], [sflag:$0x2], $0x40, s19, s19, $0xb8;
	[tilespmem:$0xFD40] =	vst v63  }
0x78: {  	_ =	swait.ge [sflag:s17], $0x2000  }
0x79: {  	[sflag:s17] =	ssyncset.done $0x0  }
0x7a: {  	[sflag:s17] =	ssyncadd.s32 $0xFFFFE000  }
.LBB2_10:
0x7b: {  	_ =	sfence.sel $0x180000  }
0x7c: {  	[bflag:$0x0] =	sbarrier.arrive $0xFFFF  }
0x7d: {  	_ =	strace $0x9000004A  }
0x7e: {  	s0 =	sadd.s32 @!p0 $0x100000, s0;
	[bflag:$0x2] =	sbarrier.arrive $0xFFFF  }
0x7f: {  	[sflag:s0] =	ssyncadd.tile.s32 @!p0 $0x1;
	_ =	shalt  }
.Lfunc_end2:
_tile_overlayer_lowered:
.L_overlay_start_2:
0x80: {  	(tag) =	ssettag $0x2  }
0x81: {  	s0 =	rddreg [dreg:$0x0];
	s2 =	stileid.u32  }
0x82: {  	s1 =	rddreg [dreg:$0x1];
	p0 =	sne.s32 s2, $0x0  }
0x83: {  	s3 =	rddreg [dreg:$0x2];
	[bflag:$0x3] =	sbarrier.arrive $0xFFFF;
	s2 =	simm.s32 @!p0 $0x1C02  }
0x84: {  	[timem:s3], [sflag:s2] =	dma.local @!p0 [hbm:s0], s1  }
0x85: {  	s0 =	simm.s32 @!p0 $0x2  }
0x86: {  	_ =	swait.ge @!p0 [sflag:s0], s1  }
0x87: {  	s1 =	ssub.s32 @!p0 $0x0, s1;
	[sflag:s0] =	ssyncset.done @!p0 $0x0  }
0x88: {  	[sflag:s0] =	ssyncadd.s32 @!p0 s1  }
0x89: {  	[bflag:$0x3] =	sbarrier.arrive $0xFFFF  }
0x8a: {  	_ =	shalt  }

// kernel: kernel.25.cloned.1.call-start
scs
__scs_entry_jumppad:
0x0: {  	(pc) =	sbr.rel $0x88, $3  }
0x1: {  	(tag) =	ssettag $0x0;
	lr =	simm.s32 $0x1  }
0x2: {  	[smem:$0x3F77] =	sst lr;
	_ =	strace $0xD0000000  }
0x3: {  	_ = 	snop  }
0x4: {  	_ = 	snop  }
0x5: {  	_ = 	snop  }
0x6: {  	_ = 	snop  }
0x7: {  	_ = 	snop  }
__scs_overlays_trampoline_lowered:
0x8: {  	[smem:$0x3F86] =	sst s0  }
0x9: {  	[smem:$0x3F87] =	sst s1  }
0xa: {  	[smem:$0x3F88] =	sst s2  }
0xb: {  	[smem:$0x3F89] =	sst s3  }
0xc: {  	[smem:$0x3F8A] =	sst s4  }
0xd: {  	[smem:$0x3F8B] =	sst s5  }
0xe: {  	[smem:$0x3F8C] =	sst s6  }
0xf: {  	[smem:$0x3F8D] =	sst s7  }
0x10: {  	[smem:$0x3F8E] =	sst s8  }
0x11: {  	[smem:$0x3F8F] =	sst s9;
	s0 =	simm.s32 @!p0 $0x0  }
0x12: {  	s1 =	sld [smem:$0x3F75];
	s0 =	simm.s32 @p0 $0x1  }
0x13: {  	[smem:$0x3F90] =	sst s0;
	s0 =	simm.s32 @!p1 $0x0  }
0x14: {  	s2 =	sld [smem:$0x3F74];
	s0 =	simm.s32 @p1 $0x1  }
0x15: {  	[smem:$0x3F91] =	sst s0;
	s0 =	simm.s32 @!p2 $0x0  }
0x16: {  	s3 =	sld [smem:$0x3FDB];
	s0 =	simm.s32 @p2 $0x1  }
0x17: {  	s4 =	simm.s32 $0x1BF5;
	[smem:$0x3F93] =	sst s0  }
0x18: {  	s0 =	sld [smem:$0x3F76];
	_ =	swait.ge [sflag:s4], $0x0  }
0x19: {  	s7 =	sld [smem:$0x3F77]  }
0x1a: {  	s8 =	sadd.s32 $0xFFFFE003, lr  }
0x1b: {  	s9 =	sadd.s32 $0xFFFFFEF7, lr;
	s5 =	simm.s32 $0xFFFFFFFF;
	p2 =	slt.u32 s8, $0xFFFFF086  }
0x1c: {  	p1 =	slt.u32 s9, $0xF7A;
	s5 =	simm.s32 @!p2 $0x0  }
0x1d: {  	s5 =	simm.s32 @p1 $0x1;
	p0 =	seq.s32 s7, s2  }
0x1e: {  	s7 =	smul.u32 @!p0 $0xF7A, s2;
	p2 =	seq.s32 @!p0 s5, $0x0  }
0x1f: {  	s9 =	smul.u32 $0xF7A, s1;
	s8 =	simm.s32 @!p0 $0x1BF5;
	p2 =	por !p2, p0  }
0x20: {  	[sflag:s8] =	ssyncset.s32 @!p0 $0xFFFFF086;
	s6 =	sadd.s32 @!p0 s3, s7;
	s7 =	simm.s32 @!p0 $0x108  }
0x21: {  	s3 =	sadd.s32 s3, s9;
	s6 =	sadd.s32 @!p0 $0x88, s6;
	s7 =	simm.s32 @p2 $0x1082  }
0x22: {  	[simem:s7], [sflag:s8] =	dma.local @!p0 [hbm:s6], $0xF7A  }
0x23: {  	s9 =	sor.u32 $0xD0000000, s2;
	s6 =	simm.s32 $0x108;
	_ =	swait.ge @!p0 [sflag:s8], $0x0  }
0x24: {  	s3 =	sadd.s32 $0x88, s3;
	s6 =	simm.s32 @!p1 $0x1082;
	[sflag:s4] =	ssyncset.s32 $0xFFFFF086  }
0x25: {  	[simem:s6], [sflag:s4] =	dma.local [hbm:s3], $0xF7A  }
0x26: {  	[smem:$0x3F77] =	sst s1;
	(tag) =	ssettag s2;
	_ =	strace s9  }
0x27: {  	s1 =	sld [smem:$0x3F87]  }
0x28: {  	s2 =	sld [smem:$0x3F88]  }
0x29: {  	s4 =	sld [smem:$0x3F8A]  }
0x2a: {  	p0 =	seq.s32 s5, $0x0;
	s5 =	sld [smem:$0x3F8B]  }
0x2b: {  	s6 =	sld [smem:$0x3F8C]  }
0x2c: {  	s7 =	sld [smem:$0x3F8D]  }
0x2d: {  	s3 =	simm.s32 $0x108;
	s8 =	sld [smem:$0x3F8E]  }
0x2e: {  	s3 =	simm.s32 @!p0 $0x1082;
	s9 =	sld [smem:$0x3F8F]  }
0x2f: {  	lr =	sadd.s32 s0, s3;
	s0 =	sld [smem:$0x3F86]  }
0x30: {  	s3 =	sld [smem:$0x3F89]  }
0x31: {  	[smem:$0x3F92] =	sst s10  }
0x32: {  	s10 =	sld [smem:$0x3F90];
	_ =	sdelay $0x3  }
0x33: {  	p0 =	seq.s32 s10, $0x1;
	s10 =	sld [smem:$0x3F92];
	_ =	sdelay $0x3  }
0x34: {  	[smem:$0x3F92] =	sst s10  }
0x35: {  	s10 =	sld [smem:$0x3F91];
	_ =	sdelay $0x3  }
0x36: {  	p1 =	seq.s32 s10, $0x1;
	s10 =	sld [smem:$0x3F92];
	_ =	sdelay $0x3  }
0x37: {  	[smem:$0x3F92] =	sst s10  }
0x38: {  	s10 =	sld [smem:$0x3F93]  }
0x39: {  	_ = 	snop;
	(pc) =	sbr.ind lr, $3  }
0x3a: {  	_ = 	snop  }
0x3b: {  	_ = 	snop  }
0x3c: {  	p2 =	seq.s32 s10, $0x1;
	s10 =	sld [smem:$0x3F92]  }
0x3d: {  	_ =	shalt  }
0x3e: {  	_ =	shalt  }
0x3f: {  	_ =	shalt  }
0x40: {  	_ =	shalt  }
0x41: {  	_ =	shalt  }
0x42: {  	_ =	shalt  }
0x43: {  	_ =	shalt  }
0x44: {  	_ =	shalt  }
0x45: {  	_ =	shalt  }
0x46: {  	_ =	shalt  }
0x47: {  	_ =	shalt  }
0x48: {  	_ =	shalt  }
0x49: {  	_ =	shalt  }
0x4a: {  	_ =	shalt  }
0x4b: {  	_ =	shalt  }
0x4c: {  	_ =	shalt  }
0x4d: {  	_ =	shalt  }
0x4e: {  	_ =	shalt  }
0x4f: {  	_ =	shalt  }
0x50: {  	_ =	shalt  }
0x51: {  	_ =	shalt  }
0x52: {  	_ =	shalt  }
0x53: {  	_ =	shalt  }
0x54: {  	_ =	shalt  }
0x55: {  	_ =	shalt  }
0x56: {  	_ =	shalt  }
0x57: {  	_ =	shalt  }
0x58: {  	_ =	shalt  }
0x59: {  	_ =	shalt  }
0x5a: {  	_ =	shalt  }
0x5b: {  	_ =	shalt  }
0x5c: {  	_ =	shalt  }
0x5d: {  	_ =	shalt  }
0x5e: {  	_ =	shalt  }
0x5f: {  	_ =	shalt  }
0x60: {  	_ =	shalt  }
0x61: {  	_ =	shalt  }
0x62: {  	_ =	shalt  }
0x63: {  	_ =	shalt  }
0x64: {  	_ =	shalt  }
0x65: {  	_ =	shalt  }
0x66: {  	_ =	shalt  }
0x67: {  	_ =	shalt  }
0x68: {  	_ =	shalt  }
0x69: {  	_ =	shalt  }
0x6a: {  	_ =	shalt  }
0x6b: {  	_ =	shalt  }
0x6c: {  	_ =	shalt  }
0x6d: {  	_ =	shalt  }
0x6e: {  	_ =	shalt  }
0x6f: {  	_ =	shalt  }
0x70: {  	_ =	shalt  }
0x71: {  	_ =	shalt  }
0x72: {  	_ =	shalt  }
0x73: {  	_ =	shalt  }
0x74: {  	_ =	shalt  }
0x75: {  	_ =	shalt  }
0x76: {  	_ =	shalt  }
0x77: {  	_ =	shalt  }
0x78: {  	_ =	shalt  }
0x79: {  	_ =	shalt  }
0x7a: {  	_ =	shalt  }
0x7b: {  	_ =	shalt  }
0x7c: {  	_ =	shalt  }
0x7d: {  	_ =	shalt  }
0x7e: {  	_ =	shalt  }
0x7f: {  	_ =	shalt  }
0x80: {  	_ =	shalt  }
0x81: {  	_ =	shalt  }
0x82: {  	_ =	shalt  }
0x83: {  	_ =	shalt  }
0x84: {  	_ =	shalt  }
0x85: {  	_ =	shalt  }
0x86: {  	_ =	shalt  }
0x87: {  	_ =	shalt  }
.Lfunc_end0:
.L_simem_size_0:
called_computation.3_lowered:
.L_overlay_start_0:
0x88: {  	s2 =	sld [smem:$0x3FD9]  }
0x89: {  	s3 =	sld [smem:$0x3FFE];
	_ =	sdelay $0x1  }
0x8a: {  	s1 =	srdreg.scid  }
0x8b: {  	s0 =	sand.u32 $0x1, s1  }
0x8c: {  	s16 =	sshll.u32 s0, $0xA;
	s2 =	sadd.s32 s3, s2  }
0x8d: {  	s2 =	sadd.s32 s2, s16  }
0x8e: {  	[smem:$0x3F9E] =	sst s2  }
0x8f: {  	_ = 	snop  }
0x90: {  	(tm) =	ssettm $0x1  }
0x91: {  	s17 =	sld [smem:$0x3FFB];
	_ =	sdelay $0x3  }
0x92: {  	_ =	strace s17  }
0x93: {  	s2 =	sld [smem:$0x3FFC];
	_ =	sdelay $0x3  }
0x94: {  	_ =	strace s2  }
0x95: {  	s2 =	sld [smem:$0x3FFD];
	_ =	sdelay $0x3  }
0x96: {  	_ =	strace s2  }
0x97: {  	_ =	strace $0x8FFFFFFF  }
0x98: {  	s18 =	sld [smem:$0x3FDB];
	_ =	sdelay $0x1  }
0x99: {  	s19 =	simm.s32 $_scs_section_size  }
0x9a: {  	s4 =	simm.s32 $_size__tile_overlayer_lowered;
	s5 =	simm.s32 $_tile_overlayer_lowered  }
0x9b: {  	s22 =	simm.s32 $0x1BFF;
	s21 =	sshll.u32 s5, $0x1;
	s2 =	sadd.s32 s19, s18  }
0x9c: {  	s6 =	simm.s32 $0x0;
	s20 =	sshll.u32 s4, $0x1;
	s4 =	sadd.s32 s21, s2  }
0x9d: {  	[timem:s6], [sflag:s22] =	dma.local [hbm:s4], s20  }
0x9e: {  	_ =	swait.ge [sflag:s22], s20  }
0x9f: {  	s3 =	ssub.s32 $0x0, s20;
	[sflag:s22] =	ssyncset.done $0x0  }
0xa0: {  	[sflag:s22] =	ssyncadd.s32 s3;
	_ =	sdelay $0x1  }
0xa1: {  	s23 =	simm.s32 $0x1B8B  }
0xa2: {  	_ =	swait.ge [sflag:s23], $0x1  }
0xa3: {  	[sflag:s23] =	ssyncset.done $0x0  }
0xa4: {  	s25 =	simm.s32 $0x1B8E;
	s24 =	sld [smem:$0x3FFE];
	[sflag:s23] =	ssyncadd.s32 $0xFFFFFFFF  }
0xa5: {  	s26 =	simm.s32 $execute0_lowered;
	[smem:$0x3FD2] =	sst s25  }
0xa6: {  	s4 =	sshll.u32 s26, $0x1;
	_ =	strace $0x8000004C;
	[dreg:$0x1] =	wrdreg $0xFFFFFFFF  }
0xa7: {  	s28 =	simm.s32 $_size_execute0_lowered;
	s2 =	sadd.s32 s2, s4;
	[dreg:$0x0] =	wrdreg $0x0  }
0xa8: {  	s4 =	sshll.u32 s28, $0x1;
	[dreg:$0x2] =	wrdreg s2  }
0xa9: {  	[dreg:$0x3] =	wrdreg s4  }
0xaa: {  	[dreg:$0x4] =	wrdreg $0xC0  }
0xab: {  	_ =	task [dreg:s6], $0x5FFFF  }
0xac: {  	[dreg:$0x1] =	wrdreg $0xFFFFFFFF  }
0xad: {  	[dreg:$0x0] =	wrdreg $0x60  }
0xae: {  	[dreg:$0x2] =	wrdreg s24  }
0xaf: {  	[dreg:$0x3] =	wrdreg $0x61000  }
0xb0: {  	[dreg:$0x4] =	wrdreg $0xA  }
0xb1: {  	_ =	task.clear_ibuf [dreg:s6], $0x5FFFF;
	_ =	strace $0x9000004C  }
0xb2: {  	s29 =	simm.s32 $0xA;
	_ =	strace $0x8000004E  }
0xb3: {  	_ =	swait.ge [sflag:s29], $0x1  }
0xb4: {  	[sflag:s29] =	ssyncadd.s32 $0xFFFFFFFF  }
0xb5: {  	_ =	strace $0x9000004E  }
0xb6: {  	_ =	sfence  }
0xb7: {  	s30 =	sld [smem:$0x0];
	_ =	sdelay $0x2  }
0xb8: {  	s31 =	sshll.u32 s1, $0xD;
	s1 =	sshrl.u32 s1, $0x2  }
0xb9: {  	s3 =	sand.u32 $0x4000, s31;
	s1 =	sadd.s32 s1, s30  }
0xba: {  	s0 =	sor.u32 s3, s0;
	s1 =	sshll.u32 s1, $0x11  }
0xbb: {  	s0 =	sor.u32 s1, s0  }
0xbc: {  	s0 =	sadd.s32 $0x8F2B, s0  }
0xbd: {  	[sflag:s0] =	ssyncadd.remote.s32 $0x1  }
0xbe: {  	_ =	sfence.sel $0xFFFF  }
0xbf: {  	[dreg:$0x0] =	wrdreg $0xFFFFFFFF;
	(pc) =	sbr.abs _section_cstart, $3  }
0xc0: {  	[dreg:$0x1] =	wrdreg $0xFFFFFFFF  }
0xc1: {  	_ =	task.clear_ibuf [dreg:s6], $0x2FFFF;
	_ =	strace $0x9FFFFFFF  }
0xc2: {  	(tm) =	ssettm $0x7FFFFFFF  }
0xc3: {  	_ =	shalt  }
tec
execute0_lowered:
.L_overlay_start_1:
0x0: {  	(tag) =	ssettag $0x1  }
0x1: {  	s13 =	rddreg [dreg:$0x0]  }
0x2: {  	s1 =	rddreg [dreg:$0x1]  }
0x3: {  	s0 =	rddreg [dreg:$0x2];
	s2 =	simm.s32 $0x0;
	s3 =	srdreg.scid  }
0x4: {  	s25 =	stileid.u32;
	s16 =	simm.s32 $0x4100;
	s17 =	simm.s32 $0x2  }
0x5: {  	s18 =	simm.s32 $0x3;
	s19 =	simm.s32 $0x80;
	s20 =	simm.s32 $0x100  }
0x6: {  	s21 =	simm.s32 $0x40;
	s22 =	simm.s32 $0xC0;
	s23 =	simm.s32 $0x2100  }
0x7: {  	s24 =	simm.s32 $0x1;
	s30 =	simm.s32 $0x0;
	[smem:$0x7FF] =	sst s2  }
0x8: {  	s3 =	sand.u32 $0x1, s3;
	s4 =	sadd.s32 $0x44E00, s13;
	s8 =	smul.u32 $0x271, s25  }
0x9: {  	s5 =	sadd.s32 $0x13E00, s13;
	s10 =	smul.u32 $0x27100, s25;
	s6 =	sadd.s32 $0xA000, s13  }
0xa: {  	p0 =	sne.s32 s25, $0x0;
	s7 =	smul.u32 $0x13880, s3;
	s9 =	ssub.s32 $0x2, s3  }
0xb: {  	_ =	strace $0x8000004D;
	s28 =	sshrl.u32 s9, $0x1;
	s29 =	sshrl.u32 s10, $0x2  }
.Ltmp0:
0xc: {  	s31 =	smin.u32 s8, $0x2490;
	s14 =	sadd.s32 s7, s13;
	(pc) =	sbr.rel .LBB2_1-.Ltmp0, $4  }
0xd: {  	s15 =	ssub.s32 s9, s28;
	s7 =	sshll.u32 s25, $0x1;
	s8 =	sadd.s32 s29, s1  }
0xe: {  	s11 =	sshll.u32 s31, $0x6;
	s13 =	sadd.s32 $0xEC3C10, s13;
	s9 =	sadd.s32 $0x2000, s8  }
0xf: {  	s10 =	sadd.s32 $0x4000, s8;
	s12 =	sadd.s32 s11, s1;
	s11 =	sadd.s32 $0x6000, s8  }
0x10: {  	v0 =	vimm.f32 $0.0e+00;
	s14 =	sadd.s32 $0x58800, s14;
	s15 =	smax.u32 s15, $0x1;
	s12 =	sadd.s32 $0x8000, s12  }
.LBB2_9:
0x11: {  	[bflag:$0x0] =	sbarrier.arrive $0xFFFF  }
0x12: {  	s25 =	sshrl.u32 @!p0 s1, $0x3;
	s26 =	simm.s32 @!p0 $0x1C02;
	s2 =	sadd.s32 $0x1, s2  }
0x13: {  	[hbm:s14], [sflag:s26] =	dma.local @!p0 [spmem:s25], $0x13880  }
0x14: {  	p1 =	sne.s32 s2, s15  }
.Ltmp1:
0x15: {  	_ = 	snop;
	(pc) =	sbr.rel @!p1 .LBB2_10-.Ltmp1, $4  }
0x16: {  	s25 =	simm.s32 @!p0 $0x2  }
0x17: {  	_ =	swait.ge @!p0 [sflag:s25], $0x13880  }
0x18: {  	[sflag:s25] =	ssyncset.done @!p0 $0x0  }
0x19: {  	[sflag:s25] =	ssyncadd.s32 @!p0 $0xFFFEC780  }
.LBB2_1:
0x1a: {  	s26 =	simm.s32 $0x100;
	s25 =	simm.s32 $0x0  }
.LBB2_2:
0x1b: {  	p1 =	sne.s32 s26, $0x7F00;
	[tilespmem:s25+$0x4130] =	vst v0;
	s28 =	smov.u32 s26;
	s26 =	sadd.s32 $0x100, s26  }
.Ltmp2:
0x1c: {  	[tilespmem:s25+$0x4120] =	vst v0;
	(pc) =	sbr.rel @p1 .LBB2_2-.Ltmp2, $3  }
0x1d: {  	[tilespmem:s25+$0x4100] =	vst v0  }
0x1e: {  	[tilespmem:s25+$0x4110] =	vst v0;
	_ =	sdelay $0x1  }
0x1f: {  	s25 =	sshra.s32 s28, $0x2  }
0x20: {  	[tilespmem:s25+$0x4130] =	vst v0  }
0x21: {  	[tilespmem:s25+$0x4120] =	vst v0  }
0x22: {  	[tilespmem:s25+$0x4100] =	vst v0  }
0x23: {  	[tilespmem:s25+$0x4110] =	vst v0  }
0x24: {  	[spmem:s8] =	stream.linear.scatter [tilespmem:s16], [sflag:$0x2], $0x2000, $0x38;
	[tilespmem:$0xFD40] =	vst v63  }
0x25: {  	_ =	swait.ge [sflag:s17], $0x2000  }
0x26: {  	[sflag:s17] =	ssyncset.done $0x0  }
0x27: {  	[sflag:s17] =	ssyncadd.s32 $0xFFFFE000  }
0x28: {  	[spmem:s9] =	stream.linear.scatter [tilespmem:s16], [sflag:$0x2], $0x2000, $0x38;
	[tilespmem:$0xFD40] =	vst v63  }
0x29: {  	_ =	swait.ge [sflag:s17], $0x2000  }
0x2a: {  	[sflag:s17] =	ssyncset.done $0x0  }
0x2b: {  	[sflag:s17] =	ssyncadd.s32 $0xFFFFE000  }
0x2c: {  	[spmem:s10] =	stream.linear.scatter [tilespmem:s16], [sflag:$0x2], $0x2000, $0x38;
	[tilespmem:$0xFD40] =	vst v63  }
0x2d: {  	_ =	swait.ge [sflag:s17], $0x2000  }
0x2e: {  	[sflag:s17] =	ssyncset.done $0x0  }
0x2f: {  	[sflag:s17] =	ssyncadd.s32 $0xFFFFE000  }
0x30: {  	[spmem:s11] =	stream.linear.scatter [tilespmem:s16], [sflag:$0x2], $0x2000, $0x38;
	[tilespmem:$0xFD40] =	vst v63  }
0x31: {  	_ =	swait.ge [sflag:s17], $0x2000  }
0x32: {  	[sflag:s17] =	ssyncset.done $0x0  }
0x33: {  	[sflag:s17] =	ssyncadd.s32 $0xFFFFE000  }
0x34: {  	[spmem:s12] =	stream.linear.scatter [tilespmem:s16], [sflag:$0x2], $0x2000, $0x38;
	[tilespmem:$0xFD40] =	vst v63  }
.Ltmp3:
0x35: {  	_ =	swait.ge [sflag:s17], $0x2000;
	(pc) =	sbr.rel .LBB2_4-.Ltmp3, $4  }
0x36: {  	[sflag:s17] =	ssyncset.done $0x0  }
0x37: {  	[sflag:s17] =	ssyncadd.s32 $0xFFFFE000  }
0x38: {  	[bflag:$0x0] =	sbarrier.arrive $0xFFFF  }
0x39: {  	s25 =	simm.s32 $0x0  }
.LBB2_8:
0x3a: {  	s25 =	sadd.s32 $0x1, s25  }
0x3b: {  	p1 =	sne.s32 s25, $0x4F  }
.Ltmp4:
0x3c: {  	_ = 	snop;
	(pc) =	sbr.rel @!p1 .LBB2_9-.Ltmp4, $1  }
0x3d: {  	_ =	sdelay $0x3  }
.LBB2_4:
0x3e: {  	s26 =	sshll.u32 s25, $0x5  }
0x3f: {  	s26 =	sor.u32 s7, s26  }
0x40: {  	p1 =	sgt.u32 s26, $0x9C3  }
.Ltmp5:
0x41: {  	_ = 	snop;
	(pc) =	sbr.rel @p1 .LBB2_8-.Ltmp5, $1  }
0x42: {  	_ =	sdelay $0x3  }
0x43: {  	s26 =	sor.u32 s3, s26  }
0x44: {  	s28 =	sshll.u32 s26, $0x4  }
0x45: {  	s29 =	sadd.s32 s5, s28  }
0x46: {  	[tilespmem:s30], [sflag:$0x3] =	stream.linear.gather [hbm4b:s29+s30], $0x80, $0x38;
	[tilespmem:$0xFD40] =	vst v63  }
0x47: {  	_ =	swait.ge [sflag:s18], $0x80  }
0x48: {  	[sflag:s18] =	ssyncset.done $0x0  }
0x49: {  	s28 =	sadd.s32 s6, s28;
	[sflag:s18] =	ssyncadd.s32 $0xFFFFFF80  }
0x4a: {  	[tilespmem:s19], [sflag:$0x3] =	stream.linear.gather [hbm4b:s28+s30], $0x80, $0x38;
	[tilespmem:$0xFD40] =	vst v63  }
0x4b: {  	_ =	swait.ge [sflag:s18], $0x80  }
0x4c: {  	[sflag:s18] =	ssyncset.done $0x0  }
0x4d: {  	s26 =	smul.u32 $0xC00, s26;
	[sflag:s18] =	ssyncadd.s32 $0xFFFFFF80  }
0x4e: {  	[tilespmem:s20], [sflag:$0x1] =	stream.indirect.gather [hbm4b:s4+s19], $0x40, s30, s19, $0xb8;
	[tilespmem:$0xFD40] =	vst v63  }
0x4f: {  	s26 =	sadd.s32 s26, s13  }
0x50: {  	[tilespmem:s23], [sflag:$0x3] =	stream.strided.gather [hbm4b:s26+s21], $0x2000, s22, s21, $0x38;
	[tilespmem:$0xFD40] =	vst v63  }
0x51: {  	_ =	swait.ge [sflag:s18], $0x2000  }
0x52: {  	[sflag:s18] =	ssyncset.done $0x0  }
0x53: {  	[sflag:s18] =	ssyncadd.s32 $0xFFFFE000  }
0x54: {  	_ =	swait.ge [sflag:s24], $0x2000  }
0x55: {  	[sflag:s24] =	ssyncset.done $0x0  }
0x56: {  	s28 =	simm.s32 $0x0;
	[sflag:s24] =	ssyncadd.s32 $0xFFFFE000  }
0x57: {  	v3 =	vld [tilespmem:s28+$0x130]  }
0x58: {  	v4 =	vld [tilespmem:s28+$0x2130]  }
0x59: {  	v6 =	vld [tilespmem:s28+$0x100]  }
0x5a: {  	v7 =	vld [tilespmem:s28+$0x2100]  }
0x5b: {  	v2 =	vld [tilespmem:s28+$0x110]  }
0x5c: {  	v5 =	vld [tilespmem:s28+$0x2110]  }
0x5d: {  	v1 =	vld [tilespmem:s28+$0x120];
	v8 =	vadd.f32 v4, v3  }
0x5e: {  	s26 =	simm.s32 $0x40;
	v4 =	vld [tilespmem:s28+$0x2120]  }
0x5f: {  	s29 =	simm.s32 $0x200;
	v3 =	vld [tilespmem:s26+$0x130];
	v6 =	vadd.f32 v7, v6;
	v7 =	vmax.f32 v8, $0.0e+00  }
.LBB2_6:
0x60: {  	p1 =	sne.s32 s29, $0x7F00;
	v8 =	vld [tilespmem:s26+$0x2130];
	[tilespmem:s28+$0x4130] =	vst v7  }
0x61: {  	v7 =	vld [tilespmem:s26+$0x100];
	v6 =	vmax.f32 v6, $0.0e+00;
	v5 =	vadd.f32 v5, v2  }
0x62: {  	v9 =	vld [tilespmem:s26+$0x2100];
	[tilespmem:s28+$0x4100] =	vst v6  }
.Ltmp6:
0x63: {  	v2 =	vld [tilespmem:s26+$0x110];
	v6 =	vmax.f32 v5, $0.0e+00;
	v4 =	vadd.f32 v4, v1;
	(pc) =	sbr.rel @p1 .LBB2_6-.Ltmp6, $4  }
0x64: {  	v5 =	vld [tilespmem:s26+$0x2110];
	[tilespmem:s28+$0x4110] =	vst v6  }
0x65: {  	v1 =	vld [tilespmem:s26+$0x120];
	v8 =	vadd.f32 v8, v3;
	v3 =	vmax.f32 v4, $0.0e+00  }
0x66: {  	v4 =	vld [tilespmem:s26+$0x2120];
	[tilespmem:s28+$0x4120] =	vst v3;
	s28 =	smov.u32 s26;
	s26 =	sshra.s32 s29, $0x2  }
0x67: {  	s29 =	sadd.s32 $0x100, s29;
	v3 =	vld [tilespmem:s26+$0x130];
	v6 =	vadd.f32 v9, v7;
	v7 =	vmax.f32 v8, $0.0e+00  }
0x68: {  	v8 =	vld [tilespmem:s26+$0x2130];
	[tilespmem:s28+$0x4130] =	vst v7  }
0x69: {  	v7 =	vld [tilespmem:s26+$0x100];
	v6 =	vmax.f32 v6, $0.0e+00;
	v2 =	vadd.f32 v5, v2  }
0x6a: {  	v9 =	vld [tilespmem:s26+$0x2100];
	[tilespmem:s28+$0x4100] =	vst v6  }
0x6b: {  	v62 =	vld [tilespmem:s26+$0x110];
	v2 =	vmax.f32 v2, $0.0e+00  }
0x6c: {  	v6 =	vld [tilespmem:s26+$0x2110];
	[tilespmem:s28+$0x4110] =	vst v2  }
0x6d: {  	v2 =	vld [tilespmem:s26+$0x120]  }
0x6e: {  	v10 =	vld [tilespmem:s26+$0x2120]  }
0x6f: {  	v1 =	vadd.f32 v4, v1  }
0x70: {  	v3 =	vadd.f32 v8, v3  }
0x71: {  	v1 =	vmax.f32 v1, $0.0e+00;
	v63 =	vadd.f32 v9, v7  }
0x72: {  	[tilespmem:s28+$0x4120] =	vst v1;
	v1 =	vmax.f32 v3, $0.0e+00;
	v3 =	vadd.f32 v6, v62  }
0x73: {  	[tilespmem:s26+$0x4130] =	vst v1;
	v1 =	vmax.f32 v63, $0.0e+00;
	v2 =	vadd.f32 v10, v2  }
0x74: {  	[tilespmem:s26+$0x4100] =	vst v1;
	v1 =	vmax.f32 v3, $0.0e+00  }
0x75: {  	[tilespmem:s26+$0x4110] =	vst v1;
	v1 =	vmax.f32 v2, $0.0e+00  }
.Ltmp7:
0x76: {  	[tilespmem:s26+$0x4120] =	vst v1;
	(pc) =	sbr.rel .LBB2_8-.Ltmp7, $4  }
0x77: {  	[spmem:s1] =	stream.indirect.scatter.add.f32 [tilespmem:s16], [sflag:$0x2], $0x40, s19, s19, $0xb8;
	[tilespmem:$0xFD40] =	vst v63  }
0x78: {  	_ =	swait.ge [sflag:s17], $0x2000  }
0x79: {  	[sflag:s17] =	ssyncset.done $0x0  }
0x7a: {  	[sflag:s17] =	ssyncadd.s32 $0xFFFFE000  }
.LBB2_10:
0x7b: {  	_ =	sfence.sel $0x180000  }
0x7c: {  	[bflag:$0x0] =	sbarrier.arrive $0xFFFF  }
0x7d: {  	_ =	strace $0x9000004D  }
0x7e: {  	s0 =	sadd.s32 @!p0 $0x100000, s0;
	[bflag:$0x2] =	sbarrier.arrive $0xFFFF  }
0x7f: {  	[sflag:s0] =	ssyncadd.tile.s32 @!p0 $0x1;
	_ =	shalt  }
.Lfunc_end2:
_tile_overlayer_lowered:
.L_overlay_start_2:
0x80: {  	(tag) =	ssettag $0x2  }
0x81: {  	s0 =	rddreg [dreg:$0x0];
	s2 =	stileid.u32  }
0x82: {  	s1 =	rddreg [dreg:$0x1];
	p0 =	sne.s32 s2, $0x0  }
0x83: {  	s3 =	rddreg [dreg:$0x2];
	[bflag:$0x3] =	sbarrier.arrive $0xFFFF;
	s2 =	simm.s32 @!p0 $0x1C02  }
0x84: {  	[timem:s3], [sflag:s2] =	dma.local @!p0 [hbm:s0], s1  }
0x85: {  	s0 =	simm.s32 @!p0 $0x2  }
0x86: {  	_ =	swait.ge @!p0 [sflag:s0], s1  }
0x87: {  	s1 =	ssub.s32 @!p0 $0x0, s1;
	[sflag:s0] =	ssyncset.done @!p0 $0x0  }
0x88: {  	[sflag:s0] =	ssyncadd.s32 @!p0 s1  }
0x89: {  	[bflag:$0x3] =	sbarrier.arrive $0xFFFF  }
0x8a: {  	_ =	shalt  }

// kernel: kernel.28.cloned.1.call-start
scs
__scs_entry_jumppad:
0x0: {  	(pc) =	sbr.rel $0x88, $3  }
0x1: {  	(tag) =	ssettag $0x0;
	lr =	simm.s32 $0x1  }
0x2: {  	[smem:$0x3F77] =	sst lr;
	_ =	strace $0xD0000000  }
0x3: {  	_ = 	snop  }
0x4: {  	_ = 	snop  }
0x5: {  	_ = 	snop  }
0x6: {  	_ = 	snop  }
0x7: {  	_ = 	snop  }
__scs_overlays_trampoline_lowered:
0x8: {  	[smem:$0x3F86] =	sst s0  }
0x9: {  	[smem:$0x3F87] =	sst s1  }
0xa: {  	[smem:$0x3F88] =	sst s2  }
0xb: {  	[smem:$0x3F89] =	sst s3  }
0xc: {  	[smem:$0x3F8A] =	sst s4  }
0xd: {  	[smem:$0x3F8B] =	sst s5  }
0xe: {  	[smem:$0x3F8C] =	sst s6  }
0xf: {  	[smem:$0x3F8D] =	sst s7  }
0x10: {  	[smem:$0x3F8E] =	sst s8  }
0x11: {  	[smem:$0x3F8F] =	sst s9;
	s0 =	simm.s32 @!p0 $0x0  }
0x12: {  	s1 =	sld [smem:$0x3F75];
	s0 =	simm.s32 @p0 $0x1  }
0x13: {  	[smem:$0x3F90] =	sst s0;
	s0 =	simm.s32 @!p1 $0x0  }
0x14: {  	s2 =	sld [smem:$0x3F74];
	s0 =	simm.s32 @p1 $0x1  }
0x15: {  	[smem:$0x3F91] =	sst s0;
	s0 =	simm.s32 @!p2 $0x0  }
0x16: {  	s3 =	sld [smem:$0x3FDB];
	s0 =	simm.s32 @p2 $0x1  }
0x17: {  	s4 =	simm.s32 $0x1BF5;
	[smem:$0x3F93] =	sst s0  }
0x18: {  	s0 =	sld [smem:$0x3F76];
	_ =	swait.ge [sflag:s4], $0x0  }
0x19: {  	s7 =	sld [smem:$0x3F77]  }
0x1a: {  	s8 =	sadd.s32 $0xFFFFE003, lr  }
0x1b: {  	s9 =	sadd.s32 $0xFFFFFEF7, lr;
	s5 =	simm.s32 $0xFFFFFFFF;
	p2 =	slt.u32 s8, $0xFFFFF086  }
0x1c: {  	p1 =	slt.u32 s9, $0xF7A;
	s5 =	simm.s32 @!p2 $0x0  }
0x1d: {  	s5 =	simm.s32 @p1 $0x1;
	p0 =	seq.s32 s7, s2  }
0x1e: {  	s7 =	smul.u32 @!p0 $0xF7A, s2;
	p2 =	seq.s32 @!p0 s5, $0x0  }
0x1f: {  	s9 =	smul.u32 $0xF7A, s1;
	s8 =	simm.s32 @!p0 $0x1BF5;
	p2 =	por !p2, p0  }
0x20: {  	[sflag:s8] =	ssyncset.s32 @!p0 $0xFFFFF086;
	s6 =	sadd.s32 @!p0 s3, s7;
	s7 =	simm.s32 @!p0 $0x108  }
0x21: {  	s3 =	sadd.s32 s3, s9;
	s6 =	sadd.s32 @!p0 $0x88, s6;
	s7 =	simm.s32 @p2 $0x1082  }
0x22: {  	[simem:s7], [sflag:s8] =	dma.local @!p0 [hbm:s6], $0xF7A  }
0x23: {  	s9 =	sor.u32 $0xD0000000, s2;
	s6 =	simm.s32 $0x108;
	_ =	swait.ge @!p0 [sflag:s8], $0x0  }
0x24: {  	s3 =	sadd.s32 $0x88, s3;
	s6 =	simm.s32 @!p1 $0x1082;
	[sflag:s4] =	ssyncset.s32 $0xFFFFF086  }
0x25: {  	[simem:s6], [sflag:s4] =	dma.local [hbm:s3], $0xF7A  }
0x26: {  	[smem:$0x3F77] =	sst s1;
	(tag) =	ssettag s2;
	_ =	strace s9  }
0x27: {  	s1 =	sld [smem:$0x3F87]  }
0x28: {  	s2 =	sld [smem:$0x3F88]  }
0x29: {  	s4 =	sld [smem:$0x3F8A]  }
0x2a: {  	p0 =	seq.s32 s5, $0x0;
	s5 =	sld [smem:$0x3F8B]  }
0x2b: {  	s6 =	sld [smem:$0x3F8C]  }
0x2c: {  	s7 =	sld [smem:$0x3F8D]  }
0x2d: {  	s3 =	simm.s32 $0x108;
	s8 =	sld [smem:$0x3F8E]  }
0x2e: {  	s3 =	simm.s32 @!p0 $0x1082;
	s9 =	sld [smem:$0x3F8F]  }
0x2f: {  	lr =	sadd.s32 s0, s3;
	s0 =	sld [smem:$0x3F86]  }
0x30: {  	s3 =	sld [smem:$0x3F89]  }
0x31: {  	[smem:$0x3F92] =	sst s10  }
0x32: {  	s10 =	sld [smem:$0x3F90];
	_ =	sdelay $0x3  }
0x33: {  	p0 =	seq.s32 s10, $0x1;
	s10 =	sld [smem:$0x3F92];
	_ =	sdelay $0x3  }
0x34: {  	[smem:$0x3F92] =	sst s10  }
0x35: {  	s10 =	sld [smem:$0x3F91];
	_ =	sdelay $0x3  }
0x36: {  	p1 =	seq.s32 s10, $0x1;
	s10 =	sld [smem:$0x3F92];
	_ =	sdelay $0x3  }
0x37: {  	[smem:$0x3F92] =	sst s10  }
0x38: {  	s10 =	sld [smem:$0x3F93]  }
0x39: {  	_ = 	snop;
	(pc) =	sbr.ind lr, $3  }
0x3a: {  	_ = 	snop  }
0x3b: {  	_ = 	snop  }
0x3c: {  	p2 =	seq.s32 s10, $0x1;
	s10 =	sld [smem:$0x3F92]  }
0x3d: {  	_ =	shalt  }
0x3e: {  	_ =	shalt  }
0x3f: {  	_ =	shalt  }
0x40: {  	_ =	shalt  }
0x41: {  	_ =	shalt  }
0x42: {  	_ =	shalt  }
0x43: {  	_ =	shalt  }
0x44: {  	_ =	shalt  }
0x45: {  	_ =	shalt  }
0x46: {  	_ =	shalt  }
0x47: {  	_ =	shalt  }
0x48: {  	_ =	shalt  }
0x49: {  	_ =	shalt  }
0x4a: {  	_ =	shalt  }
0x4b: {  	_ =	shalt  }
0x4c: {  	_ =	shalt  }
0x4d: {  	_ =	shalt  }
0x4e: {  	_ =	shalt  }
0x4f: {  	_ =	shalt  }
0x50: {  	_ =	shalt  }
0x51: {  	_ =	shalt  }
0x52: {  	_ =	shalt  }
0x53: {  	_ =	shalt  }
0x54: {  	_ =	shalt  }
0x55: {  	_ =	shalt  }
0x56: {  	_ =	shalt  }
0x57: {  	_ =	shalt  }
0x58: {  	_ =	shalt  }
0x59: {  	_ =	shalt  }
0x5a: {  	_ =	shalt  }
0x5b: {  	_ =	shalt  }
0x5c: {  	_ =	shalt  }
0x5d: {  	_ =	shalt  }
0x5e: {  	_ =	shalt  }
0x5f: {  	_ =	shalt  }
0x60: {  	_ =	shalt  }
0x61: {  	_ =	shalt  }
0x62: {  	_ =	shalt  }
0x63: {  	_ =	shalt  }
0x64: {  	_ =	shalt  }
0x65: {  	_ =	shalt  }
0x66: {  	_ =	shalt  }
0x67: {  	_ =	shalt  }
0x68: {  	_ =	shalt  }
0x69: {  	_ =	shalt  }
0x6a: {  	_ =	shalt  }
0x6b: {  	_ =	shalt  }
0x6c: {  	_ =	shalt  }
0x6d: {  	_ =	shalt  }
0x6e: {  	_ =	shalt  }
0x6f: {  	_ =	shalt  }
0x70: {  	_ =	shalt  }
0x71: {  	_ =	shalt  }
0x72: {  	_ =	shalt  }
0x73: {  	_ =	shalt  }
0x74: {  	_ =	shalt  }
0x75: {  	_ =	shalt  }
0x76: {  	_ =	shalt  }
0x77: {  	_ =	shalt  }
0x78: {  	_ =	shalt  }
0x79: {  	_ =	shalt  }
0x7a: {  	_ =	shalt  }
0x7b: {  	_ =	shalt  }
0x7c: {  	_ =	shalt  }
0x7d: {  	_ =	shalt  }
0x7e: {  	_ =	shalt  }
0x7f: {  	_ =	shalt  }
0x80: {  	_ =	shalt  }
0x81: {  	_ =	shalt  }
0x82: {  	_ =	shalt  }
0x83: {  	_ =	shalt  }
0x84: {  	_ =	shalt  }
0x85: {  	_ =	shalt  }
0x86: {  	_ =	shalt  }
0x87: {  	_ =	shalt  }
.Lfunc_end0:
.L_simem_size_0:
called_computation.4_lowered:
.L_overlay_start_0:
0x88: {  	s2 =	sld [smem:$0x3FD9]  }
0x89: {  	s3 =	sld [smem:$0x3FFE];
	_ =	sdelay $0x1  }
0x8a: {  	s1 =	srdreg.scid  }
0x8b: {  	s0 =	sand.u32 $0x1, s1  }
0x8c: {  	s16 =	sshll.u32 s0, $0xA;
	s2 =	sadd.s32 s3, s2  }
0x8d: {  	s2 =	sadd.s32 s2, s16  }
0x8e: {  	[smem:$0x3F9E] =	sst s2  }
0x8f: {  	_ = 	snop  }
0x90: {  	(tm) =	ssettm $0x1  }
0x91: {  	s17 =	sld [smem:$0x3FFB];
	_ =	sdelay $0x3  }
0x92: {  	_ =	strace s17  }
0x93: {  	s2 =	sld [smem:$0x3FFC];
	_ =	sdelay $0x3  }
0x94: {  	_ =	strace s2  }
0x95: {  	s2 =	sld [smem:$0x3FFD];
	_ =	sdelay $0x3  }
0x96: {  	_ =	strace s2  }
0x97: {  	_ =	strace $0x8FFFFFFF  }
0x98: {  	s18 =	sld [smem:$0x3FDB];
	_ =	sdelay $0x1  }
0x99: {  	s19 =	simm.s32 $_scs_section_size  }
0x9a: {  	s4 =	simm.s32 $_size__tile_overlayer_lowered;
	s5 =	simm.s32 $_tile_overlayer_lowered  }
0x9b: {  	s22 =	simm.s32 $0x1BFF;
	s21 =	sshll.u32 s5, $0x1;
	s2 =	sadd.s32 s19, s18  }
0x9c: {  	s6 =	simm.s32 $0x0;
	s20 =	sshll.u32 s4, $0x1;
	s4 =	sadd.s32 s21, s2  }
0x9d: {  	[timem:s6], [sflag:s22] =	dma.local [hbm:s4], s20  }
0x9e: {  	_ =	swait.ge [sflag:s22], s20  }
0x9f: {  	s3 =	ssub.s32 $0x0, s20;
	[sflag:s22] =	ssyncset.done $0x0  }
0xa0: {  	[sflag:s22] =	ssyncadd.s32 s3;
	_ =	sdelay $0x1  }
0xa1: {  	s23 =	simm.s32 $0x1B8B  }
0xa2: {  	_ =	swait.ge [sflag:s23], $0x1  }
0xa3: {  	[sflag:s23] =	ssyncset.done $0x0  }
0xa4: {  	s25 =	simm.s32 $0x1B8E;
	s24 =	sld [smem:$0x3FFE];
	[sflag:s23] =	ssyncadd.s32 $0xFFFFFFFF  }
0xa5: {  	s26 =	simm.s32 $execute0_lowered;
	[smem:$0x3FD2] =	sst s25  }
0xa6: {  	s4 =	sshll.u32 s26, $0x1;
	_ =	strace $0x80000052;
	[dreg:$0x1] =	wrdreg $0xFFFFFFFF  }
0xa7: {  	s28 =	simm.s32 $_size_execute0_lowered;
	s2 =	sadd.s32 s2, s4;
	[dreg:$0x0] =	wrdreg $0x0  }
0xa8: {  	s4 =	sshll.u32 s28, $0x1;
	[dreg:$0x2] =	wrdreg s2  }
0xa9: {  	[dreg:$0x3] =	wrdreg s4  }
0xaa: {  	[dreg:$0x4] =	wrdreg $0xC0  }
0xab: {  	_ =	task [dreg:s6], $0x5FFFF  }
0xac: {  	[dreg:$0x1] =	wrdreg $0xFFFFFFFF  }
0xad: {  	[dreg:$0x0] =	wrdreg $0x60  }
0xae: {  	[dreg:$0x2] =	wrdreg s24  }
0xaf: {  	[dreg:$0x3] =	wrdreg $0x61000  }
0xb0: {  	[dreg:$0x4] =	wrdreg $0x9  }
0xb1: {  	_ =	task.clear_ibuf [dreg:s6], $0x5FFFF;
	_ =	strace $0x90000052  }
0xb2: {  	s29 =	simm.s32 $0x9;
	_ =	strace $0x80000054  }
0xb3: {  	_ =	swait.ge [sflag:s29], $0x1  }
0xb4: {  	[sflag:s29] =	ssyncadd.s32 $0xFFFFFFFF  }
0xb5: {  	_ =	strace $0x90000054  }
0xb6: {  	_ =	sfence  }
0xb7: {  	s30 =	sld [smem:$0x0];
	_ =	sdelay $0x2  }
0xb8: {  	s31 =	sshll.u32 s1, $0xD;
	s1 =	sshrl.u32 s1, $0x2  }
0xb9: {  	s3 =	sand.u32 $0x4000, s31;
	s1 =	sadd.s32 s1, s30  }
0xba: {  	s0 =	sor.u32 s3, s0;
	s1 =	sshll.u32 s1, $0x11  }
0xbb: {  	s0 =	sor.u32 s1, s0  }
0xbc: {  	s0 =	sadd.s32 $0x8F2B, s0  }
0xbd: {  	[sflag:s0] =	ssyncadd.remote.s32 $0x1  }
0xbe: {  	_ =	sfence.sel $0xFFFF  }
0xbf: {  	[dreg:$0x0] =	wrdreg $0xFFFFFFFF;
	(pc) =	sbr.abs _section_cstart, $3  }
0xc0: {  	[dreg:$0x1] =	wrdreg $0xFFFFFFFF  }
0xc1: {  	_ =	task.clear_ibuf [dreg:s6], $0x2FFFF;
	_ =	strace $0x9FFFFFFF  }
0xc2: {  	(tm) =	ssettm $0x7FFFFFFF  }
0xc3: {  	_ =	shalt  }
tec
execute0_lowered:
.L_overlay_start_1:
0x0: {  	(tag) =	ssettag $0x1  }
0x1: {  	s8 =	rddreg [dreg:$0x0]  }
0x2: {  	s1 =	rddreg [dreg:$0x1]  }
0x3: {  	s0 =	rddreg [dreg:$0x2];
	s2 =	simm.s32 $0x0  }
0x4: {  	s3 =	srdreg.scid;
	s24 =	stileid.u32;
	s16 =	simm.s32 $0x4100  }
0x5: {  	s17 =	simm.s32 $0x2;
	s18 =	simm.s32 $0x3;
	s19 =	simm.s32 $0x80  }
0x6: {  	s20 =	simm.s32 $0x100;
	s21 =	simm.s32 $0x40;
	s22 =	simm.s32 $0x2100  }
0x7: {  	s23 =	simm.s32 $0x1;
	s30 =	simm.s32 $0x0;
	[smem:$0x7FF] =	sst s2  }
0x8: {  	s3 =	sand.u32 $0x1, s3;
	s4 =	sadd.s32 $0x31200, s8;
	s6 =	sadd.s32 $0xA52800, s8  }
0x9: {  	s5 =	sadd.s32 $0x7FA00, s8;
	s10 =	smul.u32 $0x27100, s24;
	s7 =	sadd.s32 $0xA48A00, s8  }
0xa: {  	s12 =	smul.u32 $0x271, s24;
	p0 =	sne.s32 s24, $0x0;
	s11 =	ssub.s32 $0x2, s3  }
0xb: {  	_ =	strace $0x80000053;
	s9 =	smul.u32 $0x13880, s3;
	s28 =	sshrl.u32 s11, $0x1  }
.Ltmp0:
0xc: {  	s29 =	sshrl.u32 s10, $0x2;
	s31 =	smin.u32 s12, $0x2490;
	(pc) =	sbr.rel .LBB2_1-.Ltmp0, $4  }
0xd: {  	s14 =	sadd.s32 s9, s8;
	s15 =	ssub.s32 s11, s28;
	s8 =	sadd.s32 s29, s1  }
0xe: {  	s9 =	sshll.u32 s24, $0x1;
	s13 =	sshll.u32 s31, $0x6;
	s10 =	sadd.s32 $0x2000, s8  }
0xf: {  	s11 =	sadd.s32 $0x4000, s8;
	s12 =	sadd.s32 $0x6000, s8;
	s13 =	sadd.s32 s13, s1  }
0x10: {  	v0 =	vimm.f32 $0.0e+00;
	s14 =	sadd.s32 $0x44C00, s14;
	s15 =	smax.u32 s15, $0x1;
	s13 =	sadd.s32 $0x8000, s13  }
.LBB2_9:
0x11: {  	[bflag:$0x0] =	sbarrier.arrive $0xFFFF  }
0x12: {  	s24 =	sshrl.u32 @!p0 s1, $0x3;
	s25 =	simm.s32 @!p0 $0x1C02;
	s2 =	sadd.s32 $0x1, s2  }
0x13: {  	[hbm:s14], [sflag:s25] =	dma.local @!p0 [spmem:s24], $0x13880  }
0x14: {  	p1 =	sne.s32 s2, s15  }
.Ltmp1:
0x15: {  	_ = 	snop;
	(pc) =	sbr.rel @!p1 .LBB2_10-.Ltmp1, $4  }
0x16: {  	s24 =	simm.s32 @!p0 $0x2  }
0x17: {  	_ =	swait.ge @!p0 [sflag:s24], $0x13880  }
0x18: {  	[sflag:s24] =	ssyncset.done @!p0 $0x0  }
0x19: {  	[sflag:s24] =	ssyncadd.s32 @!p0 $0xFFFEC780  }
.LBB2_1:
0x1a: {  	s25 =	simm.s32 $0x100;
	s24 =	simm.s32 $0x0  }
.LBB2_2:
0x1b: {  	p1 =	sne.s32 s25, $0x7F00;
	[tilespmem:s24+$0x4130] =	vst v0;
	s26 =	smov.u32 s25;
	s25 =	sadd.s32 $0x100, s25  }
.Ltmp2:
0x1c: {  	[tilespmem:s24+$0x4120] =	vst v0;
	(pc) =	sbr.rel @p1 .LBB2_2-.Ltmp2, $3  }
0x1d: {  	[tilespmem:s24+$0x4100] =	vst v0  }
0x1e: {  	[tilespmem:s24+$0x4110] =	vst v0;
	_ =	sdelay $0x1  }
0x1f: {  	s24 =	sshra.s32 s26, $0x2  }
0x20: {  	[tilespmem:s24+$0x4130] =	vst v0  }
0x21: {  	[tilespmem:s24+$0x4120] =	vst v0  }
0x22: {  	[tilespmem:s24+$0x4100] =	vst v0  }
0x23: {  	[tilespmem:s24+$0x4110] =	vst v0  }
0x24: {  	[spmem:s8] =	stream.linear.scatter [tilespmem:s16], [sflag:$0x2], $0x2000, $0x38;
	[tilespmem:$0xFD40] =	vst v63  }
0x25: {  	_ =	swait.ge [sflag:s17], $0x2000  }
0x26: {  	[sflag:s17] =	ssyncset.done $0x0  }
0x27: {  	[sflag:s17] =	ssyncadd.s32 $0xFFFFE000  }
0x28: {  	[spmem:s10] =	stream.linear.scatter [tilespmem:s16], [sflag:$0x2], $0x2000, $0x38;
	[tilespmem:$0xFD40] =	vst v63  }
0x29: {  	_ =	swait.ge [sflag:s17], $0x2000  }
0x2a: {  	[sflag:s17] =	ssyncset.done $0x0  }
0x2b: {  	[sflag:s17] =	ssyncadd.s32 $0xFFFFE000  }
0x2c: {  	[spmem:s11] =	stream.linear.scatter [tilespmem:s16], [sflag:$0x2], $0x2000, $0x38;
	[tilespmem:$0xFD40] =	vst v63  }
0x2d: {  	_ =	swait.ge [sflag:s17], $0x2000  }
0x2e: {  	[sflag:s17] =	ssyncset.done $0x0  }
0x2f: {  	[sflag:s17] =	ssyncadd.s32 $0xFFFFE000  }
0x30: {  	[spmem:s12] =	stream.linear.scatter [tilespmem:s16], [sflag:$0x2], $0x2000, $0x38;
	[tilespmem:$0xFD40] =	vst v63  }
0x31: {  	_ =	swait.ge [sflag:s17], $0x2000  }
0x32: {  	[sflag:s17] =	ssyncset.done $0x0  }
0x33: {  	[sflag:s17] =	ssyncadd.s32 $0xFFFFE000  }
0x34: {  	[spmem:s13] =	stream.linear.scatter [tilespmem:s16], [sflag:$0x2], $0x2000, $0x38;
	[tilespmem:$0xFD40] =	vst v63  }
.Ltmp3:
0x35: {  	_ =	swait.ge [sflag:s17], $0x2000;
	(pc) =	sbr.rel .LBB2_4-.Ltmp3, $4  }
0x36: {  	[sflag:s17] =	ssyncset.done $0x0  }
0x37: {  	[sflag:s17] =	ssyncadd.s32 $0xFFFFE000  }
0x38: {  	[bflag:$0x0] =	sbarrier.arrive $0xFFFF  }
0x39: {  	s24 =	simm.s32 $0x0  }
.LBB2_8:
0x3a: {  	s24 =	sadd.s32 $0x1, s24  }
0x3b: {  	p1 =	sne.s32 s24, $0x4F  }
.Ltmp4:
0x3c: {  	_ = 	snop;
	(pc) =	sbr.rel @!p1 .LBB2_9-.Ltmp4, $1  }
0x3d: {  	_ =	sdelay $0x3  }
.LBB2_4:
0x3e: {  	s25 =	sshll.u32 s24, $0x5  }
0x3f: {  	s25 =	sor.u32 s9, s25  }
0x40: {  	p1 =	sgt.u32 s25, $0x9C3  }
.Ltmp5:
0x41: {  	_ = 	snop;
	(pc) =	sbr.rel @p1 .LBB2_8-.Ltmp5, $1  }
0x42: {  	_ =	sdelay $0x3  }
0x43: {  	s26 =	sor.u32 s3, s25  }
0x44: {  	s28 =	sshll.u32 s26, $0x4  }
0x45: {  	s29 =	sadd.s32 s6, s28  }
0x46: {  	[tilespmem:s30], [sflag:$0x3] =	stream.linear.gather [hbm4b:s29+s30], $0x80, $0x38;
	[tilespmem:$0xFD40] =	vst v63  }
0x47: {  	_ =	swait.ge [sflag:s18], $0x80  }
0x48: {  	[sflag:s18] =	ssyncset.done $0x0  }
0x49: {  	s26 =	sshll.u32 s26, $0xF;
	s28 =	sadd.s32 s7, s28;
	[sflag:s18] =	ssyncadd.s32 $0xFFFFFF80  }
0x4a: {  	[tilespmem:s19], [sflag:$0x3] =	stream.linear.gather [hbm4b:s28+s30], $0x80, $0x38;
	[tilespmem:$0xFD40] =	vst v63  }
0x4b: {  	p1 =	slt.u32 s25, $0x4E2;
	s25 =	sadd.s32 $0xFD8F0000, s26;
	_ =	swait.ge [sflag:s18], $0x80  }
0x4c: {  	s25 =	smov.u32 @p1 s26;
	[sflag:s18] =	ssyncset.done $0x0  }
0x4d: {  	s25 =	sshrl.u32 s25, $0x3;
	[sflag:s18] =	ssyncadd.s32 $0xFFFFFF80  }
0x4e: {  	[tilespmem:s20], [sflag:$0x1] =	stream.indirect.gather [hbm4b:s4+s19], $0x40, s30, s19, $0xb8;
	[tilespmem:$0xFD40] =	vst v63  }
0x4f: {  	s25 =	sadd.s32 s5, s25  }
0x50: {  	[tilespmem:s22], [sflag:$0x3] =	stream.strided.gather [hbm4b:s25+s21], $0x2000, s20, s21, $0x38;
	[tilespmem:$0xFD40] =	vst v63  }
0x51: {  	_ =	swait.ge [sflag:s18], $0x2000  }
0x52: {  	[sflag:s18] =	ssyncset.done $0x0  }
0x53: {  	[sflag:s18] =	ssyncadd.s32 $0xFFFFE000  }
0x54: {  	_ =	swait.ge [sflag:s23], $0x2000  }
0x55: {  	[sflag:s23] =	ssyncset.done $0x0  }
0x56: {  	s26 =	simm.s32 $0x0;
	[sflag:s23] =	ssyncadd.s32 $0xFFFFE000  }
0x57: {  	v3 =	vld [tilespmem:s26+$0x130]  }
0x58: {  	v4 =	vld [tilespmem:s26+$0x2130]  }
0x59: {  	v6 =	vld [tilespmem:s26+$0x100]  }
0x5a: {  	v7 =	vld [tilespmem:s26+$0x2100]  }
0x5b: {  	v2 =	vld [tilespmem:s26+$0x110]  }
0x5c: {  	v5 =	vld [tilespmem:s26+$0x2110]  }
0x5d: {  	v1 =	vld [tilespmem:s26+$0x120];
	v8 =	vadd.f32 v4, v3  }
0x5e: {  	s25 =	simm.s32 $0x40;
	v4 =	vld [tilespmem:s26+$0x2120]  }
0x5f: {  	s28 =	simm.s32 $0x200;
	v3 =	vld [tilespmem:s25+$0x130];
	v6 =	vadd.f32 v7, v6;
	v7 =	vmax.f32 v8, $0.0e+00  }
.LBB2_6:
0x60: {  	p1 =	sne.s32 s28, $0x7F00;
	v8 =	vld [tilespmem:s25+$0x2130];
	[tilespmem:s26+$0x4130] =	vst v7  }
0x61: {  	v7 =	vld [tilespmem:s25+$0x100];
	v6 =	vmax.f32 v6, $0.0e+00;
	v5 =	vadd.f32 v5, v2  }
0x62: {  	v9 =	vld [tilespmem:s25+$0x2100];
	[tilespmem:s26+$0x4100] =	vst v6  }
.Ltmp6:
0x63: {  	v2 =	vld [tilespmem:s25+$0x110];
	v6 =	vmax.f32 v5, $0.0e+00;
	v4 =	vadd.f32 v4, v1;
	(pc) =	sbr.rel @p1 .LBB2_6-.Ltmp6, $4  }
0x64: {  	v5 =	vld [tilespmem:s25+$0x2110];
	[tilespmem:s26+$0x4110] =	vst v6  }
0x65: {  	v1 =	vld [tilespmem:s25+$0x120];
	v8 =	vadd.f32 v8, v3;
	v3 =	vmax.f32 v4, $0.0e+00  }
0x66: {  	v4 =	vld [tilespmem:s25+$0x2120];
	[tilespmem:s26+$0x4120] =	vst v3;
	s26 =	smov.u32 s25;
	s25 =	sshra.s32 s28, $0x2  }
0x67: {  	s28 =	sadd.s32 $0x100, s28;
	v3 =	vld [tilespmem:s25+$0x130];
	v6 =	vadd.f32 v9, v7;
	v7 =	vmax.f32 v8, $0.0e+00  }
0x68: {  	v8 =	vld [tilespmem:s25+$0x2130];
	[tilespmem:s26+$0x4130] =	vst v7  }
0x69: {  	v7 =	vld [tilespmem:s25+$0x100];
	v6 =	vmax.f32 v6, $0.0e+00;
	v2 =	vadd.f32 v5, v2  }
0x6a: {  	v9 =	vld [tilespmem:s25+$0x2100];
	[tilespmem:s26+$0x4100] =	vst v6  }
0x6b: {  	v62 =	vld [tilespmem:s25+$0x110];
	v2 =	vmax.f32 v2, $0.0e+00  }
0x6c: {  	v6 =	vld [tilespmem:s25+$0x2110];
	[tilespmem:s26+$0x4110] =	vst v2  }
0x6d: {  	v2 =	vld [tilespmem:s25+$0x120]  }
0x6e: {  	v10 =	vld [tilespmem:s25+$0x2120]  }
0x6f: {  	v1 =	vadd.f32 v4, v1  }
0x70: {  	v3 =	vadd.f32 v8, v3  }
0x71: {  	v1 =	vmax.f32 v1, $0.0e+00;
	v63 =	vadd.f32 v9, v7  }
0x72: {  	[tilespmem:s26+$0x4120] =	vst v1;
	v1 =	vmax.f32 v3, $0.0e+00;
	v3 =	vadd.f32 v6, v62  }
0x73: {  	[tilespmem:s25+$0x4130] =	vst v1;
	v1 =	vmax.f32 v63, $0.0e+00;
	v2 =	vadd.f32 v10, v2  }
0x74: {  	[tilespmem:s25+$0x4100] =	vst v1;
	v1 =	vmax.f32 v3, $0.0e+00  }
0x75: {  	[tilespmem:s25+$0x4110] =	vst v1;
	v1 =	vmax.f32 v2, $0.0e+00  }
.Ltmp7:
0x76: {  	[tilespmem:s25+$0x4120] =	vst v1;
	(pc) =	sbr.rel .LBB2_8-.Ltmp7, $4  }
0x77: {  	[spmem:s1] =	stream.indirect.scatter.add.f32 [tilespmem:s16], [sflag:$0x2], $0x40, s19, s19, $0xb8;
	[tilespmem:$0xFD40] =	vst v63  }
0x78: {  	_ =	swait.ge [sflag:s17], $0x2000  }
0x79: {  	[sflag:s17] =	ssyncset.done $0x0  }
0x7a: {  	[sflag:s17] =	ssyncadd.s32 $0xFFFFE000  }
.LBB2_10:
0x7b: {  	_ =	sfence.sel $0x180000  }
0x7c: {  	[bflag:$0x0] =	sbarrier.arrive $0xFFFF  }
0x7d: {  	_ =	strace $0x90000053  }
0x7e: {  	s0 =	sadd.s32 @!p0 $0x100000, s0;
	[bflag:$0x2] =	sbarrier.arrive $0xFFFF  }
0x7f: {  	[sflag:s0] =	ssyncadd.tile.s32 @!p0 $0x1;
	_ =	shalt  }
.Lfunc_end2:
_tile_overlayer_lowered:
.L_overlay_start_2:
0x80: {  	(tag) =	ssettag $0x2  }
0x81: {  	s0 =	rddreg [dreg:$0x0];
	s2 =	stileid.u32  }
0x82: {  	s1 =	rddreg [dreg:$0x1];
	p0 =	sne.s32 s2, $0x0  }
0x83: {  	s3 =	rddreg [dreg:$0x2];
	[bflag:$0x3] =	sbarrier.arrive $0xFFFF;
	s2 =	simm.s32 @!p0 $0x1C02  }
0x84: {  	[timem:s3], [sflag:s2] =	dma.local @!p0 [hbm:s0], s1  }
0x85: {  	s0 =	simm.s32 @!p0 $0x2  }
0x86: {  	_ =	swait.ge @!p0 [sflag:s0], s1  }
0x87: {  	s1 =	ssub.s32 @!p0 $0x0, s1;
	[sflag:s0] =	ssyncset.done @!p0 $0x0  }
0x88: {  	[sflag:s0] =	ssyncadd.s32 @!p0 s1  }
0x89: {  	[bflag:$0x3] =	sbarrier.arrive $0xFFFF  }
0x8a: {  	_ =	shalt  }

// kernel: kernel.31.cloned.1.call-start
scs
__scs_entry_jumppad:
0x0: {  	(pc) =	sbr.rel $0x88, $3  }
0x1: {  	(tag) =	ssettag $0x0;
	lr =	simm.s32 $0x1  }
0x2: {  	[smem:$0x3F77] =	sst lr;
	_ =	strace $0xD0000000  }
0x3: {  	_ = 	snop  }
0x4: {  	_ = 	snop  }
0x5: {  	_ = 	snop  }
0x6: {  	_ = 	snop  }
0x7: {  	_ = 	snop  }
__scs_overlays_trampoline_lowered:
0x8: {  	[smem:$0x3F86] =	sst s0  }
0x9: {  	[smem:$0x3F87] =	sst s1  }
0xa: {  	[smem:$0x3F88] =	sst s2  }
0xb: {  	[smem:$0x3F89] =	sst s3  }
0xc: {  	[smem:$0x3F8A] =	sst s4  }
0xd: {  	[smem:$0x3F8B] =	sst s5  }
0xe: {  	[smem:$0x3F8C] =	sst s6  }
0xf: {  	[smem:$0x3F8D] =	sst s7  }
0x10: {  	[smem:$0x3F8E] =	sst s8  }
0x11: {  	[smem:$0x3F8F] =	sst s9;
	s0 =	simm.s32 @!p0 $0x0  }
0x12: {  	s1 =	sld [smem:$0x3F75];
	s0 =	simm.s32 @p0 $0x1  }
0x13: {  	[smem:$0x3F90] =	sst s0;
	s0 =	simm.s32 @!p1 $0x0  }
0x14: {  	s2 =	sld [smem:$0x3F74];
	s0 =	simm.s32 @p1 $0x1  }
0x15: {  	[smem:$0x3F91] =	sst s0;
	s0 =	simm.s32 @!p2 $0x0  }
0x16: {  	s3 =	sld [smem:$0x3FDB];
	s0 =	simm.s32 @p2 $0x1  }
0x17: {  	s4 =	simm.s32 $0x1BF5;
	[smem:$0x3F93] =	sst s0  }
0x18: {  	s0 =	sld [smem:$0x3F76];
	_ =	swait.ge [sflag:s4], $0x0  }
0x19: {  	s7 =	sld [smem:$0x3F77]  }
0x1a: {  	s8 =	sadd.s32 $0xFFFFE003, lr  }
0x1b: {  	s9 =	sadd.s32 $0xFFFFFEF7, lr;
	s5 =	simm.s32 $0xFFFFFFFF;
	p2 =	slt.u32 s8, $0xFFFFF086  }
0x1c: {  	p1 =	slt.u32 s9, $0xF7A;
	s5 =	simm.s32 @!p2 $0x0  }
0x1d: {  	s5 =	simm.s32 @p1 $0x1;
	p0 =	seq.s32 s7, s2  }
0x1e: {  	s7 =	smul.u32 @!p0 $0xF7A, s2;
	p2 =	seq.s32 @!p0 s5, $0x0  }
0x1f: {  	s9 =	smul.u32 $0xF7A, s1;
	s8 =	simm.s32 @!p0 $0x1BF5;
	p2 =	por !p2, p0  }
0x20: {  	[sflag:s8] =	ssyncset.s32 @!p0 $0xFFFFF086;
	s6 =	sadd.s32 @!p0 s3, s7;
	s7 =	simm.s32 @!p0 $0x108  }
0x21: {  	s3 =	sadd.s32 s3, s9;
	s6 =	sadd.s32 @!p0 $0x88, s6;
	s7 =	simm.s32 @p2 $0x1082  }
0x22: {  	[simem:s7], [sflag:s8] =	dma.local @!p0 [hbm:s6], $0xF7A  }
0x23: {  	s9 =	sor.u32 $0xD0000000, s2;
	s6 =	simm.s32 $0x108;
	_ =	swait.ge @!p0 [sflag:s8], $0x0  }
0x24: {  	s3 =	sadd.s32 $0x88, s3;
	s6 =	simm.s32 @!p1 $0x1082;
	[sflag:s4] =	ssyncset.s32 $0xFFFFF086  }
0x25: {  	[simem:s6], [sflag:s4] =	dma.local [hbm:s3], $0xF7A  }
0x26: {  	[smem:$0x3F77] =	sst s1;
	(tag) =	ssettag s2;
	_ =	strace s9  }
0x27: {  	s1 =	sld [smem:$0x3F87]  }
0x28: {  	s2 =	sld [smem:$0x3F88]  }
0x29: {  	s4 =	sld [smem:$0x3F8A]  }
0x2a: {  	p0 =	seq.s32 s5, $0x0;
	s5 =	sld [smem:$0x3F8B]  }
0x2b: {  	s6 =	sld [smem:$0x3F8C]  }
0x2c: {  	s7 =	sld [smem:$0x3F8D]  }
0x2d: {  	s3 =	simm.s32 $0x108;
	s8 =	sld [smem:$0x3F8E]  }
0x2e: {  	s3 =	simm.s32 @!p0 $0x1082;
	s9 =	sld [smem:$0x3F8F]  }
0x2f: {  	lr =	sadd.s32 s0, s3;
	s0 =	sld [smem:$0x3F86]  }
0x30: {  	s3 =	sld [smem:$0x3F89]  }
0x31: {  	[smem:$0x3F92] =	sst s10  }
0x32: {  	s10 =	sld [smem:$0x3F90];
	_ =	sdelay $0x3  }
0x33: {  	p0 =	seq.s32 s10, $0x1;
	s10 =	sld [smem:$0x3F92];
	_ =	sdelay $0x3  }
0x34: {  	[smem:$0x3F92] =	sst s10  }
0x35: {  	s10 =	sld [smem:$0x3F91];
	_ =	sdelay $0x3  }
0x36: {  	p1 =	seq.s32 s10, $0x1;
	s10 =	sld [smem:$0x3F92];
	_ =	sdelay $0x3  }
0x37: {  	[smem:$0x3F92] =	sst s10  }
0x38: {  	s10 =	sld [smem:$0x3F93]  }
0x39: {  	_ = 	snop;
	(pc) =	sbr.ind lr, $3  }
0x3a: {  	_ = 	snop  }
0x3b: {  	_ = 	snop  }
0x3c: {  	p2 =	seq.s32 s10, $0x1;
	s10 =	sld [smem:$0x3F92]  }
0x3d: {  	_ =	shalt  }
0x3e: {  	_ =	shalt  }
0x3f: {  	_ =	shalt  }
0x40: {  	_ =	shalt  }
0x41: {  	_ =	shalt  }
0x42: {  	_ =	shalt  }
0x43: {  	_ =	shalt  }
0x44: {  	_ =	shalt  }
0x45: {  	_ =	shalt  }
0x46: {  	_ =	shalt  }
0x47: {  	_ =	shalt  }
0x48: {  	_ =	shalt  }
0x49: {  	_ =	shalt  }
0x4a: {  	_ =	shalt  }
0x4b: {  	_ =	shalt  }
0x4c: {  	_ =	shalt  }
0x4d: {  	_ =	shalt  }
0x4e: {  	_ =	shalt  }
0x4f: {  	_ =	shalt  }
0x50: {  	_ =	shalt  }
0x51: {  	_ =	shalt  }
0x52: {  	_ =	shalt  }
0x53: {  	_ =	shalt  }
0x54: {  	_ =	shalt  }
0x55: {  	_ =	shalt  }
0x56: {  	_ =	shalt  }
0x57: {  	_ =	shalt  }
0x58: {  	_ =	shalt  }
0x59: {  	_ =	shalt  }
0x5a: {  	_ =	shalt  }
0x5b: {  	_ =	shalt  }
0x5c: {  	_ =	shalt  }
0x5d: {  	_ =	shalt  }
0x5e: {  	_ =	shalt  }
0x5f: {  	_ =	shalt  }
0x60: {  	_ =	shalt  }
0x61: {  	_ =	shalt  }
0x62: {  	_ =	shalt  }
0x63: {  	_ =	shalt  }
0x64: {  	_ =	shalt  }
0x65: {  	_ =	shalt  }
0x66: {  	_ =	shalt  }
0x67: {  	_ =	shalt  }
0x68: {  	_ =	shalt  }
0x69: {  	_ =	shalt  }
0x6a: {  	_ =	shalt  }
0x6b: {  	_ =	shalt  }
0x6c: {  	_ =	shalt  }
0x6d: {  	_ =	shalt  }
0x6e: {  	_ =	shalt  }
0x6f: {  	_ =	shalt  }
0x70: {  	_ =	shalt  }
0x71: {  	_ =	shalt  }
0x72: {  	_ =	shalt  }
0x73: {  	_ =	shalt  }
0x74: {  	_ =	shalt  }
0x75: {  	_ =	shalt  }
0x76: {  	_ =	shalt  }
0x77: {  	_ =	shalt  }
0x78: {  	_ =	shalt  }
0x79: {  	_ =	shalt  }
0x7a: {  	_ =	shalt  }
0x7b: {  	_ =	shalt  }
0x7c: {  	_ =	shalt  }
0x7d: {  	_ =	shalt  }
0x7e: {  	_ =	shalt  }
0x7f: {  	_ =	shalt  }
0x80: {  	_ =	shalt  }
0x81: {  	_ =	shalt  }
0x82: {  	_ =	shalt  }
0x83: {  	_ =	shalt  }
0x84: {  	_ =	shalt  }
0x85: {  	_ =	shalt  }
0x86: {  	_ =	shalt  }
0x87: {  	_ =	shalt  }
.Lfunc_end0:
.L_simem_size_0:
called_computation.5_lowered:
.L_overlay_start_0:
0x88: {  	s2 =	sld [smem:$0x3FD9]  }
0x89: {  	s3 =	sld [smem:$0x3FFE];
	_ =	sdelay $0x1  }
0x8a: {  	s1 =	srdreg.scid  }
0x8b: {  	s0 =	sand.u32 $0x1, s1  }
0x8c: {  	s16 =	sshll.u32 s0, $0xA;
	s2 =	sadd.s32 s3, s2  }
0x8d: {  	s2 =	sadd.s32 s2, s16  }
0x8e: {  	[smem:$0x3F9E] =	sst s2  }
0x8f: {  	_ = 	snop  }
0x90: {  	(tm) =	ssettm $0x1  }
0x91: {  	s17 =	sld [smem:$0x3FFB];
	_ =	sdelay $0x3  }
0x92: {  	_ =	strace s17  }
0x93: {  	s2 =	sld [smem:$0x3FFC];
	_ =	sdelay $0x3  }
0x94: {  	_ =	strace s2  }
0x95: {  	s2 =	sld [smem:$0x3FFD];
	_ =	sdelay $0x3  }
0x96: {  	_ =	strace s2  }
0x97: {  	_ =	strace $0x8FFFFFFF  }
0x98: {  	s18 =	sld [smem:$0x3FDB];
	_ =	sdelay $0x1  }
0x99: {  	s19 =	simm.s32 $_scs_section_size  }
0x9a: {  	s4 =	simm.s32 $_size__tile_overlayer_lowered;
	s5 =	simm.s32 $_tile_overlayer_lowered  }
0x9b: {  	s22 =	simm.s32 $0x1BFF;
	s21 =	sshll.u32 s5, $0x1;
	s2 =	sadd.s32 s19, s18  }
0x9c: {  	s6 =	simm.s32 $0x0;
	s20 =	sshll.u32 s4, $0x1;
	s4 =	sadd.s32 s21, s2  }
0x9d: {  	[timem:s6], [sflag:s22] =	dma.local [hbm:s4], s20  }
0x9e: {  	_ =	swait.ge [sflag:s22], s20  }
0x9f: {  	s3 =	ssub.s32 $0x0, s20;
	[sflag:s22] =	ssyncset.done $0x0  }
0xa0: {  	[sflag:s22] =	ssyncadd.s32 s3;
	_ =	sdelay $0x1  }
0xa1: {  	s23 =	simm.s32 $0x1B8B  }
0xa2: {  	_ =	swait.ge [sflag:s23], $0x1  }
0xa3: {  	[sflag:s23] =	ssyncset.done $0x0  }
0xa4: {  	s25 =	simm.s32 $0x1B8E;
	s24 =	sld [smem:$0x3FFE];
	[sflag:s23] =	ssyncadd.s32 $0xFFFFFFFF  }
0xa5: {  	s26 =	simm.s32 $execute0_lowered;
	[smem:$0x3FD2] =	sst s25  }
0xa6: {  	s4 =	sshll.u32 s26, $0x1;
	_ =	strace $0x80000055;
	[dreg:$0x1] =	wrdreg $0xFFFFFFFF  }
0xa7: {  	s28 =	simm.s32 $_size_execute0_lowered;
	s2 =	sadd.s32 s2, s4;
	[dreg:$0x0] =	wrdreg $0x0  }
0xa8: {  	s4 =	sshll.u32 s28, $0x1;
	[dreg:$0x2] =	wrdreg s2  }
0xa9: {  	[dreg:$0x3] =	wrdreg s4  }
0xaa: {  	[dreg:$0x4] =	wrdreg $0xC0  }
0xab: {  	_ =	task [dreg:s6], $0x5FFFF  }
0xac: {  	[dreg:$0x1] =	wrdreg $0xFFFFFFFF  }
0xad: {  	[dreg:$0x0] =	wrdreg $0x60  }
0xae: {  	[dreg:$0x2] =	wrdreg s24  }
0xaf: {  	[dreg:$0x3] =	wrdreg $0x61000  }
0xb0: {  	[dreg:$0x4] =	wrdreg $0x9  }
0xb1: {  	_ =	task.clear_ibuf [dreg:s6], $0x5FFFF;
	_ =	strace $0x90000055  }
0xb2: {  	s29 =	simm.s32 $0x9;
	_ =	strace $0x80000057  }
0xb3: {  	_ =	swait.ge [sflag:s29], $0x1  }
0xb4: {  	[sflag:s29] =	ssyncadd.s32 $0xFFFFFFFF  }
0xb5: {  	_ =	strace $0x90000057  }
0xb6: {  	_ =	sfence  }
0xb7: {  	s30 =	sld [smem:$0x0];
	_ =	sdelay $0x2  }
0xb8: {  	s31 =	sshll.u32 s1, $0xD;
	s1 =	sshrl.u32 s1, $0x2  }
0xb9: {  	s3 =	sand.u32 $0x4000, s31;
	s1 =	sadd.s32 s1, s30  }
0xba: {  	s0 =	sor.u32 s3, s0;
	s1 =	sshll.u32 s1, $0x11  }
0xbb: {  	s0 =	sor.u32 s1, s0  }
0xbc: {  	s0 =	sadd.s32 $0x8F2B, s0  }
0xbd: {  	[sflag:s0] =	ssyncadd.remote.s32 $0x1  }
0xbe: {  	_ =	sfence.sel $0xFFFF  }
0xbf: {  	[dreg:$0x0] =	wrdreg $0xFFFFFFFF;
	(pc) =	sbr.abs _section_cstart, $3  }
0xc0: {  	[dreg:$0x1] =	wrdreg $0xFFFFFFFF  }
0xc1: {  	_ =	task.clear_ibuf [dreg:s6], $0x2FFFF;
	_ =	strace $0x9FFFFFFF  }
0xc2: {  	(tm) =	ssettm $0x7FFFFFFF  }
0xc3: {  	_ =	shalt  }
tec
execute0_lowered:
.L_overlay_start_1:
0x0: {  	(tag) =	ssettag $0x1  }
0x1: {  	s13 =	rddreg [dreg:$0x0]  }
0x2: {  	s1 =	rddreg [dreg:$0x1]  }
0x3: {  	s0 =	rddreg [dreg:$0x2];
	s2 =	simm.s32 $0x0  }
0x4: {  	s3 =	srdreg.scid;
	s24 =	stileid.u32;
	s16 =	simm.s32 $0x4100  }
0x5: {  	s17 =	simm.s32 $0x2;
	s18 =	simm.s32 $0x3;
	s19 =	simm.s32 $0x80  }
0x6: {  	s20 =	simm.s32 $0x100;
	s21 =	simm.s32 $0x40;
	s22 =	simm.s32 $0x2100  }
0x7: {  	s23 =	simm.s32 $0x1;
	s30 =	simm.s32 $0x0;
	[smem:$0x7FF] =	sst s2  }
0x8: {  	s3 =	sand.u32 $0x1, s3;
	s8 =	smul.u32 $0x271, s24;
	s5 =	sadd.s32 $0xA52800, s13  }
0x9: {  	s4 =	sadd.s32 $0x31200, s13;
	s9 =	smul.u32 $0x27100, s24;
	s6 =	sadd.s32 $0xA48A00, s13  }
0xa: {  	p0 =	sne.s32 s24, $0x0;
	s7 =	smul.u32 $0x13880, s3;
	s29 =	ssub.s32 $0x2, s3  }
0xb: {  	_ =	strace $0x80000056;
	s10 =	sshrl.u32 s29, $0x1;
	s9 =	sshrl.u32 s9, $0x2  }
.Ltmp0:
0xc: {  	s8 =	smin.u32 s8, $0x2490;
	s14 =	sadd.s32 s7, s13;
	(pc) =	sbr.rel .LBB2_1-.Ltmp0, $4  }
0xd: {  	s15 =	ssub.s32 s29, s10;
	s7 =	sadd.s32 s9, s1;
	s31 =	sshll.u32 s8, $0x6  }
0xe: {  	s8 =	sshll.u32 s24, $0x1;
	s13 =	sadd.s32 $0x7FA08, s13;
	s9 =	sadd.s32 $0x2000, s7  }
0xf: {  	s12 =	sadd.s32 s31, s1;
	s10 =	sadd.s32 $0x4000, s7;
	s11 =	sadd.s32 $0x6000, s7  }
0x10: {  	v0 =	vimm.f32 $0.0e+00;
	s14 =	sadd.s32 $0x44C00, s14;
	s15 =	smax.u32 s15, $0x1;
	s12 =	sadd.s32 $0x8000, s12  }
.LBB2_9:
0x11: {  	[bflag:$0x0] =	sbarrier.arrive $0xFFFF  }
0x12: {  	s24 =	sshrl.u32 @!p0 s1, $0x3;
	s25 =	simm.s32 @!p0 $0x1C02;
	s2 =	sadd.s32 $0x1, s2  }
0x13: {  	[hbm:s14], [sflag:s25] =	dma.local @!p0 [spmem:s24], $0x13880  }
0x14: {  	p1 =	sne.s32 s2, s15  }
.Ltmp1:
0x15: {  	_ = 	snop;
	(pc) =	sbr.rel @!p1 .LBB2_10-.Ltmp1, $4  }
0x16: {  	s24 =	simm.s32 @!p0 $0x2  }
0x17: {  	_ =	swait.ge @!p0 [sflag:s24], $0x13880  }
0x18: {  	[sflag:s24] =	ssyncset.done @!p0 $0x0  }
0x19: {  	[sflag:s24] =	ssyncadd.s32 @!p0 $0xFFFEC780  }
.LBB2_1:
0x1a: {  	s25 =	simm.s32 $0x100;
	s24 =	simm.s32 $0x0  }
.LBB2_2:
0x1b: {  	p1 =	sne.s32 s25, $0x7F00;
	[tilespmem:s24+$0x4130] =	vst v0;
	s26 =	smov.u32 s25;
	s25 =	sadd.s32 $0x100, s25  }
.Ltmp2:
0x1c: {  	[tilespmem:s24+$0x4120] =	vst v0;
	(pc) =	sbr.rel @p1 .LBB2_2-.Ltmp2, $3  }
0x1d: {  	[tilespmem:s24+$0x4100] =	vst v0  }
0x1e: {  	[tilespmem:s24+$0x4110] =	vst v0;
	_ =	sdelay $0x1  }
0x1f: {  	s24 =	sshra.s32 s26, $0x2  }
0x20: {  	[tilespmem:s24+$0x4130] =	vst v0  }
0x21: {  	[tilespmem:s24+$0x4120] =	vst v0  }
0x22: {  	[tilespmem:s24+$0x4100] =	vst v0  }
0x23: {  	[tilespmem:s24+$0x4110] =	vst v0  }
0x24: {  	[spmem:s7] =	stream.linear.scatter [tilespmem:s16], [sflag:$0x2], $0x2000, $0x38;
	[tilespmem:$0xFD40] =	vst v63  }
0x25: {  	_ =	swait.ge [sflag:s17], $0x2000  }
0x26: {  	[sflag:s17] =	ssyncset.done $0x0  }
0x27: {  	[sflag:s17] =	ssyncadd.s32 $0xFFFFE000  }
0x28: {  	[spmem:s9] =	stream.linear.scatter [tilespmem:s16], [sflag:$0x2], $0x2000, $0x38;
	[tilespmem:$0xFD40] =	vst v63  }
0x29: {  	_ =	swait.ge [sflag:s17], $0x2000  }
0x2a: {  	[sflag:s17] =	ssyncset.done $0x0  }
0x2b: {  	[sflag:s17] =	ssyncadd.s32 $0xFFFFE000  }
0x2c: {  	[spmem:s10] =	stream.linear.scatter [tilespmem:s16], [sflag:$0x2], $0x2000, $0x38;
	[tilespmem:$0xFD40] =	vst v63  }
0x2d: {  	_ =	swait.ge [sflag:s17], $0x2000  }
0x2e: {  	[sflag:s17] =	ssyncset.done $0x0  }
0x2f: {  	[sflag:s17] =	ssyncadd.s32 $0xFFFFE000  }
0x30: {  	[spmem:s11] =	stream.linear.scatter [tilespmem:s16], [sflag:$0x2], $0x2000, $0x38;
	[tilespmem:$0xFD40] =	vst v63  }
0x31: {  	_ =	swait.ge [sflag:s17], $0x2000  }
0x32: {  	[sflag:s17] =	ssyncset.done $0x0  }
0x33: {  	[sflag:s17] =	ssyncadd.s32 $0xFFFFE000  }
0x34: {  	[spmem:s12] =	stream.linear.scatter [tilespmem:s16], [sflag:$0x2], $0x2000, $0x38;
	[tilespmem:$0xFD40] =	vst v63  }
.Ltmp3:
0x35: {  	_ =	swait.ge [sflag:s17], $0x2000;
	(pc) =	sbr.rel .LBB2_4-.Ltmp3, $4  }
0x36: {  	[sflag:s17] =	ssyncset.done $0x0  }
0x37: {  	[sflag:s17] =	ssyncadd.s32 $0xFFFFE000  }
0x38: {  	[bflag:$0x0] =	sbarrier.arrive $0xFFFF  }
0x39: {  	s24 =	simm.s32 $0x0  }
.LBB2_8:
0x3a: {  	s24 =	sadd.s32 $0x1, s24  }
0x3b: {  	p1 =	sne.s32 s24, $0x4F  }
.Ltmp4:
0x3c: {  	_ = 	snop;
	(pc) =	sbr.rel @!p1 .LBB2_9-.Ltmp4, $1  }
0x3d: {  	_ =	sdelay $0x3  }
.LBB2_4:
0x3e: {  	s25 =	sshll.u32 s24, $0x5  }
0x3f: {  	s25 =	sor.u32 s8, s25  }
0x40: {  	p1 =	sgt.u32 s25, $0x9C3  }
.Ltmp5:
0x41: {  	_ = 	snop;
	(pc) =	sbr.rel @p1 .LBB2_8-.Ltmp5, $1  }
0x42: {  	_ =	sdelay $0x3  }
0x43: {  	s26 =	sor.u32 s3, s25  }
0x44: {  	s28 =	sshll.u32 s26, $0x4  }
0x45: {  	s29 =	sadd.s32 s5, s28  }
0x46: {  	[tilespmem:s30], [sflag:$0x3] =	stream.linear.gather [hbm4b:s29+s30], $0x80, $0x38;
	[tilespmem:$0xFD40] =	vst v63  }
0x47: {  	_ =	swait.ge [sflag:s18], $0x80  }
0x48: {  	[sflag:s18] =	ssyncset.done $0x0  }
0x49: {  	s26 =	sshll.u32 s26, $0xF;
	s28 =	sadd.s32 s6, s28;
	[sflag:s18] =	ssyncadd.s32 $0xFFFFFF80  }
0x4a: {  	[tilespmem:s19], [sflag:$0x3] =	stream.linear.gather [hbm4b:s28+s30], $0x80, $0x38;
	[tilespmem:$0xFD40] =	vst v63  }
0x4b: {  	p1 =	slt.u32 s25, $0x4E2;
	s25 =	sadd.s32 $0xFD8F0000, s26;
	_ =	swait.ge [sflag:s18], $0x80  }
0x4c: {  	s25 =	smov.u32 @p1 s26;
	[sflag:s18] =	ssyncset.done $0x0  }
0x4d: {  	s25 =	sshrl.u32 s25, $0x3;
	[sflag:s18] =	ssyncadd.s32 $0xFFFFFF80  }
0x4e: {  	[tilespmem:s20], [sflag:$0x1] =	stream.indirect.gather [hbm4b:s4+s19], $0x40, s30, s19, $0xb8;
	[tilespmem:$0xFD40] =	vst v63  }
0x4f: {  	s25 =	sadd.s32 s25, s13  }
0x50: {  	[tilespmem:s22], [sflag:$0x3] =	stream.strided.gather [hbm4b:s25+s21], $0x2000, s20, s21, $0x38;
	[tilespmem:$0xFD40] =	vst v63  }
0x51: {  	_ =	swait.ge [sflag:s18], $0x2000  }
0x52: {  	[sflag:s18] =	ssyncset.done $0x0  }
0x53: {  	[sflag:s18] =	ssyncadd.s32 $0xFFFFE000  }
0x54: {  	_ =	swait.ge [sflag:s23], $0x2000  }
0x55: {  	[sflag:s23] =	ssyncset.done $0x0  }
0x56: {  	s26 =	simm.s32 $0x0;
	[sflag:s23] =	ssyncadd.s32 $0xFFFFE000  }
0x57: {  	v3 =	vld [tilespmem:s26+$0x130]  }
0x58: {  	v4 =	vld [tilespmem:s26+$0x2130]  }
0x59: {  	v6 =	vld [tilespmem:s26+$0x100]  }
0x5a: {  	v7 =	vld [tilespmem:s26+$0x2100]  }
0x5b: {  	v2 =	vld [tilespmem:s26+$0x110]  }
0x5c: {  	v5 =	vld [tilespmem:s26+$0x2110]  }
0x5d: {  	v1 =	vld [tilespmem:s26+$0x120];
	v8 =	vadd.f32 v4, v3  }
0x5e: {  	s25 =	simm.s32 $0x40;
	v4 =	vld [tilespmem:s26+$0x2120]  }
0x5f: {  	s28 =	simm.s32 $0x200;
	v3 =	vld [tilespmem:s25+$0x130];
	v6 =	vadd.f32 v7, v6;
	v7 =	vmax.f32 v8, $0.0e+00  }
.LBB2_6:
0x60: {  	p1 =	sne.s32 s28, $0x7F00;
	v8 =	vld [tilespmem:s25+$0x2130];
	[tilespmem:s26+$0x4130] =	vst v7  }
0x61: {  	v7 =	vld [tilespmem:s25+$0x100];
	v6 =	vmax.f32 v6, $0.0e+00;
	v5 =	vadd.f32 v5, v2  }
0x62: {  	v9 =	vld [tilespmem:s25+$0x2100];
	[tilespmem:s26+$0x4100] =	vst v6  }
.Ltmp6:
0x63: {  	v2 =	vld [tilespmem:s25+$0x110];
	v6 =	vmax.f32 v5, $0.0e+00;
	v4 =	vadd.f32 v4, v1;
	(pc) =	sbr.rel @p1 .LBB2_6-.Ltmp6, $4  }
0x64: {  	v5 =	vld [tilespmem:s25+$0x2110];
	[tilespmem:s26+$0x4110] =	vst v6  }
0x65: {  	v1 =	vld [tilespmem:s25+$0x120];
	v8 =	vadd.f32 v8, v3;
	v3 =	vmax.f32 v4, $0.0e+00  }
0x66: {  	v4 =	vld [tilespmem:s25+$0x2120];
	[tilespmem:s26+$0x4120] =	vst v3;
	s26 =	smov.u32 s25;
	s25 =	sshra.s32 s28, $0x2  }
0x67: {  	s28 =	sadd.s32 $0x100, s28;
	v3 =	vld [tilespmem:s25+$0x130];
	v6 =	vadd.f32 v9, v7;
	v7 =	vmax.f32 v8, $0.0e+00  }
0x68: {  	v8 =	vld [tilespmem:s25+$0x2130];
	[tilespmem:s26+$0x4130] =	vst v7  }
0x69: {  	v7 =	vld [tilespmem:s25+$0x100];
	v6 =	vmax.f32 v6, $0.0e+00;
	v2 =	vadd.f32 v5, v2  }
0x6a: {  	v9 =	vld [tilespmem:s25+$0x2100];
	[tilespmem:s26+$0x4100] =	vst v6  }
0x6b: {  	v62 =	vld [tilespmem:s25+$0x110];
	v2 =	vmax.f32 v2, $0.0e+00  }
0x6c: {  	v6 =	vld [tilespmem:s25+$0x2110];
	[tilespmem:s26+$0x4110] =	vst v2  }
0x6d: {  	v2 =	vld [tilespmem:s25+$0x120]  }
0x6e: {  	v10 =	vld [tilespmem:s25+$0x2120]  }
0x6f: {  	v1 =	vadd.f32 v4, v1  }
0x70: {  	v3 =	vadd.f32 v8, v3  }
0x71: {  	v1 =	vmax.f32 v1, $0.0e+00;
	v63 =	vadd.f32 v9, v7  }
0x72: {  	[tilespmem:s26+$0x4120] =	vst v1;
	v1 =	vmax.f32 v3, $0.0e+00;
	v3 =	vadd.f32 v6, v62  }
0x73: {  	[tilespmem:s25+$0x4130] =	vst v1;
	v1 =	vmax.f32 v63, $0.0e+00;
	v2 =	vadd.f32 v10, v2  }
0x74: {  	[tilespmem:s25+$0x4100] =	vst v1;
	v1 =	vmax.f32 v3, $0.0e+00  }
0x75: {  	[tilespmem:s25+$0x4110] =	vst v1;
	v1 =	vmax.f32 v2, $0.0e+00  }
.Ltmp7:
0x76: {  	[tilespmem:s25+$0x4120] =	vst v1;
	(pc) =	sbr.rel .LBB2_8-.Ltmp7, $4  }
0x77: {  	[spmem:s1] =	stream.indirect.scatter.add.f32 [tilespmem:s16], [sflag:$0x2], $0x40, s19, s19, $0xb8;
	[tilespmem:$0xFD40] =	vst v63  }
0x78: {  	_ =	swait.ge [sflag:s17], $0x2000  }
0x79: {  	[sflag:s17] =	ssyncset.done $0x0  }
0x7a: {  	[sflag:s17] =	ssyncadd.s32 $0xFFFFE000  }
.LBB2_10:
0x7b: {  	_ =	sfence.sel $0x180000  }
0x7c: {  	[bflag:$0x0] =	sbarrier.arrive $0xFFFF  }
0x7d: {  	_ =	strace $0x90000056  }
0x7e: {  	s0 =	sadd.s32 @!p0 $0x100000, s0;
	[bflag:$0x2] =	sbarrier.arrive $0xFFFF  }
0x7f: {  	[sflag:s0] =	ssyncadd.tile.s32 @!p0 $0x1;
	_ =	shalt  }
.Lfunc_end2:
_tile_overlayer_lowered:
.L_overlay_start_2:
0x80: {  	(tag) =	ssettag $0x2  }
0x81: {  	s0 =	rddreg [dreg:$0x0];
	s2 =	stileid.u32  }
0x82: {  	s1 =	rddreg [dreg:$0x1];
	p0 =	sne.s32 s2, $0x0  }
0x83: {  	s3 =	rddreg [dreg:$0x2];
	[bflag:$0x3] =	sbarrier.arrive $0xFFFF;
	s2 =	simm.s32 @!p0 $0x1C02  }
0x84: {  	[timem:s3], [sflag:s2] =	dma.local @!p0 [hbm:s0], s1  }
0x85: {  	s0 =	simm.s32 @!p0 $0x2  }
0x86: {  	_ =	swait.ge @!p0 [sflag:s0], s1  }
0x87: {  	s1 =	ssub.s32 @!p0 $0x0, s1;
	[sflag:s0] =	ssyncset.done @!p0 $0x0  }
0x88: {  	[sflag:s0] =	ssyncadd.s32 @!p0 s1  }
0x89: {  	[bflag:$0x3] =	sbarrier.arrive $0xFFFF  }
0x8a: {  	_ =	shalt  }

// kernel: kernel.34.cloned.1.call-start
scs
__scs_entry_jumppad:
0x0: {  	(pc) =	sbr.rel $0x88, $3  }
0x1: {  	(tag) =	ssettag $0x0;
	lr =	simm.s32 $0x1  }
0x2: {  	[smem:$0x3F77] =	sst lr;
	_ =	strace $0xD0000000  }
0x3: {  	_ = 	snop  }
0x4: {  	_ = 	snop  }
0x5: {  	_ = 	snop  }
0x6: {  	_ = 	snop  }
0x7: {  	_ = 	snop  }
__scs_overlays_trampoline_lowered:
0x8: {  	[smem:$0x3F86] =	sst s0  }
0x9: {  	[smem:$0x3F87] =	sst s1  }
0xa: {  	[smem:$0x3F88] =	sst s2  }
0xb: {  	[smem:$0x3F89] =	sst s3  }
0xc: {  	[smem:$0x3F8A] =	sst s4  }
0xd: {  	[smem:$0x3F8B] =	sst s5  }
0xe: {  	[smem:$0x3F8C] =	sst s6  }
0xf: {  	[smem:$0x3F8D] =	sst s7  }
0x10: {  	[smem:$0x3F8E] =	sst s8  }
0x11: {  	[smem:$0x3F8F] =	sst s9;
	s0 =	simm.s32 @!p0 $0x0  }
0x12: {  	s1 =	sld [smem:$0x3F75];
	s0 =	simm.s32 @p0 $0x1  }
0x13: {  	[smem:$0x3F90] =	sst s0;
	s0 =	simm.s32 @!p1 $0x0  }
0x14: {  	s2 =	sld [smem:$0x3F74];
	s0 =	simm.s32 @p1 $0x1  }
0x15: {  	[smem:$0x3F91] =	sst s0;
	s0 =	simm.s32 @!p2 $0x0  }
0x16: {  	s3 =	sld [smem:$0x3FDB];
	s0 =	simm.s32 @p2 $0x1  }
0x17: {  	s4 =	simm.s32 $0x1BF5;
	[smem:$0x3F93] =	sst s0  }
0x18: {  	s0 =	sld [smem:$0x3F76];
	_ =	swait.ge [sflag:s4], $0x0  }
0x19: {  	s7 =	sld [smem:$0x3F77]  }
0x1a: {  	s8 =	sadd.s32 $0xFFFFE003, lr  }
0x1b: {  	s9 =	sadd.s32 $0xFFFFFEF7, lr;
	s5 =	simm.s32 $0xFFFFFFFF;
	p2 =	slt.u32 s8, $0xFFFFF086  }
0x1c: {  	p1 =	slt.u32 s9, $0xF7A;
	s5 =	simm.s32 @!p2 $0x0  }
0x1d: {  	s5 =	simm.s32 @p1 $0x1;
	p0 =	seq.s32 s7, s2  }
0x1e: {  	s7 =	smul.u32 @!p0 $0xF7A, s2;
	p2 =	seq.s32 @!p0 s5, $0x0  }
0x1f: {  	s9 =	smul.u32 $0xF7A, s1;
	s8 =	simm.s32 @!p0 $0x1BF5;
	p2 =	por !p2, p0  }
0x20: {  	[sflag:s8] =	ssyncset.s32 @!p0 $0xFFFFF086;
	s6 =	sadd.s32 @!p0 s3, s7;
	s7 =	simm.s32 @!p0 $0x108  }
0x21: {  	s3 =	sadd.s32 s3, s9;
	s6 =	sadd.s32 @!p0 $0x88, s6;
	s7 =	simm.s32 @p2 $0x1082  }
0x22: {  	[simem:s7], [sflag:s8] =	dma.local @!p0 [hbm:s6], $0xF7A  }
0x23: {  	s9 =	sor.u32 $0xD0000000, s2;
	s6 =	simm.s32 $0x108;
	_ =	swait.ge @!p0 [sflag:s8], $0x0  }
0x24: {  	s3 =	sadd.s32 $0x88, s3;
	s6 =	simm.s32 @!p1 $0x1082;
	[sflag:s4] =	ssyncset.s32 $0xFFFFF086  }
0x25: {  	[simem:s6], [sflag:s4] =	dma.local [hbm:s3], $0xF7A  }
0x26: {  	[smem:$0x3F77] =	sst s1;
	(tag) =	ssettag s2;
	_ =	strace s9  }
0x27: {  	s1 =	sld [smem:$0x3F87]  }
0x28: {  	s2 =	sld [smem:$0x3F88]  }
0x29: {  	s4 =	sld [smem:$0x3F8A]  }
0x2a: {  	p0 =	seq.s32 s5, $0x0;
	s5 =	sld [smem:$0x3F8B]  }
0x2b: {  	s6 =	sld [smem:$0x3F8C]  }
0x2c: {  	s7 =	sld [smem:$0x3F8D]  }
0x2d: {  	s3 =	simm.s32 $0x108;
	s8 =	sld [smem:$0x3F8E]  }
0x2e: {  	s3 =	simm.s32 @!p0 $0x1082;
	s9 =	sld [smem:$0x3F8F]  }
0x2f: {  	lr =	sadd.s32 s0, s3;
	s0 =	sld [smem:$0x3F86]  }
0x30: {  	s3 =	sld [smem:$0x3F89]  }
0x31: {  	[smem:$0x3F92] =	sst s10  }
0x32: {  	s10 =	sld [smem:$0x3F90];
	_ =	sdelay $0x3  }
0x33: {  	p0 =	seq.s32 s10, $0x1;
	s10 =	sld [smem:$0x3F92];
	_ =	sdelay $0x3  }
0x34: {  	[smem:$0x3F92] =	sst s10  }
0x35: {  	s10 =	sld [smem:$0x3F91];
	_ =	sdelay $0x3  }
0x36: {  	p1 =	seq.s32 s10, $0x1;
	s10 =	sld [smem:$0x3F92];
	_ =	sdelay $0x3  }
0x37: {  	[smem:$0x3F92] =	sst s10  }
0x38: {  	s10 =	sld [smem:$0x3F93]  }
0x39: {  	_ = 	snop;
	(pc) =	sbr.ind lr, $3  }
0x3a: {  	_ = 	snop  }
0x3b: {  	_ = 	snop  }
0x3c: {  	p2 =	seq.s32 s10, $0x1;
	s10 =	sld [smem:$0x3F92]  }
0x3d: {  	_ =	shalt  }
0x3e: {  	_ =	shalt  }
0x3f: {  	_ =	shalt  }
0x40: {  	_ =	shalt  }
0x41: {  	_ =	shalt  }
0x42: {  	_ =	shalt  }
0x43: {  	_ =	shalt  }
0x44: {  	_ =	shalt  }
0x45: {  	_ =	shalt  }
0x46: {  	_ =	shalt  }
0x47: {  	_ =	shalt  }
0x48: {  	_ =	shalt  }
0x49: {  	_ =	shalt  }
0x4a: {  	_ =	shalt  }
0x4b: {  	_ =	shalt  }
0x4c: {  	_ =	shalt  }
0x4d: {  	_ =	shalt  }
0x4e: {  	_ =	shalt  }
0x4f: {  	_ =	shalt  }
0x50: {  	_ =	shalt  }
0x51: {  	_ =	shalt  }
0x52: {  	_ =	shalt  }
0x53: {  	_ =	shalt  }
0x54: {  	_ =	shalt  }
0x55: {  	_ =	shalt  }
0x56: {  	_ =	shalt  }
0x57: {  	_ =	shalt  }
0x58: {  	_ =	shalt  }
0x59: {  	_ =	shalt  }
0x5a: {  	_ =	shalt  }
0x5b: {  	_ =	shalt  }
0x5c: {  	_ =	shalt  }
0x5d: {  	_ =	shalt  }
0x5e: {  	_ =	shalt  }
0x5f: {  	_ =	shalt  }
0x60: {  	_ =	shalt  }
0x61: {  	_ =	shalt  }
0x62: {  	_ =	shalt  }
0x63: {  	_ =	shalt  }
0x64: {  	_ =	shalt  }
0x65: {  	_ =	shalt  }
0x66: {  	_ =	shalt  }
0x67: {  	_ =	shalt  }
0x68: {  	_ =	shalt  }
0x69: {  	_ =	shalt  }
0x6a: {  	_ =	shalt  }
0x6b: {  	_ =	shalt  }
0x6c: {  	_ =	shalt  }
0x6d: {  	_ =	shalt  }
0x6e: {  	_ =	shalt  }
0x6f: {  	_ =	shalt  }
0x70: {  	_ =	shalt  }
0x71: {  	_ =	shalt  }
0x72: {  	_ =	shalt  }
0x73: {  	_ =	shalt  }
0x74: {  	_ =	shalt  }
0x75: {  	_ =	shalt  }
0x76: {  	_ =	shalt  }
0x77: {  	_ =	shalt  }
0x78: {  	_ =	shalt  }
0x79: {  	_ =	shalt  }
0x7a: {  	_ =	shalt  }
0x7b: {  	_ =	shalt  }
0x7c: {  	_ =	shalt  }
0x7d: {  	_ =	shalt  }
0x7e: {  	_ =	shalt  }
0x7f: {  	_ =	shalt  }
0x80: {  	_ =	shalt  }
0x81: {  	_ =	shalt  }
0x82: {  	_ =	shalt  }
0x83: {  	_ =	shalt  }
0x84: {  	_ =	shalt  }
0x85: {  	_ =	shalt  }
0x86: {  	_ =	shalt  }
0x87: {  	_ =	shalt  }
.Lfunc_end0:
.L_simem_size_0:
called_computation.6_lowered:
.L_overlay_start_0:
0x88: {  	s2 =	sld [smem:$0x3FD9]  }
0x89: {  	s3 =	sld [smem:$0x3FFE];
	_ =	sdelay $0x1  }
0x8a: {  	s1 =	srdreg.scid  }
0x8b: {  	s0 =	sand.u32 $0x1, s1  }
0x8c: {  	s16 =	sshll.u32 s0, $0xA;
	s2 =	sadd.s32 s3, s2  }
0x8d: {  	s2 =	sadd.s32 s2, s16  }
0x8e: {  	[smem:$0x3F9E] =	sst s2  }
0x8f: {  	_ = 	snop  }
0x90: {  	(tm) =	ssettm $0x1  }
0x91: {  	s17 =	sld [smem:$0x3FFB];
	_ =	sdelay $0x3  }
0x92: {  	_ =	strace s17  }
0x93: {  	s2 =	sld [smem:$0x3FFC];
	_ =	sdelay $0x3  }
0x94: {  	_ =	strace s2  }
0x95: {  	s2 =	sld [smem:$0x3FFD];
	_ =	sdelay $0x3  }
0x96: {  	_ =	strace s2  }
0x97: {  	_ =	strace $0x8FFFFFFF  }
0x98: {  	s18 =	sld [smem:$0x3FDB];
	_ =	sdelay $0x1  }
0x99: {  	s19 =	simm.s32 $_scs_section_size  }
0x9a: {  	s4 =	simm.s32 $_size__tile_overlayer_lowered;
	s5 =	simm.s32 $_tile_overlayer_lowered  }
0x9b: {  	s22 =	simm.s32 $0x1BFF;
	s21 =	sshll.u32 s5, $0x1;
	s2 =	sadd.s32 s19, s18  }
0x9c: {  	s6 =	simm.s32 $0x0;
	s20 =	sshll.u32 s4, $0x1;
	s4 =	sadd.s32 s21, s2  }
0x9d: {  	[timem:s6], [sflag:s22] =	dma.local [hbm:s4], s20  }
0x9e: {  	_ =	swait.ge [sflag:s22], s20  }
0x9f: {  	s3 =	ssub.s32 $0x0, s20;
	[sflag:s22] =	ssyncset.done $0x0  }
0xa0: {  	[sflag:s22] =	ssyncadd.s32 s3;
	_ =	sdelay $0x1  }
0xa1: {  	s23 =	simm.s32 $0x1B8B  }
0xa2: {  	_ =	swait.ge [sflag:s23], $0x1  }
0xa3: {  	[sflag:s23] =	ssyncset.done $0x0  }
0xa4: {  	s25 =	simm.s32 $0x1B8E;
	s24 =	sld [smem:$0x3FFE];
	[sflag:s23] =	ssyncadd.s32 $0xFFFFFFFF  }
0xa5: {  	s26 =	simm.s32 $execute0_lowered;
	[smem:$0x3FD2] =	sst s25  }
0xa6: {  	s4 =	sshll.u32 s26, $0x1;
	_ =	strace $0x80000058;
	[dreg:$0x1] =	wrdreg $0xFFFFFFFF  }
0xa7: {  	s28 =	simm.s32 $_size_execute0_lowered;
	s2 =	sadd.s32 s2, s4;
	[dreg:$0x0] =	wrdreg $0x0  }
0xa8: {  	s4 =	sshll.u32 s28, $0x1;
	[dreg:$0x2] =	wrdreg s2  }
0xa9: {  	[dreg:$0x3] =	wrdreg s4  }
0xaa: {  	[dreg:$0x4] =	wrdreg $0xC0  }
0xab: {  	_ =	task [dreg:s6], $0x5FFFF  }
0xac: {  	[dreg:$0x1] =	wrdreg $0xFFFFFFFF  }
0xad: {  	[dreg:$0x0] =	wrdreg $0x60  }
0xae: {  	[dreg:$0x2] =	wrdreg s24  }
0xaf: {  	[dreg:$0x3] =	wrdreg $0x61000  }
0xb0: {  	[dreg:$0x4] =	wrdreg $0x9  }
0xb1: {  	_ =	task.clear_ibuf [dreg:s6], $0x5FFFF;
	_ =	strace $0x90000058  }
0xb2: {  	s29 =	simm.s32 $0x9;
	_ =	strace $0x8000005A  }
0xb3: {  	_ =	swait.ge [sflag:s29], $0x1  }
0xb4: {  	[sflag:s29] =	ssyncadd.s32 $0xFFFFFFFF  }
0xb5: {  	_ =	strace $0x9000005A  }
0xb6: {  	_ =	sfence  }
0xb7: {  	s30 =	sld [smem:$0x0];
	_ =	sdelay $0x2  }
0xb8: {  	s31 =	sshll.u32 s1, $0xD;
	s1 =	sshrl.u32 s1, $0x2  }
0xb9: {  	s3 =	sand.u32 $0x4000, s31;
	s1 =	sadd.s32 s1, s30  }
0xba: {  	s0 =	sor.u32 s3, s0;
	s1 =	sshll.u32 s1, $0x11  }
0xbb: {  	s0 =	sor.u32 s1, s0  }
0xbc: {  	s0 =	sadd.s32 $0x8F2B, s0  }
0xbd: {  	[sflag:s0] =	ssyncadd.remote.s32 $0x1  }
0xbe: {  	_ =	sfence.sel $0xFFFF  }
0xbf: {  	[dreg:$0x0] =	wrdreg $0xFFFFFFFF;
	(pc) =	sbr.abs _section_cstart, $3  }
0xc0: {  	[dreg:$0x1] =	wrdreg $0xFFFFFFFF  }
0xc1: {  	_ =	task.clear_ibuf [dreg:s6], $0x2FFFF;
	_ =	strace $0x9FFFFFFF  }
0xc2: {  	(tm) =	ssettm $0x7FFFFFFF  }
0xc3: {  	_ =	shalt  }
tec
execute0_lowered:
.L_overlay_start_1:
0x0: {  	(tag) =	ssettag $0x1  }
0x1: {  	s13 =	rddreg [dreg:$0x0]  }
0x2: {  	s1 =	rddreg [dreg:$0x1]  }
0x3: {  	s0 =	rddreg [dreg:$0x2];
	s2 =	simm.s32 $0x0  }
0x4: {  	s3 =	srdreg.scid;
	s24 =	stileid.u32;
	s16 =	simm.s32 $0x4100  }
0x5: {  	s17 =	simm.s32 $0x2;
	s18 =	simm.s32 $0x3;
	s19 =	simm.s32 $0x80  }
0x6: {  	s20 =	simm.s32 $0x100;
	s21 =	simm.s32 $0x40;
	s22 =	simm.s32 $0x2100  }
0x7: {  	s23 =	simm.s32 $0x1;
	s30 =	simm.s32 $0x0;
	[smem:$0x7FF] =	sst s2  }
0x8: {  	s3 =	sand.u32 $0x1, s3;
	s8 =	smul.u32 $0x271, s24;
	s5 =	sadd.s32 $0xA52800, s13  }
0x9: {  	s4 =	sadd.s32 $0x31200, s13;
	s9 =	smul.u32 $0x27100, s24;
	s6 =	sadd.s32 $0xA48A00, s13  }
0xa: {  	p0 =	sne.s32 s24, $0x0;
	s7 =	smul.u32 $0x13880, s3;
	s29 =	ssub.s32 $0x2, s3  }
0xb: {  	_ =	strace $0x80000059;
	s10 =	sshrl.u32 s29, $0x1;
	s9 =	sshrl.u32 s9, $0x2  }
.Ltmp0:
0xc: {  	s8 =	smin.u32 s8, $0x2490;
	s14 =	sadd.s32 s7, s13;
	(pc) =	sbr.rel .LBB2_1-.Ltmp0, $4  }
0xd: {  	s15 =	ssub.s32 s29, s10;
	s7 =	sadd.s32 s9, s1;
	s31 =	sshll.u32 s8, $0x6  }
0xe: {  	s8 =	sshll.u32 s24, $0x1;
	s13 =	sadd.s32 $0x7FA10, s13;
	s9 =	sadd.s32 $0x2000, s7  }
0xf: {  	s12 =	sadd.s32 s31, s1;
	s10 =	sadd.s32 $0x4000, s7;
	s11 =	sadd.s32 $0x6000, s7  }
0x10: {  	v0 =	vimm.f32 $0.0e+00;
	s14 =	sadd.s32 $0x44C00, s14;
	s15 =	smax.u32 s15, $0x1;
	s12 =	sadd.s32 $0x8000, s12  }
.LBB2_9:
0x11: {  	[bflag:$0x0] =	sbarrier.arrive $0xFFFF  }
0x12: {  	s24 =	sshrl.u32 @!p0 s1, $0x3;
	s25 =	simm.s32 @!p0 $0x1C02;
	s2 =	sadd.s32 $0x1, s2  }
0x13: {  	[hbm:s14], [sflag:s25] =	dma.local @!p0 [spmem:s24], $0x13880  }
0x14: {  	p1 =	sne.s32 s2, s15  }
.Ltmp1:
0x15: {  	_ = 	snop;
	(pc) =	sbr.rel @!p1 .LBB2_10-.Ltmp1, $4  }
0x16: {  	s24 =	simm.s32 @!p0 $0x2  }
0x17: {  	_ =	swait.ge @!p0 [sflag:s24], $0x13880  }
0x18: {  	[sflag:s24] =	ssyncset.done @!p0 $0x0  }
0x19: {  	[sflag:s24] =	ssyncadd.s32 @!p0 $0xFFFEC780  }
.LBB2_1:
0x1a: {  	s25 =	simm.s32 $0x100;
	s24 =	simm.s32 $0x0  }
.LBB2_2:
0x1b: {  	p1 =	sne.s32 s25, $0x7F00;
	[tilespmem:s24+$0x4130] =	vst v0;
	s26 =	smov.u32 s25;
	s25 =	sadd.s32 $0x100, s25  }
.Ltmp2:
0x1c: {  	[tilespmem:s24+$0x4120] =	vst v0;
	(pc) =	sbr.rel @p1 .LBB2_2-.Ltmp2, $3  }
0x1d: {  	[tilespmem:s24+$0x4100] =	vst v0  }
0x1e: {  	[tilespmem:s24+$0x4110] =	vst v0;
	_ =	sdelay $0x1  }
0x1f: {  	s24 =	sshra.s32 s26, $0x2  }
0x20: {  	[tilespmem:s24+$0x4130] =	vst v0  }
0x21: {  	[tilespmem:s24+$0x4120] =	vst v0  }
0x22: {  	[tilespmem:s24+$0x4100] =	vst v0  }
0x23: {  	[tilespmem:s24+$0x4110] =	vst v0  }
0x24: {  	[spmem:s7] =	stream.linear.scatter [tilespmem:s16], [sflag:$0x2], $0x2000, $0x38;
	[tilespmem:$0xFD40] =	vst v63  }
0x25: {  	_ =	swait.ge [sflag:s17], $0x2000  }
0x26: {  	[sflag:s17] =	ssyncset.done $0x0  }
0x27: {  	[sflag:s17] =	ssyncadd.s32 $0xFFFFE000  }
0x28: {  	[spmem:s9] =	stream.linear.scatter [tilespmem:s16], [sflag:$0x2], $0x2000, $0x38;
	[tilespmem:$0xFD40] =	vst v63  }
0x29: {  	_ =	swait.ge [sflag:s17], $0x2000  }
0x2a: {  	[sflag:s17] =	ssyncset.done $0x0  }
0x2b: {  	[sflag:s17] =	ssyncadd.s32 $0xFFFFE000  }
0x2c: {  	[spmem:s10] =	stream.linear.scatter [tilespmem:s16], [sflag:$0x2], $0x2000, $0x38;
	[tilespmem:$0xFD40] =	vst v63  }
0x2d: {  	_ =	swait.ge [sflag:s17], $0x2000  }
0x2e: {  	[sflag:s17] =	ssyncset.done $0x0  }
0x2f: {  	[sflag:s17] =	ssyncadd.s32 $0xFFFFE000  }
0x30: {  	[spmem:s11] =	stream.linear.scatter [tilespmem:s16], [sflag:$0x2], $0x2000, $0x38;
	[tilespmem:$0xFD40] =	vst v63  }
0x31: {  	_ =	swait.ge [sflag:s17], $0x2000  }
0x32: {  	[sflag:s17] =	ssyncset.done $0x0  }
0x33: {  	[sflag:s17] =	ssyncadd.s32 $0xFFFFE000  }
0x34: {  	[spmem:s12] =	stream.linear.scatter [tilespmem:s16], [sflag:$0x2], $0x2000, $0x38;
	[tilespmem:$0xFD40] =	vst v63  }
.Ltmp3:
0x35: {  	_ =	swait.ge [sflag:s17], $0x2000;
	(pc) =	sbr.rel .LBB2_4-.Ltmp3, $4  }
0x36: {  	[sflag:s17] =	ssyncset.done $0x0  }
0x37: {  	[sflag:s17] =	ssyncadd.s32 $0xFFFFE000  }
0x38: {  	[bflag:$0x0] =	sbarrier.arrive $0xFFFF  }
0x39: {  	s24 =	simm.s32 $0x0  }
.LBB2_8:
0x3a: {  	s24 =	sadd.s32 $0x1, s24  }
0x3b: {  	p1 =	sne.s32 s24, $0x4F  }
.Ltmp4:
0x3c: {  	_ = 	snop;
	(pc) =	sbr.rel @!p1 .LBB2_9-.Ltmp4, $1  }
0x3d: {  	_ =	sdelay $0x3  }
.LBB2_4:
0x3e: {  	s25 =	sshll.u32 s24, $0x5  }
0x3f: {  	s25 =	sor.u32 s8, s25  }
0x40: {  	p1 =	sgt.u32 s25, $0x9C3  }
.Ltmp5:
0x41: {  	_ = 	snop;
	(pc) =	sbr.rel @p1 .LBB2_8-.Ltmp5, $1  }
0x42: {  	_ =	sdelay $0x3  }
0x43: {  	s26 =	sor.u32 s3, s25  }
0x44: {  	s28 =	sshll.u32 s26, $0x4  }
0x45: {  	s29 =	sadd.s32 s5, s28  }
0x46: {  	[tilespmem:s30], [sflag:$0x3] =	stream.linear.gather [hbm4b:s29+s30], $0x80, $0x38;
	[tilespmem:$0xFD40] =	vst v63  }
0x47: {  	_ =	swait.ge [sflag:s18], $0x80  }
0x48: {  	[sflag:s18] =	ssyncset.done $0x0  }
0x49: {  	s26 =	sshll.u32 s26, $0xF;
	s28 =	sadd.s32 s6, s28;
	[sflag:s18] =	ssyncadd.s32 $0xFFFFFF80  }
0x4a: {  	[tilespmem:s19], [sflag:$0x3] =	stream.linear.gather [hbm4b:s28+s30], $0x80, $0x38;
	[tilespmem:$0xFD40] =	vst v63  }
0x4b: {  	p1 =	slt.u32 s25, $0x4E2;
	s25 =	sadd.s32 $0xFD8F0000, s26;
	_ =	swait.ge [sflag:s18], $0x80  }
0x4c: {  	s25 =	smov.u32 @p1 s26;
	[sflag:s18] =	ssyncset.done $0x0  }
0x4d: {  	s25 =	sshrl.u32 s25, $0x3;
	[sflag:s18] =	ssyncadd.s32 $0xFFFFFF80  }
0x4e: {  	[tilespmem:s20], [sflag:$0x1] =	stream.indirect.gather [hbm4b:s4+s19], $0x40, s30, s19, $0xb8;
	[tilespmem:$0xFD40] =	vst v63  }
0x4f: {  	s25 =	sadd.s32 s25, s13  }
0x50: {  	[tilespmem:s22], [sflag:$0x3] =	stream.strided.gather [hbm4b:s25+s21], $0x2000, s20, s21, $0x38;
	[tilespmem:$0xFD40] =	vst v63  }
0x51: {  	_ =	swait.ge [sflag:s18], $0x2000  }
0x52: {  	[sflag:s18] =	ssyncset.done $0x0  }
0x53: {  	[sflag:s18] =	ssyncadd.s32 $0xFFFFE000  }
0x54: {  	_ =	swait.ge [sflag:s23], $0x2000  }
0x55: {  	[sflag:s23] =	ssyncset.done $0x0  }
0x56: {  	s26 =	simm.s32 $0x0;
	[sflag:s23] =	ssyncadd.s32 $0xFFFFE000  }
0x57: {  	v3 =	vld [tilespmem:s26+$0x130]  }
0x58: {  	v4 =	vld [tilespmem:s26+$0x2130]  }
0x59: {  	v6 =	vld [tilespmem:s26+$0x100]  }
0x5a: {  	v7 =	vld [tilespmem:s26+$0x2100]  }
0x5b: {  	v2 =	vld [tilespmem:s26+$0x110]  }
0x5c: {  	v5 =	vld [tilespmem:s26+$0x2110]  }
0x5d: {  	v1 =	vld [tilespmem:s26+$0x120];
	v8 =	vadd.f32 v4, v3  }
0x5e: {  	s25 =	simm.s32 $0x40;
	v4 =	vld [tilespmem:s26+$0x2120]  }
0x5f: {  	s28 =	simm.s32 $0x200;
	v3 =	vld [tilespmem:s25+$0x130];
	v6 =	vadd.f32 v7, v6;
	v7 =	vmax.f32 v8, $0.0e+00  }
.LBB2_6:
0x60: {  	p1 =	sne.s32 s28, $0x7F00;
	v8 =	vld [tilespmem:s25+$0x2130];
	[tilespmem:s26+$0x4130] =	vst v7  }
0x61: {  	v7 =	vld [tilespmem:s25+$0x100];
	v6 =	vmax.f32 v6, $0.0e+00;
	v5 =	vadd.f32 v5, v2  }
0x62: {  	v9 =	vld [tilespmem:s25+$0x2100];
	[tilespmem:s26+$0x4100] =	vst v6  }
.Ltmp6:
0x63: {  	v2 =	vld [tilespmem:s25+$0x110];
	v6 =	vmax.f32 v5, $0.0e+00;
	v4 =	vadd.f32 v4, v1;
	(pc) =	sbr.rel @p1 .LBB2_6-.Ltmp6, $4  }
0x64: {  	v5 =	vld [tilespmem:s25+$0x2110];
	[tilespmem:s26+$0x4110] =	vst v6  }
0x65: {  	v1 =	vld [tilespmem:s25+$0x120];
	v8 =	vadd.f32 v8, v3;
	v3 =	vmax.f32 v4, $0.0e+00  }
0x66: {  	v4 =	vld [tilespmem:s25+$0x2120];
	[tilespmem:s26+$0x4120] =	vst v3;
	s26 =	smov.u32 s25;
	s25 =	sshra.s32 s28, $0x2  }
0x67: {  	s28 =	sadd.s32 $0x100, s28;
	v3 =	vld [tilespmem:s25+$0x130];
	v6 =	vadd.f32 v9, v7;
	v7 =	vmax.f32 v8, $0.0e+00  }
0x68: {  	v8 =	vld [tilespmem:s25+$0x2130];
	[tilespmem:s26+$0x4130] =	vst v7  }
0x69: {  	v7 =	vld [tilespmem:s25+$0x100];
	v6 =	vmax.f32 v6, $0.0e+00;
	v2 =	vadd.f32 v5, v2  }
0x6a: {  	v9 =	vld [tilespmem:s25+$0x2100];
	[tilespmem:s26+$0x4100] =	vst v6  }
0x6b: {  	v62 =	vld [tilespmem:s25+$0x110];
	v2 =	vmax.f32 v2, $0.0e+00  }
0x6c: {  	v6 =	vld [tilespmem:s25+$0x2110];
	[tilespmem:s26+$0x4110] =	vst v2  }
0x6d: {  	v2 =	vld [tilespmem:s25+$0x120]  }
0x6e: {  	v10 =	vld [tilespmem:s25+$0x2120]  }
0x6f: {  	v1 =	vadd.f32 v4, v1  }
0x70: {  	v3 =	vadd.f32 v8, v3  }
0x71: {  	v1 =	vmax.f32 v1, $0.0e+00;
	v63 =	vadd.f32 v9, v7  }
0x72: {  	[tilespmem:s26+$0x4120] =	vst v1;
	v1 =	vmax.f32 v3, $0.0e+00;
	v3 =	vadd.f32 v6, v62  }
0x73: {  	[tilespmem:s25+$0x4130] =	vst v1;
	v1 =	vmax.f32 v63, $0.0e+00;
	v2 =	vadd.f32 v10, v2  }
0x74: {  	[tilespmem:s25+$0x4100] =	vst v1;
	v1 =	vmax.f32 v3, $0.0e+00  }
0x75: {  	[tilespmem:s25+$0x4110] =	vst v1;
	v1 =	vmax.f32 v2, $0.0e+00  }
.Ltmp7:
0x76: {  	[tilespmem:s25+$0x4120] =	vst v1;
	(pc) =	sbr.rel .LBB2_8-.Ltmp7, $4  }
0x77: {  	[spmem:s1] =	stream.indirect.scatter.add.f32 [tilespmem:s16], [sflag:$0x2], $0x40, s19, s19, $0xb8;
	[tilespmem:$0xFD40] =	vst v63  }
0x78: {  	_ =	swait.ge [sflag:s17], $0x2000  }
0x79: {  	[sflag:s17] =	ssyncset.done $0x0  }
0x7a: {  	[sflag:s17] =	ssyncadd.s32 $0xFFFFE000  }
.LBB2_10:
0x7b: {  	_ =	sfence.sel $0x180000  }
0x7c: {  	[bflag:$0x0] =	sbarrier.arrive $0xFFFF  }
0x7d: {  	_ =	strace $0x90000059  }
0x7e: {  	s0 =	sadd.s32 @!p0 $0x100000, s0;
	[bflag:$0x2] =	sbarrier.arrive $0xFFFF  }
0x7f: {  	[sflag:s0] =	ssyncadd.tile.s32 @!p0 $0x1;
	_ =	shalt  }
.Lfunc_end2:
_tile_overlayer_lowered:
.L_overlay_start_2:
0x80: {  	(tag) =	ssettag $0x2  }
0x81: {  	s0 =	rddreg [dreg:$0x0];
	s2 =	stileid.u32  }
0x82: {  	s1 =	rddreg [dreg:$0x1];
	p0 =	sne.s32 s2, $0x0  }
0x83: {  	s3 =	rddreg [dreg:$0x2];
	[bflag:$0x3] =	sbarrier.arrive $0xFFFF;
	s2 =	simm.s32 @!p0 $0x1C02  }
0x84: {  	[timem:s3], [sflag:s2] =	dma.local @!p0 [hbm:s0], s1  }
0x85: {  	s0 =	simm.s32 @!p0 $0x2  }
0x86: {  	_ =	swait.ge @!p0 [sflag:s0], s1  }
0x87: {  	s1 =	ssub.s32 @!p0 $0x0, s1;
	[sflag:s0] =	ssyncset.done @!p0 $0x0  }
0x88: {  	[sflag:s0] =	ssyncadd.s32 @!p0 s1  }
0x89: {  	[bflag:$0x3] =	sbarrier.arrive $0xFFFF  }
0x8a: {  	_ =	shalt  }

// kernel: kernel.37.cloned.1.call-start
scs
__scs_entry_jumppad:
0x0: {  	(pc) =	sbr.rel $0x88, $3  }
0x1: {  	(tag) =	ssettag $0x0;
	lr =	simm.s32 $0x1  }
0x2: {  	[smem:$0x3F77] =	sst lr;
	_ =	strace $0xD0000000  }
0x3: {  	_ = 	snop  }
0x4: {  	_ = 	snop  }
0x5: {  	_ = 	snop  }
0x6: {  	_ = 	snop  }
0x7: {  	_ = 	snop  }
__scs_overlays_trampoline_lowered:
0x8: {  	[smem:$0x3F86] =	sst s0  }
0x9: {  	[smem:$0x3F87] =	sst s1  }
0xa: {  	[smem:$0x3F88] =	sst s2  }
0xb: {  	[smem:$0x3F89] =	sst s3  }
0xc: {  	[smem:$0x3F8A] =	sst s4  }
0xd: {  	[smem:$0x3F8B] =	sst s5  }
0xe: {  	[smem:$0x3F8C] =	sst s6  }
0xf: {  	[smem:$0x3F8D] =	sst s7  }
0x10: {  	[smem:$0x3F8E] =	sst s8  }
0x11: {  	[smem:$0x3F8F] =	sst s9;
	s0 =	simm.s32 @!p0 $0x0  }
0x12: {  	s1 =	sld [smem:$0x3F75];
	s0 =	simm.s32 @p0 $0x1  }
0x13: {  	[smem:$0x3F90] =	sst s0;
	s0 =	simm.s32 @!p1 $0x0  }
0x14: {  	s2 =	sld [smem:$0x3F74];
	s0 =	simm.s32 @p1 $0x1  }
0x15: {  	[smem:$0x3F91] =	sst s0;
	s0 =	simm.s32 @!p2 $0x0  }
0x16: {  	s3 =	sld [smem:$0x3FDB];
	s0 =	simm.s32 @p2 $0x1  }
0x17: {  	s4 =	simm.s32 $0x1BF5;
	[smem:$0x3F93] =	sst s0  }
0x18: {  	s0 =	sld [smem:$0x3F76];
	_ =	swait.ge [sflag:s4], $0x0  }
0x19: {  	s7 =	sld [smem:$0x3F77]  }
0x1a: {  	s8 =	sadd.s32 $0xFFFFE003, lr  }
0x1b: {  	s9 =	sadd.s32 $0xFFFFFEF7, lr;
	s5 =	simm.s32 $0xFFFFFFFF;
	p2 =	slt.u32 s8, $0xFFFFF086  }
0x1c: {  	p1 =	slt.u32 s9, $0xF7A;
	s5 =	simm.s32 @!p2 $0x0  }
0x1d: {  	s5 =	simm.s32 @p1 $0x1;
	p0 =	seq.s32 s7, s2  }
0x1e: {  	s7 =	smul.u32 @!p0 $0xF7A, s2;
	p2 =	seq.s32 @!p0 s5, $0x0  }
0x1f: {  	s9 =	smul.u32 $0xF7A, s1;
	s8 =	simm.s32 @!p0 $0x1BF5;
	p2 =	por !p2, p0  }
0x20: {  	[sflag:s8] =	ssyncset.s32 @!p0 $0xFFFFF086;
	s6 =	sadd.s32 @!p0 s3, s7;
	s7 =	simm.s32 @!p0 $0x108  }
0x21: {  	s3 =	sadd.s32 s3, s9;
	s6 =	sadd.s32 @!p0 $0x88, s6;
	s7 =	simm.s32 @p2 $0x1082  }
0x22: {  	[simem:s7], [sflag:s8] =	dma.local @!p0 [hbm:s6], $0xF7A  }
0x23: {  	s9 =	sor.u32 $0xD0000000, s2;
	s6 =	simm.s32 $0x108;
	_ =	swait.ge @!p0 [sflag:s8], $0x0  }
0x24: {  	s3 =	sadd.s32 $0x88, s3;
	s6 =	simm.s32 @!p1 $0x1082;
	[sflag:s4] =	ssyncset.s32 $0xFFFFF086  }
0x25: {  	[simem:s6], [sflag:s4] =	dma.local [hbm:s3], $0xF7A  }
0x26: {  	[smem:$0x3F77] =	sst s1;
	(tag) =	ssettag s2;
	_ =	strace s9  }
0x27: {  	s1 =	sld [smem:$0x3F87]  }
0x28: {  	s2 =	sld [smem:$0x3F88]  }
0x29: {  	s4 =	sld [smem:$0x3F8A]  }
0x2a: {  	p0 =	seq.s32 s5, $0x0;
	s5 =	sld [smem:$0x3F8B]  }
0x2b: {  	s6 =	sld [smem:$0x3F8C]  }
0x2c: {  	s7 =	sld [smem:$0x3F8D]  }
0x2d: {  	s3 =	simm.s32 $0x108;
	s8 =	sld [smem:$0x3F8E]  }
0x2e: {  	s3 =	simm.s32 @!p0 $0x1082;
	s9 =	sld [smem:$0x3F8F]  }
0x2f: {  	lr =	sadd.s32 s0, s3;
	s0 =	sld [smem:$0x3F86]  }
0x30: {  	s3 =	sld [smem:$0x3F89]  }
0x31: {  	[smem:$0x3F92] =	sst s10  }
0x32: {  	s10 =	sld [smem:$0x3F90];
	_ =	sdelay $0x3  }
0x33: {  	p0 =	seq.s32 s10, $0x1;
	s10 =	sld [smem:$0x3F92];
	_ =	sdelay $0x3  }
0x34: {  	[smem:$0x3F92] =	sst s10  }
0x35: {  	s10 =	sld [smem:$0x3F91];
	_ =	sdelay $0x3  }
0x36: {  	p1 =	seq.s32 s10, $0x1;
	s10 =	sld [smem:$0x3F92];
	_ =	sdelay $0x3  }
0x37: {  	[smem:$0x3F92] =	sst s10  }
0x38: {  	s10 =	sld [smem:$0x3F93]  }
0x39: {  	_ = 	snop;
	(pc) =	sbr.ind lr, $3  }
0x3a: {  	_ = 	snop  }
0x3b: {  	_ = 	snop  }
0x3c: {  	p2 =	seq.s32 s10, $0x1;
	s10 =	sld [smem:$0x3F92]  }
0x3d: {  	_ =	shalt  }
0x3e: {  	_ =	shalt  }
0x3f: {  	_ =	shalt  }
0x40: {  	_ =	shalt  }
0x41: {  	_ =	shalt  }
0x42: {  	_ =	shalt  }
0x43: {  	_ =	shalt  }
0x44: {  	_ =	shalt  }
0x45: {  	_ =	shalt  }
0x46: {  	_ =	shalt  }
0x47: {  	_ =	shalt  }
0x48: {  	_ =	shalt  }
0x49: {  	_ =	shalt  }
0x4a: {  	_ =	shalt  }
0x4b: {  	_ =	shalt  }
0x4c: {  	_ =	shalt  }
0x4d: {  	_ =	shalt  }
0x4e: {  	_ =	shalt  }
0x4f: {  	_ =	shalt  }
0x50: {  	_ =	shalt  }
0x51: {  	_ =	shalt  }
0x52: {  	_ =	shalt  }
0x53: {  	_ =	shalt  }
0x54: {  	_ =	shalt  }
0x55: {  	_ =	shalt  }
0x56: {  	_ =	shalt  }
0x57: {  	_ =	shalt  }
0x58: {  	_ =	shalt  }
0x59: {  	_ =	shalt  }
0x5a: {  	_ =	shalt  }
0x5b: {  	_ =	shalt  }
0x5c: {  	_ =	shalt  }
0x5d: {  	_ =	shalt  }
0x5e: {  	_ =	shalt  }
0x5f: {  	_ =	shalt  }
0x60: {  	_ =	shalt  }
0x61: {  	_ =	shalt  }
0x62: {  	_ =	shalt  }
0x63: {  	_ =	shalt  }
0x64: {  	_ =	shalt  }
0x65: {  	_ =	shalt  }
0x66: {  	_ =	shalt  }
0x67: {  	_ =	shalt  }
0x68: {  	_ =	shalt  }
0x69: {  	_ =	shalt  }
0x6a: {  	_ =	shalt  }
0x6b: {  	_ =	shalt  }
0x6c: {  	_ =	shalt  }
0x6d: {  	_ =	shalt  }
0x6e: {  	_ =	shalt  }
0x6f: {  	_ =	shalt  }
0x70: {  	_ =	shalt  }
0x71: {  	_ =	shalt  }
0x72: {  	_ =	shalt  }
0x73: {  	_ =	shalt  }
0x74: {  	_ =	shalt  }
0x75: {  	_ =	shalt  }
0x76: {  	_ =	shalt  }
0x77: {  	_ =	shalt  }
0x78: {  	_ =	shalt  }
0x79: {  	_ =	shalt  }
0x7a: {  	_ =	shalt  }
0x7b: {  	_ =	shalt  }
0x7c: {  	_ =	shalt  }
0x7d: {  	_ =	shalt  }
0x7e: {  	_ =	shalt  }
0x7f: {  	_ =	shalt  }
0x80: {  	_ =	shalt  }
0x81: {  	_ =	shalt  }
0x82: {  	_ =	shalt  }
0x83: {  	_ =	shalt  }
0x84: {  	_ =	shalt  }
0x85: {  	_ =	shalt  }
0x86: {  	_ =	shalt  }
0x87: {  	_ =	shalt  }
.Lfunc_end0:
.L_simem_size_0:
called_computation.7_lowered:
.L_overlay_start_0:
0x88: {  	s2 =	sld [smem:$0x3FD9]  }
0x89: {  	s3 =	sld [smem:$0x3FFE];
	_ =	sdelay $0x1  }
0x8a: {  	s1 =	srdreg.scid  }
0x8b: {  	s0 =	sand.u32 $0x1, s1  }
0x8c: {  	s17 =	sshll.u32 s0, $0xA;
	s2 =	sadd.s32 s3, s2  }
0x8d: {  	s2 =	sadd.s32 s2, s17  }
0x8e: {  	[smem:$0x3F9E] =	sst s2  }
0x8f: {  	_ = 	snop  }
0x90: {  	s2 =	sld [smem:$0x3FD0];
	(tm) =	ssettm $0x1  }
0x91: {  	s18 =	sld [smem:$0x3FFB];
	_ =	sdelay $0x3  }
0x92: {  	_ =	strace s18  }
0x93: {  	s3 =	sld [smem:$0x3FFC];
	_ =	sdelay $0x3  }
0x94: {  	_ =	strace s3  }
0x95: {  	s3 =	sld [smem:$0x3FFD];
	_ =	sdelay $0x3  }
0x96: {  	_ =	strace s3  }
0x97: {  	_ =	strace $0x8FFFFFFF  }
0x98: {  	s19 =	sld [smem:$0x3FDB];
	_ =	sdelay $0x1  }
0x99: {  	s4 =	simm.s32 $_scs_section_size  }
0x9a: {  	s5 =	simm.s32 $_size__tile_overlayer_lowered;
	s6 =	simm.s32 $_tile_overlayer_lowered  }
0x9b: {  	s22 =	simm.s32 $0x1BFF;
	s21 =	sshll.u32 s6, $0x1;
	s3 =	sadd.s32 s4, s19  }
0x9c: {  	s7 =	simm.s32 $0x0;
	s20 =	sshll.u32 s5, $0x1;
	s5 =	sadd.s32 s21, s3  }
0x9d: {  	[timem:s7], [sflag:s22] =	dma.local [hbm:s5], s20  }
0x9e: {  	_ =	swait.ge [sflag:s22], s20  }
0x9f: {  	s4 =	ssub.s32 $0x0, s20;
	[sflag:s22] =	ssyncset.done $0x0  }
0xa0: {  	[sflag:s22] =	ssyncadd.s32 s4;
	_ =	sdelay $0x1  }
0xa1: {  	s23 =	simm.s32 $0x1B8B  }
0xa2: {  	_ =	swait.ge [sflag:s23], $0x1  }
0xa3: {  	[sflag:s23] =	ssyncset.done $0x0  }
0xa4: {  	s25 =	simm.s32 $0x1B8E;
	s24 =	sld [smem:$0x3FFE];
	[sflag:s23] =	ssyncadd.s32 $0xFFFFFFFF  }
0xa5: {  	s26 =	simm.s32 $execute0_lowered;
	[smem:$0x3FD2] =	sst s25  }
0xa6: {  	s5 =	sshll.u32 s26, $0x1;
	_ =	strace $0x8000005B;
	[dreg:$0x1] =	wrdreg $0xFFFFFFFF  }
0xa7: {  	s28 =	simm.s32 $_size_execute0_lowered;
	s3 =	sadd.s32 s3, s5;
	[dreg:$0x0] =	wrdreg $0x0  }
0xa8: {  	s5 =	sshll.u32 s28, $0x1;
	[dreg:$0x2] =	wrdreg s3  }
0xa9: {  	[dreg:$0x3] =	wrdreg s5  }
0xaa: {  	[dreg:$0x4] =	wrdreg $0xC0  }
0xab: {  	_ =	task [dreg:s7], $0x5FFFF  }
0xac: {  	[dreg:$0x1] =	wrdreg $0xFFFFFFFF  }
0xad: {  	[dreg:$0x0] =	wrdreg $0x60  }
0xae: {  	[dreg:$0x2] =	wrdreg s24  }
0xaf: {  	[dreg:$0x3] =	wrdreg s2  }
0xb0: {  	[dreg:$0x4] =	wrdreg $0x9  }
0xb1: {  	_ =	task.clear_ibuf [dreg:s7], $0x5FFFF;
	_ =	strace $0x9000005B  }
0xb2: {  	s29 =	simm.s32 $0x9;
	_ =	strace $0x8000005D  }
0xb3: {  	_ =	swait.ge [sflag:s29], $0x1  }
0xb4: {  	[sflag:s29] =	ssyncadd.s32 $0xFFFFFFFF  }
0xb5: {  	_ =	strace $0x9000005D  }
0xb6: {  	_ =	sfence  }
0xb7: {  	s30 =	sld [smem:$0x0];
	_ =	sdelay $0x2  }
0xb8: {  	s31 =	sshll.u32 s1, $0xD;
	s1 =	sshrl.u32 s1, $0x2  }
0xb9: {  	s3 =	sand.u32 $0x4000, s31;
	s1 =	sadd.s32 s1, s30  }
0xba: {  	s0 =	sor.u32 s3, s0;
	s1 =	sshll.u32 s1, $0x11  }
0xbb: {  	s0 =	sor.u32 s1, s0  }
0xbc: {  	s0 =	sadd.s32 $0x8F2B, s0  }
0xbd: {  	[sflag:s0] =	ssyncadd.remote.s32 $0x1  }
0xbe: {  	_ =	sfence.sel $0xFFFF  }
0xbf: {  	[dreg:$0x0] =	wrdreg $0xFFFFFFFF;
	(pc) =	sbr.abs _section_cstart, $3  }
0xc0: {  	[dreg:$0x1] =	wrdreg $0xFFFFFFFF  }
0xc1: {  	_ =	task.clear_ibuf [dreg:s7], $0x2FFFF;
	_ =	strace $0x9FFFFFFF  }
0xc2: {  	(tm) =	ssettm $0x7FFFFFFF  }
0xc3: {  	_ =	shalt  }
tec
execute0_lowered:
.L_overlay_start_1:
0x0: {  	(tag) =	ssettag $0x1  }
0x1: {  	s10 =	rddreg [dreg:$0x0]  }
0x2: {  	s1 =	rddreg [dreg:$0x1]  }
0x3: {  	s0 =	rddreg [dreg:$0x2]  }
0x4: {  	s2 =	simm.s32 $0x0;
	s3 =	srdreg.scid;
	s4 =	stileid.u32  }
0x5: {  	s12 =	simm.s32 $0x4;
	s13 =	simm.s32 $0x80;
	s14 =	simm.s32 $0x100  }
0x6: {  	s15 =	simm.s32 $0x2100;
	s16 =	simm.s32 $0x40;
	s17 =	simm.s32 $0x4100  }
0x7: {  	s18 =	simm.s32 $0x1;
	s19 =	simm.s32 $0x2;
	s20 =	simm.s32 $0x3  }
.Ltmp0:
0x8: {  	s21 =	simm.s32 $0x0;
	s3 =	sand.u32 $0x1, s3;
	(pc) =	sbr.rel .LBB2_1-.Ltmp0, $4  }
0x9: {  	[smem:$0x7FF] =	sst s2;
	s5 =	sadd.s32 $0x1DA00, s10;
	s9 =	ssub.s32 $0x2, s3  }
0xa: {  	s6 =	sadd.s32 $0xA000, s10;
	s7 =	sadd.s32 $0xA43A00, s10;
	s11 =	sshrl.u32 s9, $0x1  }
0xb: {  	s8 =	sadd.s32 $0x561A00, s10;
	s10 =	sadd.s32 $0x7FA18, s10;
	s11 =	ssub.s32 s9, s11  }
0xc: {  	_ =	strace $0x8000005C;
	s9 =	sshll.u32 s4, $0x1;
	s11 =	smax.u32 s11, $0x1  }
.LBB2_7:
0xd: {  	s21 =	sadd.s32 $0x1, s21  }
0xe: {  	p0 =	sne.s32 s21, s11  }
.Ltmp1:
0xf: {  	_ = 	snop;
	(pc) =	sbr.rel @!p0 .LBB2_8-.Ltmp1, $1  }
0x10: {  	_ =	sdelay $0x3  }
.LBB2_1:
.Ltmp2:
0x11: {  	(pc) =	sbr.rel .LBB2_2-.Ltmp2, $2  }
0x12: {  	_ =	sdelay $0x2  }
0x13: {  	s22 =	simm.s32 $0x0  }
.LBB2_6:
0x14: {  	s22 =	sadd.s32 $0x1, s22  }
0x15: {  	p0 =	sne.s32 s22, $0x28  }
.Ltmp3:
0x16: {  	_ = 	snop;
	(pc) =	sbr.rel @!p0 .LBB2_7-.Ltmp3, $1  }
0x17: {  	_ =	sdelay $0x3  }
.LBB2_2:
0x18: {  	s23 =	sshll.u32 s22, $0x5  }
0x19: {  	s23 =	sor.u32 s9, s23  }
0x1a: {  	p0 =	sgt.u32 s23, $0x4E1  }
.Ltmp4:
0x1b: {  	_ = 	snop;
	(pc) =	sbr.rel @p0 .LBB2_6-.Ltmp4, $1  }
0x1c: {  	_ =	sdelay $0x3  }
0x1d: {  	s23 =	sor.u32 s3, s23  }
0x1e: {  	s24 =	sshll.u32 s23, $0x4  }
0x1f: {  	s26 =	simm.s32 $0x0;
	s25 =	sadd.s32 s1, s24  }
0x20: {  	[tilespmem:s26], [sflag:$0x4] =	stream.linear.gather [hbm4b:s25+s26], $0x80, $0x38;
	[tilespmem:$0x6100] =	vst v63  }
0x21: {  	_ =	swait.ge [sflag:s12], $0x80  }
0x22: {  	[sflag:s12] =	ssyncset.done $0x0  }
0x23: {  	s24 =	sadd.s32 s7, s24;
	[sflag:s12] =	ssyncadd.s32 $0xFFFFFF80  }
0x24: {  	[tilespmem:s13], [sflag:$0x4] =	stream.linear.gather [hbm4b:s24+s26], $0x80, $0x38;
	[tilespmem:$0x6100] =	vst v63  }
0x25: {  	_ =	swait.ge [sflag:s12], $0x80  }
0x26: {  	[sflag:s12] =	ssyncset.done $0x0  }
0x27: {  	[sflag:s12] =	ssyncadd.s32 $0xFFFFFF80  }
0x28: {  	[tilespmem:s14], [sflag:$0x1] =	stream.indirect.gather [hbm4b:s5+s13], $0x40, s26, s13, $0xb8;
	[tilespmem:$0x6100] =	vst v63  }
0x29: {  	s31 =	sshll.u32 s23, $0xC  }
0x2a: {  	[tilespmem:s15], [sflag:$0x2] =	stream.indirect.gather [hbm4b:s6+s13], $0x40, s13, s13, $0xb8;
	[tilespmem:$0x6100] =	vst v63  }
0x2b: {  	s24 =	sadd.s32 s31, s10  }
0x2c: {  	[tilespmem:s17], [sflag:$0x4] =	stream.strided.gather [hbm4b:s24+s16], $0x2000, s14, s16, $0x38;
	[tilespmem:$0x6100] =	vst v63  }
0x2d: {  	_ =	swait.ge [sflag:s12], $0x2000  }
0x2e: {  	[sflag:s12] =	ssyncset.done $0x0  }
0x2f: {  	[sflag:s12] =	ssyncadd.s32 $0xFFFFE000  }
0x30: {  	_ =	swait.ge [sflag:s18], $0x2000  }
0x31: {  	[sflag:s18] =	ssyncset.done $0x0  }
0x32: {  	[sflag:s18] =	ssyncadd.s32 $0xFFFFE000  }
0x33: {  	_ =	swait.ge [sflag:s19], $0x2000  }
0x34: {  	[sflag:s19] =	ssyncset.done $0x0  }
0x35: {  	s24 =	simm.s32 $0x0;
	[sflag:s19] =	ssyncadd.s32 $0xFFFFE000  }
0x36: {  	v4 =	vld [tilespmem:s24+$0x4100]  }
0x37: {  	v5 =	vld [tilespmem:s24+$0x4110]  }
0x38: {  	v3 =	vld [tilespmem:s24+$0x2100]  }
0x39: {  	v2 =	vld [tilespmem:s24+$0x2110]  }
0x3a: {  	v0 =	vld [tilespmem:s24+$0x2120]  }
0x3b: {  	v1 =	vld [tilespmem:s24+$0x2130]  }
0x3c: {  	v7 =	vld [tilespmem:s24+$0x100]  }
0x3d: {  	v8 =	vld [tilespmem:s24+$0x110]  }
0x3e: {  	s25 =	simm.s32 $0x100;
	v6 =	vld [tilespmem:s24+$0x120]  }
.LBB2_4:
0x3f: {  	p0 =	sne.s32 s25, $0x7F00;
	v9 =	vld [tilespmem:s24+$0x130]  }
0x40: {  	v10 =	vld [tilespmem:s24+$0x4120]  }
0x41: {  	s26 =	sshra.s32 s25, $0x2;
	v3 =	vadd.f32 v3, v7;
	v7 =	vld [tilespmem:s24+$0x4130]  }
0x42: {  	v11 =	vld [tilespmem:s26+$0x4100];
	v2 =	vadd.f32 v2, v8  }
0x43: {  	v8 =	vld [tilespmem:s26+$0x4110];
	v4 =	vadd.f32 v4, v3;
	v0 =	vadd.f32 v0, v6  }
0x44: {  	v3 =	vld [tilespmem:s26+$0x2100];
	v5 =	vadd.f32 v5, v2;
	v1 =	vadd.f32 v1, v9  }
0x45: {  	v2 =	vld [tilespmem:s26+$0x2110];
	v12 =	vmax.f32 v4, $0.0e+00;
	v6 =	vadd.f32 v10, v0  }
.Ltmp5:
0x46: {  	v0 =	vld [tilespmem:s26+$0x2120];
	[tilespmem:s24+$0x100] =	vst v12;
	v9 =	vmax.f32 v5, $0.0e+00;
	v10 =	vadd.f32 v7, v1;
	(pc) =	sbr.rel @p0 .LBB2_4-.Ltmp5, $4  }
0x47: {  	v1 =	vld [tilespmem:s26+$0x2130];
	[tilespmem:s24+$0x110] =	vst v9;
	v6 =	vmax.f32 v6, $0.0e+00;
	v4 =	vmov v11  }
0x48: {  	v7 =	vld [tilespmem:s26+$0x100];
	[tilespmem:s24+$0x120] =	vst v6;
	v6 =	vmax.f32 v10, $0.0e+00;
	v5 =	vmov v8  }
0x49: {  	v8 =	vld [tilespmem:s26+$0x110];
	[tilespmem:s24+$0x130] =	vst v6;
	s24 =	smov.u32 s26  }
0x4a: {  	s25 =	sadd.s32 $0x100, s25;
	v6 =	vld [tilespmem:s24+$0x120]  }
0x4b: {  	v9 =	vld [tilespmem:s24+$0x130]  }
0x4c: {  	v10 =	vld [tilespmem:s24+$0x4120]  }
0x4d: {  	v62 =	vld [tilespmem:s24+$0x4130];
	v3 =	vadd.f32 v3, v7  }
0x4e: {  	v2 =	vadd.f32 v2, v8  }
0x4f: {  	v3 =	vadd.f32 v4, v3;
	v0 =	vadd.f32 v0, v6  }
0x50: {  	v2 =	vadd.f32 v5, v2;
	v1 =	vadd.f32 v1, v9  }
0x51: {  	v3 =	vmax.f32 v3, $0.0e+00;
	v0 =	vadd.f32 v10, v0  }
0x52: {  	[tilespmem:s24+$0x100] =	vst v3;
	v2 =	vmax.f32 v2, $0.0e+00;
	v1 =	vadd.f32 v62, v1  }
0x53: {  	[tilespmem:s24+$0x110] =	vst v2;
	v0 =	vmax.f32 v0, $0.0e+00  }
0x54: {  	s23 =	sshll.u32 s23, $0xA;
	[tilespmem:s24+$0x120] =	vst v0;
	v63 =	vmax.f32 v1, $0.0e+00  }
.Ltmp6:
0x55: {  	s23 =	sadd.s32 s8, s23;
	[tilespmem:s24+$0x130] =	vst v63;
	(pc) =	sbr.rel .LBB2_6-.Ltmp6, $4  }
0x56: {  	[hbm4b:s23+s2] =	stream.linear.scatter [tilespmem:s14], [sflag:$0x3], $0x2000, $0x38;
	[tilespmem:$0x6100] =	vst v63  }
0x57: {  	_ =	swait.ge [sflag:s20], $0x2000  }
0x58: {  	[sflag:s20] =	ssyncset.done $0x0  }
0x59: {  	[sflag:s20] =	ssyncadd.s32 $0xFFFFE000  }
.LBB2_8:
0x5a: {  	_ =	sfence.sel $0x180000  }
0x5b: {  	[bflag:$0x0] =	sbarrier.arrive $0xFFFF  }
0x5c: {  	p0 =	sne.s32 s4, $0x0;
	_ =	strace $0x9000005C  }
0x5d: {  	s0 =	sadd.s32 @!p0 $0x100000, s0;
	[bflag:$0x2] =	sbarrier.arrive $0xFFFF  }
0x5e: {  	[sflag:s0] =	ssyncadd.tile.s32 @!p0 $0x1;
	_ =	shalt  }
.Lfunc_end2:
_tile_overlayer_lowered:
.L_overlay_start_2:
0x5f: {  	(tag) =	ssettag $0x2  }
0x60: {  	s0 =	rddreg [dreg:$0x0];
	s2 =	stileid.u32  }
0x61: {  	s1 =	rddreg [dreg:$0x1];
	p0 =	sne.s32 s2, $0x0  }
0x62: {  	s3 =	rddreg [dreg:$0x2];
	[bflag:$0x3] =	sbarrier.arrive $0xFFFF;
	s2 =	simm.s32 @!p0 $0x1C03  }
0x63: {  	[timem:s3], [sflag:s2] =	dma.local @!p0 [hbm:s0], s1  }
0x64: {  	s0 =	simm.s32 @!p0 $0x3  }
0x65: {  	_ =	swait.ge @!p0 [sflag:s0], s1  }
0x66: {  	s1 =	ssub.s32 @!p0 $0x0, s1;
	[sflag:s0] =	ssyncset.done @!p0 $0x0  }
0x67: {  	[sflag:s0] =	ssyncadd.s32 @!p0 s1  }
0x68: {  	[bflag:$0x3] =	sbarrier.arrive $0xFFFF  }
0x69: {  	_ =	shalt  }

// kernel: sparse-core-data-format-call.cloned.1.call-start
scs
called_computation_lowered:
.L_overlay_start_0:
0x0: {  	s2 =	sld [smem:$0x3FD9]  }
0x1: {  	s3 =	sld [smem:$0x3FFE];
	_ =	sdelay $0x1  }
0x2: {  	s1 =	srdreg.scid  }
0x3: {  	s0 =	sand.u32 $0x1, s1  }
0x4: {  	s18 =	sshll.u32 s0, $0xA;
	s2 =	sadd.s32 s3, s2  }
0x5: {  	s2 =	sadd.s32 s2, s18  }
0x6: {  	[smem:$0x3F9E] =	sst s2  }
0x7: {  	_ = 	snop  }
0x8: {  	(tm) =	ssettm $0x1  }
0x9: {  	s19 =	sld [smem:$0x3FFB];
	_ =	sdelay $0x3  }
0xa: {  	_ =	strace s19  }
0xb: {  	s2 =	sld [smem:$0x3FFC];
	_ =	sdelay $0x3  }
0xc: {  	_ =	strace s2  }
0xd: {  	s2 =	sld [smem:$0x3FFD];
	_ =	sdelay $0x3  }
0xe: {  	_ =	strace s2  }
0xf: {  	_ =	strace $0x8FFFFFFF  }
0x10: {  	s20 =	sld [smem:$0x3FDB];
	_ =	sdelay $0x1  }
0x11: {  	s21 =	simm.s32 $_scs_section_size  }
0x12: {  	s4 =	simm.s32 $_size__tile_overlayer_lowered;
	s5 =	simm.s32 $_tile_overlayer_lowered  }
0x13: {  	s6 =	simm.s32 $0x1BFF;
	s22 =	sshll.u32 s5, $0x1;
	s3 =	sadd.s32 s21, s20  }
0x14: {  	s23 =	simm.s32 $0x0;
	s4 =	sshll.u32 s4, $0x1;
	s5 =	sadd.s32 s22, s3  }
0x15: {  	[timem:s23], [sflag:s6] =	dma.local [hbm:s5], s4  }
0x16: {  	_ =	swait.ge [sflag:s6], s4  }
0x17: {  	s4 =	ssub.s32 $0x0, s4;
	[sflag:s6] =	ssyncset.done $0x0  }
0x18: {  	[sflag:s6] =	ssyncadd.s32 s4;
	_ =	sdelay $0x1  }
0x19: {  	s24 =	simm.s32 $0x1B8B  }
0x1a: {  	_ =	swait.ge [sflag:s24], $0x1  }
0x1b: {  	[sflag:s24] =	ssyncset.done $0x0  }
0x1c: {  	[sflag:s24] =	ssyncadd.s32 $0xFFFFFFFF  }
0x1d: {  	s4 =	sld [smem:$0x0]  }
0x1e: {  	s5 =	sand.u32 $0xFFFFFFFE, s1  }
0x1f: {  	p0 =	sne.s32 s1, s5  }
0x20: {  	s5 =	sshll.u32 @p0 s5, $0xE  }
0x21: {  	s5 =	sadd.s32 @p0 $0x11B8D, s5;
	s6 =	sshll.u32 @p0 s4, $0x11  }
0x22: {  	s5 =	sor.u32 @p0 s6, s5  }
0x23: {  	[sflag:s5] =	ssyncadd.remote.s32 @p0 $0x1;
	_ =	sdelay $0x1  }
0x24: {  	s5 =	simm.s32 @p0 $0x1B8D  }
0x25: {  	_ =	swait.eq @p0 [sflag:s5], $0x1  }
0x26: {  	[sflag:s5] =	ssyncadd.s32 @p0 $0xFFFFFFFF  }
0x27: {  	s6 =	sshll.u32 @!p0 s1, $0xE  }
0x28: {  	s6 =	sor.u32 @!p0 $0x4000, s6;
	s5 =	simm.s32 @!p0 $0x1B8D  }
0x29: {  	s4 =	sshll.u32 @!p0 s4, $0x11;
	s6 =	sadd.s32 @!p0 $0x11B8D, s6;
	_ =	swait.eq @!p0 [sflag:s5], $0x1  }
0x2a: {  	s4 =	sor.u32 @!p0 s4, s6;
	[sflag:s5] =	ssyncadd.s32 @!p0 $0xFFFFFFFF  }
0x2b: {  	s26 =	simm.s32 $0x1B8E;
	s25 =	sld [smem:$0x3FFE];
	[sflag:s4] =	ssyncadd.remote.s32 @!p0 $0x1  }
0x2c: {  	s27 =	simm.s32 $execute0_lowered;
	[smem:$0x3FD2] =	sst s26  }
0x2d: {  	s5 =	sshll.u32 s27, $0x1;
	_ =	strace $0x8000004F;
	[dreg:$0x1] =	wrdreg $0xFFFFFFFF  }
0x2e: {  	s28 =	simm.s32 $_size_execute0_lowered;
	s3 =	sadd.s32 s3, s5;
	[dreg:$0x0] =	wrdreg $0x0  }
0x2f: {  	s5 =	sshll.u32 s28, $0x1;
	[dreg:$0x2] =	wrdreg s3  }
0x30: {  	[dreg:$0x3] =	wrdreg s5  }
0x31: {  	[dreg:$0x4] =	wrdreg $0xC0  }
0x32: {  	_ =	task [dreg:s23], $0x5FFFF  }
0x33: {  	[dreg:$0x1] =	wrdreg $0xFFFFFFFF  }
0x34: {  	[dreg:$0x0] =	wrdreg $0x60  }
0x35: {  	[dreg:$0x2] =	wrdreg s25  }
0x36: {  	[dreg:$0x3] =	wrdreg $0x9  }
0x37: {  	_ =	task.clear_ibuf [dreg:s23], $0x4FFFF;
	_ =	strace $0x9000004F  }
0x38: {  	s29 =	simm.s32 $0x9;
	_ =	strace $0x80000051  }
0x39: {  	_ =	swait.ge [sflag:s29], $0x1  }
0x3a: {  	[sflag:s29] =	ssyncadd.s32 $0xFFFFFFFF  }
0x3b: {  	_ =	strace $0x90000051  }
0x3c: {  	_ =	sfence  }
0x3d: {  	s30 =	sld [smem:$0x0];
	_ =	sdelay $0x2  }
0x3e: {  	s31 =	sshll.u32 s1, $0xD;
	s1 =	sshrl.u32 s1, $0x2  }
0x3f: {  	s4 =	sand.u32 $0x4000, s31;
	s1 =	sadd.s32 s1, s30  }
0x40: {  	s0 =	sor.u32 s4, s0;
	s1 =	sshll.u32 s1, $0x11  }
0x41: {  	s0 =	sor.u32 s1, s0  }
0x42: {  	s0 =	sadd.s32 $0x8F2B, s0  }
0x43: {  	[sflag:s0] =	ssyncadd.remote.s32 $0x1  }
0x44: {  	_ =	sfence.sel $0xFFFF  }
0x45: {  	[dreg:$0x0] =	wrdreg $0xFFFFFFFF;
	(pc) =	sbr.abs _section_cstart, $3  }
0x46: {  	[dreg:$0x1] =	wrdreg $0xFFFFFFFF  }
0x47: {  	_ =	task.clear_ibuf [dreg:s23], $0x2FFFF;
	_ =	strace $0x9FFFFFFF  }
0x48: {  	(tm) =	ssettm $0x7FFFFFFF  }
0x49: {  	_ =	shalt  }
tec
execute0_lowered:
.L_overlay_start_1:
0x0: {  	(tag) =	ssettag $0x1  }
0x1: {  	s0 =	srdreg.scid  }
0x2: {  	s1 =	sshll.u32 s0, $0x4  }
0x3: {  	s4 =	rddreg [dreg:$0x0];
	s0 =	stileid.u32;
	s1 =	sand.u32 $0x10, s1  }
0x4: {  	s7 =	simm.s32 $0x1;
	s8 =	simm.s32 $0x2;
	s2 =	sor.u32 s0, s1  }
0x5: {  	s9 =	simm.s32 $0x0;
	s12 =	simm.s32 $0x0;
	s2 =	sshll.u32 s2, $0x3  }
0x6: {  	s11 =	simm.s32 $0x0;
	s3 =	sadd.s32 $0x561A00, s4;
	s6 =	ssub.s32 $0x4E20, s2  }
.Ltmp0:
0x7: {  	s4 =	sadd.s32 $0x7FA00, s4;
	s5 =	sand.u32 $0xF8, s6;
	(pc) =	sbr.rel .LBB1_1-.Ltmp0, $4  }
0x8: {  	s1 =	rddreg [dreg:$0x1];
	_ =	strace $0x80000050;
	p0 =	sne.s32 s5, $0x0  }
0x9: {  	s6 =	sshrl.u32 s6, $0x8;
	s5 =	simm.s32 $0x1;
	s7 =	simm.s32 @!p0 $0x0  }
0xa: {  	s10 =	smov.u32 s2;
	[sflag:s5] =	ssyncpa.u1 $0x0;
	s6 =	sadd.s32 s7, s6  }
0xb: {  	[sflag:s8] =	ssyncpa.u1 $0x0;
	s8 =	simm.s32 $0x0;
	s7 =	sadd.s32 $0x1, s6  }
.LBB1_9:
0xc: {  	s14 =	sadd.s32 $0x100, s10  }
0xd: {  	p1 =	sgt.s32 s14, $0x4E1F  }
0xe: {  	s14 =	smov.u32 @p1 s2;
	p1 =	sne.s32 s11, s7  }
.Ltmp1:
0xf: {  	p0 =	slt.u32 s11, $0x2;
	(pc) =	sbr.rel @!p1 .LBB1_10-.Ltmp1, $4  }
0x10: {  	s13 =	simm.s32 @!p0 $0x2  }
0x11: {  	s15 =	sadd.s32 $0x1, s11;
	_ =	swait.ge @!p0 [sflag:s13], $0x4000  }
0x12: {  	s12 =	smov.u32 s10;
	s9 =	sadd.s32 $0x4000, s9;
	[sflag:s13] =	ssyncset.done @!p0 $0x0  }
0x13: {  	s11 =	smov.u32 s15;
	s10 =	smov.u32 s14;
	[sflag:s13] =	ssyncadd.s32 @!p0 $0xFFFFC000  }
.LBB1_1:
0x14: {  	p0 =	sge.u32 s11, s6  }
0x15: {  	s13 =	sxor.u32 @!p0 $0xFFFFFFFF, s11  }
0x16: {  	s31 =	sadd.s32 $0xFFFFFFFF, s11;
	s14 =	sshll.u32 @!p0 s10, $0x8;
	s13 =	sshll.u32 @!p0 s13, $0xE  }
0x17: {  	s15 =	simm.s32 @!p0 $0x0;
	s14 =	sadd.s32 @!p0 s3, s14;
	s13 =	sand.u32 @!p0 $0x4000, s13  }
0x18: {  	[tilespmem:s13], [sflag:$0x1] =	stream.linear.gather @!p0 [hbm4b:s14+s15], $0x4000, $0x38;
	[tilespmem:$0x10000] =	vst v63  }
0x19: {  	p0 =	sge.u32 s31, s6  }
.Ltmp2:
0x1a: {  	_ = 	snop;
	(pc) =	sbr.rel @p0 .LBB1_9-.Ltmp2, $1  }
0x1b: {  	_ =	sdelay $0x3  }
0x1c: {  	s13 =	sshll.u32 s9, $0x2;
	_ =	swait.ge [sflag:s5], $0x4000;
	s14 =	sshll.u32 s11, $0xE  }
0x1d: {  	s16 =	simm.s32 $0x0;
	s17 =	simm.s32 $0x0;
	s15 =	sand.u32 $0x10000, s13  }
0x1e: {  	[sflag:s5] =	ssyncset.done $0x0;
	s31 =	sand.u32 $0x4000, s14;
	s14 =	sshrl.u32 s15, $0x2  }
0x1f: {  	[sflag:s5] =	ssyncadd.s32 $0xFFFFC000;
	s13 =	sor.u32 $0x8000, s31;
	s15 =	sor.u32 $0x8000, s14  }
.LBB1_3:
0x20: {  	s18 =	sshra.s32 s16, $0x2  }
0x21: {  	v0 =	vmov s18;
	_ =	sdelay $0x3  }
0x22: {  	p1 =	por $0x1, $0x1;
	s18 =	simm.s32 $0x0  }
.LBB1_4:
0x23: {  	_ = 	snop  }
0x24: {  	s19 =	sshll.u32 s18, $0xA  }
0x25: {  	s19 =	sand.u32 $0x3FFFFC00, s19  }
0x26: {  	s19 =	sadd.s32 s19, s14  }
0x27: {  	v5 =	vld.idx.msk [tilespmem:v0+s19+$0x70 ss:$0x1], $0xffff  }
0x28: {  	v6 =	vld.idx.msk [tilespmem:v0+s19+$0x10 ss:$0x1], $0xffff  }
0x29: {  	v7 =	vld.idx.msk [tilespmem:v0+s19+$0x20 ss:$0x1], $0xffff  }
0x2a: {  	s31 =	sshll.u32 s18, $0x7;
	v1 =	vld.idx.msk [tilespmem:v0+s19+$0x30 ss:$0x1], $0xffff  }
0x2b: {  	s18 =	sand.u32 $0x3FFFFF80, s31;
	v2 =	vld.idx.msk [tilespmem:v0+s19+$0x40 ss:$0x1], $0xffff  }
0x2c: {  	s18 =	sadd.s32 s18, s15;
	v3 =	vld.idx.msk [tilespmem:v0+s19+$0x50 ss:$0x1], $0xffff  }
0x2d: {  	v4 =	vld.idx.msk [tilespmem:v0+s19+$0x60 ss:$0x1], $0xffff;
	[tilespmem:v0+s18+$0x70 ss:$0x1] =	vst.idx.msk $0xffff, v5  }
0x2e: {  	v5 =	vld.idx.msk [tilespmem:v0+s19+$0x0 ss:$0x1], $0xffff;
	[tilespmem:v0+s18+$0x10 ss:$0x1] =	vst.idx.msk $0xffff, v6;
	s19 =	sadd.s32 $0x80, s19  }
0x2f: {  	p0 =	por p1, p1;
	s20 =	simm.s32 $0x6;
	[tilespmem:v0+s18+$0x20 ss:$0x1] =	vst.idx.msk $0xffff, v7;
	v6 =	vld.idx.msk [tilespmem:v0+s19+$0x70 ss:$0x1], $0xffff  }
.LBB1_5:
0x30: {  	p1 =	sne.s32 s20, $0x1;
	v7 =	vld.idx.msk [tilespmem:v0+s19+$0x10 ss:$0x1], $0xffff;
	[tilespmem:v0+s18+$0x30 ss:$0x1] =	vst.idx.msk $0xffff, v1  }
0x31: {  	v8 =	vld.idx.msk [tilespmem:v0+s19+$0x20 ss:$0x1], $0xffff;
	[tilespmem:v0+s18+$0x40 ss:$0x1] =	vst.idx.msk $0xffff, v2  }
0x32: {  	v1 =	vld.idx.msk [tilespmem:v0+s19+$0x30 ss:$0x1], $0xffff;
	[tilespmem:v0+s18+$0x50 ss:$0x1] =	vst.idx.msk $0xffff, v3  }
.Ltmp3:
0x33: {  	v2 =	vld.idx.msk [tilespmem:v0+s19+$0x40 ss:$0x1], $0xffff;
	[tilespmem:v0+s18+$0x60 ss:$0x1] =	vst.idx.msk $0xffff, v4;
	(pc) =	sbr.rel @p1 .LBB1_5-.Ltmp3, $4  }
0x34: {  	v3 =	vld.idx.msk [tilespmem:v0+s19+$0x50 ss:$0x1], $0xffff;
	[tilespmem:v0+s18+$0x0 ss:$0x1] =	vst.idx.msk $0xffff, v5;
	s18 =	sadd.s32 $0x100, s18  }
0x35: {  	v4 =	vld.idx.msk [tilespmem:v0+s19+$0x60 ss:$0x1], $0xffff;
	[tilespmem:v0+s18+$0x70 ss:$0x1] =	vst.idx.msk $0xffff, v6  }
0x36: {  	v5 =	vld.idx.msk [tilespmem:v0+s19+$0x0 ss:$0x1], $0xffff;
	[tilespmem:v0+s18+$0x10 ss:$0x1] =	vst.idx.msk $0xffff, v7;
	s19 =	sadd.s32 $0x80, s19  }
0x37: {  	s20 =	sadd.s32 $0xFFFFFFFF, s20;
	v6 =	vld.idx.msk [tilespmem:v0+s19+$0x70 ss:$0x1], $0xffff;
	[tilespmem:v0+s18+$0x20 ss:$0x1] =	vst.idx.msk $0xffff, v8  }
0x38: {  	_ =	sdelay $0x3  }
0x39: {  	[tilespmem:v0+s18+$0x30 ss:$0x1] =	vst.idx.msk $0xffff, v1  }
0x3a: {  	v1 =	vld.idx.msk [tilespmem:v0+s19+$0x10 ss:$0x1], $0xffff;
	[tilespmem:v0+s18+$0x40 ss:$0x1] =	vst.idx.msk $0xffff, v2  }
0x3b: {  	v2 =	vld.idx.msk [tilespmem:v0+s19+$0x20 ss:$0x1], $0xffff;
	[tilespmem:v0+s18+$0x50 ss:$0x1] =	vst.idx.msk $0xffff, v3  }
0x3c: {  	v61 =	vld.idx.msk [tilespmem:v0+s19+$0x40 ss:$0x1], $0xffff;
	[tilespmem:v0+s18+$0x60 ss:$0x1] =	vst.idx.msk $0xffff, v4  }
0x3d: {  	s31 =	sadd.s32 $0x100, s18;
	v62 =	vld.idx.msk [tilespmem:v0+s19+$0x50 ss:$0x1], $0xffff;
	[tilespmem:v0+s18+$0x0 ss:$0x1] =	vst.idx.msk $0xffff, v5  }
0x3e: {  	v63 =	vld.idx.msk [tilespmem:v0+s19+$0x60 ss:$0x1], $0xffff;
	[tilespmem:v0+s31+$0x70 ss:$0x1] =	vst.idx.msk $0xffff, v6  }
0x3f: {  	v3 =	vld.idx.msk [tilespmem:v0+s19+$0x30 ss:$0x1], $0xffff;
	[tilespmem:v0+s31+$0x10 ss:$0x1] =	vst.idx.msk $0xffff, v1  }
0x40: {  	v1 =	vld.idx.msk [tilespmem:v0+s19+$0x0 ss:$0x1], $0xffff;
	[tilespmem:v0+s31+$0x20 ss:$0x1] =	vst.idx.msk $0xffff, v2  }
.Ltmp4:
0x41: {  	[tilespmem:v0+s31+$0x40 ss:$0x1] =	vst.idx.msk $0xffff, v61;
	(pc) =	sbr.rel @p0 .LBB1_4-.Ltmp4, $4  }
0x42: {  	[tilespmem:v0+s31+$0x50 ss:$0x1] =	vst.idx.msk $0xffff, v62  }
0x43: {  	[tilespmem:v0+s31+$0x60 ss:$0x1] =	vst.idx.msk $0xffff, v63  }
0x44: {  	[tilespmem:v0+s31+$0x30 ss:$0x1] =	vst.idx.msk $0xffff, v3  }
0x45: {  	p1 =	por $0x0, $0x0;
	s18 =	simm.s32 $0x1;
	[tilespmem:v0+s31+$0x0 ss:$0x1] =	vst.idx.msk $0xffff, v1  }
0x46: {  	s17 =	sadd.s32 $0x1, s17  }
0x47: {  	p0 =	sne.s32 s17, $0x8  }
.Ltmp5:
0x48: {  	_ = 	snop;
	(pc) =	sbr.rel @p0 .LBB1_3-.Ltmp5, $2  }
0x49: {  	_ =	sdelay $0x2  }
0x4a: {  	s16 =	sadd.s32 $0x2000, s16  }
.Ltmp6:
0x4b: {  	(pc) =	sbr.rel .LBB1_9-.Ltmp6, $4  }
0x4c: {  	_ = 	snop  }
0x4d: {  	s12 =	sshll.u32 s12, $0x8  }
0x4e: {  	s12 =	sadd.s32 s4, s12  }
0x4f: {  	[hbm4b:s12+s8] =	stream.linear.scatter [tilespmem:s13], [sflag:$0x2], $0x4000, $0x38;
	[tilespmem:$0x10000] =	vst v63  }
.LBB1_10:
0x50: {  	_ =	sfence.sel $0x180000  }
0x51: {  	s2 =	simm.s32 $0x1;
	[bflag:$0x0] =	sbarrier.arrive $0xFFFF  }
0x52: {  	s31 =	simm.s32 $0x2;
	[sflag:s2] =	ssyncpa.u1 $0x1  }
0x53: {  	[sflag:s31] =	ssyncpa.u1 $0x1  }
0x54: {  	p0 =	sne.s32 s0, $0x0;
	_ =	strace $0x90000050  }
0x55: {  	s0 =	sadd.s32 @!p0 $0x100000, s1;
	[bflag:$0x2] =	sbarrier.arrive $0xFFFF  }
0x56: {  	[sflag:s0] =	ssyncadd.tile.s32 @!p0 $0x1;
	_ =	shalt  }
.Lfunc_end1:
_tile_overlayer_lowered:
.L_overlay_start_2:
0x57: {  	(tag) =	ssettag $0x2  }
0x58: {  	s0 =	rddreg [dreg:$0x0];
	s2 =	stileid.u32  }
0x59: {  	s1 =	rddreg [dreg:$0x1];
	p0 =	sne.s32 s2, $0x0  }
0x5a: {  	s3 =	rddreg [dreg:$0x2];
	[bflag:$0x3] =	sbarrier.arrive $0xFFFF;
	s2 =	simm.s32 @!p0 $0x1C01  }
0x5b: {  	[timem:s3], [sflag:s2] =	dma.local @!p0 [hbm:s0], s1  }
0x5c: {  	s0 =	simm.s32 @!p0 $0x1  }
0x5d: {  	_ =	swait.ge @!p0 [sflag:s0], s1  }
0x5e: {  	s1 =	ssub.s32 @!p0 $0x0, s1;
	[sflag:s0] =	ssyncset.done @!p0 $0x0  }
0x5f: {  	[sflag:s0] =	ssyncadd.s32 @!p0 s1  }
0x60: {  	[bflag:$0x3] =	sbarrier.arrive $0xFFFF  }
0x61: {  	_ =	shalt  }

</sc_bundles>
